<compile_context>
chip_gen: v7x
topology: tpu7x:2x2x1
jax: 0.10.2.dev20260603
libtpu: 0.0.44.dev20260713+nightly
codegen_flags: <defaults>
</compile_context>

<pallas_src>
import functools

import numpy as np
import jax
import jax.numpy as jnp
from jax import lax
from jax.experimental import pallas as pl
from jax.experimental.pallas import tpu as pltpu
from jax.experimental.pallas import tpu_sc as plsc

N = 10000
E = 320000
D = 128
NC = 2
NS = 16
NW = NC * NS
NP = 10240
RPT = NP // NS

CHUNK = 128
KB = 16
EP = 327680
CPT = EP // (NW * CHUNK)
SW = CPT // KB

_MESH = plsc.VectorSubcoreMesh(
    core_axis_name="c", subcore_axis_name="s", num_cores=NC, num_subcores=NS
)



@functools.partial(
    pl.kernel,
    out_type=jax.ShapeDtypeStruct((NC, NP), jnp.float32),
    mesh=_MESH,
    scratch_types=[
        pltpu.VMEM((KB, CHUNK), jnp.int32),
        pltpu.VMEM((CHUNK,), jnp.float32),
        pltpu.VMEM((RPT,), jnp.float32),
        pltpu.VMEM_SHARED((NP,), jnp.float32)
    ],
)
def _sc_deg(dst_hbm, out_hbm, dst_v, ones_v, zbuf, acc):
    c = lax.axis_index("c")
    s = lax.axis_index("s")
    wid = c * NS + s

    def _fill_z(i, _):
        zbuf[pl.ds(i * 16, 16)] = jnp.zeros((16,), jnp.float32)
        return 0

    lax.fori_loop(0, RPT // 16, _fill_z, 0)

    def _fill_o(i, _):
        ones_v[pl.ds(i * 16, 16)] = jnp.ones((16,), jnp.float32)
        return 0

    lax.fori_loop(0, CHUNK // 16, _fill_o, 0)

    pltpu.sync_copy(zbuf, acc.at[pl.ds(s * RPT, RPT)])
    plsc.subcore_barrier()

    base = wid * CPT

    def _win(w, _):
        start = pl.multiple_of(base + w * KB, KB)
        pltpu.sync_copy(dst_hbm.at[pl.ds(start, KB)], dst_v)
        for j in range(KB):
            pltpu.sync_copy(ones_v, acc.at[dst_v.at[j]], add=True)
        return 0

    lax.fori_loop(0, SW, _win, 0)

    plsc.subcore_barrier()
    pltpu.sync_copy(acc.at[pl.ds(s * RPT, RPT)],
                    out_hbm.at[c, pl.ds(s * RPT, RPT)])



@functools.partial(
    pl.kernel,
    out_type=jax.ShapeDtypeStruct((NC, NP, D), jnp.float32),
    mesh=_MESH,
    scratch_types=[
        pltpu.VMEM((KB, CHUNK), jnp.int32),
        pltpu.VMEM((KB, CHUNK), jnp.int32),
        pltpu.VMEM((CHUNK, D), jnp.float32),
        pltpu.VMEM((CHUNK, D), jnp.float32),
        pltpu.VMEM_SHARED((NP, D), jnp.float32),
        pltpu.SemaphoreType.DMA,
        pltpu.SemaphoreType.DMA,
    ],
)
def _sc_scatter(y_hbm, src_hbm, dst_hbm, out_hbm,
                src_v, dst_v, rows0, rows1, acc, sem0, sem1):
    c = lax.axis_index("c")
    s = lax.axis_index("s")
    wid = c * NS + s
    zr = CHUNK
    base = wid * CPT

    bufs = (rows1, rows0)
    sems = (sem1, sem0)

    pltpu.sync_copy(src_hbm.at[pl.ds(pl.multiple_of(base, KB), KB)], src_v)
    pltpu.sync_copy(dst_hbm.at[pl.ds(pl.multiple_of(base, KB), KB)], dst_v)
    pltpu.async_copy(y_hbm.at[src_v.at[0]], rows1, sem1)

    def _fill_z(i, _):
        rows0[i // (D // 16), pl.ds((i % (D // 16)) * 16, 16)] = (
            jnp.zeros((16,), jnp.float32))
        return 0

    lax.fori_loop(0, zr * (D // 16), _fill_z, 0)

    def _zero(j, _):
        pltpu.sync_copy(rows0, acc.at[pl.ds(s * RPT + j * zr, zr)])
        return 0

    lax.fori_loop(0, RPT // zr, _zero, 0)
    plsc.subcore_barrier()

    def _chunks(skip_first_load):
        descs = [None, None]
        if not skip_first_load:
            descs[0] = pltpu.async_copy(y_hbm.at[src_v.at[0]], bufs[0],
                                        sems[0])
        for j in range(KB):
            if j + 1 < KB:
                descs[(j + 1) % 2] = pltpu.async_copy(
                    y_hbm.at[src_v.at[j + 1]], bufs[(j + 1) % 2],
                    sems[(j + 1) % 2])
            if j == 0 and skip_first_load:
                pltpu.make_async_copy(y_hbm.at[src_v.at[0]], bufs[0],
                                      sems[0]).wait()
            else:
                descs[j % 2].wait()
            pltpu.sync_copy(bufs[j % 2], acc.at[dst_v.at[j]], add=True)

    _chunks(True)

    def _win(w, _):
        start = pl.multiple_of(base + w * KB, KB)
        pltpu.sync_copy(src_hbm.at[pl.ds(start, KB)], src_v)
        pltpu.sync_copy(dst_hbm.at[pl.ds(start, KB)], dst_v)
        _chunks(False)
        return 0

    lax.fori_loop(1, SW, _win, 0)

    plsc.subcore_barrier()
    pltpu.sync_copy(acc.at[pl.ds(s * RPT, RPT)],
                    out_hbm.at[c, pl.ds(s * RPT, RPT)])



RB = 1000


def _prescale_body(x_ref, w_ref, da_ref, db_ref, y_ref, dinv_ref):
    deg = da_ref[...] + db_ref[...] + 1.0
    dinv = lax.rsqrt(deg)
    y_ref[...] = dinv * jnp.dot(x_ref[...], w_ref[...],
                                preferred_element_type=jnp.float32)
    dinv_ref[...] = dinv


def _tc_prescale(x, w, da, db):
    return pl.pallas_call(
        _prescale_body,
        grid=(N // RB,),
        in_specs=[pl.BlockSpec((RB, D), lambda i: (i, 0)),
                  pl.BlockSpec((D, D), lambda i: (0, 0)),
                  pl.BlockSpec((RB, 1), lambda i: (i, 0)),
                  pl.BlockSpec((RB, 1), lambda i: (i, 0))],
        out_specs=[pl.BlockSpec((RB, D), lambda i: (i, 0)),
                   pl.BlockSpec((RB, 1), lambda i: (i, 0))],
        out_shape=[jax.ShapeDtypeStruct((N, D), jnp.float32),
                   jax.ShapeDtypeStruct((N, 1), jnp.float32)],
    )(x, w, da, db)


def _layer_body(sp_ref, y1_ref, dinv_ref, b_ref, w_ref, o_ref):
    sagg = sp_ref[0] + sp_ref[1] + y1_ref[...]
    h = jnp.maximum(dinv_ref[...] * sagg + b_ref[...], 0.0)
    o_ref[...] = dinv_ref[...] * jnp.dot(h, w_ref[...],
                                         preferred_element_type=jnp.float32)


def _tc_layer(sp, y1, dinv, b, w):
    return pl.pallas_call(
        _layer_body,
        grid=(N // RB,),
        in_specs=[pl.BlockSpec((NC, RB, D), lambda i: (0, i, 0)),
                  pl.BlockSpec((RB, D), lambda i: (i, 0)),
                  pl.BlockSpec((RB, 1), lambda i: (i, 0)),
                  pl.BlockSpec((1, D), lambda i: (0, 0)),
                  pl.BlockSpec((D, D), lambda i: (0, 0))],
        out_specs=pl.BlockSpec((RB, D), lambda i: (i, 0)),
        out_shape=jax.ShapeDtypeStruct((N, D), jnp.float32),
    )(sp, y1, dinv, b, w)


def _final_body(sp_ref, y2_ref, dinv_ref, b_ref, o_ref):
    o = dinv_ref[...] * (sp_ref[0] + sp_ref[1] + y2_ref[...]) + b_ref[...]
    m = jnp.max(o, axis=1, keepdims=True)
    z = o - m
    o_ref[...] = z - jnp.log(jnp.sum(jnp.exp(z), axis=1, keepdims=True))


def _tc_final(sp, y2, dinv, b):
    return pl.pallas_call(
        _final_body,
        grid=(N // RB,),
        in_specs=[pl.BlockSpec((NC, RB, D), lambda i: (0, i, 0)),
                  pl.BlockSpec((RB, D), lambda i: (i, 0)),
                  pl.BlockSpec((RB, 1), lambda i: (i, 0)),
                  pl.BlockSpec((1, D), lambda i: (0, 0))],
        out_specs=pl.BlockSpec((RB, D), lambda i: (i, 0)),
        out_shape=jax.ShapeDtypeStruct((N, D), jnp.float32),
    )(sp, y2, dinv, b)



def kernel(x, edge_index, W1, b1, W2, b2):
    src = edge_index[0]
    dst = edge_index[1]
    npad = EP - E
    pi = np.arange(npad, dtype=np.int32)
    src_pad = jnp.asarray(pi % N)
    dst_pad = jnp.asarray(N + pi % (NP - N))
    src_p = jnp.concatenate([src, src_pad]).reshape(EP // CHUNK, CHUNK)
    dst_p = jnp.concatenate([dst, dst_pad]).reshape(EP // CHUNK, CHUNK)

    degp = _sc_deg(dst_p)
    da = degp[0, :N, None]
    db = degp[1, :N, None]
    y1, dinv = _tc_prescale(x, W1, da, db)

    sp1 = _sc_scatter(y1, src_p, dst_p)
    y2 = _tc_layer(sp1, y1, dinv, b1.reshape(1, D), W2)

    sp2 = _sc_scatter(y2, src_p, dst_p)
    return _tc_final(sp2, y2, dinv, b2.reshape(1, D))

# --- scband reference (transcript-rebuilt; emitter-appended) ---
"""Pipeline reference for scband-gcn-3195455668886 (READ-ONLY COPY).

The authoritative reference and input builder live on the scoring server;
editing this copy changes nothing except your own understanding.
"""

import jax, jax.numpy as jnp
import numpy as np

N = 10000
E = 320000
D_IN = 128
D_HID = 128
D_OUT = 128


def setup_inputs(seed: int = 0) -> dict:
    key = jax.random.key(seed)
    k1, k2, k3, k4, k5, k6 = jax.random.split(key, 6)
    x = jax.random.normal(k1, (N, D_IN), dtype=jnp.float32)
    edge_index = jax.random.randint(k2, (2, E), 0, N, dtype=jnp.int32)
    # GCNConv parameters (Glorot-style init)
    W1 = jax.random.normal(k3, (D_IN, D_HID), dtype=jnp.float32) * (1.0 / np.sqrt(D_IN))
    b1 = jnp.zeros((D_HID,), dtype=jnp.float32)
    W2 = jax.random.normal(k4, (D_HID, D_OUT), dtype=jnp.float32) * (1.0 / np.sqrt(D_HID))
    b2 = jnp.zeros((D_OUT,), dtype=jnp.float32)
    return {"x": x, "edge_index": edge_index, "W1": W1, "b1": b1, "W2": W2, "b2": b2}


def _gcn_conv(x, edge_index, W, b):
    # Standard GCNConv: add self loops, symmetric normalization D^{-1/2}(A+I)D^{-1/2} X W + b
    n = x.shape[0]
    src = edge_index[0]
    dst = edge_index[1]
    loop = jnp.arange(n, dtype=src.dtype)
    src = jnp.concatenate([src, loop])
    dst = jnp.concatenate([dst, loop])
    ones = jnp.ones(src.shape[0], dtype=x.dtype)
    deg = jax.ops.segment_sum(ones, dst, num_segments=n)
    dinv = jnp.where(deg > 0, 1.0 / jnp.sqrt(deg), 0.0)
    norm = dinv[src] * dinv[dst]
    xw = x @ W
    msg = xw[src] * norm[:, None]
    out = jax.ops.segment_sum(msg, dst, num_segments=n)
    return out + b


def reference(x, edge_index, W1, b1, W2, b2):
    h = _gcn_conv(x, edge_index, W1, b1)
    h = jax.nn.relu(h)
    # F.dropout(training=self.training): identity in eval mode
    out = _gcn_conv(h, edge_index, W2, b2)
    return jax.nn.log_softmax(out, axis=1)

if __name__ == "__main__":
    import jax
    _d = setup_inputs()
    print(jax.jit(kernel)(*tuple(_d.values())))

</pallas_src>

<mosaic_0001>
#map = affine_map<(d0, d1) -> (0, 0)>
module attributes {stable_mosaic.version = 14 : i64} {
  func.func @_sc_deg(%arg0: i32, %arg1: i32, %arg2: memref<2560x128xi32, #tpu.memory_space<hbm>>, %arg3: memref<2x10240xf32, #tpu.memory_space<hbm>>, %arg4: memref<16x128xi32, #tpu.memory_space<vmem>>, %arg5: memref<128xf32, #tpu.memory_space<vmem>>, %arg6: memref<640xf32, #tpu.memory_space<vmem>>, %arg7: memref<10240xf32, #tpu.memory_space<vmem_shared>>) attributes {dimension_semantics = [#tpu.dimension_semantics<core_parallel>, #tpu.dimension_semantics<subcore_parallel>], iteration_bounds = array<i64: 2, 16>, scalar_prefetch = 0 : i64, scratch_operands = 4 : i64, tpu.core_type = #tpu.core_type<sc_vector_subcore>, window_params = [{transform_indices = #map}, {transform_indices = #map}]} {
    %mul3A = arith.constant 16 : i32
    %mul3A_0 = arith.muli %arg0, %mul3A : i32
    %add3A = arith.addi %mul3A_0, %arg1 : i32
    %scan3A = arith.constant 0 : i32
    %scan3A_1 = arith.constant 0 : i32
    %scan3A_2 = arith.constant 40 : i32
    %scan3A_3 = arith.addi %scan3A_1, %scan3A_2 : i32
    %scan3A_4 = arith.constant 1 : i32
    %scan3A_5 = scf.for %scan3A_30 = %scan3A_1 to %scan3A_3 step %scan3A_4 iter_args(%scan3A_31 = %scan3A) -> (i32)  : i32 {
      %broadcast_in_dim3A = arith.constant 0.000000e+00 : f32
      %broadcast_in_dim3A_32 = vector.broadcast %broadcast_in_dim3A : f32 to vector<16xf32>
      %mul3A_33 = arith.constant 16 : i32
      %mul3A_34 = arith.muli %scan3A_30, %mul3A_33 : i32
      %swap3A = arith.index_cast %mul3A_34 : i32 to index
      %swap3A_35 = tpu.vector_load %arg6[%swap3A] {strides = array<i32>} : memref<640xf32, #tpu.memory_space<vmem>>, vector<16xf32>,
      %swap3A_36 = vector.shape_cast %swap3A_35 : vector<16xf32> to vector<16xf32>
      %swap3A_37 = vector.shape_cast %broadcast_in_dim3A_32 : vector<16xf32> to vector<16xf32>
      tpu.vector_store %arg6[%swap3A], %swap3A_37 {strides = array<i32>} : memref<640xf32, #tpu.memory_space<vmem>>, vector<16xf32>,
      %scan3A_38 = arith.constant 0 : i32
      scf.yield %scan3A_38 : i32
    }
    %scan3A_6 = arith.constant 40 : i32
    %scan3A_7 = arith.constant 0 : i32
    %scan3A_8 = arith.constant 0 : i32
    %scan3A_9 = arith.constant 8 : i32
    %scan3A_10 = arith.addi %scan3A_8, %scan3A_9 : i32
    %scan3A_11 = arith.constant 1 : i32
    %scan3A_12 = scf.for %scan3A_30 = %scan3A_8 to %scan3A_10 step %scan3A_11 iter_args(%scan3A_31 = %scan3A_7) -> (i32)  : i32 {
      %broadcast_in_dim3A = arith.constant 1.000000e+00 : f32
      %broadcast_in_dim3A_32 = vector.broadcast %broadcast_in_dim3A : f32 to vector<16xf32>
      %mul3A_33 = arith.constant 16 : i32
      %mul3A_34 = arith.muli %scan3A_30, %mul3A_33 : i32
      %swap3A = arith.index_cast %mul3A_34 : i32 to index
      %swap3A_35 = tpu.vector_load %arg5[%swap3A] {strides = array<i32>} : memref<128xf32, #tpu.memory_space<vmem>>, vector<16xf32>,
      %swap3A_36 = vector.shape_cast %swap3A_35 : vector<16xf32> to vector<16xf32>
      %swap3A_37 = vector.shape_cast %broadcast_in_dim3A_32 : vector<16xf32> to vector<16xf32>
      tpu.vector_store %arg5[%swap3A], %swap3A_37 {strides = array<i32>} : memref<128xf32, #tpu.memory_space<vmem>>, vector<16xf32>,
      %scan3A_38 = arith.constant 0 : i32
      scf.yield %scan3A_38 : i32
    }
    %scan3A_13 = arith.constant 8 : i32
    %mul3A_14 = arith.constant 640 : i32
    %mul3A_15 = arith.muli %arg1, %mul3A_14 : i32
    "tpu.region"() ({
      %run_scoped3A = tpu.sem_alloc : memref<!tpu.dma_semaphore, #tpu.memory_space<semaphore_mem>>
      %dma_start3A = tpu.memref_slice %arg7[%mul3A_15] : memref<10240xf32, #tpu.memory_space<vmem_shared>> -> memref<640xf32, #tpu.memory_space<vmem_shared>>
      %dma_start3A_30 = tpu.memref_slice %arg7[%mul3A_15] : memref<10240xf32, #tpu.memory_space<vmem_shared>> -> memref<640xf32, #tpu.memory_space<vmem_shared>>
      tpu.enqueue_dma source(%arg6 : memref<640xf32, #tpu.memory_space<vmem>>) target(%dma_start3A_30 : memref<640xf32, #tpu.memory_space<vmem_shared>>) target_semaphore(%run_scoped3A : memref<!tpu.dma_semaphore, #tpu.memory_space<semaphore_mem>>)
      %dma_wait3A = tpu.memref_slice %arg7[%mul3A_15] : memref<10240xf32, #tpu.memory_space<vmem_shared>> -> memref<640xf32, #tpu.memory_space<vmem_shared>>
      %dma_wait3A_31 = tpu.memref_slice %arg7[%mul3A_15] : memref<10240xf32, #tpu.memory_space<vmem_shared>> -> memref<640xf32, #tpu.memory_space<vmem_shared>>
      tpu.wait_dma2 semaphore(%run_scoped3A : memref<!tpu.dma_semaphore, #tpu.memory_space<semaphore_mem>>) src(%arg6 : memref<640xf32, #tpu.memory_space<vmem>>) dst(%dma_wait3A_31 : memref<640xf32, #tpu.memory_space<vmem_shared>>)
      tpu.yield
    }) : () -> ()
    %barrier3A = arith.constant 0 : index
    tpu.barrier barrier_id(%barrier3A)
    %mul3A_16 = arith.constant 80 : i32
    %mul3A_17 = arith.muli %add3A, %mul3A_16 : i32
    %scan3A_18 = arith.constant 0 : i32
    %scan3A_19 = arith.constant 0 : i32
    %scan3A_20 = arith.constant 5 : i32
    %scan3A_21 = arith.addi %scan3A_19, %scan3A_20 : i32
    %scan3A_22 = arith.constant 1 : i32
    %scan3A_23 = scf.for %scan3A_30 = %scan3A_19 to %scan3A_21 step %scan3A_22 iter_args(%scan3A_31 = %scan3A_18) -> (i32)  : i32 {
      %mul3A_32 = arith.constant 16 : i32
      %mul3A_33 = arith.muli %scan3A_30, %mul3A_32 : i32
      %add3A_34 = arith.addi %mul3A_17, %mul3A_33 : i32
      %multiple_of3A = tpu.assume_multiple %add3A_34, 16 : i32
      "tpu.region"() ({
        %run_scoped3A_51 = tpu.sem_alloc : memref<!tpu.dma_semaphore, #tpu.memory_space<semaphore_mem>>
        %dma_start3A = arith.constant 0 : i32
        %dma_start3A_52 = tpu.memref_slice %arg2[%multiple_of3A, %dma_start3A] : memref<2560x128xi32, #tpu.memory_space<hbm>> -> memref<16x128xi32, #tpu.memory_space<hbm>>
        %dma_start3A_53 = arith.constant 0 : i32
        %dma_start3A_54 = tpu.memref_slice %arg2[%multiple_of3A, %dma_start3A_53] : memref<2560x128xi32, #tpu.memory_space<hbm>> -> memref<16x128xi32, #tpu.memory_space<hbm>>
        tpu.enqueue_dma source(%dma_start3A_54 : memref<16x128xi32, #tpu.memory_space<hbm>>) target(%arg4 : memref<16x128xi32, #tpu.memory_space<vmem>>) target_semaphore(%run_scoped3A_51 : memref<!tpu.dma_semaphore, #tpu.memory_space<semaphore_mem>>)
        %dma_wait3A = arith.constant 0 : i32
        %dma_wait3A_55 = tpu.memref_slice %arg2[%multiple_of3A, %dma_wait3A] : memref<2560x128xi32, #tpu.memory_space<hbm>> -> memref<16x128xi32, #tpu.memory_space<hbm>>
        %dma_wait3A_56 = arith.constant 0 : i32
        %dma_wait3A_57 = tpu.memref_slice %arg2[%multiple_of3A, %dma_wait3A_56] : memref<2560x128xi32, #tpu.memory_space<hbm>> -> memref<16x128xi32, #tpu.memory_space<hbm>>
        tpu.wait_dma2 semaphore(%run_scoped3A_51 : memref<!tpu.dma_semaphore, #tpu.memory_space<semaphore_mem>>) src(%dma_wait3A_57 : memref<16x128xi32, #tpu.memory_space<hbm>>) dst(%arg4 : memref<16x128xi32, #tpu.memory_space<vmem>>)
        tpu.yield
      }) : () -> ()
      %run_scoped3A = arith.constant 0 : i32
      "tpu.region"() ({
        %run_scoped3A_51 = tpu.sem_alloc : memref<!tpu.dma_semaphore, #tpu.memory_space<semaphore_mem>>
        %dma_start3A = arith.constant 0 : i32
        %dma_start3A_52 = tpu.memref_slice %arg4[%run_scoped3A, %dma_start3A] : memref<16x128xi32, #tpu.memory_space<vmem>> -> memref<1x128xi32, #tpu.memory_space<vmem>>
        %dma_start3A_53 = tpu.memref_squeeze %dma_start3A_52 : memref<1x128xi32, #tpu.memory_space<vmem>> -> memref<128xi32, #tpu.memory_space<vmem>>
        %dma_start3A_54 = arith.constant 0 : i32
        %dma_start3A_55 = tpu.memref_slice %arg7[%dma_start3A_54] : memref<10240xf32, #tpu.memory_space<vmem_shared>> -> memref<10240xf32, #tpu.memory_space<vmem_shared>>
        tpu.enqueue_indirect_dma source(%arg5 : memref<128xf32, #tpu.memory_space<vmem>>) target(%dma_start3A_55 : memref<10240xf32, #tpu.memory_space<vmem_shared>>) offsets(%dma_start3A_53 : memref<128xi32, #tpu.memory_space<vmem>>) semaphore(%run_scoped3A_51 : memref<!tpu.dma_semaphore, #tpu.memory_space<semaphore_mem>>) {add = true}
        %dma_wait3A = arith.constant 0 : i32
        %dma_wait3A_56 = tpu.memref_slice %arg4[%run_scoped3A, %dma_wait3A] : memref<16x128xi32, #tpu.memory_space<vmem>> -> memref<1x128xi32, #tpu.memory_space<vmem>>
        %dma_wait3A_57 = tpu.memref_squeeze %dma_wait3A_56 : memref<1x128xi32, #tpu.memory_space<vmem>> -> memref<128xi32, #tpu.memory_space<vmem>>
        %dma_wait3A_58 = arith.constant 0 : i32
        %dma_wait3A_59 = tpu.memref_slice %arg7[%dma_wait3A_58] : memref<10240xf32, #tpu.memory_space<vmem_shared>> -> memref<10240xf32, #tpu.memory_space<vmem_shared>>
        tpu.wait_indirect_dma semaphore(%run_scoped3A_51 : memref<!tpu.dma_semaphore, #tpu.memory_space<semaphore_mem>>) src(%arg5 : memref<128xf32, #tpu.memory_space<vmem>>) dst(%dma_wait3A_59 : memref<10240xf32, #tpu.memory_space<vmem_shared>>)
        tpu.yield
      }) : () -> ()
      %run_scoped3A_35 = arith.constant 1 : i32
      "tpu.region"() ({
        %run_scoped3A_51 = tpu.sem_alloc : memref<!tpu.dma_semaphore, #tpu.memory_space<semaphore_mem>>
        %dma_start3A = arith.constant 0 : i32
        %dma_start3A_52 = tpu.memref_slice %arg4[%run_scoped3A_35, %dma_start3A] : memref<16x128xi32, #tpu.memory_space<vmem>> -> memref<1x128xi32, #tpu.memory_space<vmem>>
        %dma_start3A_53 = tpu.memref_squeeze %dma_start3A_52 : memref<1x128xi32, #tpu.memory_space<vmem>> -> memref<128xi32, #tpu.memory_space<vmem>>
        %dma_start3A_54 = arith.constant 0 : i32
        %dma_start3A_55 = tpu.memref_slice %arg7[%dma_start3A_54] : memref<10240xf32, #tpu.memory_space<vmem_shared>> -> memref<10240xf32, #tpu.memory_space<vmem_shared>>
        tpu.enqueue_indirect_dma source(%arg5 : memref<128xf32, #tpu.memory_space<vmem>>) target(%dma_start3A_55 : memref<10240xf32, #tpu.memory_space<vmem_shared>>) offsets(%dma_start3A_53 : memref<128xi32, #tpu.memory_space<vmem>>) semaphore(%run_scoped3A_51 : memref<!tpu.dma_semaphore, #tpu.memory_space<semaphore_mem>>) {add = true}
        %dma_wait3A = arith.constant 0 : i32
        %dma_wait3A_56 = tpu.memref_slice %arg4[%run_scoped3A_35, %dma_wait3A] : memref<16x128xi32, #tpu.memory_space<vmem>> -> memref<1x128xi32, #tpu.memory_space<vmem>>
        %dma_wait3A_57 = tpu.memref_squeeze %dma_wait3A_56 : memref<1x128xi32, #tpu.memory_space<vmem>> -> memref<128xi32, #tpu.memory_space<vmem>>
        %dma_wait3A_58 = arith.constant 0 : i32
        %dma_wait3A_59 = tpu.memref_slice %arg7[%dma_wait3A_58] : memref<10240xf32, #tpu.memory_space<vmem_shared>> -> memref<10240xf32, #tpu.memory_space<vmem_shared>>
        tpu.wait_indirect_dma semaphore(%run_scoped3A_51 : memref<!tpu.dma_semaphore, #tpu.memory_space<semaphore_mem>>) src(%arg5 : memref<128xf32, #tpu.memory_space<vmem>>) dst(%dma_wait3A_59 : memref<10240xf32, #tpu.memory_space<vmem_shared>>)
        tpu.yield
      }) : () -> ()
      %run_scoped3A_36 = arith.constant 2 : i32
      "tpu.region"() ({
        %run_scoped3A_51 = tpu.sem_alloc : memref<!tpu.dma_semaphore, #tpu.memory_space<semaphore_mem>>
        %dma_start3A = arith.constant 0 : i32
        %dma_start3A_52 = tpu.memref_slice %arg4[%run_scoped3A_36, %dma_start3A] : memref<16x128xi32, #tpu.memory_space<vmem>> -> memref<1x128xi32, #tpu.memory_space<vmem>>
        %dma_start3A_53 = tpu.memref_squeeze %dma_start3A_52 : memref<1x128xi32, #tpu.memory_space<vmem>> -> memref<128xi32, #tpu.memory_space<vmem>>
        %dma_start3A_54 = arith.constant 0 : i32
        %dma_start3A_55 = tpu.memref_slice %arg7[%dma_start3A_54] : memref<10240xf32, #tpu.memory_space<vmem_shared>> -> memref<10240xf32, #tpu.memory_space<vmem_shared>>
        tpu.enqueue_indirect_dma source(%arg5 : memref<128xf32, #tpu.memory_space<vmem>>) target(%dma_start3A_55 : memref<10240xf32, #tpu.memory_space<vmem_shared>>) offsets(%dma_start3A_53 : memref<128xi32, #tpu.memory_space<vmem>>) semaphore(%run_scoped3A_51 : memref<!tpu.dma_semaphore, #tpu.memory_space<semaphore_mem>>) {add = true}
        %dma_wait3A = arith.constant 0 : i32
        %dma_wait3A_56 = tpu.memref_slice %arg4[%run_scoped3A_36, %dma_wait3A] : memref<16x128xi32, #tpu.memory_space<vmem>> -> memref<1x128xi32, #tpu.memory_space<vmem>>
        %dma_wait3A_57 = tpu.memref_squeeze %dma_wait3A_56 : memref<1x128xi32, #tpu.memory_space<vmem>> -> memref<128xi32, #tpu.memory_space<vmem>>
        %dma_wait3A_58 = arith.constant 0 : i32
        %dma_wait3A_59 = tpu.memref_slice %arg7[%dma_wait3A_58] : memref<10240xf32, #tpu.memory_space<vmem_shared>> -> memref<10240xf32, #tpu.memory_space<vmem_shared>>
        tpu.wait_indirect_dma semaphore(%run_scoped3A_51 : memref<!tpu.dma_semaphore, #tpu.memory_space<semaphore_mem>>) src(%arg5 : memref<128xf32, #tpu.memory_space<vmem>>) dst(%dma_wait3A_59 : memref<10240xf32, #tpu.memory_space<vmem_shared>>)
        tpu.yield
      }) : () -> ()
      %run_scoped3A_37 = arith.constant 3 : i32
      "tpu.region"() ({
        %run_scoped3A_51 = tpu.sem_alloc : memref<!tpu.dma_semaphore, #tpu.memory_space<semaphore_mem>>
        %dma_start3A = arith.constant 0 : i32
        %dma_start3A_52 = tpu.memref_slice %arg4[%run_scoped3A_37, %dma_start3A] : memref<16x128xi32, #tpu.memory_space<vmem>> -> memref<1x128xi32, #tpu.memory_space<vmem>>
        %dma_start3A_53 = tpu.memref_squeeze %dma_start3A_52 : memref<1x128xi32, #tpu.memory_space<vmem>> -> memref<128xi32, #tpu.memory_space<vmem>>
        %dma_start3A_54 = arith.constant 0 : i32
        %dma_start3A_55 = tpu.memref_slice %arg7[%dma_start3A_54] : memref<10240xf32, #tpu.memory_space<vmem_shared>> -> memref<10240xf32, #tpu.memory_space<vmem_shared>>
        tpu.enqueue_indirect_dma source(%arg5 : memref<128xf32, #tpu.memory_space<vmem>>) target(%dma_start3A_55 : memref<10240xf32, #tpu.memory_space<vmem_shared>>) offsets(%dma_start3A_53 : memref<128xi32, #tpu.memory_space<vmem>>) semaphore(%run_scoped3A_51 : memref<!tpu.dma_semaphore, #tpu.memory_space<semaphore_mem>>) {add = true}
        %dma_wait3A = arith.constant 0 : i32
        %dma_wait3A_56 = tpu.memref_slice %arg4[%run_scoped3A_37, %dma_wait3A] : memref<16x128xi32, #tpu.memory_space<vmem>> -> memref<1x128xi32, #tpu.memory_space<vmem>>
        %dma_wait3A_57 = tpu.memref_squeeze %dma_wait3A_56 : memref<1x128xi32, #tpu.memory_space<vmem>> -> memref<128xi32, #tpu.memory_space<vmem>>
        %dma_wait3A_58 = arith.constant 0 : i32
        %dma_wait3A_59 = tpu.memref_slice %arg7[%dma_wait3A_58] : memref<10240xf32, #tpu.memory_space<vmem_shared>> -> memref<10240xf32, #tpu.memory_space<vmem_shared>>
        tpu.wait_indirect_dma semaphore(%run_scoped3A_51 : memref<!tpu.dma_semaphore, #tpu.memory_space<semaphore_mem>>) src(%arg5 : memref<128xf32, #tpu.memory_space<vmem>>) dst(%dma_wait3A_59 : memref<10240xf32, #tpu.memory_space<vmem_shared>>)
        tpu.yield
      }) : () -> ()
      %run_scoped3A_38 = arith.constant 4 : i32
      "tpu.region"() ({
        %run_scoped3A_51 = tpu.sem_alloc : memref<!tpu.dma_semaphore, #tpu.memory_space<semaphore_mem>>
        %dma_start3A = arith.constant 0 : i32
        %dma_start3A_52 = tpu.memref_slice %arg4[%run_scoped3A_38, %dma_start3A] : memref<16x128xi32, #tpu.memory_space<vmem>> -> memref<1x128xi32, #tpu.memory_space<vmem>>
        %dma_start3A_53 = tpu.memref_squeeze %dma_start3A_52 : memref<1x128xi32, #tpu.memory_space<vmem>> -> memref<128xi32, #tpu.memory_space<vmem>>
        %dma_start3A_54 = arith.constant 0 : i32
        %dma_start3A_55 = tpu.memref_slice %arg7[%dma_start3A_54] : memref<10240xf32, #tpu.memory_space<vmem_shared>> -> memref<10240xf32, #tpu.memory_space<vmem_shared>>
        tpu.enqueue_indirect_dma source(%arg5 : memref<128xf32, #tpu.memory_space<vmem>>) target(%dma_start3A_55 : memref<10240xf32, #tpu.memory_space<vmem_shared>>) offsets(%dma_start3A_53 : memref<128xi32, #tpu.memory_space<vmem>>) semaphore(%run_scoped3A_51 : memref<!tpu.dma_semaphore, #tpu.memory_space<semaphore_mem>>) {add = true}
        %dma_wait3A = arith.constant 0 : i32
        %dma_wait3A_56 = tpu.memref_slice %arg4[%run_scoped3A_38, %dma_wait3A] : memref<16x128xi32, #tpu.memory_space<vmem>> -> memref<1x128xi32, #tpu.memory_space<vmem>>
        %dma_wait3A_57 = tpu.memref_squeeze %dma_wait3A_56 : memref<1x128xi32, #tpu.memory_space<vmem>> -> memref<128xi32, #tpu.memory_space<vmem>>
        %dma_wait3A_58 = arith.constant 0 : i32
        %dma_wait3A_59 = tpu.memref_slice %arg7[%dma_wait3A_58] : memref<10240xf32, #tpu.memory_space<vmem_shared>> -> memref<10240xf32, #tpu.memory_space<vmem_shared>>
        tpu.wait_indirect_dma semaphore(%run_scoped3A_51 : memref<!tpu.dma_semaphore, #tpu.memory_space<semaphore_mem>>) src(%arg5 : memref<128xf32, #tpu.memory_space<vmem>>) dst(%dma_wait3A_59 : memref<10240xf32, #tpu.memory_space<vmem_shared>>)
        tpu.yield
      }) : () -> ()
      %run_scoped3A_39 = arith.constant 5 : i32
      "tpu.region"() ({
        %run_scoped3A_51 = tpu.sem_alloc : memref<!tpu.dma_semaphore, #tpu.memory_space<semaphore_mem>>
        %dma_start3A = arith.constant 0 : i32
        %dma_start3A_52 = tpu.memref_slice %arg4[%run_scoped3A_39, %dma_start3A] : memref<16x128xi32, #tpu.memory_space<vmem>> -> memref<1x128xi32, #tpu.memory_space<vmem>>
        %dma_start3A_53 = tpu.memref_squeeze %dma_start3A_52 : memref<1x128xi32, #tpu.memory_space<vmem>> -> memref<128xi32, #tpu.memory_space<vmem>>
        %dma_start3A_54 = arith.constant 0 : i32
        %dma_start3A_55 = tpu.memref_slice %arg7[%dma_start3A_54] : memref<10240xf32, #tpu.memory_space<vmem_shared>> -> memref<10240xf32, #tpu.memory_space<vmem_shared>>
        tpu.enqueue_indirect_dma source(%arg5 : memref<128xf32, #tpu.memory_space<vmem>>) target(%dma_start3A_55 : memref<10240xf32, #tpu.memory_space<vmem_shared>>) offsets(%dma_start3A_53 : memref<128xi32, #tpu.memory_space<vmem>>) semaphore(%run_scoped3A_51 : memref<!tpu.dma_semaphore, #tpu.memory_space<semaphore_mem>>) {add = true}
        %dma_wait3A = arith.constant 0 : i32
        %dma_wait3A_56 = tpu.memref_slice %arg4[%run_scoped3A_39, %dma_wait3A] : memref<16x128xi32, #tpu.memory_space<vmem>> -> memref<1x128xi32, #tpu.memory_space<vmem>>
        %dma_wait3A_57 = tpu.memref_squeeze %dma_wait3A_56 : memref<1x128xi32, #tpu.memory_space<vmem>> -> memref<128xi32, #tpu.memory_space<vmem>>
        %dma_wait3A_58 = arith.constant 0 : i32
        %dma_wait3A_59 = tpu.memref_slice %arg7[%dma_wait3A_58] : memref<10240xf32, #tpu.memory_space<vmem_shared>> -> memref<10240xf32, #tpu.memory_space<vmem_shared>>
        tpu.wait_indirect_dma semaphore(%run_scoped3A_51 : memref<!tpu.dma_semaphore, #tpu.memory_space<semaphore_mem>>) src(%arg5 : memref<128xf32, #tpu.memory_space<vmem>>) dst(%dma_wait3A_59 : memref<10240xf32, #tpu.memory_space<vmem_shared>>)
        tpu.yield
      }) : () -> ()
      %run_scoped3A_40 = arith.constant 6 : i32
      "tpu.region"() ({
        %run_scoped3A_51 = tpu.sem_alloc : memref<!tpu.dma_semaphore, #tpu.memory_space<semaphore_mem>>
        %dma_start3A = arith.constant 0 : i32
        %dma_start3A_52 = tpu.memref_slice %arg4[%run_scoped3A_40, %dma_start3A] : memref<16x128xi32, #tpu.memory_space<vmem>> -> memref<1x128xi32, #tpu.memory_space<vmem>>
        %dma_start3A_53 = tpu.memref_squeeze %dma_start3A_52 : memref<1x128xi32, #tpu.memory_space<vmem>> -> memref<128xi32, #tpu.memory_space<vmem>>
        %dma_start3A_54 = arith.constant 0 : i32
        %dma_start3A_55 = tpu.memref_slice %arg7[%dma_start3A_54] : memref<10240xf32, #tpu.memory_space<vmem_shared>> -> memref<10240xf32, #tpu.memory_space<vmem_shared>>
        tpu.enqueue_indirect_dma source(%arg5 : memref<128xf32, #tpu.memory_space<vmem>>) target(%dma_start3A_55 : memref<10240xf32, #tpu.memory_space<vmem_shared>>) offsets(%dma_start3A_53 : memref<128xi32, #tpu.memory_space<vmem>>) semaphore(%run_scoped3A_51 : memref<!tpu.dma_semaphore, #tpu.memory_space<semaphore_mem>>) {add = true}
        %dma_wait3A = arith.constant 0 : i32
        %dma_wait3A_56 = tpu.memref_slice %arg4[%run_scoped3A_40, %dma_wait3A] : memref<16x128xi32, #tpu.memory_space<vmem>> -> memref<1x128xi32, #tpu.memory_space<vmem>>
        %dma_wait3A_57 = tpu.memref_squeeze %dma_wait3A_56 : memref<1x128xi32, #tpu.memory_space<vmem>> -> memref<128xi32, #tpu.memory_space<vmem>>
        %dma_wait3A_58 = arith.constant 0 : i32
        %dma_wait3A_59 = tpu.memref_slice %arg7[%dma_wait3A_58] : memref<10240xf32, #tpu.memory_space<vmem_shared>> -> memref<10240xf32, #tpu.memory_space<vmem_shared>>
        tpu.wait_indirect_dma semaphore(%run_scoped3A_51 : memref<!tpu.dma_semaphore, #tpu.memory_space<semaphore_mem>>) src(%arg5 : memref<128xf32, #tpu.memory_space<vmem>>) dst(%dma_wait3A_59 : memref<10240xf32, #tpu.memory_space<vmem_shared>>)
        tpu.yield
      }) : () -> ()
      %run_scoped3A_41 = arith.constant 7 : i32
      "tpu.region"() ({
        %run_scoped3A_51 = tpu.sem_alloc : memref<!tpu.dma_semaphore, #tpu.memory_space<semaphore_mem>>
        %dma_start3A = arith.constant 0 : i32
        %dma_start3A_52 = tpu.memref_slice %arg4[%run_scoped3A_41, %dma_start3A] : memref<16x128xi32, #tpu.memory_space<vmem>> -> memref<1x128xi32, #tpu.memory_space<vmem>>
        %dma_start3A_53 = tpu.memref_squeeze %dma_start3A_52 : memref<1x128xi32, #tpu.memory_space<vmem>> -> memref<128xi32, #tpu.memory_space<vmem>>
        %dma_start3A_54 = arith.constant 0 : i32
        %dma_start3A_55 = tpu.memref_slice %arg7[%dma_start3A_54] : memref<10240xf32, #tpu.memory_space<vmem_shared>> -> memref<10240xf32, #tpu.memory_space<vmem_shared>>
        tpu.enqueue_indirect_dma source(%arg5 : memref<128xf32, #tpu.memory_space<vmem>>) target(%dma_start3A_55 : memref<10240xf32, #tpu.memory_space<vmem_shared>>) offsets(%dma_start3A_53 : memref<128xi32, #tpu.memory_space<vmem>>) semaphore(%run_scoped3A_51 : memref<!tpu.dma_semaphore, #tpu.memory_space<semaphore_mem>>) {add = true}
        %dma_wait3A = arith.constant 0 : i32
        %dma_wait3A_56 = tpu.memref_slice %arg4[%run_scoped3A_41, %dma_wait3A] : memref<16x128xi32, #tpu.memory_space<vmem>> -> memref<1x128xi32, #tpu.memory_space<vmem>>
        %dma_wait3A_57 = tpu.memref_squeeze %dma_wait3A_56 : memref<1x128xi32, #tpu.memory_space<vmem>> -> memref<128xi32, #tpu.memory_space<vmem>>
        %dma_wait3A_58 = arith.constant 0 : i32
        %dma_wait3A_59 = tpu.memref_slice %arg7[%dma_wait3A_58] : memref<10240xf32, #tpu.memory_space<vmem_shared>> -> memref<10240xf32, #tpu.memory_space<vmem_shared>>
        tpu.wait_indirect_dma semaphore(%run_scoped3A_51 : memref<!tpu.dma_semaphore, #tpu.memory_space<semaphore_mem>>) src(%arg5 : memref<128xf32, #tpu.memory_space<vmem>>) dst(%dma_wait3A_59 : memref<10240xf32, #tpu.memory_space<vmem_shared>>)
        tpu.yield
      }) : () -> ()
      %run_scoped3A_42 = arith.constant 8 : i32
      "tpu.region"() ({
        %run_scoped3A_51 = tpu.sem_alloc : memref<!tpu.dma_semaphore, #tpu.memory_space<semaphore_mem>>
        %dma_start3A = arith.constant 0 : i32
        %dma_start3A_52 = tpu.memref_slice %arg4[%run_scoped3A_42, %dma_start3A] : memref<16x128xi32, #tpu.memory_space<vmem>> -> memref<1x128xi32, #tpu.memory_space<vmem>>
        %dma_start3A_53 = tpu.memref_squeeze %dma_start3A_52 : memref<1x128xi32, #tpu.memory_space<vmem>> -> memref<128xi32, #tpu.memory_space<vmem>>
        %dma_start3A_54 = arith.constant 0 : i32
        %dma_start3A_55 = tpu.memref_slice %arg7[%dma_start3A_54] : memref<10240xf32, #tpu.memory_space<vmem_shared>> -> memref<10240xf32, #tpu.memory_space<vmem_shared>>
        tpu.enqueue_indirect_dma source(%arg5 : memref<128xf32, #tpu.memory_space<vmem>>) target(%dma_start3A_55 : memref<10240xf32, #tpu.memory_space<vmem_shared>>) offsets(%dma_start3A_53 : memref<128xi32, #tpu.memory_space<vmem>>) semaphore(%run_scoped3A_51 : memref<!tpu.dma_semaphore, #tpu.memory_space<semaphore_mem>>) {add = true}
        %dma_wait3A = arith.constant 0 : i32
        %dma_wait3A_56 = tpu.memref_slice %arg4[%run_scoped3A_42, %dma_wait3A] : memref<16x128xi32, #tpu.memory_space<vmem>> -> memref<1x128xi32, #tpu.memory_space<vmem>>
        %dma_wait3A_57 = tpu.memref_squeeze %dma_wait3A_56 : memref<1x128xi32, #tpu.memory_space<vmem>> -> memref<128xi32, #tpu.memory_space<vmem>>
        %dma_wait3A_58 = arith.constant 0 : i32
        %dma_wait3A_59 = tpu.memref_slice %arg7[%dma_wait3A_58] : memref<10240xf32, #tpu.memory_space<vmem_shared>> -> memref<10240xf32, #tpu.memory_space<vmem_shared>>
        tpu.wait_indirect_dma semaphore(%run_scoped3A_51 : memref<!tpu.dma_semaphore, #tpu.memory_space<semaphore_mem>>) src(%arg5 : memref<128xf32, #tpu.memory_space<vmem>>) dst(%dma_wait3A_59 : memref<10240xf32, #tpu.memory_space<vmem_shared>>)
        tpu.yield
      }) : () -> ()
      %run_scoped3A_43 = arith.constant 9 : i32
      "tpu.region"() ({
        %run_scoped3A_51 = tpu.sem_alloc : memref<!tpu.dma_semaphore, #tpu.memory_space<semaphore_mem>>
        %dma_start3A = arith.constant 0 : i32
        %dma_start3A_52 = tpu.memref_slice %arg4[%run_scoped3A_43, %dma_start3A] : memref<16x128xi32, #tpu.memory_space<vmem>> -> memref<1x128xi32, #tpu.memory_space<vmem>>
        %dma_start3A_53 = tpu.memref_squeeze %dma_start3A_52 : memref<1x128xi32, #tpu.memory_space<vmem>> -> memref<128xi32, #tpu.memory_space<vmem>>
        %dma_start3A_54 = arith.constant 0 : i32
        %dma_start3A_55 = tpu.memref_slice %arg7[%dma_start3A_54] : memref<10240xf32, #tpu.memory_space<vmem_shared>> -> memref<10240xf32, #tpu.memory_space<vmem_shared>>
        tpu.enqueue_indirect_dma source(%arg5 : memref<128xf32, #tpu.memory_space<vmem>>) target(%dma_start3A_55 : memref<10240xf32, #tpu.memory_space<vmem_shared>>) offsets(%dma_start3A_53 : memref<128xi32, #tpu.memory_space<vmem>>) semaphore(%run_scoped3A_51 : memref<!tpu.dma_semaphore, #tpu.memory_space<semaphore_mem>>) {add = true}
        %dma_wait3A = arith.constant 0 : i32
        %dma_wait3A_56 = tpu.memref_slice %arg4[%run_scoped3A_43, %dma_wait3A] : memref<16x128xi32, #tpu.memory_space<vmem>> -> memref<1x128xi32, #tpu.memory_space<vmem>>
        %dma_wait3A_57 = tpu.memref_squeeze %dma_wait3A_56 : memref<1x128xi32, #tpu.memory_space<vmem>> -> memref<128xi32, #tpu.memory_space<vmem>>
        %dma_wait3A_58 = arith.constant 0 : i32
        %dma_wait3A_59 = tpu.memref_slice %arg7[%dma_wait3A_58] : memref<10240xf32, #tpu.memory_space<vmem_shared>> -> memref<10240xf32, #tpu.memory_space<vmem_shared>>
        tpu.wait_indirect_dma semaphore(%run_scoped3A_51 : memref<!tpu.dma_semaphore, #tpu.memory_space<semaphore_mem>>) src(%arg5 : memref<128xf32, #tpu.memory_space<vmem>>) dst(%dma_wait3A_59 : memref<10240xf32, #tpu.memory_space<vmem_shared>>)
        tpu.yield
      }) : () -> ()
      %run_scoped3A_44 = arith.constant 10 : i32
      "tpu.region"() ({
        %run_scoped3A_51 = tpu.sem_alloc : memref<!tpu.dma_semaphore, #tpu.memory_space<semaphore_mem>>
        %dma_start3A = arith.constant 0 : i32
        %dma_start3A_52 = tpu.memref_slice %arg4[%run_scoped3A_44, %dma_start3A] : memref<16x128xi32, #tpu.memory_space<vmem>> -> memref<1x128xi32, #tpu.memory_space<vmem>>
        %dma_start3A_53 = tpu.memref_squeeze %dma_start3A_52 : memref<1x128xi32, #tpu.memory_space<vmem>> -> memref<128xi32, #tpu.memory_space<vmem>>
        %dma_start3A_54 = arith.constant 0 : i32
        %dma_start3A_55 = tpu.memref_slice %arg7[%dma_start3A_54] : memref<10240xf32, #tpu.memory_space<vmem_shared>> -> memref<10240xf32, #tpu.memory_space<vmem_shared>>
        tpu.enqueue_indirect_dma source(%arg5 : memref<128xf32, #tpu.memory_space<vmem>>) target(%dma_start3A_55 : memref<10240xf32, #tpu.memory_space<vmem_shared>>) offsets(%dma_start3A_53 : memref<128xi32, #tpu.memory_space<vmem>>) semaphore(%run_scoped3A_51 : memref<!tpu.dma_semaphore, #tpu.memory_space<semaphore_mem>>) {add = true}
        %dma_wait3A = arith.constant 0 : i32
        %dma_wait3A_56 = tpu.memref_slice %arg4[%run_scoped3A_44, %dma_wait3A] : memref<16x128xi32, #tpu.memory_space<vmem>> -> memref<1x128xi32, #tpu.memory_space<vmem>>
        %dma_wait3A_57 = tpu.memref_squeeze %dma_wait3A_56 : memref<1x128xi32, #tpu.memory_space<vmem>> -> memref<128xi32, #tpu.memory_space<vmem>>
        %dma_wait3A_58 = arith.constant 0 : i32
        %dma_wait3A_59 = tpu.memref_slice %arg7[%dma_wait3A_58] : memref<10240xf32, #tpu.memory_space<vmem_shared>> -> memref<10240xf32, #tpu.memory_space<vmem_shared>>
        tpu.wait_indirect_dma semaphore(%run_scoped3A_51 : memref<!tpu.dma_semaphore, #tpu.memory_space<semaphore_mem>>) src(%arg5 : memref<128xf32, #tpu.memory_space<vmem>>) dst(%dma_wait3A_59 : memref<10240xf32, #tpu.memory_space<vmem_shared>>)
        tpu.yield
      }) : () -> ()
      %run_scoped3A_45 = arith.constant 11 : i32
      "tpu.region"() ({
        %run_scoped3A_51 = tpu.sem_alloc : memref<!tpu.dma_semaphore, #tpu.memory_space<semaphore_mem>>
        %dma_start3A = arith.constant 0 : i32
        %dma_start3A_52 = tpu.memref_slice %arg4[%run_scoped3A_45, %dma_start3A] : memref<16x128xi32, #tpu.memory_space<vmem>> -> memref<1x128xi32, #tpu.memory_space<vmem>>
        %dma_start3A_53 = tpu.memref_squeeze %dma_start3A_52 : memref<1x128xi32, #tpu.memory_space<vmem>> -> memref<128xi32, #tpu.memory_space<vmem>>
        %dma_start3A_54 = arith.constant 0 : i32
        %dma_start3A_55 = tpu.memref_slice %arg7[%dma_start3A_54] : memref<10240xf32, #tpu.memory_space<vmem_shared>> -> memref<10240xf32, #tpu.memory_space<vmem_shared>>
        tpu.enqueue_indirect_dma source(%arg5 : memref<128xf32, #tpu.memory_space<vmem>>) target(%dma_start3A_55 : memref<10240xf32, #tpu.memory_space<vmem_shared>>) offsets(%dma_start3A_53 : memref<128xi32, #tpu.memory_space<vmem>>) semaphore(%run_scoped3A_51 : memref<!tpu.dma_semaphore, #tpu.memory_space<semaphore_mem>>) {add = true}
        %dma_wait3A = arith.constant 0 : i32
        %dma_wait3A_56 = tpu.memref_slice %arg4[%run_scoped3A_45, %dma_wait3A] : memref<16x128xi32, #tpu.memory_space<vmem>> -> memref<1x128xi32, #tpu.memory_space<vmem>>
        %dma_wait3A_57 = tpu.memref_squeeze %dma_wait3A_56 : memref<1x128xi32, #tpu.memory_space<vmem>> -> memref<128xi32, #tpu.memory_space<vmem>>
        %dma_wait3A_58 = arith.constant 0 : i32
        %dma_wait3A_59 = tpu.memref_slice %arg7[%dma_wait3A_58] : memref<10240xf32, #tpu.memory_space<vmem_shared>> -> memref<10240xf32, #tpu.memory_space<vmem_shared>>
        tpu.wait_indirect_dma semaphore(%run_scoped3A_51 : memref<!tpu.dma_semaphore, #tpu.memory_space<semaphore_mem>>) src(%arg5 : memref<128xf32, #tpu.memory_space<vmem>>) dst(%dma_wait3A_59 : memref<10240xf32, #tpu.memory_space<vmem_shared>>)
        tpu.yield
      }) : () -> ()
      %run_scoped3A_46 = arith.constant 12 : i32
      "tpu.region"() ({
        %run_scoped3A_51 = tpu.sem_alloc : memref<!tpu.dma_semaphore, #tpu.memory_space<semaphore_mem>>
        %dma_start3A = arith.constant 0 : i32
        %dma_start3A_52 = tpu.memref_slice %arg4[%run_scoped3A_46, %dma_start3A] : memref<16x128xi32, #tpu.memory_space<vmem>> -> memref<1x128xi32, #tpu.memory_space<vmem>>
        %dma_start3A_53 = tpu.memref_squeeze %dma_start3A_52 : memref<1x128xi32, #tpu.memory_space<vmem>> -> memref<128xi32, #tpu.memory_space<vmem>>
        %dma_start3A_54 = arith.constant 0 : i32
        %dma_start3A_55 = tpu.memref_slice %arg7[%dma_start3A_54] : memref<10240xf32, #tpu.memory_space<vmem_shared>> -> memref<10240xf32, #tpu.memory_space<vmem_shared>>
        tpu.enqueue_indirect_dma source(%arg5 : memref<128xf32, #tpu.memory_space<vmem>>) target(%dma_start3A_55 : memref<10240xf32, #tpu.memory_space<vmem_shared>>) offsets(%dma_start3A_53 : memref<128xi32, #tpu.memory_space<vmem>>) semaphore(%run_scoped3A_51 : memref<!tpu.dma_semaphore, #tpu.memory_space<semaphore_mem>>) {add = true}
        %dma_wait3A = arith.constant 0 : i32
        %dma_wait3A_56 = tpu.memref_slice %arg4[%run_scoped3A_46, %dma_wait3A] : memref<16x128xi32, #tpu.memory_space<vmem>> -> memref<1x128xi32, #tpu.memory_space<vmem>>
        %dma_wait3A_57 = tpu.memref_squeeze %dma_wait3A_56 : memref<1x128xi32, #tpu.memory_space<vmem>> -> memref<128xi32, #tpu.memory_space<vmem>>
        %dma_wait3A_58 = arith.constant 0 : i32
        %dma_wait3A_59 = tpu.memref_slice %arg7[%dma_wait3A_58] : memref<10240xf32, #tpu.memory_space<vmem_shared>> -> memref<10240xf32, #tpu.memory_space<vmem_shared>>
        tpu.wait_indirect_dma semaphore(%run_scoped3A_51 : memref<!tpu.dma_semaphore, #tpu.memory_space<semaphore_mem>>) src(%arg5 : memref<128xf32, #tpu.memory_space<vmem>>) dst(%dma_wait3A_59 : memref<10240xf32, #tpu.memory_space<vmem_shared>>)
        tpu.yield
      }) : () -> ()
      %run_scoped3A_47 = arith.constant 13 : i32
      "tpu.region"() ({
        %run_scoped3A_51 = tpu.sem_alloc : memref<!tpu.dma_semaphore, #tpu.memory_space<semaphore_mem>>
        %dma_start3A = arith.constant 0 : i32
        %dma_start3A_52 = tpu.memref_slice %arg4[%run_scoped3A_47, %dma_start3A] : memref<16x128xi32, #tpu.memory_space<vmem>> -> memref<1x128xi32, #tpu.memory_space<vmem>>
        %dma_start3A_53 = tpu.memref_squeeze %dma_start3A_52 : memref<1x128xi32, #tpu.memory_space<vmem>> -> memref<128xi32, #tpu.memory_space<vmem>>
        %dma_start3A_54 = arith.constant 0 : i32
        %dma_start3A_55 = tpu.memref_slice %arg7[%dma_start3A_54] : memref<10240xf32, #tpu.memory_space<vmem_shared>> -> memref<10240xf32, #tpu.memory_space<vmem_shared>>
        tpu.enqueue_indirect_dma source(%arg5 : memref<128xf32, #tpu.memory_space<vmem>>) target(%dma_start3A_55 : memref<10240xf32, #tpu.memory_space<vmem_shared>>) offsets(%dma_start3A_53 : memref<128xi32, #tpu.memory_space<vmem>>) semaphore(%run_scoped3A_51 : memref<!tpu.dma_semaphore, #tpu.memory_space<semaphore_mem>>) {add = true}
        %dma_wait3A = arith.constant 0 : i32
        %dma_wait3A_56 = tpu.memref_slice %arg4[%run_scoped3A_47, %dma_wait3A] : memref<16x128xi32, #tpu.memory_space<vmem>> -> memref<1x128xi32, #tpu.memory_space<vmem>>
        %dma_wait3A_57 = tpu.memref_squeeze %dma_wait3A_56 : memref<1x128xi32, #tpu.memory_space<vmem>> -> memref<128xi32, #tpu.memory_space<vmem>>
        %dma_wait3A_58 = arith.constant 0 : i32
        %dma_wait3A_59 = tpu.memref_slice %arg7[%dma_wait3A_58] : memref<10240xf32, #tpu.memory_space<vmem_shared>> -> memref<10240xf32, #tpu.memory_space<vmem_shared>>
        tpu.wait_indirect_dma semaphore(%run_scoped3A_51 : memref<!tpu.dma_semaphore, #tpu.memory_space<semaphore_mem>>) src(%arg5 : memref<128xf32, #tpu.memory_space<vmem>>) dst(%dma_wait3A_59 : memref<10240xf32, #tpu.memory_space<vmem_shared>>)
        tpu.yield
      }) : () -> ()
      %run_scoped3A_48 = arith.constant 14 : i32
      "tpu.region"() ({
        %run_scoped3A_51 = tpu.sem_alloc : memref<!tpu.dma_semaphore, #tpu.memory_space<semaphore_mem>>
        %dma_start3A = arith.constant 0 : i32
        %dma_start3A_52 = tpu.memref_slice %arg4[%run_scoped3A_48, %dma_start3A] : memref<16x128xi32, #tpu.memory_space<vmem>> -> memref<1x128xi32, #tpu.memory_space<vmem>>
        %dma_start3A_53 = tpu.memref_squeeze %dma_start3A_52 : memref<1x128xi32, #tpu.memory_space<vmem>> -> memref<128xi32, #tpu.memory_space<vmem>>
        %dma_start3A_54 = arith.constant 0 : i32
        %dma_start3A_55 = tpu.memref_slice %arg7[%dma_start3A_54] : memref<10240xf32, #tpu.memory_space<vmem_shared>> -> memref<10240xf32, #tpu.memory_space<vmem_shared>>
        tpu.enqueue_indirect_dma source(%arg5 : memref<128xf32, #tpu.memory_space<vmem>>) target(%dma_start3A_55 : memref<10240xf32, #tpu.memory_space<vmem_shared>>) offsets(%dma_start3A_53 : memref<128xi32, #tpu.memory_space<vmem>>) semaphore(%run_scoped3A_51 : memref<!tpu.dma_semaphore, #tpu.memory_space<semaphore_mem>>) {add = true}
        %dma_wait3A = arith.constant 0 : i32
        %dma_wait3A_56 = tpu.memref_slice %arg4[%run_scoped3A_48, %dma_wait3A] : memref<16x128xi32, #tpu.memory_space<vmem>> -> memref<1x128xi32, #tpu.memory_space<vmem>>
        %dma_wait3A_57 = tpu.memref_squeeze %dma_wait3A_56 : memref<1x128xi32, #tpu.memory_space<vmem>> -> memref<128xi32, #tpu.memory_space<vmem>>
        %dma_wait3A_58 = arith.constant 0 : i32
        %dma_wait3A_59 = tpu.memref_slice %arg7[%dma_wait3A_58] : memref<10240xf32, #tpu.memory_space<vmem_shared>> -> memref<10240xf32, #tpu.memory_space<vmem_shared>>
        tpu.wait_indirect_dma semaphore(%run_scoped3A_51 : memref<!tpu.dma_semaphore, #tpu.memory_space<semaphore_mem>>) src(%arg5 : memref<128xf32, #tpu.memory_space<vmem>>) dst(%dma_wait3A_59 : memref<10240xf32, #tpu.memory_space<vmem_shared>>)
        tpu.yield
      }) : () -> ()
      %run_scoped3A_49 = arith.constant 15 : i32
      "tpu.region"() ({
        %run_scoped3A_51 = tpu.sem_alloc : memref<!tpu.dma_semaphore, #tpu.memory_space<semaphore_mem>>
        %dma_start3A = arith.constant 0 : i32
        %dma_start3A_52 = tpu.memref_slice %arg4[%run_scoped3A_49, %dma_start3A] : memref<16x128xi32, #tpu.memory_space<vmem>> -> memref<1x128xi32, #tpu.memory_space<vmem>>
        %dma_start3A_53 = tpu.memref_squeeze %dma_start3A_52 : memref<1x128xi32, #tpu.memory_space<vmem>> -> memref<128xi32, #tpu.memory_space<vmem>>
        %dma_start3A_54 = arith.constant 0 : i32
        %dma_start3A_55 = tpu.memref_slice %arg7[%dma_start3A_54] : memref<10240xf32, #tpu.memory_space<vmem_shared>> -> memref<10240xf32, #tpu.memory_space<vmem_shared>>
        tpu.enqueue_indirect_dma source(%arg5 : memref<128xf32, #tpu.memory_space<vmem>>) target(%dma_start3A_55 : memref<10240xf32, #tpu.memory_space<vmem_shared>>) offsets(%dma_start3A_53 : memref<128xi32, #tpu.memory_space<vmem>>) semaphore(%run_scoped3A_51 : memref<!tpu.dma_semaphore, #tpu.memory_space<semaphore_mem>>) {add = true}
        %dma_wait3A = arith.constant 0 : i32
        %dma_wait3A_56 = tpu.memref_slice %arg4[%run_scoped3A_49, %dma_wait3A] : memref<16x128xi32, #tpu.memory_space<vmem>> -> memref<1x128xi32, #tpu.memory_space<vmem>>
        %dma_wait3A_57 = tpu.memref_squeeze %dma_wait3A_56 : memref<1x128xi32, #tpu.memory_space<vmem>> -> memref<128xi32, #tpu.memory_space<vmem>>
        %dma_wait3A_58 = arith.constant 0 : i32
        %dma_wait3A_59 = tpu.memref_slice %arg7[%dma_wait3A_58] : memref<10240xf32, #tpu.memory_space<vmem_shared>> -> memref<10240xf32, #tpu.memory_space<vmem_shared>>
        tpu.wait_indirect_dma semaphore(%run_scoped3A_51 : memref<!tpu.dma_semaphore, #tpu.memory_space<semaphore_mem>>) src(%arg5 : memref<128xf32, #tpu.memory_space<vmem>>) dst(%dma_wait3A_59 : memref<10240xf32, #tpu.memory_space<vmem_shared>>)
        tpu.yield
      }) : () -> ()
      %scan3A_50 = arith.constant 0 : i32
      scf.yield %scan3A_50 : i32
    }
    %scan3A_24 = arith.constant 5 : i32
    %barrier3A_25 = arith.constant 0 : index
    tpu.barrier barrier_id(%barrier3A_25)
    %mul3A_26 = arith.constant 640 : i32
    %mul3A_27 = arith.muli %arg1, %mul3A_26 : i32
    %mul3A_28 = arith.constant 640 : i32
    %mul3A_29 = arith.muli %arg1, %mul3A_28 : i32
    "tpu.region"() ({
      %run_scoped3A = tpu.sem_alloc : memref<!tpu.dma_semaphore, #tpu.memory_space<semaphore_mem>>
      %dma_start3A = tpu.memref_slice %arg3[%arg0, %mul3A_29] : memref<2x10240xf32, #tpu.memory_space<hbm>> -> memref<1x640xf32, #tpu.memory_space<hbm>>
      %dma_start3A_30 = tpu.memref_squeeze %dma_start3A : memref<1x640xf32, #tpu.memory_space<hbm>> -> memref<640xf32, #tpu.memory_space<hbm>>
      %dma_start3A_31 = tpu.memref_slice %arg7[%mul3A_27] : memref<10240xf32, #tpu.memory_space<vmem_shared>> -> memref<640xf32, #tpu.memory_space<vmem_shared>>
      tpu.enqueue_dma source(%dma_start3A_31 : memref<640xf32, #tpu.memory_space<vmem_shared>>) target(%dma_start3A_30 : memref<640xf32, #tpu.memory_space<hbm>>) target_semaphore(%run_scoped3A : memref<!tpu.dma_semaphore, #tpu.memory_space<semaphore_mem>>)
      %dma_wait3A = tpu.memref_slice %arg3[%arg0, %mul3A_29] : memref<2x10240xf32, #tpu.memory_space<hbm>> -> memref<1x640xf32, #tpu.memory_space<hbm>>
      %dma_wait3A_32 = tpu.memref_squeeze %dma_wait3A : memref<1x640xf32, #tpu.memory_space<hbm>> -> memref<640xf32, #tpu.memory_space<hbm>>
      %dma_wait3A_33 = tpu.memref_slice %arg7[%mul3A_27] : memref<10240xf32, #tpu.memory_space<vmem_shared>> -> memref<640xf32, #tpu.memory_space<vmem_shared>>
      tpu.wait_dma2 semaphore(%run_scoped3A : memref<!tpu.dma_semaphore, #tpu.memory_space<semaphore_mem>>) src(%dma_wait3A_33 : memref<640xf32, #tpu.memory_space<vmem_shared>>) dst(%dma_wait3A_32 : memref<640xf32, #tpu.memory_space<hbm>>)
      tpu.yield
    }) : () -> ()
    return
  }
}

#map = affine_map<(d0, d1) -> (0, 0)>
#map1 = affine_map<(d0, d1) -> (0, 0, 0)>
module attributes {stable_mosaic.version = 14 : i64} {
  func.func @_sc_scatter(%arg0: i32, %arg1: i32, %arg2: memref<10000x128xf32, #tpu.memory_space<hbm>>, %arg3: memref<2560x128xi32, #tpu.memory_space<hbm>>, %arg4: memref<2560x128xi32, #tpu.memory_space<hbm>>, %arg5: memref<2x10240x128xf32, #tpu.memory_space<hbm>>, %arg6: memref<16x128xi32, #tpu.memory_space<vmem>>, %arg7: memref<16x128xi32, #tpu.memory_space<vmem>>, %arg8: memref<128x128xf32, #tpu.memory_space<vmem>>, %arg9: memref<128x128xf32, #tpu.memory_space<vmem>>, %arg10: memref<10240x128xf32, #tpu.memory_space<vmem_shared>>, %arg11: memref<!tpu.dma_semaphore, #tpu.memory_space<semaphore_mem>>, %arg12: memref<!tpu.dma_semaphore, #tpu.memory_space<semaphore_mem>>) attributes {dimension_semantics = [#tpu.dimension_semantics<core_parallel>, #tpu.dimension_semantics<subcore_parallel>], iteration_bounds = array<i64: 2, 16>, scalar_prefetch = 0 : i64, scratch_operands = 7 : i64, tpu.core_type = #tpu.core_type<sc_vector_subcore>, window_params = [{transform_indices = #map}, {transform_indices = #map}, {transform_indices = #map}, {transform_indices = #map1}]} {
    %mul3A = arith.constant 16 : i32
    %mul3A_0 = arith.muli %arg0, %mul3A : i32
    %add3A = arith.addi %mul3A_0, %arg1 : i32
    %mul3A_1 = arith.constant 80 : i32
    %mul3A_2 = arith.muli %add3A, %mul3A_1 : i32
    %multiple_of3A = tpu.assume_multiple %mul3A_2, 16 : i32
    "tpu.region"() ({
      %run_scoped3A_266 = tpu.sem_alloc : memref<!tpu.dma_semaphore, #tpu.memory_space<semaphore_mem>>
      %dma_start3A_267 = arith.constant 0 : i32
      %dma_start3A_268 = tpu.memref_slice %arg3[%multiple_of3A, %dma_start3A_267] : memref<2560x128xi32, #tpu.memory_space<hbm>> -> memref<16x128xi32, #tpu.memory_space<hbm>>
      %dma_start3A_269 = arith.constant 0 : i32
      %dma_start3A_270 = tpu.memref_slice %arg3[%multiple_of3A, %dma_start3A_269] : memref<2560x128xi32, #tpu.memory_space<hbm>> -> memref<16x128xi32, #tpu.memory_space<hbm>>
      tpu.enqueue_dma source(%dma_start3A_270 : memref<16x128xi32, #tpu.memory_space<hbm>>) target(%arg6 : memref<16x128xi32, #tpu.memory_space<vmem>>) target_semaphore(%run_scoped3A_266 : memref<!tpu.dma_semaphore, #tpu.memory_space<semaphore_mem>>)
      %dma_wait3A_271 = arith.constant 0 : i32
      %dma_wait3A_272 = tpu.memref_slice %arg3[%multiple_of3A, %dma_wait3A_271] : memref<2560x128xi32, #tpu.memory_space<hbm>> -> memref<16x128xi32, #tpu.memory_space<hbm>>
      %dma_wait3A_273 = arith.constant 0 : i32
      %dma_wait3A_274 = tpu.memref_slice %arg3[%multiple_of3A, %dma_wait3A_273] : memref<2560x128xi32, #tpu.memory_space<hbm>> -> memref<16x128xi32, #tpu.memory_space<hbm>>
      tpu.wait_dma2 semaphore(%run_scoped3A_266 : memref<!tpu.dma_semaphore, #tpu.memory_space<semaphore_mem>>) src(%dma_wait3A_274 : memref<16x128xi32, #tpu.memory_space<hbm>>) dst(%arg6 : memref<16x128xi32, #tpu.memory_space<vmem>>)
      tpu.yield
    }) : () -> ()
    %multiple_of3A_3 = tpu.assume_multiple %mul3A_2, 16 : i32
    "tpu.region"() ({
      %run_scoped3A_266 = tpu.sem_alloc : memref<!tpu.dma_semaphore, #tpu.memory_space<semaphore_mem>>
      %dma_start3A_267 = arith.constant 0 : i32
      %dma_start3A_268 = tpu.memref_slice %arg4[%multiple_of3A_3, %dma_start3A_267] : memref<2560x128xi32, #tpu.memory_space<hbm>> -> memref<16x128xi32, #tpu.memory_space<hbm>>
      %dma_start3A_269 = arith.constant 0 : i32
      %dma_start3A_270 = tpu.memref_slice %arg4[%multiple_of3A_3, %dma_start3A_269] : memref<2560x128xi32, #tpu.memory_space<hbm>> -> memref<16x128xi32, #tpu.memory_space<hbm>>
      tpu.enqueue_dma source(%dma_start3A_270 : memref<16x128xi32, #tpu.memory_space<hbm>>) target(%arg7 : memref<16x128xi32, #tpu.memory_space<vmem>>) target_semaphore(%run_scoped3A_266 : memref<!tpu.dma_semaphore, #tpu.memory_space<semaphore_mem>>)
      %dma_wait3A_271 = arith.constant 0 : i32
      %dma_wait3A_272 = tpu.memref_slice %arg4[%multiple_of3A_3, %dma_wait3A_271] : memref<2560x128xi32, #tpu.memory_space<hbm>> -> memref<16x128xi32, #tpu.memory_space<hbm>>
      %dma_wait3A_273 = arith.constant 0 : i32
      %dma_wait3A_274 = tpu.memref_slice %arg4[%multiple_of3A_3, %dma_wait3A_273] : memref<2560x128xi32, #tpu.memory_space<hbm>> -> memref<16x128xi32, #tpu.memory_space<hbm>>
      tpu.wait_dma2 semaphore(%run_scoped3A_266 : memref<!tpu.dma_semaphore, #tpu.memory_space<semaphore_mem>>) src(%dma_wait3A_274 : memref<16x128xi32, #tpu.memory_space<hbm>>) dst(%arg7 : memref<16x128xi32, #tpu.memory_space<vmem>>)
      tpu.yield
    }) : () -> ()
    %dma_start3A = arith.constant 0 : i32
    %dma_start3A_4 = arith.constant 0 : i32
    %dma_start3A_5 = tpu.memref_slice %arg6[%dma_start3A, %dma_start3A_4] : memref<16x128xi32, #tpu.memory_space<vmem>> -> memref<1x128xi32, #tpu.memory_space<vmem>>
    %dma_start3A_6 = tpu.memref_squeeze %dma_start3A_5 : memref<1x128xi32, #tpu.memory_space<vmem>> -> memref<128xi32, #tpu.memory_space<vmem>>
    %dma_start3A_7 = arith.constant 0 : i32
    %dma_start3A_8 = arith.constant 0 : i32
    %dma_start3A_9 = tpu.memref_slice %arg2[%dma_start3A_7, %dma_start3A_8] : memref<10000x128xf32, #tpu.memory_space<hbm>> -> memref<10000x128xf32, #tpu.memory_space<hbm>>
    tpu.enqueue_indirect_dma source(%dma_start3A_9 : memref<10000x128xf32, #tpu.memory_space<hbm>>) target(%arg9 : memref<128x128xf32, #tpu.memory_space<vmem>>) offsets(%dma_start3A_6 : memref<128xi32, #tpu.memory_space<vmem>>) semaphore(%arg12 : memref<!tpu.dma_semaphore, #tpu.memory_space<semaphore_mem>>)
    %scan3A = arith.constant 0 : i32
    %scan3A_10 = arith.constant 0 : i32
    %scan3A_11 = arith.constant 1024 : i32
    %scan3A_12 = arith.addi %scan3A_10, %scan3A_11 : i32
    %scan3A_13 = arith.constant 1 : i32
    %scan3A_14 = scf.for %scan3A_266 = %scan3A_10 to %scan3A_12 step %scan3A_13 iter_args(%scan3A_267 = %scan3A) -> (i32)  : i32 {
      %broadcast_in_dim3A = arith.constant 0.000000e+00 : f32
      %broadcast_in_dim3A_268 = vector.broadcast %broadcast_in_dim3A : f32 to vector<16xf32>
      %jit3A = arith.constant 8 : i32
      %div3A = arith.divsi %scan3A_266, %jit3A : i32
      %sign3A = arith.constant 0 : i32
      %sign3A_269 = arith.cmpi sgt, %scan3A_266, %sign3A : i32
      %sign3A_270 = arith.extui %sign3A_269 : i1 to i32
      %sign3A_271 = arith.constant 0 : i32
      %sign3A_272 = arith.cmpi slt, %scan3A_266, %sign3A_271 : i32
      %sign3A_273 = arith.extui %sign3A_272 : i1 to i32
      %sign3A_274 = arith.subi %sign3A_270, %sign3A_273 : i32
      %sign3A_275 = arith.constant 0 : i32
      %sign3A_276 = arith.cmpi sgt, %jit3A, %sign3A_275 : i32
      %sign3A_277 = arith.extui %sign3A_276 : i1 to i32
      %sign3A_278 = arith.constant 0 : i32
      %sign3A_279 = arith.cmpi slt, %jit3A, %sign3A_278 : i32
      %sign3A_280 = arith.extui %sign3A_279 : i1 to i32
      %sign3A_281 = arith.subi %sign3A_277, %sign3A_280 : i32
      %ne3A = arith.cmpi ne, %sign3A_274, %sign3A_281 : i32
      %rem3A = arith.remsi %scan3A_266, %jit3A : i32
      %ne3A_282 = arith.constant 0 : i32
      %ne3A_283 = arith.cmpi ne, %rem3A, %ne3A_282 : i32
      %and3A = arith.andi %ne3A, %ne3A_283 : i1
      %sub3A = arith.constant 1 : i32
      %sub3A_284 = arith.subi %div3A, %sub3A : i32
      %select_n3A = arith.select %and3A, %sub3A_284, %div3A : i32
      %jit3A_285 = arith.constant 8 : i32
      %eq3A = arith.constant 0 : i32
      %eq3A_286 = arith.cmpi eq, %jit3A_285, %eq3A : i32
      %jit3A_287 = arith.constant 1 : i32
      %select_n3A_288 = arith.select %eq3A_286, %jit3A_287, %jit3A_285 : i32
      %rem3A_289 = arith.remsi %scan3A_266, %select_n3A_288 : i32
      %ne3A_290 = arith.constant 0 : i32
      %ne3A_291 = arith.cmpi ne, %rem3A_289, %ne3A_290 : i32
      %lt3A = arith.constant 0 : i32
      %lt3A_292 = arith.cmpi slt, %rem3A_289, %lt3A : i32
      %lt3A_293 = arith.constant 0 : i32
      %lt3A_294 = arith.cmpi slt, %select_n3A_288, %lt3A_293 : i32
      %ne3A_295 = arith.xori %lt3A_292, %lt3A_294 : i1
      %and3A_296 = arith.andi %ne3A_295, %ne3A_291 : i1
      %add3A_297 = arith.addi %rem3A_289, %select_n3A_288 : i32
      %select_n3A_298 = arith.select %and3A_296, %add3A_297, %rem3A_289 : i32
      %mul3A_299 = arith.constant 16 : i32
      %mul3A_300 = arith.muli %select_n3A_298, %mul3A_299 : i32
      %swap3A = arith.index_cast %select_n3A : i32 to index
      %swap3A_301 = arith.index_cast %mul3A_300 : i32 to index
      %swap3A_302 = tpu.vector_load %arg8[%swap3A, %swap3A_301] {strides = array<i32>} : memref<128x128xf32, #tpu.memory_space<vmem>>, vector<1x16xf32>,
      %swap3A_303 = vector.shape_cast %swap3A_302 : vector<1x16xf32> to vector<16xf32>
      %swap3A_304 = vector.shape_cast %broadcast_in_dim3A_268 : vector<16xf32> to vector<1x16xf32>
      tpu.vector_store %arg8[%swap3A, %swap3A_301], %swap3A_304 {strides = array<i32>} : memref<128x128xf32, #tpu.memory_space<vmem>>, vector<1x16xf32>,
      %scan3A_305 = arith.constant 0 : i32
      scf.yield %scan3A_305 : i32
    }
    %scan3A_15 = arith.constant 1024 : i32
    %scan3A_16 = arith.constant 0 : i32
    %scan3A_17 = arith.constant 0 : i32
    %scan3A_18 = arith.constant 5 : i32
    %scan3A_19 = arith.addi %scan3A_17, %scan3A_18 : i32
    %scan3A_20 = arith.constant 1 : i32
    %scan3A_21 = scf.for %scan3A_266 = %scan3A_17 to %scan3A_19 step %scan3A_20 iter_args(%scan3A_267 = %scan3A_16) -> (i32)  : i32 {
      %mul3A_268 = arith.constant 640 : i32
      %mul3A_269 = arith.muli %arg1, %mul3A_268 : i32
      %mul3A_270 = arith.constant 128 : i32
      %mul3A_271 = arith.muli %scan3A_266, %mul3A_270 : i32
      %add3A_272 = arith.addi %mul3A_269, %mul3A_271 : i32
      "tpu.region"() ({
        %run_scoped3A_274 = tpu.sem_alloc : memref<!tpu.dma_semaphore, #tpu.memory_space<semaphore_mem>>
        %dma_start3A_275 = arith.constant 0 : i32
        %dma_start3A_276 = tpu.memref_slice %arg10[%add3A_272, %dma_start3A_275] : memref<10240x128xf32, #tpu.memory_space<vmem_shared>> -> memref<128x128xf32, #tpu.memory_space<vmem_shared>>
        %dma_start3A_277 = arith.constant 0 : i32
        %dma_start3A_278 = tpu.memref_slice %arg10[%add3A_272, %dma_start3A_277] : memref<10240x128xf32, #tpu.memory_space<vmem_shared>> -> memref<128x128xf32, #tpu.memory_space<vmem_shared>>
        tpu.enqueue_dma source(%arg8 : memref<128x128xf32, #tpu.memory_space<vmem>>) target(%dma_start3A_278 : memref<128x128xf32, #tpu.memory_space<vmem_shared>>) target_semaphore(%run_scoped3A_274 : memref<!tpu.dma_semaphore, #tpu.memory_space<semaphore_mem>>)
        %dma_wait3A_279 = arith.constant 0 : i32
        %dma_wait3A_280 = tpu.memref_slice %arg10[%add3A_272, %dma_wait3A_279] : memref<10240x128xf32, #tpu.memory_space<vmem_shared>> -> memref<128x128xf32, #tpu.memory_space<vmem_shared>>
        %dma_wait3A_281 = arith.constant 0 : i32
        %dma_wait3A_282 = tpu.memref_slice %arg10[%add3A_272, %dma_wait3A_281] : memref<10240x128xf32, #tpu.memory_space<vmem_shared>> -> memref<128x128xf32, #tpu.memory_space<vmem_shared>>
        tpu.wait_dma2 semaphore(%run_scoped3A_274 : memref<!tpu.dma_semaphore, #tpu.memory_space<semaphore_mem>>) src(%arg8 : memref<128x128xf32, #tpu.memory_space<vmem>>) dst(%dma_wait3A_282 : memref<128x128xf32, #tpu.memory_space<vmem_shared>>)
        tpu.yield
      }) : () -> ()
      %scan3A_273 = arith.constant 0 : i32
      scf.yield %scan3A_273 : i32
    }
    %scan3A_22 = arith.constant 5 : i32
    %barrier3A = arith.constant 0 : index
    tpu.barrier barrier_id(%barrier3A)
    %dma_start3A_23 = arith.constant 1 : i32
    %dma_start3A_24 = arith.constant 0 : i32
    %dma_start3A_25 = tpu.memref_slice %arg6[%dma_start3A_23, %dma_start3A_24] : memref<16x128xi32, #tpu.memory_space<vmem>> -> memref<1x128xi32, #tpu.memory_space<vmem>>
    %dma_start3A_26 = tpu.memref_squeeze %dma_start3A_25 : memref<1x128xi32, #tpu.memory_space<vmem>> -> memref<128xi32, #tpu.memory_space<vmem>>
    %dma_start3A_27 = arith.constant 0 : i32
    %dma_start3A_28 = arith.constant 0 : i32
    %dma_start3A_29 = tpu.memref_slice %arg2[%dma_start3A_27, %dma_start3A_28] : memref<10000x128xf32, #tpu.memory_space<hbm>> -> memref<10000x128xf32, #tpu.memory_space<hbm>>
    tpu.enqueue_indirect_dma source(%dma_start3A_29 : memref<10000x128xf32, #tpu.memory_space<hbm>>) target(%arg8 : memref<128x128xf32, #tpu.memory_space<vmem>>) offsets(%dma_start3A_26 : memref<128xi32, #tpu.memory_space<vmem>>) semaphore(%arg11 : memref<!tpu.dma_semaphore, #tpu.memory_space<semaphore_mem>>)
    %dma_wait3A = arith.constant 0 : i32
    %dma_wait3A_30 = arith.constant 0 : i32
    %dma_wait3A_31 = tpu.memref_slice %arg6[%dma_wait3A, %dma_wait3A_30] : memref<16x128xi32, #tpu.memory_space<vmem>> -> memref<1x128xi32, #tpu.memory_space<vmem>>
    %dma_wait3A_32 = tpu.memref_squeeze %dma_wait3A_31 : memref<1x128xi32, #tpu.memory_space<vmem>> -> memref<128xi32, #tpu.memory_space<vmem>>
    %dma_wait3A_33 = arith.constant 0 : i32
    %dma_wait3A_34 = arith.constant 0 : i32
    %dma_wait3A_35 = tpu.memref_slice %arg2[%dma_wait3A_33, %dma_wait3A_34] : memref<10000x128xf32, #tpu.memory_space<hbm>> -> memref<10000x128xf32, #tpu.memory_space<hbm>>
    tpu.wait_indirect_dma semaphore(%arg12 : memref<!tpu.dma_semaphore, #tpu.memory_space<semaphore_mem>>) src(%dma_wait3A_35 : memref<10000x128xf32, #tpu.memory_space<hbm>>) dst(%arg9 : memref<128x128xf32, #tpu.memory_space<vmem>>)
    %run_scoped3A = arith.constant 0 : i32
    "tpu.region"() ({
      %run_scoped3A_266 = tpu.sem_alloc : memref<!tpu.dma_semaphore, #tpu.memory_space<semaphore_mem>>
      %dma_start3A_267 = arith.constant 0 : i32
      %dma_start3A_268 = tpu.memref_slice %arg7[%run_scoped3A, %dma_start3A_267] : memref<16x128xi32, #tpu.memory_space<vmem>> -> memref<1x128xi32, #tpu.memory_space<vmem>>
      %dma_start3A_269 = tpu.memref_squeeze %dma_start3A_268 : memref<1x128xi32, #tpu.memory_space<vmem>> -> memref<128xi32, #tpu.memory_space<vmem>>
      %dma_start3A_270 = arith.constant 0 : i32
      %dma_start3A_271 = arith.constant 0 : i32
      %dma_start3A_272 = tpu.memref_slice %arg10[%dma_start3A_270, %dma_start3A_271] : memref<10240x128xf32, #tpu.memory_space<vmem_shared>> -> memref<10240x128xf32, #tpu.memory_space<vmem_shared>>
      tpu.enqueue_indirect_dma source(%arg9 : memref<128x128xf32, #tpu.memory_space<vmem>>) target(%dma_start3A_272 : memref<10240x128xf32, #tpu.memory_space<vmem_shared>>) offsets(%dma_start3A_269 : memref<128xi32, #tpu.memory_space<vmem>>) semaphore(%run_scoped3A_266 : memref<!tpu.dma_semaphore, #tpu.memory_space<semaphore_mem>>) {add = true}
      %dma_wait3A_273 = arith.constant 0 : i32
      %dma_wait3A_274 = tpu.memref_slice %arg7[%run_scoped3A, %dma_wait3A_273] : memref<16x128xi32, #tpu.memory_space<vmem>> -> memref<1x128xi32, #tpu.memory_space<vmem>>
      %dma_wait3A_275 = tpu.memref_squeeze %dma_wait3A_274 : memref<1x128xi32, #tpu.memory_space<vmem>> -> memref<128xi32, #tpu.memory_space<vmem>>
      %dma_wait3A_276 = arith.constant 0 : i32
      %dma_wait3A_277 = arith.constant 0 : i32
      %dma_wait3A_278 = tpu.memref_slice %arg10[%dma_wait3A_276, %dma_wait3A_277] : memref<10240x128xf32, #tpu.memory_space<vmem_shared>> -> memref<10240x128xf32, #tpu.memory_space<vmem_shared>>
      tpu.wait_indirect_dma semaphore(%run_scoped3A_266 : memref<!tpu.dma_semaphore, #tpu.memory_space<semaphore_mem>>) src(%arg9 : memref<128x128xf32, #tpu.memory_space<vmem>>) dst(%dma_wait3A_278 : memref<10240x128xf32, #tpu.memory_space<vmem_shared>>)
      tpu.yield
    }) : () -> ()
    %dma_start3A_36 = arith.constant 2 : i32
    %dma_start3A_37 = arith.constant 0 : i32
    %dma_start3A_38 = tpu.memref_slice %arg6[%dma_start3A_36, %dma_start3A_37] : memref<16x128xi32, #tpu.memory_space<vmem>> -> memref<1x128xi32, #tpu.memory_space<vmem>>
    %dma_start3A_39 = tpu.memref_squeeze %dma_start3A_38 : memref<1x128xi32, #tpu.memory_space<vmem>> -> memref<128xi32, #tpu.memory_space<vmem>>
    %dma_start3A_40 = arith.constant 0 : i32
    %dma_start3A_41 = arith.constant 0 : i32
    %dma_start3A_42 = tpu.memref_slice %arg2[%dma_start3A_40, %dma_start3A_41] : memref<10000x128xf32, #tpu.memory_space<hbm>> -> memref<10000x128xf32, #tpu.memory_space<hbm>>
    tpu.enqueue_indirect_dma source(%dma_start3A_42 : memref<10000x128xf32, #tpu.memory_space<hbm>>) target(%arg9 : memref<128x128xf32, #tpu.memory_space<vmem>>) offsets(%dma_start3A_39 : memref<128xi32, #tpu.memory_space<vmem>>) semaphore(%arg12 : memref<!tpu.dma_semaphore, #tpu.memory_space<semaphore_mem>>)
    %dma_wait3A_43 = arith.constant 1 : i32
    %dma_wait3A_44 = arith.constant 0 : i32
    %dma_wait3A_45 = tpu.memref_slice %arg6[%dma_wait3A_43, %dma_wait3A_44] : memref<16x128xi32, #tpu.memory_space<vmem>> -> memref<1x128xi32, #tpu.memory_space<vmem>>
    %dma_wait3A_46 = tpu.memref_squeeze %dma_wait3A_45 : memref<1x128xi32, #tpu.memory_space<vmem>> -> memref<128xi32, #tpu.memory_space<vmem>>
    %dma_wait3A_47 = arith.constant 0 : i32
    %dma_wait3A_48 = arith.constant 0 : i32
    %dma_wait3A_49 = tpu.memref_slice %arg2[%dma_wait3A_47, %dma_wait3A_48] : memref<10000x128xf32, #tpu.memory_space<hbm>> -> memref<10000x128xf32, #tpu.memory_space<hbm>>
    tpu.wait_indirect_dma semaphore(%arg11 : memref<!tpu.dma_semaphore, #tpu.memory_space<semaphore_mem>>) src(%dma_wait3A_49 : memref<10000x128xf32, #tpu.memory_space<hbm>>) dst(%arg8 : memref<128x128xf32, #tpu.memory_space<vmem>>)
    %run_scoped3A_50 = arith.constant 1 : i32
    "tpu.region"() ({
      %run_scoped3A_266 = tpu.sem_alloc : memref<!tpu.dma_semaphore, #tpu.memory_space<semaphore_mem>>
      %dma_start3A_267 = arith.constant 0 : i32
      %dma_start3A_268 = tpu.memref_slice %arg7[%run_scoped3A_50, %dma_start3A_267] : memref<16x128xi32, #tpu.memory_space<vmem>> -> memref<1x128xi32, #tpu.memory_space<vmem>>
      %dma_start3A_269 = tpu.memref_squeeze %dma_start3A_268 : memref<1x128xi32, #tpu.memory_space<vmem>> -> memref<128xi32, #tpu.memory_space<vmem>>
      %dma_start3A_270 = arith.constant 0 : i32
      %dma_start3A_271 = arith.constant 0 : i32
      %dma_start3A_272 = tpu.memref_slice %arg10[%dma_start3A_270, %dma_start3A_271] : memref<10240x128xf32, #tpu.memory_space<vmem_shared>> -> memref<10240x128xf32, #tpu.memory_space<vmem_shared>>
      tpu.enqueue_indirect_dma source(%arg8 : memref<128x128xf32, #tpu.memory_space<vmem>>) target(%dma_start3A_272 : memref<10240x128xf32, #tpu.memory_space<vmem_shared>>) offsets(%dma_start3A_269 : memref<128xi32, #tpu.memory_space<vmem>>) semaphore(%run_scoped3A_266 : memref<!tpu.dma_semaphore, #tpu.memory_space<semaphore_mem>>) {add = true}
      %dma_wait3A_273 = arith.constant 0 : i32
      %dma_wait3A_274 = tpu.memref_slice %arg7[%run_scoped3A_50, %dma_wait3A_273] : memref<16x128xi32, #tpu.memory_space<vmem>> -> memref<1x128xi32, #tpu.memory_space<vmem>>
      %dma_wait3A_275 = tpu.memref_squeeze %dma_wait3A_274 : memref<1x128xi32, #tpu.memory_space<vmem>> -> memref<128xi32, #tpu.memory_space<vmem>>
      %dma_wait3A_276 = arith.constant 0 : i32
      %dma_wait3A_277 = arith.constant 0 : i32
      %dma_wait3A_278 = tpu.memref_slice %arg10[%dma_wait3A_276, %dma_wait3A_277] : memref<10240x128xf32, #tpu.memory_space<vmem_shared>> -> memref<10240x128xf32, #tpu.memory_space<vmem_shared>>
      tpu.wait_indirect_dma semaphore(%run_scoped3A_266 : memref<!tpu.dma_semaphore, #tpu.memory_space<semaphore_mem>>) src(%arg8 : memref<128x128xf32, #tpu.memory_space<vmem>>) dst(%dma_wait3A_278 : memref<10240x128xf32, #tpu.memory_space<vmem_shared>>)
      tpu.yield
    }) : () -> ()
    %dma_start3A_51 = arith.constant 3 : i32
    %dma_start3A_52 = arith.constant 0 : i32
    %dma_start3A_53 = tpu.memref_slice %arg6[%dma_start3A_51, %dma_start3A_52] : memref<16x128xi32, #tpu.memory_space<vmem>> -> memref<1x128xi32, #tpu.memory_space<vmem>>
    %dma_start3A_54 = tpu.memref_squeeze %dma_start3A_53 : memref<1x128xi32, #tpu.memory_space<vmem>> -> memref<128xi32, #tpu.memory_space<vmem>>
    %dma_start3A_55 = arith.constant 0 : i32
    %dma_start3A_56 = arith.constant 0 : i32
    %dma_start3A_57 = tpu.memref_slice %arg2[%dma_start3A_55, %dma_start3A_56] : memref<10000x128xf32, #tpu.memory_space<hbm>> -> memref<10000x128xf32, #tpu.memory_space<hbm>>
    tpu.enqueue_indirect_dma source(%dma_start3A_57 : memref<10000x128xf32, #tpu.memory_space<hbm>>) target(%arg8 : memref<128x128xf32, #tpu.memory_space<vmem>>) offsets(%dma_start3A_54 : memref<128xi32, #tpu.memory_space<vmem>>) semaphore(%arg11 : memref<!tpu.dma_semaphore, #tpu.memory_space<semaphore_mem>>)
    %dma_wait3A_58 = arith.constant 2 : i32
    %dma_wait3A_59 = arith.constant 0 : i32
    %dma_wait3A_60 = tpu.memref_slice %arg6[%dma_wait3A_58, %dma_wait3A_59] : memref<16x128xi32, #tpu.memory_space<vmem>> -> memref<1x128xi32, #tpu.memory_space<vmem>>
    %dma_wait3A_61 = tpu.memref_squeeze %dma_wait3A_60 : memref<1x128xi32, #tpu.memory_space<vmem>> -> memref<128xi32, #tpu.memory_space<vmem>>
    %dma_wait3A_62 = arith.constant 0 : i32
    %dma_wait3A_63 = arith.constant 0 : i32
    %dma_wait3A_64 = tpu.memref_slice %arg2[%dma_wait3A_62, %dma_wait3A_63] : memref<10000x128xf32, #tpu.memory_space<hbm>> -> memref<10000x128xf32, #tpu.memory_space<hbm>>
    tpu.wait_indirect_dma semaphore(%arg12 : memref<!tpu.dma_semaphore, #tpu.memory_space<semaphore_mem>>) src(%dma_wait3A_64 : memref<10000x128xf32, #tpu.memory_space<hbm>>) dst(%arg9 : memref<128x128xf32, #tpu.memory_space<vmem>>)
    %run_scoped3A_65 = arith.constant 2 : i32
    "tpu.region"() ({
      %run_scoped3A_266 = tpu.sem_alloc : memref<!tpu.dma_semaphore, #tpu.memory_space<semaphore_mem>>
      %dma_start3A_267 = arith.constant 0 : i32
      %dma_start3A_268 = tpu.memref_slice %arg7[%run_scoped3A_65, %dma_start3A_267] : memref<16x128xi32, #tpu.memory_space<vmem>> -> memref<1x128xi32, #tpu.memory_space<vmem>>
      %dma_start3A_269 = tpu.memref_squeeze %dma_start3A_268 : memref<1x128xi32, #tpu.memory_space<vmem>> -> memref<128xi32, #tpu.memory_space<vmem>>
      %dma_start3A_270 = arith.constant 0 : i32
      %dma_start3A_271 = arith.constant 0 : i32
      %dma_start3A_272 = tpu.memref_slice %arg10[%dma_start3A_270, %dma_start3A_271] : memref<10240x128xf32, #tpu.memory_space<vmem_shared>> -> memref<10240x128xf32, #tpu.memory_space<vmem_shared>>
      tpu.enqueue_indirect_dma source(%arg9 : memref<128x128xf32, #tpu.memory_space<vmem>>) target(%dma_start3A_272 : memref<10240x128xf32, #tpu.memory_space<vmem_shared>>) offsets(%dma_start3A_269 : memref<128xi32, #tpu.memory_space<vmem>>) semaphore(%run_scoped3A_266 : memref<!tpu.dma_semaphore, #tpu.memory_space<semaphore_mem>>) {add = true}
      %dma_wait3A_273 = arith.constant 0 : i32
      %dma_wait3A_274 = tpu.memref_slice %arg7[%run_scoped3A_65, %dma_wait3A_273] : memref<16x128xi32, #tpu.memory_space<vmem>> -> memref<1x128xi32, #tpu.memory_space<vmem>>
      %dma_wait3A_275 = tpu.memref_squeeze %dma_wait3A_274 : memref<1x128xi32, #tpu.memory_space<vmem>> -> memref<128xi32, #tpu.memory_space<vmem>>
      %dma_wait3A_276 = arith.constant 0 : i32
      %dma_wait3A_277 = arith.constant 0 : i32
      %dma_wait3A_278 = tpu.memref_slice %arg10[%dma_wait3A_276, %dma_wait3A_277] : memref<10240x128xf32, #tpu.memory_space<vmem_shared>> -> memref<10240x128xf32, #tpu.memory_space<vmem_shared>>
      tpu.wait_indirect_dma semaphore(%run_scoped3A_266 : memref<!tpu.dma_semaphore, #tpu.memory_space<semaphore_mem>>) src(%arg9 : memref<128x128xf32, #tpu.memory_space<vmem>>) dst(%dma_wait3A_278 : memref<10240x128xf32, #tpu.memory_space<vmem_shared>>)
      tpu.yield
    }) : () -> ()
    %dma_start3A_66 = arith.constant 4 : i32
    %dma_start3A_67 = arith.constant 0 : i32
    %dma_start3A_68 = tpu.memref_slice %arg6[%dma_start3A_66, %dma_start3A_67] : memref<16x128xi32, #tpu.memory_space<vmem>> -> memref<1x128xi32, #tpu.memory_space<vmem>>
    %dma_start3A_69 = tpu.memref_squeeze %dma_start3A_68 : memref<1x128xi32, #tpu.memory_space<vmem>> -> memref<128xi32, #tpu.memory_space<vmem>>
    %dma_start3A_70 = arith.constant 0 : i32
    %dma_start3A_71 = arith.constant 0 : i32
    %dma_start3A_72 = tpu.memref_slice %arg2[%dma_start3A_70, %dma_start3A_71] : memref<10000x128xf32, #tpu.memory_space<hbm>> -> memref<10000x128xf32, #tpu.memory_space<hbm>>
    tpu.enqueue_indirect_dma source(%dma_start3A_72 : memref<10000x128xf32, #tpu.memory_space<hbm>>) target(%arg9 : memref<128x128xf32, #tpu.memory_space<vmem>>) offsets(%dma_start3A_69 : memref<128xi32, #tpu.memory_space<vmem>>) semaphore(%arg12 : memref<!tpu.dma_semaphore, #tpu.memory_space<semaphore_mem>>)
    %dma_wait3A_73 = arith.constant 3 : i32
    %dma_wait3A_74 = arith.constant 0 : i32
    %dma_wait3A_75 = tpu.memref_slice %arg6[%dma_wait3A_73, %dma_wait3A_74] : memref<16x128xi32, #tpu.memory_space<vmem>> -> memref<1x128xi32, #tpu.memory_space<vmem>>
    %dma_wait3A_76 = tpu.memref_squeeze %dma_wait3A_75 : memref<1x128xi32, #tpu.memory_space<vmem>> -> memref<128xi32, #tpu.memory_space<vmem>>
    %dma_wait3A_77 = arith.constant 0 : i32
    %dma_wait3A_78 = arith.constant 0 : i32
    %dma_wait3A_79 = tpu.memref_slice %arg2[%dma_wait3A_77, %dma_wait3A_78] : memref<10000x128xf32, #tpu.memory_space<hbm>> -> memref<10000x128xf32, #tpu.memory_space<hbm>>
    tpu.wait_indirect_dma semaphore(%arg11 : memref<!tpu.dma_semaphore, #tpu.memory_space<semaphore_mem>>) src(%dma_wait3A_79 : memref<10000x128xf32, #tpu.memory_space<hbm>>) dst(%arg8 : memref<128x128xf32, #tpu.memory_space<vmem>>)
    %run_scoped3A_80 = arith.constant 3 : i32
    "tpu.region"() ({
      %run_scoped3A_266 = tpu.sem_alloc : memref<!tpu.dma_semaphore, #tpu.memory_space<semaphore_mem>>
      %dma_start3A_267 = arith.constant 0 : i32
      %dma_start3A_268 = tpu.memref_slice %arg7[%run_scoped3A_80, %dma_start3A_267] : memref<16x128xi32, #tpu.memory_space<vmem>> -> memref<1x128xi32, #tpu.memory_space<vmem>>
      %dma_start3A_269 = tpu.memref_squeeze %dma_start3A_268 : memref<1x128xi32, #tpu.memory_space<vmem>> -> memref<128xi32, #tpu.memory_space<vmem>>
      %dma_start3A_270 = arith.constant 0 : i32
      %dma_start3A_271 = arith.constant 0 : i32
      %dma_start3A_272 = tpu.memref_slice %arg10[%dma_start3A_270, %dma_start3A_271] : memref<10240x128xf32, #tpu.memory_space<vmem_shared>> -> memref<10240x128xf32, #tpu.memory_space<vmem_shared>>
      tpu.enqueue_indirect_dma source(%arg8 : memref<128x128xf32, #tpu.memory_space<vmem>>) target(%dma_start3A_272 : memref<10240x128xf32, #tpu.memory_space<vmem_shared>>) offsets(%dma_start3A_269 : memref<128xi32, #tpu.memory_space<vmem>>) semaphore(%run_scoped3A_266 : memref<!tpu.dma_semaphore, #tpu.memory_space<semaphore_mem>>) {add = true}
      %dma_wait3A_273 = arith.constant 0 : i32
      %dma_wait3A_274 = tpu.memref_slice %arg7[%run_scoped3A_80, %dma_wait3A_273] : memref<16x128xi32, #tpu.memory_space<vmem>> -> memref<1x128xi32, #tpu.memory_space<vmem>>
      %dma_wait3A_275 = tpu.memref_squeeze %dma_wait3A_274 : memref<1x128xi32, #tpu.memory_space<vmem>> -> memref<128xi32, #tpu.memory_space<vmem>>
      %dma_wait3A_276 = arith.constant 0 : i32
      %dma_wait3A_277 = arith.constant 0 : i32
      %dma_wait3A_278 = tpu.memref_slice %arg10[%dma_wait3A_276, %dma_wait3A_277] : memref<10240x128xf32, #tpu.memory_space<vmem_shared>> -> memref<10240x128xf32, #tpu.memory_space<vmem_shared>>
      tpu.wait_indirect_dma semaphore(%run_scoped3A_266 : memref<!tpu.dma_semaphore, #tpu.memory_space<semaphore_mem>>) src(%arg8 : memref<128x128xf32, #tpu.memory_space<vmem>>) dst(%dma_wait3A_278 : memref<10240x128xf32, #tpu.memory_space<vmem_shared>>)
      tpu.yield
    }) : () -> ()
    %dma_start3A_81 = arith.constant 5 : i32
    %dma_start3A_82 = arith.constant 0 : i32
    %dma_start3A_83 = tpu.memref_slice %arg6[%dma_start3A_81, %dma_start3A_82] : memref<16x128xi32, #tpu.memory_space<vmem>> -> memref<1x128xi32, #tpu.memory_space<vmem>>
    %dma_start3A_84 = tpu.memref_squeeze %dma_start3A_83 : memref<1x128xi32, #tpu.memory_space<vmem>> -> memref<128xi32, #tpu.memory_space<vmem>>
    %dma_start3A_85 = arith.constant 0 : i32
    %dma_start3A_86 = arith.constant 0 : i32
    %dma_start3A_87 = tpu.memref_slice %arg2[%dma_start3A_85, %dma_start3A_86] : memref<10000x128xf32, #tpu.memory_space<hbm>> -> memref<10000x128xf32, #tpu.memory_space<hbm>>
    tpu.enqueue_indirect_dma source(%dma_start3A_87 : memref<10000x128xf32, #tpu.memory_space<hbm>>) target(%arg8 : memref<128x128xf32, #tpu.memory_space<vmem>>) offsets(%dma_start3A_84 : memref<128xi32, #tpu.memory_space<vmem>>) semaphore(%arg11 : memref<!tpu.dma_semaphore, #tpu.memory_space<semaphore_mem>>)
    %dma_wait3A_88 = arith.constant 4 : i32
    %dma_wait3A_89 = arith.constant 0 : i32
    %dma_wait3A_90 = tpu.memref_slice %arg6[%dma_wait3A_88, %dma_wait3A_89] : memref<16x128xi32, #tpu.memory_space<vmem>> -> memref<1x128xi32, #tpu.memory_space<vmem>>
    %dma_wait3A_91 = tpu.memref_squeeze %dma_wait3A_90 : memref<1x128xi32, #tpu.memory_space<vmem>> -> memref<128xi32, #tpu.memory_space<vmem>>
    %dma_wait3A_92 = arith.constant 0 : i32
    %dma_wait3A_93 = arith.constant 0 : i32
    %dma_wait3A_94 = tpu.memref_slice %arg2[%dma_wait3A_92, %dma_wait3A_93] : memref<10000x128xf32, #tpu.memory_space<hbm>> -> memref<10000x128xf32, #tpu.memory_space<hbm>>
    tpu.wait_indirect_dma semaphore(%arg12 : memref<!tpu.dma_semaphore, #tpu.memory_space<semaphore_mem>>) src(%dma_wait3A_94 : memref<10000x128xf32, #tpu.memory_space<hbm>>) dst(%arg9 : memref<128x128xf32, #tpu.memory_space<vmem>>)
    %run_scoped3A_95 = arith.constant 4 : i32
    "tpu.region"() ({
      %run_scoped3A_266 = tpu.sem_alloc : memref<!tpu.dma_semaphore, #tpu.memory_space<semaphore_mem>>
      %dma_start3A_267 = arith.constant 0 : i32
      %dma_start3A_268 = tpu.memref_slice %arg7[%run_scoped3A_95, %dma_start3A_267] : memref<16x128xi32, #tpu.memory_space<vmem>> -> memref<1x128xi32, #tpu.memory_space<vmem>>
      %dma_start3A_269 = tpu.memref_squeeze %dma_start3A_268 : memref<1x128xi32, #tpu.memory_space<vmem>> -> memref<128xi32, #tpu.memory_space<vmem>>
      %dma_start3A_270 = arith.constant 0 : i32
      %dma_start3A_271 = arith.constant 0 : i32
      %dma_start3A_272 = tpu.memref_slice %arg10[%dma_start3A_270, %dma_start3A_271] : memref<10240x128xf32, #tpu.memory_space<vmem_shared>> -> memref<10240x128xf32, #tpu.memory_space<vmem_shared>>
      tpu.enqueue_indirect_dma source(%arg9 : memref<128x128xf32, #tpu.memory_space<vmem>>) target(%dma_start3A_272 : memref<10240x128xf32, #tpu.memory_space<vmem_shared>>) offsets(%dma_start3A_269 : memref<128xi32, #tpu.memory_space<vmem>>) semaphore(%run_scoped3A_266 : memref<!tpu.dma_semaphore, #tpu.memory_space<semaphore_mem>>) {add = true}
      %dma_wait3A_273 = arith.constant 0 : i32
      %dma_wait3A_274 = tpu.memref_slice %arg7[%run_scoped3A_95, %dma_wait3A_273] : memref<16x128xi32, #tpu.memory_space<vmem>> -> memref<1x128xi32, #tpu.memory_space<vmem>>
      %dma_wait3A_275 = tpu.memref_squeeze %dma_wait3A_274 : memref<1x128xi32, #tpu.memory_space<vmem>> -> memref<128xi32, #tpu.memory_space<vmem>>
      %dma_wait3A_276 = arith.constant 0 : i32
      %dma_wait3A_277 = arith.constant 0 : i32
      %dma_wait3A_278 = tpu.memref_slice %arg10[%dma_wait3A_276, %dma_wait3A_277] : memref<10240x128xf32, #tpu.memory_space<vmem_shared>> -> memref<10240x128xf32, #tpu.memory_space<vmem_shared>>
      tpu.wait_indirect_dma semaphore(%run_scoped3A_266 : memref<!tpu.dma_semaphore, #tpu.memory_space<semaphore_mem>>) src(%arg9 : memref<128x128xf32, #tpu.memory_space<vmem>>) dst(%dma_wait3A_278 : memref<10240x128xf32, #tpu.memory_space<vmem_shared>>)
      tpu.yield
    }) : () -> ()
    %dma_start3A_96 = arith.constant 6 : i32
    %dma_start3A_97 = arith.constant 0 : i32
    %dma_start3A_98 = tpu.memref_slice %arg6[%dma_start3A_96, %dma_start3A_97] : memref<16x128xi32, #tpu.memory_space<vmem>> -> memref<1x128xi32, #tpu.memory_space<vmem>>
    %dma_start3A_99 = tpu.memref_squeeze %dma_start3A_98 : memref<1x128xi32, #tpu.memory_space<vmem>> -> memref<128xi32, #tpu.memory_space<vmem>>
    %dma_start3A_100 = arith.constant 0 : i32
    %dma_start3A_101 = arith.constant 0 : i32
    %dma_start3A_102 = tpu.memref_slice %arg2[%dma_start3A_100, %dma_start3A_101] : memref<10000x128xf32, #tpu.memory_space<hbm>> -> memref<10000x128xf32, #tpu.memory_space<hbm>>
    tpu.enqueue_indirect_dma source(%dma_start3A_102 : memref<10000x128xf32, #tpu.memory_space<hbm>>) target(%arg9 : memref<128x128xf32, #tpu.memory_space<vmem>>) offsets(%dma_start3A_99 : memref<128xi32, #tpu.memory_space<vmem>>) semaphore(%arg12 : memref<!tpu.dma_semaphore, #tpu.memory_space<semaphore_mem>>)
    %dma_wait3A_103 = arith.constant 5 : i32
    %dma_wait3A_104 = arith.constant 0 : i32
    %dma_wait3A_105 = tpu.memref_slice %arg6[%dma_wait3A_103, %dma_wait3A_104] : memref<16x128xi32, #tpu.memory_space<vmem>> -> memref<1x128xi32, #tpu.memory_space<vmem>>
    %dma_wait3A_106 = tpu.memref_squeeze %dma_wait3A_105 : memref<1x128xi32, #tpu.memory_space<vmem>> -> memref<128xi32, #tpu.memory_space<vmem>>
    %dma_wait3A_107 = arith.constant 0 : i32
    %dma_wait3A_108 = arith.constant 0 : i32
    %dma_wait3A_109 = tpu.memref_slice %arg2[%dma_wait3A_107, %dma_wait3A_108] : memref<10000x128xf32, #tpu.memory_space<hbm>> -> memref<10000x128xf32, #tpu.memory_space<hbm>>
    tpu.wait_indirect_dma semaphore(%arg11 : memref<!tpu.dma_semaphore, #tpu.memory_space<semaphore_mem>>) src(%dma_wait3A_109 : memref<10000x128xf32, #tpu.memory_space<hbm>>) dst(%arg8 : memref<128x128xf32, #tpu.memory_space<vmem>>)
    %run_scoped3A_110 = arith.constant 5 : i32
    "tpu.region"() ({
      %run_scoped3A_266 = tpu.sem_alloc : memref<!tpu.dma_semaphore, #tpu.memory_space<semaphore_mem>>
      %dma_start3A_267 = arith.constant 0 : i32
      %dma_start3A_268 = tpu.memref_slice %arg7[%run_scoped3A_110, %dma_start3A_267] : memref<16x128xi32, #tpu.memory_space<vmem>> -> memref<1x128xi32, #tpu.memory_space<vmem>>
      %dma_start3A_269 = tpu.memref_squeeze %dma_start3A_268 : memref<1x128xi32, #tpu.memory_space<vmem>> -> memref<128xi32, #tpu.memory_space<vmem>>
      %dma_start3A_270 = arith.constant 0 : i32
      %dma_start3A_271 = arith.constant 0 : i32
      %dma_start3A_272 = tpu.memref_slice %arg10[%dma_start3A_270, %dma_start3A_271] : memref<10240x128xf32, #tpu.memory_space<vmem_shared>> -> memref<10240x128xf32, #tpu.memory_space<vmem_shared>>
      tpu.enqueue_indirect_dma source(%arg8 : memref<128x128xf32, #tpu.memory_space<vmem>>) target(%dma_start3A_272 : memref<10240x128xf32, #tpu.memory_space<vmem_shared>>) offsets(%dma_start3A_269 : memref<128xi32, #tpu.memory_space<vmem>>) semaphore(%run_scoped3A_266 : memref<!tpu.dma_semaphore, #tpu.memory_space<semaphore_mem>>) {add = true}
      %dma_wait3A_273 = arith.constant 0 : i32
      %dma_wait3A_274 = tpu.memref_slice %arg7[%run_scoped3A_110, %dma_wait3A_273] : memref<16x128xi32, #tpu.memory_space<vmem>> -> memref<1x128xi32, #tpu.memory_space<vmem>>
      %dma_wait3A_275 = tpu.memref_squeeze %dma_wait3A_274 : memref<1x128xi32, #tpu.memory_space<vmem>> -> memref<128xi32, #tpu.memory_space<vmem>>
      %dma_wait3A_276 = arith.constant 0 : i32
      %dma_wait3A_277 = arith.constant 0 : i32
      %dma_wait3A_278 = tpu.memref_slice %arg10[%dma_wait3A_276, %dma_wait3A_277] : memref<10240x128xf32, #tpu.memory_space<vmem_shared>> -> memref<10240x128xf32, #tpu.memory_space<vmem_shared>>
      tpu.wait_indirect_dma semaphore(%run_scoped3A_266 : memref<!tpu.dma_semaphore, #tpu.memory_space<semaphore_mem>>) src(%arg8 : memref<128x128xf32, #tpu.memory_space<vmem>>) dst(%dma_wait3A_278 : memref<10240x128xf32, #tpu.memory_space<vmem_shared>>)
      tpu.yield
    }) : () -> ()
    %dma_start3A_111 = arith.constant 7 : i32
    %dma_start3A_112 = arith.constant 0 : i32
    %dma_start3A_113 = tpu.memref_slice %arg6[%dma_start3A_111, %dma_start3A_112] : memref<16x128xi32, #tpu.memory_space<vmem>> -> memref<1x128xi32, #tpu.memory_space<vmem>>
    %dma_start3A_114 = tpu.memref_squeeze %dma_start3A_113 : memref<1x128xi32, #tpu.memory_space<vmem>> -> memref<128xi32, #tpu.memory_space<vmem>>
    %dma_start3A_115 = arith.constant 0 : i32
    %dma_start3A_116 = arith.constant 0 : i32
    %dma_start3A_117 = tpu.memref_slice %arg2[%dma_start3A_115, %dma_start3A_116] : memref<10000x128xf32, #tpu.memory_space<hbm>> -> memref<10000x128xf32, #tpu.memory_space<hbm>>
    tpu.enqueue_indirect_dma source(%dma_start3A_117 : memref<10000x128xf32, #tpu.memory_space<hbm>>) target(%arg8 : memref<128x128xf32, #tpu.memory_space<vmem>>) offsets(%dma_start3A_114 : memref<128xi32, #tpu.memory_space<vmem>>) semaphore(%arg11 : memref<!tpu.dma_semaphore, #tpu.memory_space<semaphore_mem>>)
    %dma_wait3A_118 = arith.constant 6 : i32
    %dma_wait3A_119 = arith.constant 0 : i32
    %dma_wait3A_120 = tpu.memref_slice %arg6[%dma_wait3A_118, %dma_wait3A_119] : memref<16x128xi32, #tpu.memory_space<vmem>> -> memref<1x128xi32, #tpu.memory_space<vmem>>
    %dma_wait3A_121 = tpu.memref_squeeze %dma_wait3A_120 : memref<1x128xi32, #tpu.memory_space<vmem>> -> memref<128xi32, #tpu.memory_space<vmem>>
    %dma_wait3A_122 = arith.constant 0 : i32
    %dma_wait3A_123 = arith.constant 0 : i32
    %dma_wait3A_124 = tpu.memref_slice %arg2[%dma_wait3A_122, %dma_wait3A_123] : memref<10000x128xf32, #tpu.memory_space<hbm>> -> memref<10000x128xf32, #tpu.memory_space<hbm>>
    tpu.wait_indirect_dma semaphore(%arg12 : memref<!tpu.dma_semaphore, #tpu.memory_space<semaphore_mem>>) src(%dma_wait3A_124 : memref<10000x128xf32, #tpu.memory_space<hbm>>) dst(%arg9 : memref<128x128xf32, #tpu.memory_space<vmem>>)
    %run_scoped3A_125 = arith.constant 6 : i32
    "tpu.region"() ({
      %run_scoped3A_266 = tpu.sem_alloc : memref<!tpu.dma_semaphore, #tpu.memory_space<semaphore_mem>>
      %dma_start3A_267 = arith.constant 0 : i32
      %dma_start3A_268 = tpu.memref_slice %arg7[%run_scoped3A_125, %dma_start3A_267] : memref<16x128xi32, #tpu.memory_space<vmem>> -> memref<1x128xi32, #tpu.memory_space<vmem>>
      %dma_start3A_269 = tpu.memref_squeeze %dma_start3A_268 : memref<1x128xi32, #tpu.memory_space<vmem>> -> memref<128xi32, #tpu.memory_space<vmem>>
      %dma_start3A_270 = arith.constant 0 : i32
      %dma_start3A_271 = arith.constant 0 : i32
      %dma_start3A_272 = tpu.memref_slice %arg10[%dma_start3A_270, %dma_start3A_271] : memref<10240x128xf32, #tpu.memory_space<vmem_shared>> -> memref<10240x128xf32, #tpu.memory_space<vmem_shared>>
      tpu.enqueue_indirect_dma source(%arg9 : memref<128x128xf32, #tpu.memory_space<vmem>>) target(%dma_start3A_272 : memref<10240x128xf32, #tpu.memory_space<vmem_shared>>) offsets(%dma_start3A_269 : memref<128xi32, #tpu.memory_space<vmem>>) semaphore(%run_scoped3A_266 : memref<!tpu.dma_semaphore, #tpu.memory_space<semaphore_mem>>) {add = true}
      %dma_wait3A_273 = arith.constant 0 : i32
      %dma_wait3A_274 = tpu.memref_slice %arg7[%run_scoped3A_125, %dma_wait3A_273] : memref<16x128xi32, #tpu.memory_space<vmem>> -> memref<1x128xi32, #tpu.memory_space<vmem>>
      %dma_wait3A_275 = tpu.memref_squeeze %dma_wait3A_274 : memref<1x128xi32, #tpu.memory_space<vmem>> -> memref<128xi32, #tpu.memory_space<vmem>>
      %dma_wait3A_276 = arith.constant 0 : i32
      %dma_wait3A_277 = arith.constant 0 : i32
      %dma_wait3A_278 = tpu.memref_slice %arg10[%dma_wait3A_276, %dma_wait3A_277] : memref<10240x128xf32, #tpu.memory_space<vmem_shared>> -> memref<10240x128xf32, #tpu.memory_space<vmem_shared>>
      tpu.wait_indirect_dma semaphore(%run_scoped3A_266 : memref<!tpu.dma_semaphore, #tpu.memory_space<semaphore_mem>>) src(%arg9 : memref<128x128xf32, #tpu.memory_space<vmem>>) dst(%dma_wait3A_278 : memref<10240x128xf32, #tpu.memory_space<vmem_shared>>)
      tpu.yield
    }) : () -> ()
    %dma_start3A_126 = arith.constant 8 : i32
    %dma_start3A_127 = arith.constant 0 : i32
    %dma_start3A_128 = tpu.memref_slice %arg6[%dma_start3A_126, %dma_start3A_127] : memref<16x128xi32, #tpu.memory_space<vmem>> -> memref<1x128xi32, #tpu.memory_space<vmem>>
    %dma_start3A_129 = tpu.memref_squeeze %dma_start3A_128 : memref<1x128xi32, #tpu.memory_space<vmem>> -> memref<128xi32, #tpu.memory_space<vmem>>
    %dma_start3A_130 = arith.constant 0 : i32
    %dma_start3A_131 = arith.constant 0 : i32
    %dma_start3A_132 = tpu.memref_slice %arg2[%dma_start3A_130, %dma_start3A_131] : memref<10000x128xf32, #tpu.memory_space<hbm>> -> memref<10000x128xf32, #tpu.memory_space<hbm>>
    tpu.enqueue_indirect_dma source(%dma_start3A_132 : memref<10000x128xf32, #tpu.memory_space<hbm>>) target(%arg9 : memref<128x128xf32, #tpu.memory_space<vmem>>) offsets(%dma_start3A_129 : memref<128xi32, #tpu.memory_space<vmem>>) semaphore(%arg12 : memref<!tpu.dma_semaphore, #tpu.memory_space<semaphore_mem>>)
    %dma_wait3A_133 = arith.constant 7 : i32
    %dma_wait3A_134 = arith.constant 0 : i32
    %dma_wait3A_135 = tpu.memref_slice %arg6[%dma_wait3A_133, %dma_wait3A_134] : memref<16x128xi32, #tpu.memory_space<vmem>> -> memref<1x128xi32, #tpu.memory_space<vmem>>
    %dma_wait3A_136 = tpu.memref_squeeze %dma_wait3A_135 : memref<1x128xi32, #tpu.memory_space<vmem>> -> memref<128xi32, #tpu.memory_space<vmem>>
    %dma_wait3A_137 = arith.constant 0 : i32
    %dma_wait3A_138 = arith.constant 0 : i32
    %dma_wait3A_139 = tpu.memref_slice %arg2[%dma_wait3A_137, %dma_wait3A_138] : memref<10000x128xf32, #tpu.memory_space<hbm>> -> memref<10000x128xf32, #tpu.memory_space<hbm>>
    tpu.wait_indirect_dma semaphore(%arg11 : memref<!tpu.dma_semaphore, #tpu.memory_space<semaphore_mem>>) src(%dma_wait3A_139 : memref<10000x128xf32, #tpu.memory_space<hbm>>) dst(%arg8 : memref<128x128xf32, #tpu.memory_space<vmem>>)
    %run_scoped3A_140 = arith.constant 7 : i32
    "tpu.region"() ({
      %run_scoped3A_266 = tpu.sem_alloc : memref<!tpu.dma_semaphore, #tpu.memory_space<semaphore_mem>>
      %dma_start3A_267 = arith.constant 0 : i32
      %dma_start3A_268 = tpu.memref_slice %arg7[%run_scoped3A_140, %dma_start3A_267] : memref<16x128xi32, #tpu.memory_space<vmem>> -> memref<1x128xi32, #tpu.memory_space<vmem>>
      %dma_start3A_269 = tpu.memref_squeeze %dma_start3A_268 : memref<1x128xi32, #tpu.memory_space<vmem>> -> memref<128xi32, #tpu.memory_space<vmem>>
      %dma_start3A_270 = arith.constant 0 : i32
      %dma_start3A_271 = arith.constant 0 : i32
      %dma_start3A_272 = tpu.memref_slice %arg10[%dma_start3A_270, %dma_start3A_271] : memref<10240x128xf32, #tpu.memory_space<vmem_shared>> -> memref<10240x128xf32, #tpu.memory_space<vmem_shared>>
      tpu.enqueue_indirect_dma source(%arg8 : memref<128x128xf32, #tpu.memory_space<vmem>>) target(%dma_start3A_272 : memref<10240x128xf32, #tpu.memory_space<vmem_shared>>) offsets(%dma_start3A_269 : memref<128xi32, #tpu.memory_space<vmem>>) semaphore(%run_scoped3A_266 : memref<!tpu.dma_semaphore, #tpu.memory_space<semaphore_mem>>) {add = true}
      %dma_wait3A_273 = arith.constant 0 : i32
      %dma_wait3A_274 = tpu.memref_slice %arg7[%run_scoped3A_140, %dma_wait3A_273] : memref<16x128xi32, #tpu.memory_space<vmem>> -> memref<1x128xi32, #tpu.memory_space<vmem>>
      %dma_wait3A_275 = tpu.memref_squeeze %dma_wait3A_274 : memref<1x128xi32, #tpu.memory_space<vmem>> -> memref<128xi32, #tpu.memory_space<vmem>>
      %dma_wait3A_276 = arith.constant 0 : i32
      %dma_wait3A_277 = arith.constant 0 : i32
      %dma_wait3A_278 = tpu.memref_slice %arg10[%dma_wait3A_276, %dma_wait3A_277] : memref<10240x128xf32, #tpu.memory_space<vmem_shared>> -> memref<10240x128xf32, #tpu.memory_space<vmem_shared>>
      tpu.wait_indirect_dma semaphore(%run_scoped3A_266 : memref<!tpu.dma_semaphore, #tpu.memory_space<semaphore_mem>>) src(%arg8 : memref<128x128xf32, #tpu.memory_space<vmem>>) dst(%dma_wait3A_278 : memref<10240x128xf32, #tpu.memory_space<vmem_shared>>)
      tpu.yield
    }) : () -> ()
    %dma_start3A_141 = arith.constant 9 : i32
    %dma_start3A_142 = arith.constant 0 : i32
    %dma_start3A_143 = tpu.memref_slice %arg6[%dma_start3A_141, %dma_start3A_142] : memref<16x128xi32, #tpu.memory_space<vmem>> -> memref<1x128xi32, #tpu.memory_space<vmem>>
    %dma_start3A_144 = tpu.memref_squeeze %dma_start3A_143 : memref<1x128xi32, #tpu.memory_space<vmem>> -> memref<128xi32, #tpu.memory_space<vmem>>
    %dma_start3A_145 = arith.constant 0 : i32
    %dma_start3A_146 = arith.constant 0 : i32
    %dma_start3A_147 = tpu.memref_slice %arg2[%dma_start3A_145, %dma_start3A_146] : memref<10000x128xf32, #tpu.memory_space<hbm>> -> memref<10000x128xf32, #tpu.memory_space<hbm>>
    tpu.enqueue_indirect_dma source(%dma_start3A_147 : memref<10000x128xf32, #tpu.memory_space<hbm>>) target(%arg8 : memref<128x128xf32, #tpu.memory_space<vmem>>) offsets(%dma_start3A_144 : memref<128xi32, #tpu.memory_space<vmem>>) semaphore(%arg11 : memref<!tpu.dma_semaphore, #tpu.memory_space<semaphore_mem>>)
    %dma_wait3A_148 = arith.constant 8 : i32
    %dma_wait3A_149 = arith.constant 0 : i32
    %dma_wait3A_150 = tpu.memref_slice %arg6[%dma_wait3A_148, %dma_wait3A_149] : memref<16x128xi32, #tpu.memory_space<vmem>> -> memref<1x128xi32, #tpu.memory_space<vmem>>
    %dma_wait3A_151 = tpu.memref_squeeze %dma_wait3A_150 : memref<1x128xi32, #tpu.memory_space<vmem>> -> memref<128xi32, #tpu.memory_space<vmem>>
    %dma_wait3A_152 = arith.constant 0 : i32
    %dma_wait3A_153 = arith.constant 0 : i32
    %dma_wait3A_154 = tpu.memref_slice %arg2[%dma_wait3A_152, %dma_wait3A_153] : memref<10000x128xf32, #tpu.memory_space<hbm>> -> memref<10000x128xf32, #tpu.memory_space<hbm>>
    tpu.wait_indirect_dma semaphore(%arg12 : memref<!tpu.dma_semaphore, #tpu.memory_space<semaphore_mem>>) src(%dma_wait3A_154 : memref<10000x128xf32, #tpu.memory_space<hbm>>) dst(%arg9 : memref<128x128xf32, #tpu.memory_space<vmem>>)
    %run_scoped3A_155 = arith.constant 8 : i32
    "tpu.region"() ({
      %run_scoped3A_266 = tpu.sem_alloc : memref<!tpu.dma_semaphore, #tpu.memory_space<semaphore_mem>>
      %dma_start3A_267 = arith.constant 0 : i32
      %dma_start3A_268 = tpu.memref_slice %arg7[%run_scoped3A_155, %dma_start3A_267] : memref<16x128xi32, #tpu.memory_space<vmem>> -> memref<1x128xi32, #tpu.memory_space<vmem>>
      %dma_start3A_269 = tpu.memref_squeeze %dma_start3A_268 : memref<1x128xi32, #tpu.memory_space<vmem>> -> memref<128xi32, #tpu.memory_space<vmem>>
      %dma_start3A_270 = arith.constant 0 : i32
      %dma_start3A_271 = arith.constant 0 : i32
      %dma_start3A_272 = tpu.memref_slice %arg10[%dma_start3A_270, %dma_start3A_271] : memref<10240x128xf32, #tpu.memory_space<vmem_shared>> -> memref<10240x128xf32, #tpu.memory_space<vmem_shared>>
      tpu.enqueue_indirect_dma source(%arg9 : memref<128x128xf32, #tpu.memory_space<vmem>>) target(%dma_start3A_272 : memref<10240x128xf32, #tpu.memory_space<vmem_shared>>) offsets(%dma_start3A_269 : memref<128xi32, #tpu.memory_space<vmem>>) semaphore(%run_scoped3A_266 : memref<!tpu.dma_semaphore, #tpu.memory_space<semaphore_mem>>) {add = true}
      %dma_wait3A_273 = arith.constant 0 : i32
      %dma_wait3A_274 = tpu.memref_slice %arg7[%run_scoped3A_155, %dma_wait3A_273] : memref<16x128xi32, #tpu.memory_space<vmem>> -> memref<1x128xi32, #tpu.memory_space<vmem>>
      %dma_wait3A_275 = tpu.memref_squeeze %dma_wait3A_274 : memref<1x128xi32, #tpu.memory_space<vmem>> -> memref<128xi32, #tpu.memory_space<vmem>>
      %dma_wait3A_276 = arith.constant 0 : i32
      %dma_wait3A_277 = arith.constant 0 : i32
      %dma_wait3A_278 = tpu.memref_slice %arg10[%dma_wait3A_276, %dma_wait3A_277] : memref<10240x128xf32, #tpu.memory_space<vmem_shared>> -> memref<10240x128xf32, #tpu.memory_space<vmem_shared>>
      tpu.wait_indirect_dma semaphore(%run_scoped3A_266 : memref<!tpu.dma_semaphore, #tpu.memory_space<semaphore_mem>>) src(%arg9 : memref<128x128xf32, #tpu.memory_space<vmem>>) dst(%dma_wait3A_278 : memref<10240x128xf32, #tpu.memory_space<vmem_shared>>)
      tpu.yield
    }) : () -> ()
    %dma_start3A_156 = arith.constant 10 : i32
    %dma_start3A_157 = arith.constant 0 : i32
    %dma_start3A_158 = tpu.memref_slice %arg6[%dma_start3A_156, %dma_start3A_157] : memref<16x128xi32, #tpu.memory_space<vmem>> -> memref<1x128xi32, #tpu.memory_space<vmem>>
    %dma_start3A_159 = tpu.memref_squeeze %dma_start3A_158 : memref<1x128xi32, #tpu.memory_space<vmem>> -> memref<128xi32, #tpu.memory_space<vmem>>
    %dma_start3A_160 = arith.constant 0 : i32
    %dma_start3A_161 = arith.constant 0 : i32
    %dma_start3A_162 = tpu.memref_slice %arg2[%dma_start3A_160, %dma_start3A_161] : memref<10000x128xf32, #tpu.memory_space<hbm>> -> memref<10000x128xf32, #tpu.memory_space<hbm>>
    tpu.enqueue_indirect_dma source(%dma_start3A_162 : memref<10000x128xf32, #tpu.memory_space<hbm>>) target(%arg9 : memref<128x128xf32, #tpu.memory_space<vmem>>) offsets(%dma_start3A_159 : memref<128xi32, #tpu.memory_space<vmem>>) semaphore(%arg12 : memref<!tpu.dma_semaphore, #tpu.memory_space<semaphore_mem>>)
    %dma_wait3A_163 = arith.constant 9 : i32
    %dma_wait3A_164 = arith.constant 0 : i32
    %dma_wait3A_165 = tpu.memref_slice %arg6[%dma_wait3A_163, %dma_wait3A_164] : memref<16x128xi32, #tpu.memory_space<vmem>> -> memref<1x128xi32, #tpu.memory_space<vmem>>
    %dma_wait3A_166 = tpu.memref_squeeze %dma_wait3A_165 : memref<1x128xi32, #tpu.memory_space<vmem>> -> memref<128xi32, #tpu.memory_space<vmem>>
    %dma_wait3A_167 = arith.constant 0 : i32
    %dma_wait3A_168 = arith.constant 0 : i32
    %dma_wait3A_169 = tpu.memref_slice %arg2[%dma_wait3A_167, %dma_wait3A_168] : memref<10000x128xf32, #tpu.memory_space<hbm>> -> memref<10000x128xf32, #tpu.memory_space<hbm>>
    tpu.wait_indirect_dma semaphore(%arg11 : memref<!tpu.dma_semaphore, #tpu.memory_space<semaphore_mem>>) src(%dma_wait3A_169 : memref<10000x128xf32, #tpu.memory_space<hbm>>) dst(%arg8 : memref<128x128xf32, #tpu.memory_space<vmem>>)
    %run_scoped3A_170 = arith.constant 9 : i32
    "tpu.region"() ({
      %run_scoped3A_266 = tpu.sem_alloc : memref<!tpu.dma_semaphore, #tpu.memory_space<semaphore_mem>>
      %dma_start3A_267 = arith.constant 0 : i32
      %dma_start3A_268 = tpu.memref_slice %arg7[%run_scoped3A_170, %dma_start3A_267] : memref<16x128xi32, #tpu.memory_space<vmem>> -> memref<1x128xi32, #tpu.memory_space<vmem>>
      %dma_start3A_269 = tpu.memref_squeeze %dma_start3A_268 : memref<1x128xi32, #tpu.memory_space<vmem>> -> memref<128xi32, #tpu.memory_space<vmem>>
      %dma_start3A_270 = arith.constant 0 : i32
      %dma_start3A_271 = arith.constant 0 : i32
      %dma_start3A_272 = tpu.memref_slice %arg10[%dma_start3A_270, %dma_start3A_271] : memref<10240x128xf32, #tpu.memory_space<vmem_shared>> -> memref<10240x128xf32, #tpu.memory_space<vmem_shared>>
      tpu.enqueue_indirect_dma source(%arg8 : memref<128x128xf32, #tpu.memory_space<vmem>>) target(%dma_start3A_272 : memref<10240x128xf32, #tpu.memory_space<vmem_shared>>) offsets(%dma_start3A_269 : memref<128xi32, #tpu.memory_space<vmem>>) semaphore(%run_scoped3A_266 : memref<!tpu.dma_semaphore, #tpu.memory_space<semaphore_mem>>) {add = true}
      %dma_wait3A_273 = arith.constant 0 : i32
      %dma_wait3A_274 = tpu.memref_slice %arg7[%run_scoped3A_170, %dma_wait3A_273] : memref<16x128xi32, #tpu.memory_space<vmem>> -> memref<1x128xi32, #tpu.memory_space<vmem>>
      %dma_wait3A_275 = tpu.memref_squeeze %dma_wait3A_274 : memref<1x128xi32, #tpu.memory_space<vmem>> -> memref<128xi32, #tpu.memory_space<vmem>>
      %dma_wait3A_276 = arith.constant 0 : i32
      %dma_wait3A_277 = arith.constant 0 : i32
      %dma_wait3A_278 = tpu.memref_slice %arg10[%dma_wait3A_276, %dma_wait3A_277] : memref<10240x128xf32, #tpu.memory_space<vmem_shared>> -> memref<10240x128xf32, #tpu.memory_space<vmem_shared>>
      tpu.wait_indirect_dma semaphore(%run_scoped3A_266 : memref<!tpu.dma_semaphore, #tpu.memory_space<semaphore_mem>>) src(%arg8 : memref<128x128xf32, #tpu.memory_space<vmem>>) dst(%dma_wait3A_278 : memref<10240x128xf32, #tpu.memory_space<vmem_shared>>)
      tpu.yield
    }) : () -> ()
    %dma_start3A_171 = arith.constant 11 : i32
    %dma_start3A_172 = arith.constant 0 : i32
    %dma_start3A_173 = tpu.memref_slice %arg6[%dma_start3A_171, %dma_start3A_172] : memref<16x128xi32, #tpu.memory_space<vmem>> -> memref<1x128xi32, #tpu.memory_space<vmem>>
    %dma_start3A_174 = tpu.memref_squeeze %dma_start3A_173 : memref<1x128xi32, #tpu.memory_space<vmem>> -> memref<128xi32, #tpu.memory_space<vmem>>
    %dma_start3A_175 = arith.constant 0 : i32
    %dma_start3A_176 = arith.constant 0 : i32
    %dma_start3A_177 = tpu.memref_slice %arg2[%dma_start3A_175, %dma_start3A_176] : memref<10000x128xf32, #tpu.memory_space<hbm>> -> memref<10000x128xf32, #tpu.memory_space<hbm>>
    tpu.enqueue_indirect_dma source(%dma_start3A_177 : memref<10000x128xf32, #tpu.memory_space<hbm>>) target(%arg8 : memref<128x128xf32, #tpu.memory_space<vmem>>) offsets(%dma_start3A_174 : memref<128xi32, #tpu.memory_space<vmem>>) semaphore(%arg11 : memref<!tpu.dma_semaphore, #tpu.memory_space<semaphore_mem>>)
    %dma_wait3A_178 = arith.constant 10 : i32
    %dma_wait3A_179 = arith.constant 0 : i32
    %dma_wait3A_180 = tpu.memref_slice %arg6[%dma_wait3A_178, %dma_wait3A_179] : memref<16x128xi32, #tpu.memory_space<vmem>> -> memref<1x128xi32, #tpu.memory_space<vmem>>
    %dma_wait3A_181 = tpu.memref_squeeze %dma_wait3A_180 : memref<1x128xi32, #tpu.memory_space<vmem>> -> memref<128xi32, #tpu.memory_space<vmem>>
    %dma_wait3A_182 = arith.constant 0 : i32
    %dma_wait3A_183 = arith.constant 0 : i32
    %dma_wait3A_184 = tpu.memref_slice %arg2[%dma_wait3A_182, %dma_wait3A_183] : memref<10000x128xf32, #tpu.memory_space<hbm>> -> memref<10000x128xf32, #tpu.memory_space<hbm>>
    tpu.wait_indirect_dma semaphore(%arg12 : memref<!tpu.dma_semaphore, #tpu.memory_space<semaphore_mem>>) src(%dma_wait3A_184 : memref<10000x128xf32, #tpu.memory_space<hbm>>) dst(%arg9 : memref<128x128xf32, #tpu.memory_space<vmem>>)
    %run_scoped3A_185 = arith.constant 10 : i32
    "tpu.region"() ({
      %run_scoped3A_266 = tpu.sem_alloc : memref<!tpu.dma_semaphore, #tpu.memory_space<semaphore_mem>>
      %dma_start3A_267 = arith.constant 0 : i32
      %dma_start3A_268 = tpu.memref_slice %arg7[%run_scoped3A_185, %dma_start3A_267] : memref<16x128xi32, #tpu.memory_space<vmem>> -> memref<1x128xi32, #tpu.memory_space<vmem>>
      %dma_start3A_269 = tpu.memref_squeeze %dma_start3A_268 : memref<1x128xi32, #tpu.memory_space<vmem>> -> memref<128xi32, #tpu.memory_space<vmem>>
      %dma_start3A_270 = arith.constant 0 : i32
      %dma_start3A_271 = arith.constant 0 : i32
      %dma_start3A_272 = tpu.memref_slice %arg10[%dma_start3A_270, %dma_start3A_271] : memref<10240x128xf32, #tpu.memory_space<vmem_shared>> -> memref<10240x128xf32, #tpu.memory_space<vmem_shared>>
      tpu.enqueue_indirect_dma source(%arg9 : memref<128x128xf32, #tpu.memory_space<vmem>>) target(%dma_start3A_272 : memref<10240x128xf32, #tpu.memory_space<vmem_shared>>) offsets(%dma_start3A_269 : memref<128xi32, #tpu.memory_space<vmem>>) semaphore(%run_scoped3A_266 : memref<!tpu.dma_semaphore, #tpu.memory_space<semaphore_mem>>) {add = true}
      %dma_wait3A_273 = arith.constant 0 : i32
      %dma_wait3A_274 = tpu.memref_slice %arg7[%run_scoped3A_185, %dma_wait3A_273] : memref<16x128xi32, #tpu.memory_space<vmem>> -> memref<1x128xi32, #tpu.memory_space<vmem>>
      %dma_wait3A_275 = tpu.memref_squeeze %dma_wait3A_274 : memref<1x128xi32, #tpu.memory_space<vmem>> -> memref<128xi32, #tpu.memory_space<vmem>>
      %dma_wait3A_276 = arith.constant 0 : i32
      %dma_wait3A_277 = arith.constant 0 : i32
      %dma_wait3A_278 = tpu.memref_slice %arg10[%dma_wait3A_276, %dma_wait3A_277] : memref<10240x128xf32, #tpu.memory_space<vmem_shared>> -> memref<10240x128xf32, #tpu.memory_space<vmem_shared>>
      tpu.wait_indirect_dma semaphore(%run_scoped3A_266 : memref<!tpu.dma_semaphore, #tpu.memory_space<semaphore_mem>>) src(%arg9 : memref<128x128xf32, #tpu.memory_space<vmem>>) dst(%dma_wait3A_278 : memref<10240x128xf32, #tpu.memory_space<vmem_shared>>)
      tpu.yield
    }) : () -> ()
    %dma_start3A_186 = arith.constant 12 : i32
    %dma_start3A_187 = arith.constant 0 : i32
    %dma_start3A_188 = tpu.memref_slice %arg6[%dma_start3A_186, %dma_start3A_187] : memref<16x128xi32, #tpu.memory_space<vmem>> -> memref<1x128xi32, #tpu.memory_space<vmem>>
    %dma_start3A_189 = tpu.memref_squeeze %dma_start3A_188 : memref<1x128xi32, #tpu.memory_space<vmem>> -> memref<128xi32, #tpu.memory_space<vmem>>
    %dma_start3A_190 = arith.constant 0 : i32
    %dma_start3A_191 = arith.constant 0 : i32
    %dma_start3A_192 = tpu.memref_slice %arg2[%dma_start3A_190, %dma_start3A_191] : memref<10000x128xf32, #tpu.memory_space<hbm>> -> memref<10000x128xf32, #tpu.memory_space<hbm>>
    tpu.enqueue_indirect_dma source(%dma_start3A_192 : memref<10000x128xf32, #tpu.memory_space<hbm>>) target(%arg9 : memref<128x128xf32, #tpu.memory_space<vmem>>) offsets(%dma_start3A_189 : memref<128xi32, #tpu.memory_space<vmem>>) semaphore(%arg12 : memref<!tpu.dma_semaphore, #tpu.memory_space<semaphore_mem>>)
    %dma_wait3A_193 = arith.constant 11 : i32
    %dma_wait3A_194 = arith.constant 0 : i32
    %dma_wait3A_195 = tpu.memref_slice %arg6[%dma_wait3A_193, %dma_wait3A_194] : memref<16x128xi32, #tpu.memory_space<vmem>> -> memref<1x128xi32, #tpu.memory_space<vmem>>
    %dma_wait3A_196 = tpu.memref_squeeze %dma_wait3A_195 : memref<1x128xi32, #tpu.memory_space<vmem>> -> memref<128xi32, #tpu.memory_space<vmem>>
    %dma_wait3A_197 = arith.constant 0 : i32
    %dma_wait3A_198 = arith.constant 0 : i32
    %dma_wait3A_199 = tpu.memref_slice %arg2[%dma_wait3A_197, %dma_wait3A_198] : memref<10000x128xf32, #tpu.memory_space<hbm>> -> memref<10000x128xf32, #tpu.memory_space<hbm>>
    tpu.wait_indirect_dma semaphore(%arg11 : memref<!tpu.dma_semaphore, #tpu.memory_space<semaphore_mem>>) src(%dma_wait3A_199 : memref<10000x128xf32, #tpu.memory_space<hbm>>) dst(%arg8 : memref<128x128xf32, #tpu.memory_space<vmem>>)
    %run_scoped3A_200 = arith.constant 11 : i32
    "tpu.region"() ({
      %run_scoped3A_266 = tpu.sem_alloc : memref<!tpu.dma_semaphore, #tpu.memory_space<semaphore_mem>>
      %dma_start3A_267 = arith.constant 0 : i32
      %dma_start3A_268 = tpu.memref_slice %arg7[%run_scoped3A_200, %dma_start3A_267] : memref<16x128xi32, #tpu.memory_space<vmem>> -> memref<1x128xi32, #tpu.memory_space<vmem>>
      %dma_start3A_269 = tpu.memref_squeeze %dma_start3A_268 : memref<1x128xi32, #tpu.memory_space<vmem>> -> memref<128xi32, #tpu.memory_space<vmem>>
      %dma_start3A_270 = arith.constant 0 : i32
      %dma_start3A_271 = arith.constant 0 : i32
      %dma_start3A_272 = tpu.memref_slice %arg10[%dma_start3A_270, %dma_start3A_271] : memref<10240x128xf32, #tpu.memory_space<vmem_shared>> -> memref<10240x128xf32, #tpu.memory_space<vmem_shared>>
      tpu.enqueue_indirect_dma source(%arg8 : memref<128x128xf32, #tpu.memory_space<vmem>>) target(%dma_start3A_272 : memref<10240x128xf32, #tpu.memory_space<vmem_shared>>) offsets(%dma_start3A_269 : memref<128xi32, #tpu.memory_space<vmem>>) semaphore(%run_scoped3A_266 : memref<!tpu.dma_semaphore, #tpu.memory_space<semaphore_mem>>) {add = true}
      %dma_wait3A_273 = arith.constant 0 : i32
      %dma_wait3A_274 = tpu.memref_slice %arg7[%run_scoped3A_200, %dma_wait3A_273] : memref<16x128xi32, #tpu.memory_space<vmem>> -> memref<1x128xi32, #tpu.memory_space<vmem>>
      %dma_wait3A_275 = tpu.memref_squeeze %dma_wait3A_274 : memref<1x128xi32, #tpu.memory_space<vmem>> -> memref<128xi32, #tpu.memory_space<vmem>>
      %dma_wait3A_276 = arith.constant 0 : i32
      %dma_wait3A_277 = arith.constant 0 : i32
      %dma_wait3A_278 = tpu.memref_slice %arg10[%dma_wait3A_276, %dma_wait3A_277] : memref<10240x128xf32, #tpu.memory_space<vmem_shared>> -> memref<10240x128xf32, #tpu.memory_space<vmem_shared>>
      tpu.wait_indirect_dma semaphore(%run_scoped3A_266 : memref<!tpu.dma_semaphore, #tpu.memory_space<semaphore_mem>>) src(%arg8 : memref<128x128xf32, #tpu.memory_space<vmem>>) dst(%dma_wait3A_278 : memref<10240x128xf32, #tpu.memory_space<vmem_shared>>)
      tpu.yield
    }) : () -> ()
    %dma_start3A_201 = arith.constant 13 : i32
    %dma_start3A_202 = arith.constant 0 : i32
    %dma_start3A_203 = tpu.memref_slice %arg6[%dma_start3A_201, %dma_start3A_202] : memref<16x128xi32, #tpu.memory_space<vmem>> -> memref<1x128xi32, #tpu.memory_space<vmem>>
    %dma_start3A_204 = tpu.memref_squeeze %dma_start3A_203 : memref<1x128xi32, #tpu.memory_space<vmem>> -> memref<128xi32, #tpu.memory_space<vmem>>
    %dma_start3A_205 = arith.constant 0 : i32
    %dma_start3A_206 = arith.constant 0 : i32
    %dma_start3A_207 = tpu.memref_slice %arg2[%dma_start3A_205, %dma_start3A_206] : memref<10000x128xf32, #tpu.memory_space<hbm>> -> memref<10000x128xf32, #tpu.memory_space<hbm>>
    tpu.enqueue_indirect_dma source(%dma_start3A_207 : memref<10000x128xf32, #tpu.memory_space<hbm>>) target(%arg8 : memref<128x128xf32, #tpu.memory_space<vmem>>) offsets(%dma_start3A_204 : memref<128xi32, #tpu.memory_space<vmem>>) semaphore(%arg11 : memref<!tpu.dma_semaphore, #tpu.memory_space<semaphore_mem>>)
    %dma_wait3A_208 = arith.constant 12 : i32
    %dma_wait3A_209 = arith.constant 0 : i32
    %dma_wait3A_210 = tpu.memref_slice %arg6[%dma_wait3A_208, %dma_wait3A_209] : memref<16x128xi32, #tpu.memory_space<vmem>> -> memref<1x128xi32, #tpu.memory_space<vmem>>
    %dma_wait3A_211 = tpu.memref_squeeze %dma_wait3A_210 : memref<1x128xi32, #tpu.memory_space<vmem>> -> memref<128xi32, #tpu.memory_space<vmem>>
    %dma_wait3A_212 = arith.constant 0 : i32
    %dma_wait3A_213 = arith.constant 0 : i32
    %dma_wait3A_214 = tpu.memref_slice %arg2[%dma_wait3A_212, %dma_wait3A_213] : memref<10000x128xf32, #tpu.memory_space<hbm>> -> memref<10000x128xf32, #tpu.memory_space<hbm>>
    tpu.wait_indirect_dma semaphore(%arg12 : memref<!tpu.dma_semaphore, #tpu.memory_space<semaphore_mem>>) src(%dma_wait3A_214 : memref<10000x128xf32, #tpu.memory_space<hbm>>) dst(%arg9 : memref<128x128xf32, #tpu.memory_space<vmem>>)
    %run_scoped3A_215 = arith.constant 12 : i32
    "tpu.region"() ({
      %run_scoped3A_266 = tpu.sem_alloc : memref<!tpu.dma_semaphore, #tpu.memory_space<semaphore_mem>>
      %dma_start3A_267 = arith.constant 0 : i32
      %dma_start3A_268 = tpu.memref_slice %arg7[%run_scoped3A_215, %dma_start3A_267] : memref<16x128xi32, #tpu.memory_space<vmem>> -> memref<1x128xi32, #tpu.memory_space<vmem>>
      %dma_start3A_269 = tpu.memref_squeeze %dma_start3A_268 : memref<1x128xi32, #tpu.memory_space<vmem>> -> memref<128xi32, #tpu.memory_space<vmem>>
      %dma_start3A_270 = arith.constant 0 : i32
      %dma_start3A_271 = arith.constant 0 : i32
      %dma_start3A_272 = tpu.memref_slice %arg10[%dma_start3A_270, %dma_start3A_271] : memref<10240x128xf32, #tpu.memory_space<vmem_shared>> -> memref<10240x128xf32, #tpu.memory_space<vmem_shared>>
      tpu.enqueue_indirect_dma source(%arg9 : memref<128x128xf32, #tpu.memory_space<vmem>>) target(%dma_start3A_272 : memref<10240x128xf32, #tpu.memory_space<vmem_shared>>) offsets(%dma_start3A_269 : memref<128xi32, #tpu.memory_space<vmem>>) semaphore(%run_scoped3A_266 : memref<!tpu.dma_semaphore, #tpu.memory_space<semaphore_mem>>) {add = true}
      %dma_wait3A_273 = arith.constant 0 : i32
      %dma_wait3A_274 = tpu.memref_slice %arg7[%run_scoped3A_215, %dma_wait3A_273] : memref<16x128xi32, #tpu.memory_space<vmem>> -> memref<1x128xi32, #tpu.memory_space<vmem>>
      %dma_wait3A_275 = tpu.memref_squeeze %dma_wait3A_274 : memref<1x128xi32, #tpu.memory_space<vmem>> -> memref<128xi32, #tpu.memory_space<vmem>>
      %dma_wait3A_276 = arith.constant 0 : i32
      %dma_wait3A_277 = arith.constant 0 : i32
      %dma_wait3A_278 = tpu.memref_slice %arg10[%dma_wait3A_276, %dma_wait3A_277] : memref<10240x128xf32, #tpu.memory_space<vmem_shared>> -> memref<10240x128xf32, #tpu.memory_space<vmem_shared>>
      tpu.wait_indirect_dma semaphore(%run_scoped3A_266 : memref<!tpu.dma_semaphore, #tpu.memory_space<semaphore_mem>>) src(%arg9 : memref<128x128xf32, #tpu.memory_space<vmem>>) dst(%dma_wait3A_278 : memref<10240x128xf32, #tpu.memory_space<vmem_shared>>)
      tpu.yield
    }) : () -> ()
    %dma_start3A_216 = arith.constant 14 : i32
    %dma_start3A_217 = arith.constant 0 : i32
    %dma_start3A_218 = tpu.memref_slice %arg6[%dma_start3A_216, %dma_start3A_217] : memref<16x128xi32, #tpu.memory_space<vmem>> -> memref<1x128xi32, #tpu.memory_space<vmem>>
    %dma_start3A_219 = tpu.memref_squeeze %dma_start3A_218 : memref<1x128xi32, #tpu.memory_space<vmem>> -> memref<128xi32, #tpu.memory_space<vmem>>
    %dma_start3A_220 = arith.constant 0 : i32
    %dma_start3A_221 = arith.constant 0 : i32
    %dma_start3A_222 = tpu.memref_slice %arg2[%dma_start3A_220, %dma_start3A_221] : memref<10000x128xf32, #tpu.memory_space<hbm>> -> memref<10000x128xf32, #tpu.memory_space<hbm>>
    tpu.enqueue_indirect_dma source(%dma_start3A_222 : memref<10000x128xf32, #tpu.memory_space<hbm>>) target(%arg9 : memref<128x128xf32, #tpu.memory_space<vmem>>) offsets(%dma_start3A_219 : memref<128xi32, #tpu.memory_space<vmem>>) semaphore(%arg12 : memref<!tpu.dma_semaphore, #tpu.memory_space<semaphore_mem>>)
    %dma_wait3A_223 = arith.constant 13 : i32
    %dma_wait3A_224 = arith.constant 0 : i32
    %dma_wait3A_225 = tpu.memref_slice %arg6[%dma_wait3A_223, %dma_wait3A_224] : memref<16x128xi32, #tpu.memory_space<vmem>> -> memref<1x128xi32, #tpu.memory_space<vmem>>
    %dma_wait3A_226 = tpu.memref_squeeze %dma_wait3A_225 : memref<1x128xi32, #tpu.memory_space<vmem>> -> memref<128xi32, #tpu.memory_space<vmem>>
    %dma_wait3A_227 = arith.constant 0 : i32
    %dma_wait3A_228 = arith.constant 0 : i32
    %dma_wait3A_229 = tpu.memref_slice %arg2[%dma_wait3A_227, %dma_wait3A_228] : memref<10000x128xf32, #tpu.memory_space<hbm>> -> memref<10000x128xf32, #tpu.memory_space<hbm>>
    tpu.wait_indirect_dma semaphore(%arg11 : memref<!tpu.dma_semaphore, #tpu.memory_space<semaphore_mem>>) src(%dma_wait3A_229 : memref<10000x128xf32, #tpu.memory_space<hbm>>) dst(%arg8 : memref<128x128xf32, #tpu.memory_space<vmem>>)
    %run_scoped3A_230 = arith.constant 13 : i32
    "tpu.region"() ({
      %run_scoped3A_266 = tpu.sem_alloc : memref<!tpu.dma_semaphore, #tpu.memory_space<semaphore_mem>>
      %dma_start3A_267 = arith.constant 0 : i32
      %dma_start3A_268 = tpu.memref_slice %arg7[%run_scoped3A_230, %dma_start3A_267] : memref<16x128xi32, #tpu.memory_space<vmem>> -> memref<1x128xi32, #tpu.memory_space<vmem>>
      %dma_start3A_269 = tpu.memref_squeeze %dma_start3A_268 : memref<1x128xi32, #tpu.memory_space<vmem>> -> memref<128xi32, #tpu.memory_space<vmem>>
      %dma_start3A_270 = arith.constant 0 : i32
      %dma_start3A_271 = arith.constant 0 : i32
      %dma_start3A_272 = tpu.memref_slice %arg10[%dma_start3A_270, %dma_start3A_271] : memref<10240x128xf32, #tpu.memory_space<vmem_shared>> -> memref<10240x128xf32, #tpu.memory_space<vmem_shared>>
      tpu.enqueue_indirect_dma source(%arg8 : memref<128x128xf32, #tpu.memory_space<vmem>>) target(%dma_start3A_272 : memref<10240x128xf32, #tpu.memory_space<vmem_shared>>) offsets(%dma_start3A_269 : memref<128xi32, #tpu.memory_space<vmem>>) semaphore(%run_scoped3A_266 : memref<!tpu.dma_semaphore, #tpu.memory_space<semaphore_mem>>) {add = true}
      %dma_wait3A_273 = arith.constant 0 : i32
      %dma_wait3A_274 = tpu.memref_slice %arg7[%run_scoped3A_230, %dma_wait3A_273] : memref<16x128xi32, #tpu.memory_space<vmem>> -> memref<1x128xi32, #tpu.memory_space<vmem>>
      %dma_wait3A_275 = tpu.memref_squeeze %dma_wait3A_274 : memref<1x128xi32, #tpu.memory_space<vmem>> -> memref<128xi32, #tpu.memory_space<vmem>>
      %dma_wait3A_276 = arith.constant 0 : i32
      %dma_wait3A_277 = arith.constant 0 : i32
      %dma_wait3A_278 = tpu.memref_slice %arg10[%dma_wait3A_276, %dma_wait3A_277] : memref<10240x128xf32, #tpu.memory_space<vmem_shared>> -> memref<10240x128xf32, #tpu.memory_space<vmem_shared>>
      tpu.wait_indirect_dma semaphore(%run_scoped3A_266 : memref<!tpu.dma_semaphore, #tpu.memory_space<semaphore_mem>>) src(%arg8 : memref<128x128xf32, #tpu.memory_space<vmem>>) dst(%dma_wait3A_278 : memref<10240x128xf32, #tpu.memory_space<vmem_shared>>)
      tpu.yield
    }) : () -> ()
    %dma_start3A_231 = arith.constant 15 : i32
    %dma_start3A_232 = arith.constant 0 : i32
    %dma_start3A_233 = tpu.memref_slice %arg6[%dma_start3A_231, %dma_start3A_232] : memref<16x128xi32, #tpu.memory_space<vmem>> -> memref<1x128xi32, #tpu.memory_space<vmem>>
    %dma_start3A_234 = tpu.memref_squeeze %dma_start3A_233 : memref<1x128xi32, #tpu.memory_space<vmem>> -> memref<128xi32, #tpu.memory_space<vmem>>
    %dma_start3A_235 = arith.constant 0 : i32
    %dma_start3A_236 = arith.constant 0 : i32
    %dma_start3A_237 = tpu.memref_slice %arg2[%dma_start3A_235, %dma_start3A_236] : memref<10000x128xf32, #tpu.memory_space<hbm>> -> memref<10000x128xf32, #tpu.memory_space<hbm>>
    tpu.enqueue_indirect_dma source(%dma_start3A_237 : memref<10000x128xf32, #tpu.memory_space<hbm>>) target(%arg8 : memref<128x128xf32, #tpu.memory_space<vmem>>) offsets(%dma_start3A_234 : memref<128xi32, #tpu.memory_space<vmem>>) semaphore(%arg11 : memref<!tpu.dma_semaphore, #tpu.memory_space<semaphore_mem>>)
    %dma_wait3A_238 = arith.constant 14 : i32
    %dma_wait3A_239 = arith.constant 0 : i32
    %dma_wait3A_240 = tpu.memref_slice %arg6[%dma_wait3A_238, %dma_wait3A_239] : memref<16x128xi32, #tpu.memory_space<vmem>> -> memref<1x128xi32, #tpu.memory_space<vmem>>
    %dma_wait3A_241 = tpu.memref_squeeze %dma_wait3A_240 : memref<1x128xi32, #tpu.memory_space<vmem>> -> memref<128xi32, #tpu.memory_space<vmem>>
    %dma_wait3A_242 = arith.constant 0 : i32
    %dma_wait3A_243 = arith.constant 0 : i32
    %dma_wait3A_244 = tpu.memref_slice %arg2[%dma_wait3A_242, %dma_wait3A_243] : memref<10000x128xf32, #tpu.memory_space<hbm>> -> memref<10000x128xf32, #tpu.memory_space<hbm>>
    tpu.wait_indirect_dma semaphore(%arg12 : memref<!tpu.dma_semaphore, #tpu.memory_space<semaphore_mem>>) src(%dma_wait3A_244 : memref<10000x128xf32, #tpu.memory_space<hbm>>) dst(%arg9 : memref<128x128xf32, #tpu.memory_space<vmem>>)
    %run_scoped3A_245 = arith.constant 14 : i32
    "tpu.region"() ({
      %run_scoped3A_266 = tpu.sem_alloc : memref<!tpu.dma_semaphore, #tpu.memory_space<semaphore_mem>>
      %dma_start3A_267 = arith.constant 0 : i32
      %dma_start3A_268 = tpu.memref_slice %arg7[%run_scoped3A_245, %dma_start3A_267] : memref<16x128xi32, #tpu.memory_space<vmem>> -> memref<1x128xi32, #tpu.memory_space<vmem>>
      %dma_start3A_269 = tpu.memref_squeeze %dma_start3A_268 : memref<1x128xi32, #tpu.memory_space<vmem>> -> memref<128xi32, #tpu.memory_space<vmem>>
      %dma_start3A_270 = arith.constant 0 : i32
      %dma_start3A_271 = arith.constant 0 : i32
      %dma_start3A_272 = tpu.memref_slice %arg10[%dma_start3A_270, %dma_start3A_271] : memref<10240x128xf32, #tpu.memory_space<vmem_shared>> -> memref<10240x128xf32, #tpu.memory_space<vmem_shared>>
      tpu.enqueue_indirect_dma source(%arg9 : memref<128x128xf32, #tpu.memory_space<vmem>>) target(%dma_start3A_272 : memref<10240x128xf32, #tpu.memory_space<vmem_shared>>) offsets(%dma_start3A_269 : memref<128xi32, #tpu.memory_space<vmem>>) semaphore(%run_scoped3A_266 : memref<!tpu.dma_semaphore, #tpu.memory_space<semaphore_mem>>) {add = true}
      %dma_wait3A_273 = arith.constant 0 : i32
      %dma_wait3A_274 = tpu.memref_slice %arg7[%run_scoped3A_245, %dma_wait3A_273] : memref<16x128xi32, #tpu.memory_space<vmem>> -> memref<1x128xi32, #tpu.memory_space<vmem>>
      %dma_wait3A_275 = tpu.memref_squeeze %dma_wait3A_274 : memref<1x128xi32, #tpu.memory_space<vmem>> -> memref<128xi32, #tpu.memory_space<vmem>>
      %dma_wait3A_276 = arith.constant 0 : i32
      %dma_wait3A_277 = arith.constant 0 : i32
      %dma_wait3A_278 = tpu.memref_slice %arg10[%dma_wait3A_276, %dma_wait3A_277] : memref<10240x128xf32, #tpu.memory_space<vmem_shared>> -> memref<10240x128xf32, #tpu.memory_space<vmem_shared>>
      tpu.wait_indirect_dma semaphore(%run_scoped3A_266 : memref<!tpu.dma_semaphore, #tpu.memory_space<semaphore_mem>>) src(%arg9 : memref<128x128xf32, #tpu.memory_space<vmem>>) dst(%dma_wait3A_278 : memref<10240x128xf32, #tpu.memory_space<vmem_shared>>)
      tpu.yield
    }) : () -> ()
    %dma_wait3A_246 = arith.constant 15 : i32
    %dma_wait3A_247 = arith.constant 0 : i32
    %dma_wait3A_248 = tpu.memref_slice %arg6[%dma_wait3A_246, %dma_wait3A_247] : memref<16x128xi32, #tpu.memory_space<vmem>> -> memref<1x128xi32, #tpu.memory_space<vmem>>
    %dma_wait3A_249 = tpu.memref_squeeze %dma_wait3A_248 : memref<1x128xi32, #tpu.memory_space<vmem>> -> memref<128xi32, #tpu.memory_space<vmem>>
    %dma_wait3A_250 = arith.constant 0 : i32
    %dma_wait3A_251 = arith.constant 0 : i32
    %dma_wait3A_252 = tpu.memref_slice %arg2[%dma_wait3A_250, %dma_wait3A_251] : memref<10000x128xf32, #tpu.memory_space<hbm>> -> memref<10000x128xf32, #tpu.memory_space<hbm>>
    tpu.wait_indirect_dma semaphore(%arg11 : memref<!tpu.dma_semaphore, #tpu.memory_space<semaphore_mem>>) src(%dma_wait3A_252 : memref<10000x128xf32, #tpu.memory_space<hbm>>) dst(%arg8 : memref<128x128xf32, #tpu.memory_space<vmem>>)
    %run_scoped3A_253 = arith.constant 15 : i32
    "tpu.region"() ({
      %run_scoped3A_266 = tpu.sem_alloc : memref<!tpu.dma_semaphore, #tpu.memory_space<semaphore_mem>>
      %dma_start3A_267 = arith.constant 0 : i32
      %dma_start3A_268 = tpu.memref_slice %arg7[%run_scoped3A_253, %dma_start3A_267] : memref<16x128xi32, #tpu.memory_space<vmem>> -> memref<1x128xi32, #tpu.memory_space<vmem>>
      %dma_start3A_269 = tpu.memref_squeeze %dma_start3A_268 : memref<1x128xi32, #tpu.memory_space<vmem>> -> memref<128xi32, #tpu.memory_space<vmem>>
      %dma_start3A_270 = arith.constant 0 : i32
      %dma_start3A_271 = arith.constant 0 : i32
      %dma_start3A_272 = tpu.memref_slice %arg10[%dma_start3A_270, %dma_start3A_271] : memref<10240x128xf32, #tpu.memory_space<vmem_shared>> -> memref<10240x128xf32, #tpu.memory_space<vmem_shared>>
      tpu.enqueue_indirect_dma source(%arg8 : memref<128x128xf32, #tpu.memory_space<vmem>>) target(%dma_start3A_272 : memref<10240x128xf32, #tpu.memory_space<vmem_shared>>) offsets(%dma_start3A_269 : memref<128xi32, #tpu.memory_space<vmem>>) semaphore(%run_scoped3A_266 : memref<!tpu.dma_semaphore, #tpu.memory_space<semaphore_mem>>) {add = true}
      %dma_wait3A_273 = arith.constant 0 : i32
      %dma_wait3A_274 = tpu.memref_slice %arg7[%run_scoped3A_253, %dma_wait3A_273] : memref<16x128xi32, #tpu.memory_space<vmem>> -> memref<1x128xi32, #tpu.memory_space<vmem>>
      %dma_wait3A_275 = tpu.memref_squeeze %dma_wait3A_274 : memref<1x128xi32, #tpu.memory_space<vmem>> -> memref<128xi32, #tpu.memory_space<vmem>>
      %dma_wait3A_276 = arith.constant 0 : i32
      %dma_wait3A_277 = arith.constant 0 : i32
      %dma_wait3A_278 = tpu.memref_slice %arg10[%dma_wait3A_276, %dma_wait3A_277] : memref<10240x128xf32, #tpu.memory_space<vmem_shared>> -> memref<10240x128xf32, #tpu.memory_space<vmem_shared>>
      tpu.wait_indirect_dma semaphore(%run_scoped3A_266 : memref<!tpu.dma_semaphore, #tpu.memory_space<semaphore_mem>>) src(%arg8 : memref<128x128xf32, #tpu.memory_space<vmem>>) dst(%dma_wait3A_278 : memref<10240x128xf32, #tpu.memory_space<vmem_shared>>)
      tpu.yield
    }) : () -> ()
    %scan3A_254 = arith.constant 0 : i32
    %scan3A_255 = arith.constant 1 : i32
    %scan3A_256 = arith.constant 4 : i32
    %scan3A_257 = arith.addi %scan3A_255, %scan3A_256 : i32
    %scan3A_258 = arith.constant 1 : i32
    %scan3A_259 = scf.for %scan3A_266 = %scan3A_255 to %scan3A_257 step %scan3A_258 iter_args(%scan3A_267 = %scan3A_254) -> (i32)  : i32 {
      %mul3A_268 = arith.constant 16 : i32
      %mul3A_269 = arith.muli %scan3A_266, %mul3A_268 : i32
      %add3A_270 = arith.addi %mul3A_2, %mul3A_269 : i32
      %multiple_of3A_271 = tpu.assume_multiple %add3A_270, 16 : i32
      "tpu.region"() ({
        %run_scoped3A_513 = tpu.sem_alloc : memref<!tpu.dma_semaphore, #tpu.memory_space<semaphore_mem>>
        %dma_start3A_514 = arith.constant 0 : i32
        %dma_start3A_515 = tpu.memref_slice %arg3[%multiple_of3A_271, %dma_start3A_514] : memref<2560x128xi32, #tpu.memory_space<hbm>> -> memref<16x128xi32, #tpu.memory_space<hbm>>
        %dma_start3A_516 = arith.constant 0 : i32
        %dma_start3A_517 = tpu.memref_slice %arg3[%multiple_of3A_271, %dma_start3A_516] : memref<2560x128xi32, #tpu.memory_space<hbm>> -> memref<16x128xi32, #tpu.memory_space<hbm>>
        tpu.enqueue_dma source(%dma_start3A_517 : memref<16x128xi32, #tpu.memory_space<hbm>>) target(%arg6 : memref<16x128xi32, #tpu.memory_space<vmem>>) target_semaphore(%run_scoped3A_513 : memref<!tpu.dma_semaphore, #tpu.memory_space<semaphore_mem>>)
        %dma_wait3A_518 = arith.constant 0 : i32
        %dma_wait3A_519 = tpu.memref_slice %arg3[%multiple_of3A_271, %dma_wait3A_518] : memref<2560x128xi32, #tpu.memory_space<hbm>> -> memref<16x128xi32, #tpu.memory_space<hbm>>
        %dma_wait3A_520 = arith.constant 0 : i32
        %dma_wait3A_521 = tpu.memref_slice %arg3[%multiple_of3A_271, %dma_wait3A_520] : memref<2560x128xi32, #tpu.memory_space<hbm>> -> memref<16x128xi32, #tpu.memory_space<hbm>>
        tpu.wait_dma2 semaphore(%run_scoped3A_513 : memref<!tpu.dma_semaphore, #tpu.memory_space<semaphore_mem>>) src(%dma_wait3A_521 : memref<16x128xi32, #tpu.memory_space<hbm>>) dst(%arg6 : memref<16x128xi32, #tpu.memory_space<vmem>>)
        tpu.yield
      }) : () -> ()
      "tpu.region"() ({
        %run_scoped3A_513 = tpu.sem_alloc : memref<!tpu.dma_semaphore, #tpu.memory_space<semaphore_mem>>
        %dma_start3A_514 = arith.constant 0 : i32
        %dma_start3A_515 = tpu.memref_slice %arg4[%multiple_of3A_271, %dma_start3A_514] : memref<2560x128xi32, #tpu.memory_space<hbm>> -> memref<16x128xi32, #tpu.memory_space<hbm>>
        %dma_start3A_516 = arith.constant 0 : i32
        %dma_start3A_517 = tpu.memref_slice %arg4[%multiple_of3A_271, %dma_start3A_516] : memref<2560x128xi32, #tpu.memory_space<hbm>> -> memref<16x128xi32, #tpu.memory_space<hbm>>
        tpu.enqueue_dma source(%dma_start3A_517 : memref<16x128xi32, #tpu.memory_space<hbm>>) target(%arg7 : memref<16x128xi32, #tpu.memory_space<vmem>>) target_semaphore(%run_scoped3A_513 : memref<!tpu.dma_semaphore, #tpu.memory_space<semaphore_mem>>)
        %dma_wait3A_518 = arith.constant 0 : i32
        %dma_wait3A_519 = tpu.memref_slice %arg4[%multiple_of3A_271, %dma_wait3A_518] : memref<2560x128xi32, #tpu.memory_space<hbm>> -> memref<16x128xi32, #tpu.memory_space<hbm>>
        %dma_wait3A_520 = arith.constant 0 : i32
        %dma_wait3A_521 = tpu.memref_slice %arg4[%multiple_of3A_271, %dma_wait3A_520] : memref<2560x128xi32, #tpu.memory_space<hbm>> -> memref<16x128xi32, #tpu.memory_space<hbm>>
        tpu.wait_dma2 semaphore(%run_scoped3A_513 : memref<!tpu.dma_semaphore, #tpu.memory_space<semaphore_mem>>) src(%dma_wait3A_521 : memref<16x128xi32, #tpu.memory_space<hbm>>) dst(%arg7 : memref<16x128xi32, #tpu.memory_space<vmem>>)
        tpu.yield
      }) : () -> ()
      %dma_start3A_272 = arith.constant 0 : i32
      %dma_start3A_273 = arith.constant 0 : i32
      %dma_start3A_274 = tpu.memref_slice %arg6[%dma_start3A_272, %dma_start3A_273] : memref<16x128xi32, #tpu.memory_space<vmem>> -> memref<1x128xi32, #tpu.memory_space<vmem>>
      %dma_start3A_275 = tpu.memref_squeeze %dma_start3A_274 : memref<1x128xi32, #tpu.memory_space<vmem>> -> memref<128xi32, #tpu.memory_space<vmem>>
      %dma_start3A_276 = arith.constant 0 : i32
      %dma_start3A_277 = arith.constant 0 : i32
      %dma_start3A_278 = tpu.memref_slice %arg2[%dma_start3A_276, %dma_start3A_277] : memref<10000x128xf32, #tpu.memory_space<hbm>> -> memref<10000x128xf32, #tpu.memory_space<hbm>>
      tpu.enqueue_indirect_dma source(%dma_start3A_278 : memref<10000x128xf32, #tpu.memory_space<hbm>>) target(%arg9 : memref<128x128xf32, #tpu.memory_space<vmem>>) offsets(%dma_start3A_275 : memref<128xi32, #tpu.memory_space<vmem>>) semaphore(%arg12 : memref<!tpu.dma_semaphore, #tpu.memory_space<semaphore_mem>>)
      %dma_start3A_279 = arith.constant 1 : i32
      %dma_start3A_280 = arith.constant 0 : i32
      %dma_start3A_281 = tpu.memref_slice %arg6[%dma_start3A_279, %dma_start3A_280] : memref<16x128xi32, #tpu.memory_space<vmem>> -> memref<1x128xi32, #tpu.memory_space<vmem>>
      %dma_start3A_282 = tpu.memref_squeeze %dma_start3A_281 : memref<1x128xi32, #tpu.memory_space<vmem>> -> memref<128xi32, #tpu.memory_space<vmem>>
      %dma_start3A_283 = arith.constant 0 : i32
      %dma_start3A_284 = arith.constant 0 : i32
      %dma_start3A_285 = tpu.memref_slice %arg2[%dma_start3A_283, %dma_start3A_284] : memref<10000x128xf32, #tpu.memory_space<hbm>> -> memref<10000x128xf32, #tpu.memory_space<hbm>>
      tpu.enqueue_indirect_dma source(%dma_start3A_285 : memref<10000x128xf32, #tpu.memory_space<hbm>>) target(%arg8 : memref<128x128xf32, #tpu.memory_space<vmem>>) offsets(%dma_start3A_282 : memref<128xi32, #tpu.memory_space<vmem>>) semaphore(%arg11 : memref<!tpu.dma_semaphore, #tpu.memory_space<semaphore_mem>>)
      %dma_wait3A_286 = arith.constant 0 : i32
      %dma_wait3A_287 = arith.constant 0 : i32
      %dma_wait3A_288 = tpu.memref_slice %arg6[%dma_wait3A_286, %dma_wait3A_287] : memref<16x128xi32, #tpu.memory_space<vmem>> -> memref<1x128xi32, #tpu.memory_space<vmem>>
      %dma_wait3A_289 = tpu.memref_squeeze %dma_wait3A_288 : memref<1x128xi32, #tpu.memory_space<vmem>> -> memref<128xi32, #tpu.memory_space<vmem>>
      %dma_wait3A_290 = arith.constant 0 : i32
      %dma_wait3A_291 = arith.constant 0 : i32
      %dma_wait3A_292 = tpu.memref_slice %arg2[%dma_wait3A_290, %dma_wait3A_291] : memref<10000x128xf32, #tpu.memory_space<hbm>> -> memref<10000x128xf32, #tpu.memory_space<hbm>>
      tpu.wait_indirect_dma semaphore(%arg12 : memref<!tpu.dma_semaphore, #tpu.memory_space<semaphore_mem>>) src(%dma_wait3A_292 : memref<10000x128xf32, #tpu.memory_space<hbm>>) dst(%arg9 : memref<128x128xf32, #tpu.memory_space<vmem>>)
      %run_scoped3A_293 = arith.constant 0 : i32
      "tpu.region"() ({
        %run_scoped3A_513 = tpu.sem_alloc : memref<!tpu.dma_semaphore, #tpu.memory_space<semaphore_mem>>
        %dma_start3A_514 = arith.constant 0 : i32
        %dma_start3A_515 = tpu.memref_slice %arg7[%run_scoped3A_293, %dma_start3A_514] : memref<16x128xi32, #tpu.memory_space<vmem>> -> memref<1x128xi32, #tpu.memory_space<vmem>>
        %dma_start3A_516 = tpu.memref_squeeze %dma_start3A_515 : memref<1x128xi32, #tpu.memory_space<vmem>> -> memref<128xi32, #tpu.memory_space<vmem>>
        %dma_start3A_517 = arith.constant 0 : i32
        %dma_start3A_518 = arith.constant 0 : i32
        %dma_start3A_519 = tpu.memref_slice %arg10[%dma_start3A_517, %dma_start3A_518] : memref<10240x128xf32, #tpu.memory_space<vmem_shared>> -> memref<10240x128xf32, #tpu.memory_space<vmem_shared>>
        tpu.enqueue_indirect_dma source(%arg9 : memref<128x128xf32, #tpu.memory_space<vmem>>) target(%dma_start3A_519 : memref<10240x128xf32, #tpu.memory_space<vmem_shared>>) offsets(%dma_start3A_516 : memref<128xi32, #tpu.memory_space<vmem>>) semaphore(%run_scoped3A_513 : memref<!tpu.dma_semaphore, #tpu.memory_space<semaphore_mem>>) {add = true}
        %dma_wait3A_520 = arith.constant 0 : i32
        %dma_wait3A_521 = tpu.memref_slice %arg7[%run_scoped3A_293, %dma_wait3A_520] : memref<16x128xi32, #tpu.memory_space<vmem>> -> memref<1x128xi32, #tpu.memory_space<vmem>>
        %dma_wait3A_522 = tpu.memref_squeeze %dma_wait3A_521 : memref<1x128xi32, #tpu.memory_space<vmem>> -> memref<128xi32, #tpu.memory_space<vmem>>
        %dma_wait3A_523 = arith.constant 0 : i32
        %dma_wait3A_524 = arith.constant 0 : i32
        %dma_wait3A_525 = tpu.memref_slice %arg10[%dma_wait3A_523, %dma_wait3A_524] : memref<10240x128xf32, #tpu.memory_space<vmem_shared>> -> memref<10240x128xf32, #tpu.memory_space<vmem_shared>>
        tpu.wait_indirect_dma semaphore(%run_scoped3A_513 : memref<!tpu.dma_semaphore, #tpu.memory_space<semaphore_mem>>) src(%arg9 : memref<128x128xf32, #tpu.memory_space<vmem>>) dst(%dma_wait3A_525 : memref<10240x128xf32, #tpu.memory_space<vmem_shared>>)
        tpu.yield
      }) : () -> ()
      %dma_start3A_294 = arith.constant 2 : i32
      %dma_start3A_295 = arith.constant 0 : i32
      %dma_start3A_296 = tpu.memref_slice %arg6[%dma_start3A_294, %dma_start3A_295] : memref<16x128xi32, #tpu.memory_space<vmem>> -> memref<1x128xi32, #tpu.memory_space<vmem>>
      %dma_start3A_297 = tpu.memref_squeeze %dma_start3A_296 : memref<1x128xi32, #tpu.memory_space<vmem>> -> memref<128xi32, #tpu.memory_space<vmem>>
      %dma_start3A_298 = arith.constant 0 : i32
      %dma_start3A_299 = arith.constant 0 : i32
      %dma_start3A_300 = tpu.memref_slice %arg2[%dma_start3A_298, %dma_start3A_299] : memref<10000x128xf32, #tpu.memory_space<hbm>> -> memref<10000x128xf32, #tpu.memory_space<hbm>>
      tpu.enqueue_indirect_dma source(%dma_start3A_300 : memref<10000x128xf32, #tpu.memory_space<hbm>>) target(%arg9 : memref<128x128xf32, #tpu.memory_space<vmem>>) offsets(%dma_start3A_297 : memref<128xi32, #tpu.memory_space<vmem>>) semaphore(%arg12 : memref<!tpu.dma_semaphore, #tpu.memory_space<semaphore_mem>>)
      %dma_wait3A_301 = arith.constant 1 : i32
      %dma_wait3A_302 = arith.constant 0 : i32
      %dma_wait3A_303 = tpu.memref_slice %arg6[%dma_wait3A_301, %dma_wait3A_302] : memref<16x128xi32, #tpu.memory_space<vmem>> -> memref<1x128xi32, #tpu.memory_space<vmem>>
      %dma_wait3A_304 = tpu.memref_squeeze %dma_wait3A_303 : memref<1x128xi32, #tpu.memory_space<vmem>> -> memref<128xi32, #tpu.memory_space<vmem>>
      %dma_wait3A_305 = arith.constant 0 : i32
      %dma_wait3A_306 = arith.constant 0 : i32
      %dma_wait3A_307 = tpu.memref_slice %arg2[%dma_wait3A_305, %dma_wait3A_306] : memref<10000x128xf32, #tpu.memory_space<hbm>> -> memref<10000x128xf32, #tpu.memory_space<hbm>>
      tpu.wait_indirect_dma semaphore(%arg11 : memref<!tpu.dma_semaphore, #tpu.memory_space<semaphore_mem>>) src(%dma_wait3A_307 : memref<10000x128xf32, #tpu.memory_space<hbm>>) dst(%arg8 : memref<128x128xf32, #tpu.memory_space<vmem>>)
      %run_scoped3A_308 = arith.constant 1 : i32
      "tpu.region"() ({
        %run_scoped3A_513 = tpu.sem_alloc : memref<!tpu.dma_semaphore, #tpu.memory_space<semaphore_mem>>
        %dma_start3A_514 = arith.constant 0 : i32
        %dma_start3A_515 = tpu.memref_slice %arg7[%run_scoped3A_308, %dma_start3A_514] : memref<16x128xi32, #tpu.memory_space<vmem>> -> memref<1x128xi32, #tpu.memory_space<vmem>>
        %dma_start3A_516 = tpu.memref_squeeze %dma_start3A_515 : memref<1x128xi32, #tpu.memory_space<vmem>> -> memref<128xi32, #tpu.memory_space<vmem>>
        %dma_start3A_517 = arith.constant 0 : i32
        %dma_start3A_518 = arith.constant 0 : i32
        %dma_start3A_519 = tpu.memref_slice %arg10[%dma_start3A_517, %dma_start3A_518] : memref<10240x128xf32, #tpu.memory_space<vmem_shared>> -> memref<10240x128xf32, #tpu.memory_space<vmem_shared>>
        tpu.enqueue_indirect_dma source(%arg8 : memref<128x128xf32, #tpu.memory_space<vmem>>) target(%dma_start3A_519 : memref<10240x128xf32, #tpu.memory_space<vmem_shared>>) offsets(%dma_start3A_516 : memref<128xi32, #tpu.memory_space<vmem>>) semaphore(%run_scoped3A_513 : memref<!tpu.dma_semaphore, #tpu.memory_space<semaphore_mem>>) {add = true}
        %dma_wait3A_520 = arith.constant 0 : i32
        %dma_wait3A_521 = tpu.memref_slice %arg7[%run_scoped3A_308, %dma_wait3A_520] : memref<16x128xi32, #tpu.memory_space<vmem>> -> memref<1x128xi32, #tpu.memory_space<vmem>>
        %dma_wait3A_522 = tpu.memref_squeeze %dma_wait3A_521 : memref<1x128xi32, #tpu.memory_space<vmem>> -> memref<128xi32, #tpu.memory_space<vmem>>
        %dma_wait3A_523 = arith.constant 0 : i32
        %dma_wait3A_524 = arith.constant 0 : i32
        %dma_wait3A_525 = tpu.memref_slice %arg10[%dma_wait3A_523, %dma_wait3A_524] : memref<10240x128xf32, #tpu.memory_space<vmem_shared>> -> memref<10240x128xf32, #tpu.memory_space<vmem_shared>>
        tpu.wait_indirect_dma semaphore(%run_scoped3A_513 : memref<!tpu.dma_semaphore, #tpu.memory_space<semaphore_mem>>) src(%arg8 : memref<128x128xf32, #tpu.memory_space<vmem>>) dst(%dma_wait3A_525 : memref<10240x128xf32, #tpu.memory_space<vmem_shared>>)
        tpu.yield
      }) : () -> ()
      %dma_start3A_309 = arith.constant 3 : i32
      %dma_start3A_310 = arith.constant 0 : i32
      %dma_start3A_311 = tpu.memref_slice %arg6[%dma_start3A_309, %dma_start3A_310] : memref<16x128xi32, #tpu.memory_space<vmem>> -> memref<1x128xi32, #tpu.memory_space<vmem>>
      %dma_start3A_312 = tpu.memref_squeeze %dma_start3A_311 : memref<1x128xi32, #tpu.memory_space<vmem>> -> memref<128xi32, #tpu.memory_space<vmem>>
      %dma_start3A_313 = arith.constant 0 : i32
      %dma_start3A_314 = arith.constant 0 : i32
      %dma_start3A_315 = tpu.memref_slice %arg2[%dma_start3A_313, %dma_start3A_314] : memref<10000x128xf32, #tpu.memory_space<hbm>> -> memref<10000x128xf32, #tpu.memory_space<hbm>>
      tpu.enqueue_indirect_dma source(%dma_start3A_315 : memref<10000x128xf32, #tpu.memory_space<hbm>>) target(%arg8 : memref<128x128xf32, #tpu.memory_space<vmem>>) offsets(%dma_start3A_312 : memref<128xi32, #tpu.memory_space<vmem>>) semaphore(%arg11 : memref<!tpu.dma_semaphore, #tpu.memory_space<semaphore_mem>>)
      %dma_wait3A_316 = arith.constant 2 : i32
      %dma_wait3A_317 = arith.constant 0 : i32
      %dma_wait3A_318 = tpu.memref_slice %arg6[%dma_wait3A_316, %dma_wait3A_317] : memref<16x128xi32, #tpu.memory_space<vmem>> -> memref<1x128xi32, #tpu.memory_space<vmem>>
      %dma_wait3A_319 = tpu.memref_squeeze %dma_wait3A_318 : memref<1x128xi32, #tpu.memory_space<vmem>> -> memref<128xi32, #tpu.memory_space<vmem>>
      %dma_wait3A_320 = arith.constant 0 : i32
      %dma_wait3A_321 = arith.constant 0 : i32
      %dma_wait3A_322 = tpu.memref_slice %arg2[%dma_wait3A_320, %dma_wait3A_321] : memref<10000x128xf32, #tpu.memory_space<hbm>> -> memref<10000x128xf32, #tpu.memory_space<hbm>>
      tpu.wait_indirect_dma semaphore(%arg12 : memref<!tpu.dma_semaphore, #tpu.memory_space<semaphore_mem>>) src(%dma_wait3A_322 : memref<10000x128xf32, #tpu.memory_space<hbm>>) dst(%arg9 : memref<128x128xf32, #tpu.memory_space<vmem>>)
      %run_scoped3A_323 = arith.constant 2 : i32
      "tpu.region"() ({
        %run_scoped3A_513 = tpu.sem_alloc : memref<!tpu.dma_semaphore, #tpu.memory_space<semaphore_mem>>
        %dma_start3A_514 = arith.constant 0 : i32
        %dma_start3A_515 = tpu.memref_slice %arg7[%run_scoped3A_323, %dma_start3A_514] : memref<16x128xi32, #tpu.memory_space<vmem>> -> memref<1x128xi32, #tpu.memory_space<vmem>>
        %dma_start3A_516 = tpu.memref_squeeze %dma_start3A_515 : memref<1x128xi32, #tpu.memory_space<vmem>> -> memref<128xi32, #tpu.memory_space<vmem>>
        %dma_start3A_517 = arith.constant 0 : i32
        %dma_start3A_518 = arith.constant 0 : i32
        %dma_start3A_519 = tpu.memref_slice %arg10[%dma_start3A_517, %dma_start3A_518] : memref<10240x128xf32, #tpu.memory_space<vmem_shared>> -> memref<10240x128xf32, #tpu.memory_space<vmem_shared>>
        tpu.enqueue_indirect_dma source(%arg9 : memref<128x128xf32, #tpu.memory_space<vmem>>) target(%dma_start3A_519 : memref<10240x128xf32, #tpu.memory_space<vmem_shared>>) offsets(%dma_start3A_516 : memref<128xi32, #tpu.memory_space<vmem>>) semaphore(%run_scoped3A_513 : memref<!tpu.dma_semaphore, #tpu.memory_space<semaphore_mem>>) {add = true}
        %dma_wait3A_520 = arith.constant 0 : i32
        %dma_wait3A_521 = tpu.memref_slice %arg7[%run_scoped3A_323, %dma_wait3A_520] : memref<16x128xi32, #tpu.memory_space<vmem>> -> memref<1x128xi32, #tpu.memory_space<vmem>>
        %dma_wait3A_522 = tpu.memref_squeeze %dma_wait3A_521 : memref<1x128xi32, #tpu.memory_space<vmem>> -> memref<128xi32, #tpu.memory_space<vmem>>
        %dma_wait3A_523 = arith.constant 0 : i32
        %dma_wait3A_524 = arith.constant 0 : i32
        %dma_wait3A_525 = tpu.memref_slice %arg10[%dma_wait3A_523, %dma_wait3A_524] : memref<10240x128xf32, #tpu.memory_space<vmem_shared>> -> memref<10240x128xf32, #tpu.memory_space<vmem_shared>>
        tpu.wait_indirect_dma semaphore(%run_scoped3A_513 : memref<!tpu.dma_semaphore, #tpu.memory_space<semaphore_mem>>) src(%arg9 : memref<128x128xf32, #tpu.memory_space<vmem>>) dst(%dma_wait3A_525 : memref<10240x128xf32, #tpu.memory_space<vmem_shared>>)
        tpu.yield
      }) : () -> ()
      %dma_start3A_324 = arith.constant 4 : i32
      %dma_start3A_325 = arith.constant 0 : i32
      %dma_start3A_326 = tpu.memref_slice %arg6[%dma_start3A_324, %dma_start3A_325] : memref<16x128xi32, #tpu.memory_space<vmem>> -> memref<1x128xi32, #tpu.memory_space<vmem>>
      %dma_start3A_327 = tpu.memref_squeeze %dma_start3A_326 : memref<1x128xi32, #tpu.memory_space<vmem>> -> memref<128xi32, #tpu.memory_space<vmem>>
      %dma_start3A_328 = arith.constant 0 : i32
      %dma_start3A_329 = arith.constant 0 : i32
      %dma_start3A_330 = tpu.memref_slice %arg2[%dma_start3A_328, %dma_start3A_329] : memref<10000x128xf32, #tpu.memory_space<hbm>> -> memref<10000x128xf32, #tpu.memory_space<hbm>>
      tpu.enqueue_indirect_dma source(%dma_start3A_330 : memref<10000x128xf32, #tpu.memory_space<hbm>>) target(%arg9 : memref<128x128xf32, #tpu.memory_space<vmem>>) offsets(%dma_start3A_327 : memref<128xi32, #tpu.memory_space<vmem>>) semaphore(%arg12 : memref<!tpu.dma_semaphore, #tpu.memory_space<semaphore_mem>>)
      %dma_wait3A_331 = arith.constant 3 : i32
      %dma_wait3A_332 = arith.constant 0 : i32
      %dma_wait3A_333 = tpu.memref_slice %arg6[%dma_wait3A_331, %dma_wait3A_332] : memref<16x128xi32, #tpu.memory_space<vmem>> -> memref<1x128xi32, #tpu.memory_space<vmem>>
      %dma_wait3A_334 = tpu.memref_squeeze %dma_wait3A_333 : memref<1x128xi32, #tpu.memory_space<vmem>> -> memref<128xi32, #tpu.memory_space<vmem>>
      %dma_wait3A_335 = arith.constant 0 : i32
      %dma_wait3A_336 = arith.constant 0 : i32
      %dma_wait3A_337 = tpu.memref_slice %arg2[%dma_wait3A_335, %dma_wait3A_336] : memref<10000x128xf32, #tpu.memory_space<hbm>> -> memref<10000x128xf32, #tpu.memory_space<hbm>>
      tpu.wait_indirect_dma semaphore(%arg11 : memref<!tpu.dma_semaphore, #tpu.memory_space<semaphore_mem>>) src(%dma_wait3A_337 : memref<10000x128xf32, #tpu.memory_space<hbm>>) dst(%arg8 : memref<128x128xf32, #tpu.memory_space<vmem>>)
      %run_scoped3A_338 = arith.constant 3 : i32
      "tpu.region"() ({
        %run_scoped3A_513 = tpu.sem_alloc : memref<!tpu.dma_semaphore, #tpu.memory_space<semaphore_mem>>
        %dma_start3A_514 = arith.constant 0 : i32
        %dma_start3A_515 = tpu.memref_slice %arg7[%run_scoped3A_338, %dma_start3A_514] : memref<16x128xi32, #tpu.memory_space<vmem>> -> memref<1x128xi32, #tpu.memory_space<vmem>>
        %dma_start3A_516 = tpu.memref_squeeze %dma_start3A_515 : memref<1x128xi32, #tpu.memory_space<vmem>> -> memref<128xi32, #tpu.memory_space<vmem>>
        %dma_start3A_517 = arith.constant 0 : i32
        %dma_start3A_518 = arith.constant 0 : i32
        %dma_start3A_519 = tpu.memref_slice %arg10[%dma_start3A_517, %dma_start3A_518] : memref<10240x128xf32, #tpu.memory_space<vmem_shared>> -> memref<10240x128xf32, #tpu.memory_space<vmem_shared>>
        tpu.enqueue_indirect_dma source(%arg8 : memref<128x128xf32, #tpu.memory_space<vmem>>) target(%dma_start3A_519 : memref<10240x128xf32, #tpu.memory_space<vmem_shared>>) offsets(%dma_start3A_516 : memref<128xi32, #tpu.memory_space<vmem>>) semaphore(%run_scoped3A_513 : memref<!tpu.dma_semaphore, #tpu.memory_space<semaphore_mem>>) {add = true}
        %dma_wait3A_520 = arith.constant 0 : i32
        %dma_wait3A_521 = tpu.memref_slice %arg7[%run_scoped3A_338, %dma_wait3A_520] : memref<16x128xi32, #tpu.memory_space<vmem>> -> memref<1x128xi32, #tpu.memory_space<vmem>>
        %dma_wait3A_522 = tpu.memref_squeeze %dma_wait3A_521 : memref<1x128xi32, #tpu.memory_space<vmem>> -> memref<128xi32, #tpu.memory_space<vmem>>
        %dma_wait3A_523 = arith.constant 0 : i32
        %dma_wait3A_524 = arith.constant 0 : i32
        %dma_wait3A_525 = tpu.memref_slice %arg10[%dma_wait3A_523, %dma_wait3A_524] : memref<10240x128xf32, #tpu.memory_space<vmem_shared>> -> memref<10240x128xf32, #tpu.memory_space<vmem_shared>>
        tpu.wait_indirect_dma semaphore(%run_scoped3A_513 : memref<!tpu.dma_semaphore, #tpu.memory_space<semaphore_mem>>) src(%arg8 : memref<128x128xf32, #tpu.memory_space<vmem>>) dst(%dma_wait3A_525 : memref<10240x128xf32, #tpu.memory_space<vmem_shared>>)
        tpu.yield
      }) : () -> ()
      %dma_start3A_339 = arith.constant 5 : i32
      %dma_start3A_340 = arith.constant 0 : i32
      %dma_start3A_341 = tpu.memref_slice %arg6[%dma_start3A_339, %dma_start3A_340] : memref<16x128xi32, #tpu.memory_space<vmem>> -> memref<1x128xi32, #tpu.memory_space<vmem>>
      %dma_start3A_342 = tpu.memref_squeeze %dma_start3A_341 : memref<1x128xi32, #tpu.memory_space<vmem>> -> memref<128xi32, #tpu.memory_space<vmem>>
      %dma_start3A_343 = arith.constant 0 : i32
      %dma_start3A_344 = arith.constant 0 : i32
      %dma_start3A_345 = tpu.memref_slice %arg2[%dma_start3A_343, %dma_start3A_344] : memref<10000x128xf32, #tpu.memory_space<hbm>> -> memref<10000x128xf32, #tpu.memory_space<hbm>>
      tpu.enqueue_indirect_dma source(%dma_start3A_345 : memref<10000x128xf32, #tpu.memory_space<hbm>>) target(%arg8 : memref<128x128xf32, #tpu.memory_space<vmem>>) offsets(%dma_start3A_342 : memref<128xi32, #tpu.memory_space<vmem>>) semaphore(%arg11 : memref<!tpu.dma_semaphore, #tpu.memory_space<semaphore_mem>>)
      %dma_wait3A_346 = arith.constant 4 : i32
      %dma_wait3A_347 = arith.constant 0 : i32
      %dma_wait3A_348 = tpu.memref_slice %arg6[%dma_wait3A_346, %dma_wait3A_347] : memref<16x128xi32, #tpu.memory_space<vmem>> -> memref<1x128xi32, #tpu.memory_space<vmem>>
      %dma_wait3A_349 = tpu.memref_squeeze %dma_wait3A_348 : memref<1x128xi32, #tpu.memory_space<vmem>> -> memref<128xi32, #tpu.memory_space<vmem>>
      %dma_wait3A_350 = arith.constant 0 : i32
      %dma_wait3A_351 = arith.constant 0 : i32
      %dma_wait3A_352 = tpu.memref_slice %arg2[%dma_wait3A_350, %dma_wait3A_351] : memref<10000x128xf32, #tpu.memory_space<hbm>> -> memref<10000x128xf32, #tpu.memory_space<hbm>>
      tpu.wait_indirect_dma semaphore(%arg12 : memref<!tpu.dma_semaphore, #tpu.memory_space<semaphore_mem>>) src(%dma_wait3A_352 : memref<10000x128xf32, #tpu.memory_space<hbm>>) dst(%arg9 : memref<128x128xf32, #tpu.memory_space<vmem>>)
      %run_scoped3A_353 = arith.constant 4 : i32
      "tpu.region"() ({
        %run_scoped3A_513 = tpu.sem_alloc : memref<!tpu.dma_semaphore, #tpu.memory_space<semaphore_mem>>
        %dma_start3A_514 = arith.constant 0 : i32
        %dma_start3A_515 = tpu.memref_slice %arg7[%run_scoped3A_353, %dma_start3A_514] : memref<16x128xi32, #tpu.memory_space<vmem>> -> memref<1x128xi32, #tpu.memory_space<vmem>>
        %dma_start3A_516 = tpu.memref_squeeze %dma_start3A_515 : memref<1x128xi32, #tpu.memory_space<vmem>> -> memref<128xi32, #tpu.memory_space<vmem>>
        %dma_start3A_517 = arith.constant 0 : i32
        %dma_start3A_518 = arith.constant 0 : i32
        %dma_start3A_519 = tpu.memref_slice %arg10[%dma_start3A_517, %dma_start3A_518] : memref<10240x128xf32, #tpu.memory_space<vmem_shared>> -> memref<10240x128xf32, #tpu.memory_space<vmem_shared>>
        tpu.enqueue_indirect_dma source(%arg9 : memref<128x128xf32, #tpu.memory_space<vmem>>) target(%dma_start3A_519 : memref<10240x128xf32, #tpu.memory_space<vmem_shared>>) offsets(%dma_start3A_516 : memref<128xi32, #tpu.memory_space<vmem>>) semaphore(%run_scoped3A_513 : memref<!tpu.dma_semaphore, #tpu.memory_space<semaphore_mem>>) {add = true}
        %dma_wait3A_520 = arith.constant 0 : i32
        %dma_wait3A_521 = tpu.memref_slice %arg7[%run_scoped3A_353, %dma_wait3A_520] : memref<16x128xi32, #tpu.memory_space<vmem>> -> memref<1x128xi32, #tpu.memory_space<vmem>>
        %dma_wait3A_522 = tpu.memref_squeeze %dma_wait3A_521 : memref<1x128xi32, #tpu.memory_space<vmem>> -> memref<128xi32, #tpu.memory_space<vmem>>
        %dma_wait3A_523 = arith.constant 0 : i32
        %dma_wait3A_524 = arith.constant 0 : i32
        %dma_wait3A_525 = tpu.memref_slice %arg10[%dma_wait3A_523, %dma_wait3A_524] : memref<10240x128xf32, #tpu.memory_space<vmem_shared>> -> memref<10240x128xf32, #tpu.memory_space<vmem_shared>>
        tpu.wait_indirect_dma semaphore(%run_scoped3A_513 : memref<!tpu.dma_semaphore, #tpu.memory_space<semaphore_mem>>) src(%arg9 : memref<128x128xf32, #tpu.memory_space<vmem>>) dst(%dma_wait3A_525 : memref<10240x128xf32, #tpu.memory_space<vmem_shared>>)
        tpu.yield
      }) : () -> ()
      %dma_start3A_354 = arith.constant 6 : i32
      %dma_start3A_355 = arith.constant 0 : i32
      %dma_start3A_356 = tpu.memref_slice %arg6[%dma_start3A_354, %dma_start3A_355] : memref<16x128xi32, #tpu.memory_space<vmem>> -> memref<1x128xi32, #tpu.memory_space<vmem>>
      %dma_start3A_357 = tpu.memref_squeeze %dma_start3A_356 : memref<1x128xi32, #tpu.memory_space<vmem>> -> memref<128xi32, #tpu.memory_space<vmem>>
      %dma_start3A_358 = arith.constant 0 : i32
      %dma_start3A_359 = arith.constant 0 : i32
      %dma_start3A_360 = tpu.memref_slice %arg2[%dma_start3A_358, %dma_start3A_359] : memref<10000x128xf32, #tpu.memory_space<hbm>> -> memref<10000x128xf32, #tpu.memory_space<hbm>>
      tpu.enqueue_indirect_dma source(%dma_start3A_360 : memref<10000x128xf32, #tpu.memory_space<hbm>>) target(%arg9 : memref<128x128xf32, #tpu.memory_space<vmem>>) offsets(%dma_start3A_357 : memref<128xi32, #tpu.memory_space<vmem>>) semaphore(%arg12 : memref<!tpu.dma_semaphore, #tpu.memory_space<semaphore_mem>>)
      %dma_wait3A_361 = arith.constant 5 : i32
      %dma_wait3A_362 = arith.constant 0 : i32
      %dma_wait3A_363 = tpu.memref_slice %arg6[%dma_wait3A_361, %dma_wait3A_362] : memref<16x128xi32, #tpu.memory_space<vmem>> -> memref<1x128xi32, #tpu.memory_space<vmem>>
      %dma_wait3A_364 = tpu.memref_squeeze %dma_wait3A_363 : memref<1x128xi32, #tpu.memory_space<vmem>> -> memref<128xi32, #tpu.memory_space<vmem>>
      %dma_wait3A_365 = arith.constant 0 : i32
      %dma_wait3A_366 = arith.constant 0 : i32
      %dma_wait3A_367 = tpu.memref_slice %arg2[%dma_wait3A_365, %dma_wait3A_366] : memref<10000x128xf32, #tpu.memory_space<hbm>> -> memref<10000x128xf32, #tpu.memory_space<hbm>>
      tpu.wait_indirect_dma semaphore(%arg11 : memref<!tpu.dma_semaphore, #tpu.memory_space<semaphore_mem>>) src(%dma_wait3A_367 : memref<10000x128xf32, #tpu.memory_space<hbm>>) dst(%arg8 : memref<128x128xf32, #tpu.memory_space<vmem>>)
      %run_scoped3A_368 = arith.constant 5 : i32
      "tpu.region"() ({
        %run_scoped3A_513 = tpu.sem_alloc : memref<!tpu.dma_semaphore, #tpu.memory_space<semaphore_mem>>
        %dma_start3A_514 = arith.constant 0 : i32
        %dma_start3A_515 = tpu.memref_slice %arg7[%run_scoped3A_368, %dma_start3A_514] : memref<16x128xi32, #tpu.memory_space<vmem>> -> memref<1x128xi32, #tpu.memory_space<vmem>>
        %dma_start3A_516 = tpu.memref_squeeze %dma_start3A_515 : memref<1x128xi32, #tpu.memory_space<vmem>> -> memref<128xi32, #tpu.memory_space<vmem>>
        %dma_start3A_517 = arith.constant 0 : i32
        %dma_start3A_518 = arith.constant 0 : i32
        %dma_start3A_519 = tpu.memref_slice %arg10[%dma_start3A_517, %dma_start3A_518] : memref<10240x128xf32, #tpu.memory_space<vmem_shared>> -> memref<10240x128xf32, #tpu.memory_space<vmem_shared>>
        tpu.enqueue_indirect_dma source(%arg8 : memref<128x128xf32, #tpu.memory_space<vmem>>) target(%dma_start3A_519 : memref<10240x128xf32, #tpu.memory_space<vmem_shared>>) offsets(%dma_start3A_516 : memref<128xi32, #tpu.memory_space<vmem>>) semaphore(%run_scoped3A_513 : memref<!tpu.dma_semaphore, #tpu.memory_space<semaphore_mem>>) {add = true}
        %dma_wait3A_520 = arith.constant 0 : i32
        %dma_wait3A_521 = tpu.memref_slice %arg7[%run_scoped3A_368, %dma_wait3A_520] : memref<16x128xi32, #tpu.memory_space<vmem>> -> memref<1x128xi32, #tpu.memory_space<vmem>>
        %dma_wait3A_522 = tpu.memref_squeeze %dma_wait3A_521 : memref<1x128xi32, #tpu.memory_space<vmem>> -> memref<128xi32, #tpu.memory_space<vmem>>
        %dma_wait3A_523 = arith.constant 0 : i32
        %dma_wait3A_524 = arith.constant 0 : i32
        %dma_wait3A_525 = tpu.memref_slice %arg10[%dma_wait3A_523, %dma_wait3A_524] : memref<10240x128xf32, #tpu.memory_space<vmem_shared>> -> memref<10240x128xf32, #tpu.memory_space<vmem_shared>>
        tpu.wait_indirect_dma semaphore(%run_scoped3A_513 : memref<!tpu.dma_semaphore, #tpu.memory_space<semaphore_mem>>) src(%arg8 : memref<128x128xf32, #tpu.memory_space<vmem>>) dst(%dma_wait3A_525 : memref<10240x128xf32, #tpu.memory_space<vmem_shared>>)
        tpu.yield
      }) : () -> ()
      %dma_start3A_369 = arith.constant 7 : i32
      %dma_start3A_370 = arith.constant 0 : i32
      %dma_start3A_371 = tpu.memref_slice %arg6[%dma_start3A_369, %dma_start3A_370] : memref<16x128xi32, #tpu.memory_space<vmem>> -> memref<1x128xi32, #tpu.memory_space<vmem>>
      %dma_start3A_372 = tpu.memref_squeeze %dma_start3A_371 : memref<1x128xi32, #tpu.memory_space<vmem>> -> memref<128xi32, #tpu.memory_space<vmem>>
      %dma_start3A_373 = arith.constant 0 : i32
      %dma_start3A_374 = arith.constant 0 : i32
      %dma_start3A_375 = tpu.memref_slice %arg2[%dma_start3A_373, %dma_start3A_374] : memref<10000x128xf32, #tpu.memory_space<hbm>> -> memref<10000x128xf32, #tpu.memory_space<hbm>>
      tpu.enqueue_indirect_dma source(%dma_start3A_375 : memref<10000x128xf32, #tpu.memory_space<hbm>>) target(%arg8 : memref<128x128xf32, #tpu.memory_space<vmem>>) offsets(%dma_start3A_372 : memref<128xi32, #tpu.memory_space<vmem>>) semaphore(%arg11 : memref<!tpu.dma_semaphore, #tpu.memory_space<semaphore_mem>>)
      %dma_wait3A_376 = arith.constant 6 : i32
      %dma_wait3A_377 = arith.constant 0 : i32
      %dma_wait3A_378 = tpu.memref_slice %arg6[%dma_wait3A_376, %dma_wait3A_377] : memref<16x128xi32, #tpu.memory_space<vmem>> -> memref<1x128xi32, #tpu.memory_space<vmem>>
      %dma_wait3A_379 = tpu.memref_squeeze %dma_wait3A_378 : memref<1x128xi32, #tpu.memory_space<vmem>> -> memref<128xi32, #tpu.memory_space<vmem>>
      %dma_wait3A_380 = arith.constant 0 : i32
      %dma_wait3A_381 = arith.constant 0 : i32
      %dma_wait3A_382 = tpu.memref_slice %arg2[%dma_wait3A_380, %dma_wait3A_381] : memref<10000x128xf32, #tpu.memory_space<hbm>> -> memref<10000x128xf32, #tpu.memory_space<hbm>>
      tpu.wait_indirect_dma semaphore(%arg12 : memref<!tpu.dma_semaphore, #tpu.memory_space<semaphore_mem>>) src(%dma_wait3A_382 : memref<10000x128xf32, #tpu.memory_space<hbm>>) dst(%arg9 : memref<128x128xf32, #tpu.memory_space<vmem>>)
      %run_scoped3A_383 = arith.constant 6 : i32
      "tpu.region"() ({
        %run_scoped3A_513 = tpu.sem_alloc : memref<!tpu.dma_semaphore, #tpu.memory_space<semaphore_mem>>
        %dma_start3A_514 = arith.constant 0 : i32
        %dma_start3A_515 = tpu.memref_slice %arg7[%run_scoped3A_383, %dma_start3A_514] : memref<16x128xi32, #tpu.memory_space<vmem>> -> memref<1x128xi32, #tpu.memory_space<vmem>>
        %dma_start3A_516 = tpu.memref_squeeze %dma_start3A_515 : memref<1x128xi32, #tpu.memory_space<vmem>> -> memref<128xi32, #tpu.memory_space<vmem>>
        %dma_start3A_517 = arith.constant 0 : i32
        %dma_start3A_518 = arith.constant 0 : i32
        %dma_start3A_519 = tpu.memref_slice %arg10[%dma_start3A_517, %dma_start3A_518] : memref<10240x128xf32, #tpu.memory_space<vmem_shared>> -> memref<10240x128xf32, #tpu.memory_space<vmem_shared>>
        tpu.enqueue_indirect_dma source(%arg9 : memref<128x128xf32, #tpu.memory_space<vmem>>) target(%dma_start3A_519 : memref<10240x128xf32, #tpu.memory_space<vmem_shared>>) offsets(%dma_start3A_516 : memref<128xi32, #tpu.memory_space<vmem>>) semaphore(%run_scoped3A_513 : memref<!tpu.dma_semaphore, #tpu.memory_space<semaphore_mem>>) {add = true}
        %dma_wait3A_520 = arith.constant 0 : i32
        %dma_wait3A_521 = tpu.memref_slice %arg7[%run_scoped3A_383, %dma_wait3A_520] : memref<16x128xi32, #tpu.memory_space<vmem>> -> memref<1x128xi32, #tpu.memory_space<vmem>>
        %dma_wait3A_522 = tpu.memref_squeeze %dma_wait3A_521 : memref<1x128xi32, #tpu.memory_space<vmem>> -> memref<128xi32, #tpu.memory_space<vmem>>
        %dma_wait3A_523 = arith.constant 0 : i32
        %dma_wait3A_524 = arith.constant 0 : i32
        %dma_wait3A_525 = tpu.memref_slice %arg10[%dma_wait3A_523, %dma_wait3A_524] : memref<10240x128xf32, #tpu.memory_space<vmem_shared>> -> memref<10240x128xf32, #tpu.memory_space<vmem_shared>>
        tpu.wait_indirect_dma semaphore(%run_scoped3A_513 : memref<!tpu.dma_semaphore, #tpu.memory_space<semaphore_mem>>) src(%arg9 : memref<128x128xf32, #tpu.memory_space<vmem>>) dst(%dma_wait3A_525 : memref<10240x128xf32, #tpu.memory_space<vmem_shared>>)
        tpu.yield
      }) : () -> ()
      %dma_start3A_384 = arith.constant 8 : i32
      %dma_start3A_385 = arith.constant 0 : i32
      %dma_start3A_386 = tpu.memref_slice %arg6[%dma_start3A_384, %dma_start3A_385] : memref<16x128xi32, #tpu.memory_space<vmem>> -> memref<1x128xi32, #tpu.memory_space<vmem>>
      %dma_start3A_387 = tpu.memref_squeeze %dma_start3A_386 : memref<1x128xi32, #tpu.memory_space<vmem>> -> memref<128xi32, #tpu.memory_space<vmem>>
      %dma_start3A_388 = arith.constant 0 : i32
      %dma_start3A_389 = arith.constant 0 : i32
      %dma_start3A_390 = tpu.memref_slice %arg2[%dma_start3A_388, %dma_start3A_389] : memref<10000x128xf32, #tpu.memory_space<hbm>> -> memref<10000x128xf32, #tpu.memory_space<hbm>>
      tpu.enqueue_indirect_dma source(%dma_start3A_390 : memref<10000x128xf32, #tpu.memory_space<hbm>>) target(%arg9 : memref<128x128xf32, #tpu.memory_space<vmem>>) offsets(%dma_start3A_387 : memref<128xi32, #tpu.memory_space<vmem>>) semaphore(%arg12 : memref<!tpu.dma_semaphore, #tpu.memory_space<semaphore_mem>>)
      %dma_wait3A_391 = arith.constant 7 : i32
      %dma_wait3A_392 = arith.constant 0 : i32
      %dma_wait3A_393 = tpu.memref_slice %arg6[%dma_wait3A_391, %dma_wait3A_392] : memref<16x128xi32, #tpu.memory_space<vmem>> -> memref<1x128xi32, #tpu.memory_space<vmem>>
      %dma_wait3A_394 = tpu.memref_squeeze %dma_wait3A_393 : memref<1x128xi32, #tpu.memory_space<vmem>> -> memref<128xi32, #tpu.memory_space<vmem>>
      %dma_wait3A_395 = arith.constant 0 : i32
      %dma_wait3A_396 = arith.constant 0 : i32
      %dma_wait3A_397 = tpu.memref_slice %arg2[%dma_wait3A_395, %dma_wait3A_396] : memref<10000x128xf32, #tpu.memory_space<hbm>> -> memref<10000x128xf32, #tpu.memory_space<hbm>>
      tpu.wait_indirect_dma semaphore(%arg11 : memref<!tpu.dma_semaphore, #tpu.memory_space<semaphore_mem>>) src(%dma_wait3A_397 : memref<10000x128xf32, #tpu.memory_space<hbm>>) dst(%arg8 : memref<128x128xf32, #tpu.memory_space<vmem>>)
      %run_scoped3A_398 = arith.constant 7 : i32
      "tpu.region"() ({
        %run_scoped3A_513 = tpu.sem_alloc : memref<!tpu.dma_semaphore, #tpu.memory_space<semaphore_mem>>
        %dma_start3A_514 = arith.constant 0 : i32
        %dma_start3A_515 = tpu.memref_slice %arg7[%run_scoped3A_398, %dma_start3A_514] : memref<16x128xi32, #tpu.memory_space<vmem>> -> memref<1x128xi32, #tpu.memory_space<vmem>>
        %dma_start3A_516 = tpu.memref_squeeze %dma_start3A_515 : memref<1x128xi32, #tpu.memory_space<vmem>> -> memref<128xi32, #tpu.memory_space<vmem>>
        %dma_start3A_517 = arith.constant 0 : i32
        %dma_start3A_518 = arith.constant 0 : i32
        %dma_start3A_519 = tpu.memref_slice %arg10[%dma_start3A_517, %dma_start3A_518] : memref<10240x128xf32, #tpu.memory_space<vmem_shared>> -> memref<10240x128xf32, #tpu.memory_space<vmem_shared>>
        tpu.enqueue_indirect_dma source(%arg8 : memref<128x128xf32, #tpu.memory_space<vmem>>) target(%dma_start3A_519 : memref<10240x128xf32, #tpu.memory_space<vmem_shared>>) offsets(%dma_start3A_516 : memref<128xi32, #tpu.memory_space<vmem>>) semaphore(%run_scoped3A_513 : memref<!tpu.dma_semaphore, #tpu.memory_space<semaphore_mem>>) {add = true}
        %dma_wait3A_520 = arith.constant 0 : i32
        %dma_wait3A_521 = tpu.memref_slice %arg7[%run_scoped3A_398, %dma_wait3A_520] : memref<16x128xi32, #tpu.memory_space<vmem>> -> memref<1x128xi32, #tpu.memory_space<vmem>>
        %dma_wait3A_522 = tpu.memref_squeeze %dma_wait3A_521 : memref<1x128xi32, #tpu.memory_space<vmem>> -> memref<128xi32, #tpu.memory_space<vmem>>
        %dma_wait3A_523 = arith.constant 0 : i32
        %dma_wait3A_524 = arith.constant 0 : i32
        %dma_wait3A_525 = tpu.memref_slice %arg10[%dma_wait3A_523, %dma_wait3A_524] : memref<10240x128xf32, #tpu.memory_space<vmem_shared>> -> memref<10240x128xf32, #tpu.memory_space<vmem_shared>>
        tpu.wait_indirect_dma semaphore(%run_scoped3A_513 : memref<!tpu.dma_semaphore, #tpu.memory_space<semaphore_mem>>) src(%arg8 : memref<128x128xf32, #tpu.memory_space<vmem>>) dst(%dma_wait3A_525 : memref<10240x128xf32, #tpu.memory_space<vmem_shared>>)
        tpu.yield
      }) : () -> ()
      %dma_start3A_399 = arith.constant 9 : i32
      %dma_start3A_400 = arith.constant 0 : i32
      %dma_start3A_401 = tpu.memref_slice %arg6[%dma_start3A_399, %dma_start3A_400] : memref<16x128xi32, #tpu.memory_space<vmem>> -> memref<1x128xi32, #tpu.memory_space<vmem>>
      %dma_start3A_402 = tpu.memref_squeeze %dma_start3A_401 : memref<1x128xi32, #tpu.memory_space<vmem>> -> memref<128xi32, #tpu.memory_space<vmem>>
      %dma_start3A_403 = arith.constant 0 : i32
      %dma_start3A_404 = arith.constant 0 : i32
      %dma_start3A_405 = tpu.memref_slice %arg2[%dma_start3A_403, %dma_start3A_404] : memref<10000x128xf32, #tpu.memory_space<hbm>> -> memref<10000x128xf32, #tpu.memory_space<hbm>>
      tpu.enqueue_indirect_dma source(%dma_start3A_405 : memref<10000x128xf32, #tpu.memory_space<hbm>>) target(%arg8 : memref<128x128xf32, #tpu.memory_space<vmem>>) offsets(%dma_start3A_402 : memref<128xi32, #tpu.memory_space<vmem>>) semaphore(%arg11 : memref<!tpu.dma_semaphore, #tpu.memory_space<semaphore_mem>>)
      %dma_wait3A_406 = arith.constant 8 : i32
      %dma_wait3A_407 = arith.constant 0 : i32
      %dma_wait3A_408 = tpu.memref_slice %arg6[%dma_wait3A_406, %dma_wait3A_407] : memref<16x128xi32, #tpu.memory_space<vmem>> -> memref<1x128xi32, #tpu.memory_space<vmem>>
      %dma_wait3A_409 = tpu.memref_squeeze %dma_wait3A_408 : memref<1x128xi32, #tpu.memory_space<vmem>> -> memref<128xi32, #tpu.memory_space<vmem>>
      %dma_wait3A_410 = arith.constant 0 : i32
      %dma_wait3A_411 = arith.constant 0 : i32
      %dma_wait3A_412 = tpu.memref_slice %arg2[%dma_wait3A_410, %dma_wait3A_411] : memref<10000x128xf32, #tpu.memory_space<hbm>> -> memref<10000x128xf32, #tpu.memory_space<hbm>>
      tpu.wait_indirect_dma semaphore(%arg12 : memref<!tpu.dma_semaphore, #tpu.memory_space<semaphore_mem>>) src(%dma_wait3A_412 : memref<10000x128xf32, #tpu.memory_space<hbm>>) dst(%arg9 : memref<128x128xf32, #tpu.memory_space<vmem>>)
      %run_scoped3A_413 = arith.constant 8 : i32
      "tpu.region"() ({
        %run_scoped3A_513 = tpu.sem_alloc : memref<!tpu.dma_semaphore, #tpu.memory_space<semaphore_mem>>
        %dma_start3A_514 = arith.constant 0 : i32
        %dma_start3A_515 = tpu.memref_slice %arg7[%run_scoped3A_413, %dma_start3A_514] : memref<16x128xi32, #tpu.memory_space<vmem>> -> memref<1x128xi32, #tpu.memory_space<vmem>>
        %dma_start3A_516 = tpu.memref_squeeze %dma_start3A_515 : memref<1x128xi32, #tpu.memory_space<vmem>> -> memref<128xi32, #tpu.memory_space<vmem>>
        %dma_start3A_517 = arith.constant 0 : i32
        %dma_start3A_518 = arith.constant 0 : i32
        %dma_start3A_519 = tpu.memref_slice %arg10[%dma_start3A_517, %dma_start3A_518] : memref<10240x128xf32, #tpu.memory_space<vmem_shared>> -> memref<10240x128xf32, #tpu.memory_space<vmem_shared>>
        tpu.enqueue_indirect_dma source(%arg9 : memref<128x128xf32, #tpu.memory_space<vmem>>) target(%dma_start3A_519 : memref<10240x128xf32, #tpu.memory_space<vmem_shared>>) offsets(%dma_start3A_516 : memref<128xi32, #tpu.memory_space<vmem>>) semaphore(%run_scoped3A_513 : memref<!tpu.dma_semaphore, #tpu.memory_space<semaphore_mem>>) {add = true}
        %dma_wait3A_520 = arith.constant 0 : i32
        %dma_wait3A_521 = tpu.memref_slice %arg7[%run_scoped3A_413, %dma_wait3A_520] : memref<16x128xi32, #tpu.memory_space<vmem>> -> memref<1x128xi32, #tpu.memory_space<vmem>>
        %dma_wait3A_522 = tpu.memref_squeeze %dma_wait3A_521 : memref<1x128xi32, #tpu.memory_space<vmem>> -> memref<128xi32, #tpu.memory_space<vmem>>
        %dma_wait3A_523 = arith.constant 0 : i32
        %dma_wait3A_524 = arith.constant 0 : i32
        %dma_wait3A_525 = tpu.memref_slice %arg10[%dma_wait3A_523, %dma_wait3A_524] : memref<10240x128xf32, #tpu.memory_space<vmem_shared>> -> memref<10240x128xf32, #tpu.memory_space<vmem_shared>>
        tpu.wait_indirect_dma semaphore(%run_scoped3A_513 : memref<!tpu.dma_semaphore, #tpu.memory_space<semaphore_mem>>) src(%arg9 : memref<128x128xf32, #tpu.memory_space<vmem>>) dst(%dma_wait3A_525 : memref<10240x128xf32, #tpu.memory_space<vmem_shared>>)
        tpu.yield
      }) : () -> ()
      %dma_start3A_414 = arith.constant 10 : i32
      %dma_start3A_415 = arith.constant 0 : i32
      %dma_start3A_416 = tpu.memref_slice %arg6[%dma_start3A_414, %dma_start3A_415] : memref<16x128xi32, #tpu.memory_space<vmem>> -> memref<1x128xi32, #tpu.memory_space<vmem>>
      %dma_start3A_417 = tpu.memref_squeeze %dma_start3A_416 : memref<1x128xi32, #tpu.memory_space<vmem>> -> memref<128xi32, #tpu.memory_space<vmem>>
      %dma_start3A_418 = arith.constant 0 : i32
      %dma_start3A_419 = arith.constant 0 : i32
      %dma_start3A_420 = tpu.memref_slice %arg2[%dma_start3A_418, %dma_start3A_419] : memref<10000x128xf32, #tpu.memory_space<hbm>> -> memref<10000x128xf32, #tpu.memory_space<hbm>>
      tpu.enqueue_indirect_dma source(%dma_start3A_420 : memref<10000x128xf32, #tpu.memory_space<hbm>>) target(%arg9 : memref<128x128xf32, #tpu.memory_space<vmem>>) offsets(%dma_start3A_417 : memref<128xi32, #tpu.memory_space<vmem>>) semaphore(%arg12 : memref<!tpu.dma_semaphore, #tpu.memory_space<semaphore_mem>>)
      %dma_wait3A_421 = arith.constant 9 : i32
      %dma_wait3A_422 = arith.constant 0 : i32
      %dma_wait3A_423 = tpu.memref_slice %arg6[%dma_wait3A_421, %dma_wait3A_422] : memref<16x128xi32, #tpu.memory_space<vmem>> -> memref<1x128xi32, #tpu.memory_space<vmem>>
      %dma_wait3A_424 = tpu.memref_squeeze %dma_wait3A_423 : memref<1x128xi32, #tpu.memory_space<vmem>> -> memref<128xi32, #tpu.memory_space<vmem>>
      %dma_wait3A_425 = arith.constant 0 : i32
      %dma_wait3A_426 = arith.constant 0 : i32
      %dma_wait3A_427 = tpu.memref_slice %arg2[%dma_wait3A_425, %dma_wait3A_426] : memref<10000x128xf32, #tpu.memory_space<hbm>> -> memref<10000x128xf32, #tpu.memory_space<hbm>>
      tpu.wait_indirect_dma semaphore(%arg11 : memref<!tpu.dma_semaphore, #tpu.memory_space<semaphore_mem>>) src(%dma_wait3A_427 : memref<10000x128xf32, #tpu.memory_space<hbm>>) dst(%arg8 : memref<128x128xf32, #tpu.memory_space<vmem>>)
      %run_scoped3A_428 = arith.constant 9 : i32
      "tpu.region"() ({
        %run_scoped3A_513 = tpu.sem_alloc : memref<!tpu.dma_semaphore, #tpu.memory_space<semaphore_mem>>
        %dma_start3A_514 = arith.constant 0 : i32
        %dma_start3A_515 = tpu.memref_slice %arg7[%run_scoped3A_428, %dma_start3A_514] : memref<16x128xi32, #tpu.memory_space<vmem>> -> memref<1x128xi32, #tpu.memory_space<vmem>>
        %dma_start3A_516 = tpu.memref_squeeze %dma_start3A_515 : memref<1x128xi32, #tpu.memory_space<vmem>> -> memref<128xi32, #tpu.memory_space<vmem>>
        %dma_start3A_517 = arith.constant 0 : i32
        %dma_start3A_518 = arith.constant 0 : i32
        %dma_start3A_519 = tpu.memref_slice %arg10[%dma_start3A_517, %dma_start3A_518] : memref<10240x128xf32, #tpu.memory_space<vmem_shared>> -> memref<10240x128xf32, #tpu.memory_space<vmem_shared>>
        tpu.enqueue_indirect_dma source(%arg8 : memref<128x128xf32, #tpu.memory_space<vmem>>) target(%dma_start3A_519 : memref<10240x128xf32, #tpu.memory_space<vmem_shared>>) offsets(%dma_start3A_516 : memref<128xi32, #tpu.memory_space<vmem>>) semaphore(%run_scoped3A_513 : memref<!tpu.dma_semaphore, #tpu.memory_space<semaphore_mem>>) {add = true}
        %dma_wait3A_520 = arith.constant 0 : i32
        %dma_wait3A_521 = tpu.memref_slice %arg7[%run_scoped3A_428, %dma_wait3A_520] : memref<16x128xi32, #tpu.memory_space<vmem>> -> memref<1x128xi32, #tpu.memory_space<vmem>>
        %dma_wait3A_522 = tpu.memref_squeeze %dma_wait3A_521 : memref<1x128xi32, #tpu.memory_space<vmem>> -> memref<128xi32, #tpu.memory_space<vmem>>
        %dma_wait3A_523 = arith.constant 0 : i32
        %dma_wait3A_524 = arith.constant 0 : i32
        %dma_wait3A_525 = tpu.memref_slice %arg10[%dma_wait3A_523, %dma_wait3A_524] : memref<10240x128xf32, #tpu.memory_space<vmem_shared>> -> memref<10240x128xf32, #tpu.memory_space<vmem_shared>>
        tpu.wait_indirect_dma semaphore(%run_scoped3A_513 : memref<!tpu.dma_semaphore, #tpu.memory_space<semaphore_mem>>) src(%arg8 : memref<128x128xf32, #tpu.memory_space<vmem>>) dst(%dma_wait3A_525 : memref<10240x128xf32, #tpu.memory_space<vmem_shared>>)
        tpu.yield
      }) : () -> ()
      %dma_start3A_429 = arith.constant 11 : i32
      %dma_start3A_430 = arith.constant 0 : i32
      %dma_start3A_431 = tpu.memref_slice %arg6[%dma_start3A_429, %dma_start3A_430] : memref<16x128xi32, #tpu.memory_space<vmem>> -> memref<1x128xi32, #tpu.memory_space<vmem>>
      %dma_start3A_432 = tpu.memref_squeeze %dma_start3A_431 : memref<1x128xi32, #tpu.memory_space<vmem>> -> memref<128xi32, #tpu.memory_space<vmem>>
      %dma_start3A_433 = arith.constant 0 : i32
      %dma_start3A_434 = arith.constant 0 : i32
      %dma_start3A_435 = tpu.memref_slice %arg2[%dma_start3A_433, %dma_start3A_434] : memref<10000x128xf32, #tpu.memory_space<hbm>> -> memref<10000x128xf32, #tpu.memory_space<hbm>>
      tpu.enqueue_indirect_dma source(%dma_start3A_435 : memref<10000x128xf32, #tpu.memory_space<hbm>>) target(%arg8 : memref<128x128xf32, #tpu.memory_space<vmem>>) offsets(%dma_start3A_432 : memref<128xi32, #tpu.memory_space<vmem>>) semaphore(%arg11 : memref<!tpu.dma_semaphore, #tpu.memory_space<semaphore_mem>>)
      %dma_wait3A_436 = arith.constant 10 : i32
      %dma_wait3A_437 = arith.constant 0 : i32
      %dma_wait3A_438 = tpu.memref_slice %arg6[%dma_wait3A_436, %dma_wait3A_437] : memref<16x128xi32, #tpu.memory_space<vmem>> -> memref<1x128xi32, #tpu.memory_space<vmem>>
      %dma_wait3A_439 = tpu.memref_squeeze %dma_wait3A_438 : memref<1x128xi32, #tpu.memory_space<vmem>> -> memref<128xi32, #tpu.memory_space<vmem>>
      %dma_wait3A_440 = arith.constant 0 : i32
      %dma_wait3A_441 = arith.constant 0 : i32
      %dma_wait3A_442 = tpu.memref_slice %arg2[%dma_wait3A_440, %dma_wait3A_441] : memref<10000x128xf32, #tpu.memory_space<hbm>> -> memref<10000x128xf32, #tpu.memory_space<hbm>>
      tpu.wait_indirect_dma semaphore(%arg12 : memref<!tpu.dma_semaphore, #tpu.memory_space<semaphore_mem>>) src(%dma_wait3A_442 : memref<10000x128xf32, #tpu.memory_space<hbm>>) dst(%arg9 : memref<128x128xf32, #tpu.memory_space<vmem>>)
      %run_scoped3A_443 = arith.constant 10 : i32
      "tpu.region"() ({
        %run_scoped3A_513 = tpu.sem_alloc : memref<!tpu.dma_semaphore, #tpu.memory_space<semaphore_mem>>
        %dma_start3A_514 = arith.constant 0 : i32
        %dma_start3A_515 = tpu.memref_slice %arg7[%run_scoped3A_443, %dma_start3A_514] : memref<16x128xi32, #tpu.memory_space<vmem>> -> memref<1x128xi32, #tpu.memory_space<vmem>>
        %dma_start3A_516 = tpu.memref_squeeze %dma_start3A_515 : memref<1x128xi32, #tpu.memory_space<vmem>> -> memref<128xi32, #tpu.memory_space<vmem>>
        %dma_start3A_517 = arith.constant 0 : i32
        %dma_start3A_518 = arith.constant 0 : i32
        %dma_start3A_519 = tpu.memref_slice %arg10[%dma_start3A_517, %dma_start3A_518] : memref<10240x128xf32, #tpu.memory_space<vmem_shared>> -> memref<10240x128xf32, #tpu.memory_space<vmem_shared>>
        tpu.enqueue_indirect_dma source(%arg9 : memref<128x128xf32, #tpu.memory_space<vmem>>) target(%dma_start3A_519 : memref<10240x128xf32, #tpu.memory_space<vmem_shared>>) offsets(%dma_start3A_516 : memref<128xi32, #tpu.memory_space<vmem>>) semaphore(%run_scoped3A_513 : memref<!tpu.dma_semaphore, #tpu.memory_space<semaphore_mem>>) {add = true}
        %dma_wait3A_520 = arith.constant 0 : i32
        %dma_wait3A_521 = tpu.memref_slice %arg7[%run_scoped3A_443, %dma_wait3A_520] : memref<16x128xi32, #tpu.memory_space<vmem>> -> memref<1x128xi32, #tpu.memory_space<vmem>>
        %dma_wait3A_522 = tpu.memref_squeeze %dma_wait3A_521 : memref<1x128xi32, #tpu.memory_space<vmem>> -> memref<128xi32, #tpu.memory_space<vmem>>
        %dma_wait3A_523 = arith.constant 0 : i32
        %dma_wait3A_524 = arith.constant 0 : i32
        %dma_wait3A_525 = tpu.memref_slice %arg10[%dma_wait3A_523, %dma_wait3A_524] : memref<10240x128xf32, #tpu.memory_space<vmem_shared>> -> memref<10240x128xf32, #tpu.memory_space<vmem_shared>>
        tpu.wait_indirect_dma semaphore(%run_scoped3A_513 : memref<!tpu.dma_semaphore, #tpu.memory_space<semaphore_mem>>) src(%arg9 : memref<128x128xf32, #tpu.memory_space<vmem>>) dst(%dma_wait3A_525 : memref<10240x128xf32, #tpu.memory_space<vmem_shared>>)
        tpu.yield
      }) : () -> ()
      %dma_start3A_444 = arith.constant 12 : i32
      %dma_start3A_445 = arith.constant 0 : i32
      %dma_start3A_446 = tpu.memref_slice %arg6[%dma_start3A_444, %dma_start3A_445] : memref<16x128xi32, #tpu.memory_space<vmem>> -> memref<1x128xi32, #tpu.memory_space<vmem>>
      %dma_start3A_447 = tpu.memref_squeeze %dma_start3A_446 : memref<1x128xi32, #tpu.memory_space<vmem>> -> memref<128xi32, #tpu.memory_space<vmem>>
      %dma_start3A_448 = arith.constant 0 : i32
      %dma_start3A_449 = arith.constant 0 : i32
      %dma_start3A_450 = tpu.memref_slice %arg2[%dma_start3A_448, %dma_start3A_449] : memref<10000x128xf32, #tpu.memory_space<hbm>> -> memref<10000x128xf32, #tpu.memory_space<hbm>>
      tpu.enqueue_indirect_dma source(%dma_start3A_450 : memref<10000x128xf32, #tpu.memory_space<hbm>>) target(%arg9 : memref<128x128xf32, #tpu.memory_space<vmem>>) offsets(%dma_start3A_447 : memref<128xi32, #tpu.memory_space<vmem>>) semaphore(%arg12 : memref<!tpu.dma_semaphore, #tpu.memory_space<semaphore_mem>>)
      %dma_wait3A_451 = arith.constant 11 : i32
      %dma_wait3A_452 = arith.constant 0 : i32
      %dma_wait3A_453 = tpu.memref_slice %arg6[%dma_wait3A_451, %dma_wait3A_452] : memref<16x128xi32, #tpu.memory_space<vmem>> -> memref<1x128xi32, #tpu.memory_space<vmem>>
      %dma_wait3A_454 = tpu.memref_squeeze %dma_wait3A_453 : memref<1x128xi32, #tpu.memory_space<vmem>> -> memref<128xi32, #tpu.memory_space<vmem>>
      %dma_wait3A_455 = arith.constant 0 : i32
      %dma_wait3A_456 = arith.constant 0 : i32
      %dma_wait3A_457 = tpu.memref_slice %arg2[%dma_wait3A_455, %dma_wait3A_456] : memref<10000x128xf32, #tpu.memory_space<hbm>> -> memref<10000x128xf32, #tpu.memory_space<hbm>>
      tpu.wait_indirect_dma semaphore(%arg11 : memref<!tpu.dma_semaphore, #tpu.memory_space<semaphore_mem>>) src(%dma_wait3A_457 : memref<10000x128xf32, #tpu.memory_space<hbm>>) dst(%arg8 : memref<128x128xf32, #tpu.memory_space<vmem>>)
      %run_scoped3A_458 = arith.constant 11 : i32
      "tpu.region"() ({
        %run_scoped3A_513 = tpu.sem_alloc : memref<!tpu.dma_semaphore, #tpu.memory_space<semaphore_mem>>
        %dma_start3A_514 = arith.constant 0 : i32
        %dma_start3A_515 = tpu.memref_slice %arg7[%run_scoped3A_458, %dma_start3A_514] : memref<16x128xi32, #tpu.memory_space<vmem>> -> memref<1x128xi32, #tpu.memory_space<vmem>>
        %dma_start3A_516 = tpu.memref_squeeze %dma_start3A_515 : memref<1x128xi32, #tpu.memory_space<vmem>> -> memref<128xi32, #tpu.memory_space<vmem>>
        %dma_start3A_517 = arith.constant 0 : i32
        %dma_start3A_518 = arith.constant 0 : i32
        %dma_start3A_519 = tpu.memref_slice %arg10[%dma_start3A_517, %dma_start3A_518] : memref<10240x128xf32, #tpu.memory_space<vmem_shared>> -> memref<10240x128xf32, #tpu.memory_space<vmem_shared>>
        tpu.enqueue_indirect_dma source(%arg8 : memref<128x128xf32, #tpu.memory_space<vmem>>) target(%dma_start3A_519 : memref<10240x128xf32, #tpu.memory_space<vmem_shared>>) offsets(%dma_start3A_516 : memref<128xi32, #tpu.memory_space<vmem>>) semaphore(%run_scoped3A_513 : memref<!tpu.dma_semaphore, #tpu.memory_space<semaphore_mem>>) {add = true}
        %dma_wait3A_520 = arith.constant 0 : i32
        %dma_wait3A_521 = tpu.memref_slice %arg7[%run_scoped3A_458, %dma_wait3A_520] : memref<16x128xi32, #tpu.memory_space<vmem>> -> memref<1x128xi32, #tpu.memory_space<vmem>>
        %dma_wait3A_522 = tpu.memref_squeeze %dma_wait3A_521 : memref<1x128xi32, #tpu.memory_space<vmem>> -> memref<128xi32, #tpu.memory_space<vmem>>
        %dma_wait3A_523 = arith.constant 0 : i32
        %dma_wait3A_524 = arith.constant 0 : i32
        %dma_wait3A_525 = tpu.memref_slice %arg10[%dma_wait3A_523, %dma_wait3A_524] : memref<10240x128xf32, #tpu.memory_space<vmem_shared>> -> memref<10240x128xf32, #tpu.memory_space<vmem_shared>>
        tpu.wait_indirect_dma semaphore(%run_scoped3A_513 : memref<!tpu.dma_semaphore, #tpu.memory_space<semaphore_mem>>) src(%arg8 : memref<128x128xf32, #tpu.memory_space<vmem>>) dst(%dma_wait3A_525 : memref<10240x128xf32, #tpu.memory_space<vmem_shared>>)
        tpu.yield
      }) : () -> ()
      %dma_start3A_459 = arith.constant 13 : i32
      %dma_start3A_460 = arith.constant 0 : i32
      %dma_start3A_461 = tpu.memref_slice %arg6[%dma_start3A_459, %dma_start3A_460] : memref<16x128xi32, #tpu.memory_space<vmem>> -> memref<1x128xi32, #tpu.memory_space<vmem>>
      %dma_start3A_462 = tpu.memref_squeeze %dma_start3A_461 : memref<1x128xi32, #tpu.memory_space<vmem>> -> memref<128xi32, #tpu.memory_space<vmem>>
      %dma_start3A_463 = arith.constant 0 : i32
      %dma_start3A_464 = arith.constant 0 : i32
      %dma_start3A_465 = tpu.memref_slice %arg2[%dma_start3A_463, %dma_start3A_464] : memref<10000x128xf32, #tpu.memory_space<hbm>> -> memref<10000x128xf32, #tpu.memory_space<hbm>>
      tpu.enqueue_indirect_dma source(%dma_start3A_465 : memref<10000x128xf32, #tpu.memory_space<hbm>>) target(%arg8 : memref<128x128xf32, #tpu.memory_space<vmem>>) offsets(%dma_start3A_462 : memref<128xi32, #tpu.memory_space<vmem>>) semaphore(%arg11 : memref<!tpu.dma_semaphore, #tpu.memory_space<semaphore_mem>>)
      %dma_wait3A_466 = arith.constant 12 : i32
      %dma_wait3A_467 = arith.constant 0 : i32
      %dma_wait3A_468 = tpu.memref_slice %arg6[%dma_wait3A_466, %dma_wait3A_467] : memref<16x128xi32, #tpu.memory_space<vmem>> -> memref<1x128xi32, #tpu.memory_space<vmem>>
      %dma_wait3A_469 = tpu.memref_squeeze %dma_wait3A_468 : memref<1x128xi32, #tpu.memory_space<vmem>> -> memref<128xi32, #tpu.memory_space<vmem>>
      %dma_wait3A_470 = arith.constant 0 : i32
      %dma_wait3A_471 = arith.constant 0 : i32
      %dma_wait3A_472 = tpu.memref_slice %arg2[%dma_wait3A_470, %dma_wait3A_471] : memref<10000x128xf32, #tpu.memory_space<hbm>> -> memref<10000x128xf32, #tpu.memory_space<hbm>>
      tpu.wait_indirect_dma semaphore(%arg12 : memref<!tpu.dma_semaphore, #tpu.memory_space<semaphore_mem>>) src(%dma_wait3A_472 : memref<10000x128xf32, #tpu.memory_space<hbm>>) dst(%arg9 : memref<128x128xf32, #tpu.memory_space<vmem>>)
      %run_scoped3A_473 = arith.constant 12 : i32
      "tpu.region"() ({
        %run_scoped3A_513 = tpu.sem_alloc : memref<!tpu.dma_semaphore, #tpu.memory_space<semaphore_mem>>
        %dma_start3A_514 = arith.constant 0 : i32
        %dma_start3A_515 = tpu.memref_slice %arg7[%run_scoped3A_473, %dma_start3A_514] : memref<16x128xi32, #tpu.memory_space<vmem>> -> memref<1x128xi32, #tpu.memory_space<vmem>>
        %dma_start3A_516 = tpu.memref_squeeze %dma_start3A_515 : memref<1x128xi32, #tpu.memory_space<vmem>> -> memref<128xi32, #tpu.memory_space<vmem>>
        %dma_start3A_517 = arith.constant 0 : i32
        %dma_start3A_518 = arith.constant 0 : i32
        %dma_start3A_519 = tpu.memref_slice %arg10[%dma_start3A_517, %dma_start3A_518] : memref<10240x128xf32, #tpu.memory_space<vmem_shared>> -> memref<10240x128xf32, #tpu.memory_space<vmem_shared>>
        tpu.enqueue_indirect_dma source(%arg9 : memref<128x128xf32, #tpu.memory_space<vmem>>) target(%dma_start3A_519 : memref<10240x128xf32, #tpu.memory_space<vmem_shared>>) offsets(%dma_start3A_516 : memref<128xi32, #tpu.memory_space<vmem>>) semaphore(%run_scoped3A_513 : memref<!tpu.dma_semaphore, #tpu.memory_space<semaphore_mem>>) {add = true}
        %dma_wait3A_520 = arith.constant 0 : i32
        %dma_wait3A_521 = tpu.memref_slice %arg7[%run_scoped3A_473, %dma_wait3A_520] : memref<16x128xi32, #tpu.memory_space<vmem>> -> memref<1x128xi32, #tpu.memory_space<vmem>>
        %dma_wait3A_522 = tpu.memref_squeeze %dma_wait3A_521 : memref<1x128xi32, #tpu.memory_space<vmem>> -> memref<128xi32, #tpu.memory_space<vmem>>
        %dma_wait3A_523 = arith.constant 0 : i32
        %dma_wait3A_524 = arith.constant 0 : i32
        %dma_wait3A_525 = tpu.memref_slice %arg10[%dma_wait3A_523, %dma_wait3A_524] : memref<10240x128xf32, #tpu.memory_space<vmem_shared>> -> memref<10240x128xf32, #tpu.memory_space<vmem_shared>>
        tpu.wait_indirect_dma semaphore(%run_scoped3A_513 : memref<!tpu.dma_semaphore, #tpu.memory_space<semaphore_mem>>) src(%arg9 : memref<128x128xf32, #tpu.memory_space<vmem>>) dst(%dma_wait3A_525 : memref<10240x128xf32, #tpu.memory_space<vmem_shared>>)
        tpu.yield
      }) : () -> ()
      %dma_start3A_474 = arith.constant 14 : i32
      %dma_start3A_475 = arith.constant 0 : i32
      %dma_start3A_476 = tpu.memref_slice %arg6[%dma_start3A_474, %dma_start3A_475] : memref<16x128xi32, #tpu.memory_space<vmem>> -> memref<1x128xi32, #tpu.memory_space<vmem>>
      %dma_start3A_477 = tpu.memref_squeeze %dma_start3A_476 : memref<1x128xi32, #tpu.memory_space<vmem>> -> memref<128xi32, #tpu.memory_space<vmem>>
      %dma_start3A_478 = arith.constant 0 : i32
      %dma_start3A_479 = arith.constant 0 : i32
      %dma_start3A_480 = tpu.memref_slice %arg2[%dma_start3A_478, %dma_start3A_479] : memref<10000x128xf32, #tpu.memory_space<hbm>> -> memref<10000x128xf32, #tpu.memory_space<hbm>>
      tpu.enqueue_indirect_dma source(%dma_start3A_480 : memref<10000x128xf32, #tpu.memory_space<hbm>>) target(%arg9 : memref<128x128xf32, #tpu.memory_space<vmem>>) offsets(%dma_start3A_477 : memref<128xi32, #tpu.memory_space<vmem>>) semaphore(%arg12 : memref<!tpu.dma_semaphore, #tpu.memory_space<semaphore_mem>>)
      %dma_wait3A_481 = arith.constant 13 : i32
      %dma_wait3A_482 = arith.constant 0 : i32
      %dma_wait3A_483 = tpu.memref_slice %arg6[%dma_wait3A_481, %dma_wait3A_482] : memref<16x128xi32, #tpu.memory_space<vmem>> -> memref<1x128xi32, #tpu.memory_space<vmem>>
      %dma_wait3A_484 = tpu.memref_squeeze %dma_wait3A_483 : memref<1x128xi32, #tpu.memory_space<vmem>> -> memref<128xi32, #tpu.memory_space<vmem>>
      %dma_wait3A_485 = arith.constant 0 : i32
      %dma_wait3A_486 = arith.constant 0 : i32
      %dma_wait3A_487 = tpu.memref_slice %arg2[%dma_wait3A_485, %dma_wait3A_486] : memref<10000x128xf32, #tpu.memory_space<hbm>> -> memref<10000x128xf32, #tpu.memory_space<hbm>>
      tpu.wait_indirect_dma semaphore(%arg11 : memref<!tpu.dma_semaphore, #tpu.memory_space<semaphore_mem>>) src(%dma_wait3A_487 : memref<10000x128xf32, #tpu.memory_space<hbm>>) dst(%arg8 : memref<128x128xf32, #tpu.memory_space<vmem>>)
      %run_scoped3A_488 = arith.constant 13 : i32
      "tpu.region"() ({
        %run_scoped3A_513 = tpu.sem_alloc : memref<!tpu.dma_semaphore, #tpu.memory_space<semaphore_mem>>
        %dma_start3A_514 = arith.constant 0 : i32
        %dma_start3A_515 = tpu.memref_slice %arg7[%run_scoped3A_488, %dma_start3A_514] : memref<16x128xi32, #tpu.memory_space<vmem>> -> memref<1x128xi32, #tpu.memory_space<vmem>>
        %dma_start3A_516 = tpu.memref_squeeze %dma_start3A_515 : memref<1x128xi32, #tpu.memory_space<vmem>> -> memref<128xi32, #tpu.memory_space<vmem>>
        %dma_start3A_517 = arith.constant 0 : i32
        %dma_start3A_518 = arith.constant 0 : i32
        %dma_start3A_519 = tpu.memref_slice %arg10[%dma_start3A_517, %dma_start3A_518] : memref<10240x128xf32, #tpu.memory_space<vmem_shared>> -> memref<10240x128xf32, #tpu.memory_space<vmem_shared>>
        tpu.enqueue_indirect_dma source(%arg8 : memref<128x128xf32, #tpu.memory_space<vmem>>) target(%dma_start3A_519 : memref<10240x128xf32, #tpu.memory_space<vmem_shared>>) offsets(%dma_start3A_516 : memref<128xi32, #tpu.memory_space<vmem>>) semaphore(%run_scoped3A_513 : memref<!tpu.dma_semaphore, #tpu.memory_space<semaphore_mem>>) {add = true}
        %dma_wait3A_520 = arith.constant 0 : i32
        %dma_wait3A_521 = tpu.memref_slice %arg7[%run_scoped3A_488, %dma_wait3A_520] : memref<16x128xi32, #tpu.memory_space<vmem>> -> memref<1x128xi32, #tpu.memory_space<vmem>>
        %dma_wait3A_522 = tpu.memref_squeeze %dma_wait3A_521 : memref<1x128xi32, #tpu.memory_space<vmem>> -> memref<128xi32, #tpu.memory_space<vmem>>
        %dma_wait3A_523 = arith.constant 0 : i32
        %dma_wait3A_524 = arith.constant 0 : i32
        %dma_wait3A_525 = tpu.memref_slice %arg10[%dma_wait3A_523, %dma_wait3A_524] : memref<10240x128xf32, #tpu.memory_space<vmem_shared>> -> memref<10240x128xf32, #tpu.memory_space<vmem_shared>>
        tpu.wait_indirect_dma semaphore(%run_scoped3A_513 : memref<!tpu.dma_semaphore, #tpu.memory_space<semaphore_mem>>) src(%arg8 : memref<128x128xf32, #tpu.memory_space<vmem>>) dst(%dma_wait3A_525 : memref<10240x128xf32, #tpu.memory_space<vmem_shared>>)
        tpu.yield
      }) : () -> ()
      %dma_start3A_489 = arith.constant 15 : i32
      %dma_start3A_490 = arith.constant 0 : i32
      %dma_start3A_491 = tpu.memref_slice %arg6[%dma_start3A_489, %dma_start3A_490] : memref<16x128xi32, #tpu.memory_space<vmem>> -> memref<1x128xi32, #tpu.memory_space<vmem>>
      %dma_start3A_492 = tpu.memref_squeeze %dma_start3A_491 : memref<1x128xi32, #tpu.memory_space<vmem>> -> memref<128xi32, #tpu.memory_space<vmem>>
      %dma_start3A_493 = arith.constant 0 : i32
      %dma_start3A_494 = arith.constant 0 : i32
      %dma_start3A_495 = tpu.memref_slice %arg2[%dma_start3A_493, %dma_start3A_494] : memref<10000x128xf32, #tpu.memory_space<hbm>> -> memref<10000x128xf32, #tpu.memory_space<hbm>>
      tpu.enqueue_indirect_dma source(%dma_start3A_495 : memref<10000x128xf32, #tpu.memory_space<hbm>>) target(%arg8 : memref<128x128xf32, #tpu.memory_space<vmem>>) offsets(%dma_start3A_492 : memref<128xi32, #tpu.memory_space<vmem>>) semaphore(%arg11 : memref<!tpu.dma_semaphore, #tpu.memory_space<semaphore_mem>>)
      %dma_wait3A_496 = arith.constant 14 : i32
      %dma_wait3A_497 = arith.constant 0 : i32
      %dma_wait3A_498 = tpu.memref_slice %arg6[%dma_wait3A_496, %dma_wait3A_497] : memref<16x128xi32, #tpu.memory_space<vmem>> -> memref<1x128xi32, #tpu.memory_space<vmem>>
      %dma_wait3A_499 = tpu.memref_squeeze %dma_wait3A_498 : memref<1x128xi32, #tpu.memory_space<vmem>> -> memref<128xi32, #tpu.memory_space<vmem>>
      %dma_wait3A_500 = arith.constant 0 : i32
      %dma_wait3A_501 = arith.constant 0 : i32
      %dma_wait3A_502 = tpu.memref_slice %arg2[%dma_wait3A_500, %dma_wait3A_501] : memref<10000x128xf32, #tpu.memory_space<hbm>> -> memref<10000x128xf32, #tpu.memory_space<hbm>>
      tpu.wait_indirect_dma semaphore(%arg12 : memref<!tpu.dma_semaphore, #tpu.memory_space<semaphore_mem>>) src(%dma_wait3A_502 : memref<10000x128xf32, #tpu.memory_space<hbm>>) dst(%arg9 : memref<128x128xf32, #tpu.memory_space<vmem>>)
      %run_scoped3A_503 = arith.constant 14 : i32
      "tpu.region"() ({
        %run_scoped3A_513 = tpu.sem_alloc : memref<!tpu.dma_semaphore, #tpu.memory_space<semaphore_mem>>
        %dma_start3A_514 = arith.constant 0 : i32
        %dma_start3A_515 = tpu.memref_slice %arg7[%run_scoped3A_503, %dma_start3A_514] : memref<16x128xi32, #tpu.memory_space<vmem>> -> memref<1x128xi32, #tpu.memory_space<vmem>>
        %dma_start3A_516 = tpu.memref_squeeze %dma_start3A_515 : memref<1x128xi32, #tpu.memory_space<vmem>> -> memref<128xi32, #tpu.memory_space<vmem>>
        %dma_start3A_517 = arith.constant 0 : i32
        %dma_start3A_518 = arith.constant 0 : i32
        %dma_start3A_519 = tpu.memref_slice %arg10[%dma_start3A_517, %dma_start3A_518] : memref<10240x128xf32, #tpu.memory_space<vmem_shared>> -> memref<10240x128xf32, #tpu.memory_space<vmem_shared>>
        tpu.enqueue_indirect_dma source(%arg9 : memref<128x128xf32, #tpu.memory_space<vmem>>) target(%dma_start3A_519 : memref<10240x128xf32, #tpu.memory_space<vmem_shared>>) offsets(%dma_start3A_516 : memref<128xi32, #tpu.memory_space<vmem>>) semaphore(%run_scoped3A_513 : memref<!tpu.dma_semaphore, #tpu.memory_space<semaphore_mem>>) {add = true}
        %dma_wait3A_520 = arith.constant 0 : i32
        %dma_wait3A_521 = tpu.memref_slice %arg7[%run_scoped3A_503, %dma_wait3A_520] : memref<16x128xi32, #tpu.memory_space<vmem>> -> memref<1x128xi32, #tpu.memory_space<vmem>>
        %dma_wait3A_522 = tpu.memref_squeeze %dma_wait3A_521 : memref<1x128xi32, #tpu.memory_space<vmem>> -> memref<128xi32, #tpu.memory_space<vmem>>
        %dma_wait3A_523 = arith.constant 0 : i32
        %dma_wait3A_524 = arith.constant 0 : i32
        %dma_wait3A_525 = tpu.memref_slice %arg10[%dma_wait3A_523, %dma_wait3A_524] : memref<10240x128xf32, #tpu.memory_space<vmem_shared>> -> memref<10240x128xf32, #tpu.memory_space<vmem_shared>>
        tpu.wait_indirect_dma semaphore(%run_scoped3A_513 : memref<!tpu.dma_semaphore, #tpu.memory_space<semaphore_mem>>) src(%arg9 : memref<128x128xf32, #tpu.memory_space<vmem>>) dst(%dma_wait3A_525 : memref<10240x128xf32, #tpu.memory_space<vmem_shared>>)
        tpu.yield
      }) : () -> ()
      %dma_wait3A_504 = arith.constant 15 : i32
      %dma_wait3A_505 = arith.constant 0 : i32
      %dma_wait3A_506 = tpu.memref_slice %arg6[%dma_wait3A_504, %dma_wait3A_505] : memref<16x128xi32, #tpu.memory_space<vmem>> -> memref<1x128xi32, #tpu.memory_space<vmem>>
      %dma_wait3A_507 = tpu.memref_squeeze %dma_wait3A_506 : memref<1x128xi32, #tpu.memory_space<vmem>> -> memref<128xi32, #tpu.memory_space<vmem>>
      %dma_wait3A_508 = arith.constant 0 : i32
      %dma_wait3A_509 = arith.constant 0 : i32
      %dma_wait3A_510 = tpu.memref_slice %arg2[%dma_wait3A_508, %dma_wait3A_509] : memref<10000x128xf32, #tpu.memory_space<hbm>> -> memref<10000x128xf32, #tpu.memory_space<hbm>>
      tpu.wait_indirect_dma semaphore(%arg11 : memref<!tpu.dma_semaphore, #tpu.memory_space<semaphore_mem>>) src(%dma_wait3A_510 : memref<10000x128xf32, #tpu.memory_space<hbm>>) dst(%arg8 : memref<128x128xf32, #tpu.memory_space<vmem>>)
      %run_scoped3A_511 = arith.constant 15 : i32
      "tpu.region"() ({
        %run_scoped3A_513 = tpu.sem_alloc : memref<!tpu.dma_semaphore, #tpu.memory_space<semaphore_mem>>
        %dma_start3A_514 = arith.constant 0 : i32
        %dma_start3A_515 = tpu.memref_slice %arg7[%run_scoped3A_511, %dma_start3A_514] : memref<16x128xi32, #tpu.memory_space<vmem>> -> memref<1x128xi32, #tpu.memory_space<vmem>>
        %dma_start3A_516 = tpu.memref_squeeze %dma_start3A_515 : memref<1x128xi32, #tpu.memory_space<vmem>> -> memref<128xi32, #tpu.memory_space<vmem>>
        %dma_start3A_517 = arith.constant 0 : i32
        %dma_start3A_518 = arith.constant 0 : i32
        %dma_start3A_519 = tpu.memref_slice %arg10[%dma_start3A_517, %dma_start3A_518] : memref<10240x128xf32, #tpu.memory_space<vmem_shared>> -> memref<10240x128xf32, #tpu.memory_space<vmem_shared>>
        tpu.enqueue_indirect_dma source(%arg8 : memref<128x128xf32, #tpu.memory_space<vmem>>) target(%dma_start3A_519 : memref<10240x128xf32, #tpu.memory_space<vmem_shared>>) offsets(%dma_start3A_516 : memref<128xi32, #tpu.memory_space<vmem>>) semaphore(%run_scoped3A_513 : memref<!tpu.dma_semaphore, #tpu.memory_space<semaphore_mem>>) {add = true}
        %dma_wait3A_520 = arith.constant 0 : i32
        %dma_wait3A_521 = tpu.memref_slice %arg7[%run_scoped3A_511, %dma_wait3A_520] : memref<16x128xi32, #tpu.memory_space<vmem>> -> memref<1x128xi32, #tpu.memory_space<vmem>>
        %dma_wait3A_522 = tpu.memref_squeeze %dma_wait3A_521 : memref<1x128xi32, #tpu.memory_space<vmem>> -> memref<128xi32, #tpu.memory_space<vmem>>
        %dma_wait3A_523 = arith.constant 0 : i32
        %dma_wait3A_524 = arith.constant 0 : i32
        %dma_wait3A_525 = tpu.memref_slice %arg10[%dma_wait3A_523, %dma_wait3A_524] : memref<10240x128xf32, #tpu.memory_space<vmem_shared>> -> memref<10240x128xf32, #tpu.memory_space<vmem_shared>>
        tpu.wait_indirect_dma semaphore(%run_scoped3A_513 : memref<!tpu.dma_semaphore, #tpu.memory_space<semaphore_mem>>) src(%arg8 : memref<128x128xf32, #tpu.memory_space<vmem>>) dst(%dma_wait3A_525 : memref<10240x128xf32, #tpu.memory_space<vmem_shared>>)
        tpu.yield
      }) : () -> ()
      %scan3A_512 = arith.constant 0 : i32
      scf.yield %scan3A_512 : i32
    }
    %scan3A_260 = arith.constant 4 : i32
    %barrier3A_261 = arith.constant 0 : index
    tpu.barrier barrier_id(%barrier3A_261)
    %mul3A_262 = arith.constant 640 : i32
    %mul3A_263 = arith.muli %arg1, %mul3A_262 : i32
    %mul3A_264 = arith.constant 640 : i32
    %mul3A_265 = arith.muli %arg1, %mul3A_264 : i32
    "tpu.region"() ({
      %run_scoped3A_266 = tpu.sem_alloc : memref<!tpu.dma_semaphore, #tpu.memory_space<semaphore_mem>>
      %dma_start3A_267 = arith.constant 0 : i32
      %dma_start3A_268 = tpu.memref_slice %arg5[%arg0, %mul3A_265, %dma_start3A_267] : memref<2x10240x128xf32, #tpu.memory_space<hbm>> -> memref<1x640x128xf32, #tpu.memory_space<hbm>>
      %dma_start3A_269 = tpu.memref_squeeze %dma_start3A_268 : memref<1x640x128xf32, #tpu.memory_space<hbm>> -> memref<640x128xf32, #tpu.memory_space<hbm>>
      %dma_start3A_270 = arith.constant 0 : i32
      %dma_start3A_271 = tpu.memref_slice %arg10[%mul3A_263, %dma_start3A_270] : memref<10240x128xf32, #tpu.memory_space<vmem_shared>> -> memref<640x128xf32, #tpu.memory_space<vmem_shared>>
      tpu.enqueue_dma source(%dma_start3A_271 : memref<640x128xf32, #tpu.memory_space<vmem_shared>>) target(%dma_start3A_269 : memref<640x128xf32, #tpu.memory_space<hbm>>) target_semaphore(%run_scoped3A_266 : memref<!tpu.dma_semaphore, #tpu.memory_space<semaphore_mem>>)
      %dma_wait3A_272 = arith.constant 0 : i32
      %dma_wait3A_273 = tpu.memref_slice %arg5[%arg0, %mul3A_265, %dma_wait3A_272] : memref<2x10240x128xf32, #tpu.memory_space<hbm>> -> memref<1x640x128xf32, #tpu.memory_space<hbm>>
      %dma_wait3A_274 = tpu.memref_squeeze %dma_wait3A_273 : memref<1x640x128xf32, #tpu.memory_space<hbm>> -> memref<640x128xf32, #tpu.memory_space<hbm>>
      %dma_wait3A_275 = arith.constant 0 : i32
      %dma_wait3A_276 = tpu.memref_slice %arg10[%mul3A_263, %dma_wait3A_275] : memref<10240x128xf32, #tpu.memory_space<vmem_shared>> -> memref<640x128xf32, #tpu.memory_space<vmem_shared>>
      tpu.wait_dma2 semaphore(%run_scoped3A_266 : memref<!tpu.dma_semaphore, #tpu.memory_space<semaphore_mem>>) src(%dma_wait3A_276 : memref<640x128xf32, #tpu.memory_space<vmem_shared>>) dst(%dma_wait3A_274 : memref<640x128xf32, #tpu.memory_space<hbm>>)
      tpu.yield
    }) : () -> ()
    return
  }
}

#map = affine_map<(d0, d1) -> (0, 0)>
#map1 = affine_map<(d0, d1) -> (0, 0, 0)>
module attributes {stable_mosaic.version = 14 : i64} {
  func.func @_sc_scatter(%arg0: i32, %arg1: i32, %arg2: memref<10000x128xf32, #tpu.memory_space<hbm>>, %arg3: memref<2560x128xi32, #tpu.memory_space<hbm>>, %arg4: memref<2560x128xi32, #tpu.memory_space<hbm>>, %arg5: memref<2x10240x128xf32, #tpu.memory_space<hbm>>, %arg6: memref<16x128xi32, #tpu.memory_space<vmem>>, %arg7: memref<16x128xi32, #tpu.memory_space<vmem>>, %arg8: memref<128x128xf32, #tpu.memory_space<vmem>>, %arg9: memref<128x128xf32, #tpu.memory_space<vmem>>, %arg10: memref<10240x128xf32, #tpu.memory_space<vmem_shared>>, %arg11: memref<!tpu.dma_semaphore, #tpu.memory_space<semaphore_mem>>, %arg12: memref<!tpu.dma_semaphore, #tpu.memory_space<semaphore_mem>>) attributes {dimension_semantics = [#tpu.dimension_semantics<core_parallel>, #tpu.dimension_semantics<subcore_parallel>], iteration_bounds = array<i64: 2, 16>, scalar_prefetch = 0 : i64, scratch_operands = 7 : i64, tpu.core_type = #tpu.core_type<sc_vector_subcore>, window_params = [{transform_indices = #map}, {transform_indices = #map}, {transform_indices = #map}, {transform_indices = #map1}]} {
    %mul3A = arith.constant 16 : i32
    %mul3A_0 = arith.muli %arg0, %mul3A : i32
    %add3A = arith.addi %mul3A_0, %arg1 : i32
    %mul3A_1 = arith.constant 80 : i32
    %mul3A_2 = arith.muli %add3A, %mul3A_1 : i32
    %multiple_of3A = tpu.assume_multiple %mul3A_2, 16 : i32
    "tpu.region"() ({
      %run_scoped3A_266 = tpu.sem_alloc : memref<!tpu.dma_semaphore, #tpu.memory_space<semaphore_mem>>
      %dma_start3A_267 = arith.constant 0 : i32
      %dma_start3A_268 = tpu.memref_slice %arg3[%multiple_of3A, %dma_start3A_267] : memref<2560x128xi32, #tpu.memory_space<hbm>> -> memref<16x128xi32, #tpu.memory_space<hbm>>
      %dma_start3A_269 = arith.constant 0 : i32
      %dma_start3A_270 = tpu.memref_slice %arg3[%multiple_of3A, %dma_start3A_269] : memref<2560x128xi32, #tpu.memory_space<hbm>> -> memref<16x128xi32, #tpu.memory_space<hbm>>
      tpu.enqueue_dma source(%dma_start3A_270 : memref<16x128xi32, #tpu.memory_space<hbm>>) target(%arg6 : memref<16x128xi32, #tpu.memory_space<vmem>>) target_semaphore(%run_scoped3A_266 : memref<!tpu.dma_semaphore, #tpu.memory_space<semaphore_mem>>)
      %dma_wait3A_271 = arith.constant 0 : i32
      %dma_wait3A_272 = tpu.memref_slice %arg3[%multiple_of3A, %dma_wait3A_271] : memref<2560x128xi32, #tpu.memory_space<hbm>> -> memref<16x128xi32, #tpu.memory_space<hbm>>
      %dma_wait3A_273 = arith.constant 0 : i32
      %dma_wait3A_274 = tpu.memref_slice %arg3[%multiple_of3A, %dma_wait3A_273] : memref<2560x128xi32, #tpu.memory_space<hbm>> -> memref<16x128xi32, #tpu.memory_space<hbm>>
      tpu.wait_dma2 semaphore(%run_scoped3A_266 : memref<!tpu.dma_semaphore, #tpu.memory_space<semaphore_mem>>) src(%dma_wait3A_274 : memref<16x128xi32, #tpu.memory_space<hbm>>) dst(%arg6 : memref<16x128xi32, #tpu.memory_space<vmem>>)
      tpu.yield
    }) : () -> ()
    %multiple_of3A_3 = tpu.assume_multiple %mul3A_2, 16 : i32
    "tpu.region"() ({
      %run_scoped3A_266 = tpu.sem_alloc : memref<!tpu.dma_semaphore, #tpu.memory_space<semaphore_mem>>
      %dma_start3A_267 = arith.constant 0 : i32
      %dma_start3A_268 = tpu.memref_slice %arg4[%multiple_of3A_3, %dma_start3A_267] : memref<2560x128xi32, #tpu.memory_space<hbm>> -> memref<16x128xi32, #tpu.memory_space<hbm>>
      %dma_start3A_269 = arith.constant 0 : i32
      %dma_start3A_270 = tpu.memref_slice %arg4[%multiple_of3A_3, %dma_start3A_269] : memref<2560x128xi32, #tpu.memory_space<hbm>> -> memref<16x128xi32, #tpu.memory_space<hbm>>
      tpu.enqueue_dma source(%dma_start3A_270 : memref<16x128xi32, #tpu.memory_space<hbm>>) target(%arg7 : memref<16x128xi32, #tpu.memory_space<vmem>>) target_semaphore(%run_scoped3A_266 : memref<!tpu.dma_semaphore, #tpu.memory_space<semaphore_mem>>)
      %dma_wait3A_271 = arith.constant 0 : i32
      %dma_wait3A_272 = tpu.memref_slice %arg4[%multiple_of3A_3, %dma_wait3A_271] : memref<2560x128xi32, #tpu.memory_space<hbm>> -> memref<16x128xi32, #tpu.memory_space<hbm>>
      %dma_wait3A_273 = arith.constant 0 : i32
      %dma_wait3A_274 = tpu.memref_slice %arg4[%multiple_of3A_3, %dma_wait3A_273] : memref<2560x128xi32, #tpu.memory_space<hbm>> -> memref<16x128xi32, #tpu.memory_space<hbm>>
      tpu.wait_dma2 semaphore(%run_scoped3A_266 : memref<!tpu.dma_semaphore, #tpu.memory_space<semaphore_mem>>) src(%dma_wait3A_274 : memref<16x128xi32, #tpu.memory_space<hbm>>) dst(%arg7 : memref<16x128xi32, #tpu.memory_space<vmem>>)
      tpu.yield
    }) : () -> ()
    %dma_start3A = arith.constant 0 : i32
    %dma_start3A_4 = arith.constant 0 : i32
    %dma_start3A_5 = tpu.memref_slice %arg6[%dma_start3A, %dma_start3A_4] : memref<16x128xi32, #tpu.memory_space<vmem>> -> memref<1x128xi32, #tpu.memory_space<vmem>>
    %dma_start3A_6 = tpu.memref_squeeze %dma_start3A_5 : memref<1x128xi32, #tpu.memory_space<vmem>> -> memref<128xi32, #tpu.memory_space<vmem>>
    %dma_start3A_7 = arith.constant 0 : i32
    %dma_start3A_8 = arith.constant 0 : i32
    %dma_start3A_9 = tpu.memref_slice %arg2[%dma_start3A_7, %dma_start3A_8] : memref<10000x128xf32, #tpu.memory_space<hbm>> -> memref<10000x128xf32, #tpu.memory_space<hbm>>
    tpu.enqueue_indirect_dma source(%dma_start3A_9 : memref<10000x128xf32, #tpu.memory_space<hbm>>) target(%arg9 : memref<128x128xf32, #tpu.memory_space<vmem>>) offsets(%dma_start3A_6 : memref<128xi32, #tpu.memory_space<vmem>>) semaphore(%arg12 : memref<!tpu.dma_semaphore, #tpu.memory_space<semaphore_mem>>)
    %scan3A = arith.constant 0 : i32
    %scan3A_10 = arith.constant 0 : i32
    %scan3A_11 = arith.constant 1024 : i32
    %scan3A_12 = arith.addi %scan3A_10, %scan3A_11 : i32
    %scan3A_13 = arith.constant 1 : i32
    %scan3A_14 = scf.for %scan3A_266 = %scan3A_10 to %scan3A_12 step %scan3A_13 iter_args(%scan3A_267 = %scan3A) -> (i32)  : i32 {
      %broadcast_in_dim3A = arith.constant 0.000000e+00 : f32
      %broadcast_in_dim3A_268 = vector.broadcast %broadcast_in_dim3A : f32 to vector<16xf32>
      %jit3A = arith.constant 8 : i32
      %div3A = arith.divsi %scan3A_266, %jit3A : i32
      %sign3A = arith.constant 0 : i32
      %sign3A_269 = arith.cmpi sgt, %scan3A_266, %sign3A : i32
      %sign3A_270 = arith.extui %sign3A_269 : i1 to i32
      %sign3A_271 = arith.constant 0 : i32
      %sign3A_272 = arith.cmpi slt, %scan3A_266, %sign3A_271 : i32
      %sign3A_273 = arith.extui %sign3A_272 : i1 to i32
      %sign3A_274 = arith.subi %sign3A_270, %sign3A_273 : i32
      %sign3A_275 = arith.constant 0 : i32
      %sign3A_276 = arith.cmpi sgt, %jit3A, %sign3A_275 : i32
      %sign3A_277 = arith.extui %sign3A_276 : i1 to i32
      %sign3A_278 = arith.constant 0 : i32
      %sign3A_279 = arith.cmpi slt, %jit3A, %sign3A_278 : i32
      %sign3A_280 = arith.extui %sign3A_279 : i1 to i32
      %sign3A_281 = arith.subi %sign3A_277, %sign3A_280 : i32
      %ne3A = arith.cmpi ne, %sign3A_274, %sign3A_281 : i32
      %rem3A = arith.remsi %scan3A_266, %jit3A : i32
      %ne3A_282 = arith.constant 0 : i32
      %ne3A_283 = arith.cmpi ne, %rem3A, %ne3A_282 : i32
      %and3A = arith.andi %ne3A, %ne3A_283 : i1
      %sub3A = arith.constant 1 : i32
      %sub3A_284 = arith.subi %div3A, %sub3A : i32
      %select_n3A = arith.select %and3A, %sub3A_284, %div3A : i32
      %jit3A_285 = arith.constant 8 : i32
      %eq3A = arith.constant 0 : i32
      %eq3A_286 = arith.cmpi eq, %jit3A_285, %eq3A : i32
      %jit3A_287 = arith.constant 1 : i32
      %select_n3A_288 = arith.select %eq3A_286, %jit3A_287, %jit3A_285 : i32
      %rem3A_289 = arith.remsi %scan3A_266, %select_n3A_288 : i32
      %ne3A_290 = arith.constant 0 : i32
      %ne3A_291 = arith.cmpi ne, %rem3A_289, %ne3A_290 : i32
      %lt3A = arith.constant 0 : i32
      %lt3A_292 = arith.cmpi slt, %rem3A_289, %lt3A : i32
      %lt3A_293 = arith.constant 0 : i32
      %lt3A_294 = arith.cmpi slt, %select_n3A_288, %lt3A_293 : i32
      %ne3A_295 = arith.xori %lt3A_292, %lt3A_294 : i1
      %and3A_296 = arith.andi %ne3A_295, %ne3A_291 : i1
      %add3A_297 = arith.addi %rem3A_289, %select_n3A_288 : i32
      %select_n3A_298 = arith.select %and3A_296, %add3A_297, %rem3A_289 : i32
      %mul3A_299 = arith.constant 16 : i32
      %mul3A_300 = arith.muli %select_n3A_298, %mul3A_299 : i32
      %swap3A = arith.index_cast %select_n3A : i32 to index
      %swap3A_301 = arith.index_cast %mul3A_300 : i32 to index
      %swap3A_302 = tpu.vector_load %arg8[%swap3A, %swap3A_301] {strides = array<i32>} : memref<128x128xf32, #tpu.memory_space<vmem>>, vector<1x16xf32>,
      %swap3A_303 = vector.shape_cast %swap3A_302 : vector<1x16xf32> to vector<16xf32>
      %swap3A_304 = vector.shape_cast %broadcast_in_dim3A_268 : vector<16xf32> to vector<1x16xf32>
      tpu.vector_store %arg8[%swap3A, %swap3A_301], %swap3A_304 {strides = array<i32>} : memref<128x128xf32, #tpu.memory_space<vmem>>, vector<1x16xf32>,
      %scan3A_305 = arith.constant 0 : i32
      scf.yield %scan3A_305 : i32
    }
    %scan3A_15 = arith.constant 1024 : i32
    %scan3A_16 = arith.constant 0 : i32
    %scan3A_17 = arith.constant 0 : i32
    %scan3A_18 = arith.constant 5 : i32
    %scan3A_19 = arith.addi %scan3A_17, %scan3A_18 : i32
    %scan3A_20 = arith.constant 1 : i32
    %scan3A_21 = scf.for %scan3A_266 = %scan3A_17 to %scan3A_19 step %scan3A_20 iter_args(%scan3A_267 = %scan3A_16) -> (i32)  : i32 {
      %mul3A_268 = arith.constant 640 : i32
      %mul3A_269 = arith.muli %arg1, %mul3A_268 : i32
      %mul3A_270 = arith.constant 128 : i32
      %mul3A_271 = arith.muli %scan3A_266, %mul3A_270 : i32
      %add3A_272 = arith.addi %mul3A_269, %mul3A_271 : i32
      "tpu.region"() ({
        %run_scoped3A_274 = tpu.sem_alloc : memref<!tpu.dma_semaphore, #tpu.memory_space<semaphore_mem>>
        %dma_start3A_275 = arith.constant 0 : i32
        %dma_start3A_276 = tpu.memref_slice %arg10[%add3A_272, %dma_start3A_275] : memref<10240x128xf32, #tpu.memory_space<vmem_shared>> -> memref<128x128xf32, #tpu.memory_space<vmem_shared>>
        %dma_start3A_277 = arith.constant 0 : i32
        %dma_start3A_278 = tpu.memref_slice %arg10[%add3A_272, %dma_start3A_277] : memref<10240x128xf32, #tpu.memory_space<vmem_shared>> -> memref<128x128xf32, #tpu.memory_space<vmem_shared>>
        tpu.enqueue_dma source(%arg8 : memref<128x128xf32, #tpu.memory_space<vmem>>) target(%dma_start3A_278 : memref<128x128xf32, #tpu.memory_space<vmem_shared>>) target_semaphore(%run_scoped3A_274 : memref<!tpu.dma_semaphore, #tpu.memory_space<semaphore_mem>>)
        %dma_wait3A_279 = arith.constant 0 : i32
        %dma_wait3A_280 = tpu.memref_slice %arg10[%add3A_272, %dma_wait3A_279] : memref<10240x128xf32, #tpu.memory_space<vmem_shared>> -> memref<128x128xf32, #tpu.memory_space<vmem_shared>>
        %dma_wait3A_281 = arith.constant 0 : i32
        %dma_wait3A_282 = tpu.memref_slice %arg10[%add3A_272, %dma_wait3A_281] : memref<10240x128xf32, #tpu.memory_space<vmem_shared>> -> memref<128x128xf32, #tpu.memory_space<vmem_shared>>
        tpu.wait_dma2 semaphore(%run_scoped3A_274 : memref<!tpu.dma_semaphore, #tpu.memory_space<semaphore_mem>>) src(%arg8 : memref<128x128xf32, #tpu.memory_space<vmem>>) dst(%dma_wait3A_282 : memref<128x128xf32, #tpu.memory_space<vmem_shared>>)
        tpu.yield
      }) : () -> ()
      %scan3A_273 = arith.constant 0 : i32
      scf.yield %scan3A_273 : i32
    }
    %scan3A_22 = arith.constant 5 : i32
    %barrier3A = arith.constant 0 : index
    tpu.barrier barrier_id(%barrier3A)
    %dma_start3A_23 = arith.constant 1 : i32
    %dma_start3A_24 = arith.constant 0 : i32
    %dma_start3A_25 = tpu.memref_slice %arg6[%dma_start3A_23, %dma_start3A_24] : memref<16x128xi32, #tpu.memory_space<vmem>> -> memref<1x128xi32, #tpu.memory_space<vmem>>
    %dma_start3A_26 = tpu.memref_squeeze %dma_start3A_25 : memref<1x128xi32, #tpu.memory_space<vmem>> -> memref<128xi32, #tpu.memory_space<vmem>>
    %dma_start3A_27 = arith.constant 0 : i32
    %dma_start3A_28 = arith.constant 0 : i32
    %dma_start3A_29 = tpu.memref_slice %arg2[%dma_start3A_27, %dma_start3A_28] : memref<10000x128xf32, #tpu.memory_space<hbm>> -> memref<10000x128xf32, #tpu.memory_space<hbm>>
    tpu.enqueue_indirect_dma source(%dma_start3A_29 : memref<10000x128xf32, #tpu.memory_space<hbm>>) target(%arg8 : memref<128x128xf32, #tpu.memory_space<vmem>>) offsets(%dma_start3A_26 : memref<128xi32, #tpu.memory_space<vmem>>) semaphore(%arg11 : memref<!tpu.dma_semaphore, #tpu.memory_space<semaphore_mem>>)
    %dma_wait3A = arith.constant 0 : i32
    %dma_wait3A_30 = arith.constant 0 : i32
    %dma_wait3A_31 = tpu.memref_slice %arg6[%dma_wait3A, %dma_wait3A_30] : memref<16x128xi32, #tpu.memory_space<vmem>> -> memref<1x128xi32, #tpu.memory_space<vmem>>
    %dma_wait3A_32 = tpu.memref_squeeze %dma_wait3A_31 : memref<1x128xi32, #tpu.memory_space<vmem>> -> memref<128xi32, #tpu.memory_space<vmem>>
    %dma_wait3A_33 = arith.constant 0 : i32
    %dma_wait3A_34 = arith.constant 0 : i32
    %dma_wait3A_35 = tpu.memref_slice %arg2[%dma_wait3A_33, %dma_wait3A_34] : memref<10000x128xf32, #tpu.memory_space<hbm>> -> memref<10000x128xf32, #tpu.memory_space<hbm>>
    tpu.wait_indirect_dma semaphore(%arg12 : memref<!tpu.dma_semaphore, #tpu.memory_space<semaphore_mem>>) src(%dma_wait3A_35 : memref<10000x128xf32, #tpu.memory_space<hbm>>) dst(%arg9 : memref<128x128xf32, #tpu.memory_space<vmem>>)
    %run_scoped3A = arith.constant 0 : i32
    "tpu.region"() ({
      %run_scoped3A_266 = tpu.sem_alloc : memref<!tpu.dma_semaphore, #tpu.memory_space<semaphore_mem>>
      %dma_start3A_267 = arith.constant 0 : i32
      %dma_start3A_268 = tpu.memref_slice %arg7[%run_scoped3A, %dma_start3A_267] : memref<16x128xi32, #tpu.memory_space<vmem>> -> memref<1x128xi32, #tpu.memory_space<vmem>>
      %dma_start3A_269 = tpu.memref_squeeze %dma_start3A_268 : memref<1x128xi32, #tpu.memory_space<vmem>> -> memref<128xi32, #tpu.memory_space<vmem>>
      %dma_start3A_270 = arith.constant 0 : i32
      %dma_start3A_271 = arith.constant 0 : i32
      %dma_start3A_272 = tpu.memref_slice %arg10[%dma_start3A_270, %dma_start3A_271] : memref<10240x128xf32, #tpu.memory_space<vmem_shared>> -> memref<10240x128xf32, #tpu.memory_space<vmem_shared>>
      tpu.enqueue_indirect_dma source(%arg9 : memref<128x128xf32, #tpu.memory_space<vmem>>) target(%dma_start3A_272 : memref<10240x128xf32, #tpu.memory_space<vmem_shared>>) offsets(%dma_start3A_269 : memref<128xi32, #tpu.memory_space<vmem>>) semaphore(%run_scoped3A_266 : memref<!tpu.dma_semaphore, #tpu.memory_space<semaphore_mem>>) {add = true}
      %dma_wait3A_273 = arith.constant 0 : i32
      %dma_wait3A_274 = tpu.memref_slice %arg7[%run_scoped3A, %dma_wait3A_273] : memref<16x128xi32, #tpu.memory_space<vmem>> -> memref<1x128xi32, #tpu.memory_space<vmem>>
      %dma_wait3A_275 = tpu.memref_squeeze %dma_wait3A_274 : memref<1x128xi32, #tpu.memory_space<vmem>> -> memref<128xi32, #tpu.memory_space<vmem>>
      %dma_wait3A_276 = arith.constant 0 : i32
      %dma_wait3A_277 = arith.constant 0 : i32
      %dma_wait3A_278 = tpu.memref_slice %arg10[%dma_wait3A_276, %dma_wait3A_277] : memref<10240x128xf32, #tpu.memory_space<vmem_shared>> -> memref<10240x128xf32, #tpu.memory_space<vmem_shared>>
      tpu.wait_indirect_dma semaphore(%run_scoped3A_266 : memref<!tpu.dma_semaphore, #tpu.memory_space<semaphore_mem>>) src(%arg9 : memref<128x128xf32, #tpu.memory_space<vmem>>) dst(%dma_wait3A_278 : memref<10240x128xf32, #tpu.memory_space<vmem_shared>>)
      tpu.yield
    }) : () -> ()
    %dma_start3A_36 = arith.constant 2 : i32
    %dma_start3A_37 = arith.constant 0 : i32
    %dma_start3A_38 = tpu.memref_slice %arg6[%dma_start3A_36, %dma_start3A_37] : memref<16x128xi32, #tpu.memory_space<vmem>> -> memref<1x128xi32, #tpu.memory_space<vmem>>
    %dma_start3A_39 = tpu.memref_squeeze %dma_start3A_38 : memref<1x128xi32, #tpu.memory_space<vmem>> -> memref<128xi32, #tpu.memory_space<vmem>>
    %dma_start3A_40 = arith.constant 0 : i32
    %dma_start3A_41 = arith.constant 0 : i32
    %dma_start3A_42 = tpu.memref_slice %arg2[%dma_start3A_40, %dma_start3A_41] : memref<10000x128xf32, #tpu.memory_space<hbm>> -> memref<10000x128xf32, #tpu.memory_space<hbm>>
    tpu.enqueue_indirect_dma source(%dma_start3A_42 : memref<10000x128xf32, #tpu.memory_space<hbm>>) target(%arg9 : memref<128x128xf32, #tpu.memory_space<vmem>>) offsets(%dma_start3A_39 : memref<128xi32, #tpu.memory_space<vmem>>) semaphore(%arg12 : memref<!tpu.dma_semaphore, #tpu.memory_space<semaphore_mem>>)
    %dma_wait3A_43 = arith.constant 1 : i32
    %dma_wait3A_44 = arith.constant 0 : i32
    %dma_wait3A_45 = tpu.memref_slice %arg6[%dma_wait3A_43, %dma_wait3A_44] : memref<16x128xi32, #tpu.memory_space<vmem>> -> memref<1x128xi32, #tpu.memory_space<vmem>>
    %dma_wait3A_46 = tpu.memref_squeeze %dma_wait3A_45 : memref<1x128xi32, #tpu.memory_space<vmem>> -> memref<128xi32, #tpu.memory_space<vmem>>
    %dma_wait3A_47 = arith.constant 0 : i32
    %dma_wait3A_48 = arith.constant 0 : i32
    %dma_wait3A_49 = tpu.memref_slice %arg2[%dma_wait3A_47, %dma_wait3A_48] : memref<10000x128xf32, #tpu.memory_space<hbm>> -> memref<10000x128xf32, #tpu.memory_space<hbm>>
    tpu.wait_indirect_dma semaphore(%arg11 : memref<!tpu.dma_semaphore, #tpu.memory_space<semaphore_mem>>) src(%dma_wait3A_49 : memref<10000x128xf32, #tpu.memory_space<hbm>>) dst(%arg8 : memref<128x128xf32, #tpu.memory_space<vmem>>)
    %run_scoped3A_50 = arith.constant 1 : i32
    "tpu.region"() ({
      %run_scoped3A_266 = tpu.sem_alloc : memref<!tpu.dma_semaphore, #tpu.memory_space<semaphore_mem>>
      %dma_start3A_267 = arith.constant 0 : i32
      %dma_start3A_268 = tpu.memref_slice %arg7[%run_scoped3A_50, %dma_start3A_267] : memref<16x128xi32, #tpu.memory_space<vmem>> -> memref<1x128xi32, #tpu.memory_space<vmem>>
      %dma_start3A_269 = tpu.memref_squeeze %dma_start3A_268 : memref<1x128xi32, #tpu.memory_space<vmem>> -> memref<128xi32, #tpu.memory_space<vmem>>
      %dma_start3A_270 = arith.constant 0 : i32
      %dma_start3A_271 = arith.constant 0 : i32
      %dma_start3A_272 = tpu.memref_slice %arg10[%dma_start3A_270, %dma_start3A_271] : memref<10240x128xf32, #tpu.memory_space<vmem_shared>> -> memref<10240x128xf32, #tpu.memory_space<vmem_shared>>
      tpu.enqueue_indirect_dma source(%arg8 : memref<128x128xf32, #tpu.memory_space<vmem>>) target(%dma_start3A_272 : memref<10240x128xf32, #tpu.memory_space<vmem_shared>>) offsets(%dma_start3A_269 : memref<128xi32, #tpu.memory_space<vmem>>) semaphore(%run_scoped3A_266 : memref<!tpu.dma_semaphore, #tpu.memory_space<semaphore_mem>>) {add = true}
      %dma_wait3A_273 = arith.constant 0 : i32
      %dma_wait3A_274 = tpu.memref_slice %arg7[%run_scoped3A_50, %dma_wait3A_273] : memref<16x128xi32, #tpu.memory_space<vmem>> -> memref<1x128xi32, #tpu.memory_space<vmem>>
      %dma_wait3A_275 = tpu.memref_squeeze %dma_wait3A_274 : memref<1x128xi32, #tpu.memory_space<vmem>> -> memref<128xi32, #tpu.memory_space<vmem>>
      %dma_wait3A_276 = arith.constant 0 : i32
      %dma_wait3A_277 = arith.constant 0 : i32
      %dma_wait3A_278 = tpu.memref_slice %arg10[%dma_wait3A_276, %dma_wait3A_277] : memref<10240x128xf32, #tpu.memory_space<vmem_shared>> -> memref<10240x128xf32, #tpu.memory_space<vmem_shared>>
      tpu.wait_indirect_dma semaphore(%run_scoped3A_266 : memref<!tpu.dma_semaphore, #tpu.memory_space<semaphore_mem>>) src(%arg8 : memref<128x128xf32, #tpu.memory_space<vmem>>) dst(%dma_wait3A_278 : memref<10240x128xf32, #tpu.memory_space<vmem_shared>>)
      tpu.yield
    }) : () -> ()
    %dma_start3A_51 = arith.constant 3 : i32
    %dma_start3A_52 = arith.constant 0 : i32
    %dma_start3A_53 = tpu.memref_slice %arg6[%dma_start3A_51, %dma_start3A_52] : memref<16x128xi32, #tpu.memory_space<vmem>> -> memref<1x128xi32, #tpu.memory_space<vmem>>
    %dma_start3A_54 = tpu.memref_squeeze %dma_start3A_53 : memref<1x128xi32, #tpu.memory_space<vmem>> -> memref<128xi32, #tpu.memory_space<vmem>>
    %dma_start3A_55 = arith.constant 0 : i32
    %dma_start3A_56 = arith.constant 0 : i32
    %dma_start3A_57 = tpu.memref_slice %arg2[%dma_start3A_55, %dma_start3A_56] : memref<10000x128xf32, #tpu.memory_space<hbm>> -> memref<10000x128xf32, #tpu.memory_space<hbm>>
    tpu.enqueue_indirect_dma source(%dma_start3A_57 : memref<10000x128xf32, #tpu.memory_space<hbm>>) target(%arg8 : memref<128x128xf32, #tpu.memory_space<vmem>>) offsets(%dma_start3A_54 : memref<128xi32, #tpu.memory_space<vmem>>) semaphore(%arg11 : memref<!tpu.dma_semaphore, #tpu.memory_space<semaphore_mem>>)
    %dma_wait3A_58 = arith.constant 2 : i32
    %dma_wait3A_59 = arith.constant 0 : i32
    %dma_wait3A_60 = tpu.memref_slice %arg6[%dma_wait3A_58, %dma_wait3A_59] : memref<16x128xi32, #tpu.memory_space<vmem>> -> memref<1x128xi32, #tpu.memory_space<vmem>>
    %dma_wait3A_61 = tpu.memref_squeeze %dma_wait3A_60 : memref<1x128xi32, #tpu.memory_space<vmem>> -> memref<128xi32, #tpu.memory_space<vmem>>
    %dma_wait3A_62 = arith.constant 0 : i32
    %dma_wait3A_63 = arith.constant 0 : i32
    %dma_wait3A_64 = tpu.memref_slice %arg2[%dma_wait3A_62, %dma_wait3A_63] : memref<10000x128xf32, #tpu.memory_space<hbm>> -> memref<10000x128xf32, #tpu.memory_space<hbm>>
    tpu.wait_indirect_dma semaphore(%arg12 : memref<!tpu.dma_semaphore, #tpu.memory_space<semaphore_mem>>) src(%dma_wait3A_64 : memref<10000x128xf32, #tpu.memory_space<hbm>>) dst(%arg9 : memref<128x128xf32, #tpu.memory_space<vmem>>)
    %run_scoped3A_65 = arith.constant 2 : i32
    "tpu.region"() ({
      %run_scoped3A_266 = tpu.sem_alloc : memref<!tpu.dma_semaphore, #tpu.memory_space<semaphore_mem>>
      %dma_start3A_267 = arith.constant 0 : i32
      %dma_start3A_268 = tpu.memref_slice %arg7[%run_scoped3A_65, %dma_start3A_267] : memref<16x128xi32, #tpu.memory_space<vmem>> -> memref<1x128xi32, #tpu.memory_space<vmem>>
      %dma_start3A_269 = tpu.memref_squeeze %dma_start3A_268 : memref<1x128xi32, #tpu.memory_space<vmem>> -> memref<128xi32, #tpu.memory_space<vmem>>
      %dma_start3A_270 = arith.constant 0 : i32
      %dma_start3A_271 = arith.constant 0 : i32
      %dma_start3A_272 = tpu.memref_slice %arg10[%dma_start3A_270, %dma_start3A_271] : memref<10240x128xf32, #tpu.memory_space<vmem_shared>> -> memref<10240x128xf32, #tpu.memory_space<vmem_shared>>
      tpu.enqueue_indirect_dma source(%arg9 : memref<128x128xf32, #tpu.memory_space<vmem>>) target(%dma_start3A_272 : memref<10240x128xf32, #tpu.memory_space<vmem_shared>>) offsets(%dma_start3A_269 : memref<128xi32, #tpu.memory_space<vmem>>) semaphore(%run_scoped3A_266 : memref<!tpu.dma_semaphore, #tpu.memory_space<semaphore_mem>>) {add = true}
      %dma_wait3A_273 = arith.constant 0 : i32
      %dma_wait3A_274 = tpu.memref_slice %arg7[%run_scoped3A_65, %dma_wait3A_273] : memref<16x128xi32, #tpu.memory_space<vmem>> -> memref<1x128xi32, #tpu.memory_space<vmem>>
      %dma_wait3A_275 = tpu.memref_squeeze %dma_wait3A_274 : memref<1x128xi32, #tpu.memory_space<vmem>> -> memref<128xi32, #tpu.memory_space<vmem>>
      %dma_wait3A_276 = arith.constant 0 : i32
      %dma_wait3A_277 = arith.constant 0 : i32
      %dma_wait3A_278 = tpu.memref_slice %arg10[%dma_wait3A_276, %dma_wait3A_277] : memref<10240x128xf32, #tpu.memory_space<vmem_shared>> -> memref<10240x128xf32, #tpu.memory_space<vmem_shared>>
      tpu.wait_indirect_dma semaphore(%run_scoped3A_266 : memref<!tpu.dma_semaphore, #tpu.memory_space<semaphore_mem>>) src(%arg9 : memref<128x128xf32, #tpu.memory_space<vmem>>) dst(%dma_wait3A_278 : memref<10240x128xf32, #tpu.memory_space<vmem_shared>>)
      tpu.yield
    }) : () -> ()
    %dma_start3A_66 = arith.constant 4 : i32
    %dma_start3A_67 = arith.constant 0 : i32
    %dma_start3A_68 = tpu.memref_slice %arg6[%dma_start3A_66, %dma_start3A_67] : memref<16x128xi32, #tpu.memory_space<vmem>> -> memref<1x128xi32, #tpu.memory_space<vmem>>
    %dma_start3A_69 = tpu.memref_squeeze %dma_start3A_68 : memref<1x128xi32, #tpu.memory_space<vmem>> -> memref<128xi32, #tpu.memory_space<vmem>>
    %dma_start3A_70 = arith.constant 0 : i32
    %dma_start3A_71 = arith.constant 0 : i32
    %dma_start3A_72 = tpu.memref_slice %arg2[%dma_start3A_70, %dma_start3A_71] : memref<10000x128xf32, #tpu.memory_space<hbm>> -> memref<10000x128xf32, #tpu.memory_space<hbm>>
    tpu.enqueue_indirect_dma source(%dma_start3A_72 : memref<10000x128xf32, #tpu.memory_space<hbm>>) target(%arg9 : memref<128x128xf32, #tpu.memory_space<vmem>>) offsets(%dma_start3A_69 : memref<128xi32, #tpu.memory_space<vmem>>) semaphore(%arg12 : memref<!tpu.dma_semaphore, #tpu.memory_space<semaphore_mem>>)
    %dma_wait3A_73 = arith.constant 3 : i32
    %dma_wait3A_74 = arith.constant 0 : i32
    %dma_wait3A_75 = tpu.memref_slice %arg6[%dma_wait3A_73, %dma_wait3A_74] : memref<16x128xi32, #tpu.memory_space<vmem>> -> memref<1x128xi32, #tpu.memory_space<vmem>>
    %dma_wait3A_76 = tpu.memref_squeeze %dma_wait3A_75 : memref<1x128xi32, #tpu.memory_space<vmem>> -> memref<128xi32, #tpu.memory_space<vmem>>
    %dma_wait3A_77 = arith.constant 0 : i32
    %dma_wait3A_78 = arith.constant 0 : i32
    %dma_wait3A_79 = tpu.memref_slice %arg2[%dma_wait3A_77, %dma_wait3A_78] : memref<10000x128xf32, #tpu.memory_space<hbm>> -> memref<10000x128xf32, #tpu.memory_space<hbm>>
    tpu.wait_indirect_dma semaphore(%arg11 : memref<!tpu.dma_semaphore, #tpu.memory_space<semaphore_mem>>) src(%dma_wait3A_79 : memref<10000x128xf32, #tpu.memory_space<hbm>>) dst(%arg8 : memref<128x128xf32, #tpu.memory_space<vmem>>)
    %run_scoped3A_80 = arith.constant 3 : i32
    "tpu.region"() ({
      %run_scoped3A_266 = tpu.sem_alloc : memref<!tpu.dma_semaphore, #tpu.memory_space<semaphore_mem>>
      %dma_start3A_267 = arith.constant 0 : i32
      %dma_start3A_268 = tpu.memref_slice %arg7[%run_scoped3A_80, %dma_start3A_267] : memref<16x128xi32, #tpu.memory_space<vmem>> -> memref<1x128xi32, #tpu.memory_space<vmem>>
      %dma_start3A_269 = tpu.memref_squeeze %dma_start3A_268 : memref<1x128xi32, #tpu.memory_space<vmem>> -> memref<128xi32, #tpu.memory_space<vmem>>
      %dma_start3A_270 = arith.constant 0 : i32
      %dma_start3A_271 = arith.constant 0 : i32
      %dma_start3A_272 = tpu.memref_slice %arg10[%dma_start3A_270, %dma_start3A_271] : memref<10240x128xf32, #tpu.memory_space<vmem_shared>> -> memref<10240x128xf32, #tpu.memory_space<vmem_shared>>
      tpu.enqueue_indirect_dma source(%arg8 : memref<128x128xf32, #tpu.memory_space<vmem>>) target(%dma_start3A_272 : memref<10240x128xf32, #tpu.memory_space<vmem_shared>>) offsets(%dma_start3A_269 : memref<128xi32, #tpu.memory_space<vmem>>) semaphore(%run_scoped3A_266 : memref<!tpu.dma_semaphore, #tpu.memory_space<semaphore_mem>>) {add = true}
      %dma_wait3A_273 = arith.constant 0 : i32
      %dma_wait3A_274 = tpu.memref_slice %arg7[%run_scoped3A_80, %dma_wait3A_273] : memref<16x128xi32, #tpu.memory_space<vmem>> -> memref<1x128xi32, #tpu.memory_space<vmem>>
      %dma_wait3A_275 = tpu.memref_squeeze %dma_wait3A_274 : memref<1x128xi32, #tpu.memory_space<vmem>> -> memref<128xi32, #tpu.memory_space<vmem>>
      %dma_wait3A_276 = arith.constant 0 : i32
      %dma_wait3A_277 = arith.constant 0 : i32
      %dma_wait3A_278 = tpu.memref_slice %arg10[%dma_wait3A_276, %dma_wait3A_277] : memref<10240x128xf32, #tpu.memory_space<vmem_shared>> -> memref<10240x128xf32, #tpu.memory_space<vmem_shared>>
      tpu.wait_indirect_dma semaphore(%run_scoped3A_266 : memref<!tpu.dma_semaphore, #tpu.memory_space<semaphore_mem>>) src(%arg8 : memref<128x128xf32, #tpu.memory_space<vmem>>) dst(%dma_wait3A_278 : memref<10240x128xf32, #tpu.memory_space<vmem_shared>>)
      tpu.yield
    }) : () -> ()
    %dma_start3A_81 = arith.constant 5 : i32
    %dma_start3A_82 = arith.constant 0 : i32
    %dma_start3A_83 = tpu.memref_slice %arg6[%dma_start3A_81, %dma_start3A_82] : memref<16x128xi32, #tpu.memory_space<vmem>> -> memref<1x128xi32, #tpu.memory_space<vmem>>
    %dma_start3A_84 = tpu.memref_squeeze %dma_start3A_83 : memref<1x128xi32, #tpu.memory_space<vmem>> -> memref<128xi32, #tpu.memory_space<vmem>>
    %dma_start3A_85 = arith.constant 0 : i32
    %dma_start3A_86 = arith.constant 0 : i32
    %dma_start3A_87 = tpu.memref_slice %arg2[%dma_start3A_85, %dma_start3A_86] : memref<10000x128xf32, #tpu.memory_space<hbm>> -> memref<10000x128xf32, #tpu.memory_space<hbm>>
    tpu.enqueue_indirect_dma source(%dma_start3A_87 : memref<10000x128xf32, #tpu.memory_space<hbm>>) target(%arg8 : memref<128x128xf32, #tpu.memory_space<vmem>>) offsets(%dma_start3A_84 : memref<128xi32, #tpu.memory_space<vmem>>) semaphore(%arg11 : memref<!tpu.dma_semaphore, #tpu.memory_space<semaphore_mem>>)
    %dma_wait3A_88 = arith.constant 4 : i32
    %dma_wait3A_89 = arith.constant 0 : i32
    %dma_wait3A_90 = tpu.memref_slice %arg6[%dma_wait3A_88, %dma_wait3A_89] : memref<16x128xi32, #tpu.memory_space<vmem>> -> memref<1x128xi32, #tpu.memory_space<vmem>>
    %dma_wait3A_91 = tpu.memref_squeeze %dma_wait3A_90 : memref<1x128xi32, #tpu.memory_space<vmem>> -> memref<128xi32, #tpu.memory_space<vmem>>
    %dma_wait3A_92 = arith.constant 0 : i32
    %dma_wait3A_93 = arith.constant 0 : i32
    %dma_wait3A_94 = tpu.memref_slice %arg2[%dma_wait3A_92, %dma_wait3A_93] : memref<10000x128xf32, #tpu.memory_space<hbm>> -> memref<10000x128xf32, #tpu.memory_space<hbm>>
    tpu.wait_indirect_dma semaphore(%arg12 : memref<!tpu.dma_semaphore, #tpu.memory_space<semaphore_mem>>) src(%dma_wait3A_94 : memref<10000x128xf32, #tpu.memory_space<hbm>>) dst(%arg9 : memref<128x128xf32, #tpu.memory_space<vmem>>)
    %run_scoped3A_95 = arith.constant 4 : i32
    "tpu.region"() ({
      %run_scoped3A_266 = tpu.sem_alloc : memref<!tpu.dma_semaphore, #tpu.memory_space<semaphore_mem>>
      %dma_start3A_267 = arith.constant 0 : i32
      %dma_start3A_268 = tpu.memref_slice %arg7[%run_scoped3A_95, %dma_start3A_267] : memref<16x128xi32, #tpu.memory_space<vmem>> -> memref<1x128xi32, #tpu.memory_space<vmem>>
      %dma_start3A_269 = tpu.memref_squeeze %dma_start3A_268 : memref<1x128xi32, #tpu.memory_space<vmem>> -> memref<128xi32, #tpu.memory_space<vmem>>
      %dma_start3A_270 = arith.constant 0 : i32
      %dma_start3A_271 = arith.constant 0 : i32
      %dma_start3A_272 = tpu.memref_slice %arg10[%dma_start3A_270, %dma_start3A_271] : memref<10240x128xf32, #tpu.memory_space<vmem_shared>> -> memref<10240x128xf32, #tpu.memory_space<vmem_shared>>
      tpu.enqueue_indirect_dma source(%arg9 : memref<128x128xf32, #tpu.memory_space<vmem>>) target(%dma_start3A_272 : memref<10240x128xf32, #tpu.memory_space<vmem_shared>>) offsets(%dma_start3A_269 : memref<128xi32, #tpu.memory_space<vmem>>) semaphore(%run_scoped3A_266 : memref<!tpu.dma_semaphore, #tpu.memory_space<semaphore_mem>>) {add = true}
      %dma_wait3A_273 = arith.constant 0 : i32
      %dma_wait3A_274 = tpu.memref_slice %arg7[%run_scoped3A_95, %dma_wait3A_273] : memref<16x128xi32, #tpu.memory_space<vmem>> -> memref<1x128xi32, #tpu.memory_space<vmem>>
      %dma_wait3A_275 = tpu.memref_squeeze %dma_wait3A_274 : memref<1x128xi32, #tpu.memory_space<vmem>> -> memref<128xi32, #tpu.memory_space<vmem>>
      %dma_wait3A_276 = arith.constant 0 : i32
      %dma_wait3A_277 = arith.constant 0 : i32
      %dma_wait3A_278 = tpu.memref_slice %arg10[%dma_wait3A_276, %dma_wait3A_277] : memref<10240x128xf32, #tpu.memory_space<vmem_shared>> -> memref<10240x128xf32, #tpu.memory_space<vmem_shared>>
      tpu.wait_indirect_dma semaphore(%run_scoped3A_266 : memref<!tpu.dma_semaphore, #tpu.memory_space<semaphore_mem>>) src(%arg9 : memref<128x128xf32, #tpu.memory_space<vmem>>) dst(%dma_wait3A_278 : memref<10240x128xf32, #tpu.memory_space<vmem_shared>>)
      tpu.yield
    }) : () -> ()
    %dma_start3A_96 = arith.constant 6 : i32
    %dma_start3A_97 = arith.constant 0 : i32
    %dma_start3A_98 = tpu.memref_slice %arg6[%dma_start3A_96, %dma_start3A_97] : memref<16x128xi32, #tpu.memory_space<vmem>> -> memref<1x128xi32, #tpu.memory_space<vmem>>
    %dma_start3A_99 = tpu.memref_squeeze %dma_start3A_98 : memref<1x128xi32, #tpu.memory_space<vmem>> -> memref<128xi32, #tpu.memory_space<vmem>>
    %dma_start3A_100 = arith.constant 0 : i32
    %dma_start3A_101 = arith.constant 0 : i32
    %dma_start3A_102 = tpu.memref_slice %arg2[%dma_start3A_100, %dma_start3A_101] : memref<10000x128xf32, #tpu.memory_space<hbm>> -> memref<10000x128xf32, #tpu.memory_space<hbm>>
    tpu.enqueue_indirect_dma source(%dma_start3A_102 : memref<10000x128xf32, #tpu.memory_space<hbm>>) target(%arg9 : memref<128x128xf32, #tpu.memory_space<vmem>>) offsets(%dma_start3A_99 : memref<128xi32, #tpu.memory_space<vmem>>) semaphore(%arg12 : memref<!tpu.dma_semaphore, #tpu.memory_space<semaphore_mem>>)
    %dma_wait3A_103 = arith.constant 5 : i32
    %dma_wait3A_104 = arith.constant 0 : i32
    %dma_wait3A_105 = tpu.memref_slice %arg6[%dma_wait3A_103, %dma_wait3A_104] : memref<16x128xi32, #tpu.memory_space<vmem>> -> memref<1x128xi32, #tpu.memory_space<vmem>>
    %dma_wait3A_106 = tpu.memref_squeeze %dma_wait3A_105 : memref<1x128xi32, #tpu.memory_space<vmem>> -> memref<128xi32, #tpu.memory_space<vmem>>
    %dma_wait3A_107 = arith.constant 0 : i32
    %dma_wait3A_108 = arith.constant 0 : i32
    %dma_wait3A_109 = tpu.memref_slice %arg2[%dma_wait3A_107, %dma_wait3A_108] : memref<10000x128xf32, #tpu.memory_space<hbm>> -> memref<10000x128xf32, #tpu.memory_space<hbm>>
    tpu.wait_indirect_dma semaphore(%arg11 : memref<!tpu.dma_semaphore, #tpu.memory_space<semaphore_mem>>) src(%dma_wait3A_109 : memref<10000x128xf32, #tpu.memory_space<hbm>>) dst(%arg8 : memref<128x128xf32, #tpu.memory_space<vmem>>)
    %run_scoped3A_110 = arith.constant 5 : i32
    "tpu.region"() ({
      %run_scoped3A_266 = tpu.sem_alloc : memref<!tpu.dma_semaphore, #tpu.memory_space<semaphore_mem>>
      %dma_start3A_267 = arith.constant 0 : i32
      %dma_start3A_268 = tpu.memref_slice %arg7[%run_scoped3A_110, %dma_start3A_267] : memref<16x128xi32, #tpu.memory_space<vmem>> -> memref<1x128xi32, #tpu.memory_space<vmem>>
      %dma_start3A_269 = tpu.memref_squeeze %dma_start3A_268 : memref<1x128xi32, #tpu.memory_space<vmem>> -> memref<128xi32, #tpu.memory_space<vmem>>
      %dma_start3A_270 = arith.constant 0 : i32
      %dma_start3A_271 = arith.constant 0 : i32
      %dma_start3A_272 = tpu.memref_slice %arg10[%dma_start3A_270, %dma_start3A_271] : memref<10240x128xf32, #tpu.memory_space<vmem_shared>> -> memref<10240x128xf32, #tpu.memory_space<vmem_shared>>
      tpu.enqueue_indirect_dma source(%arg8 : memref<128x128xf32, #tpu.memory_space<vmem>>) target(%dma_start3A_272 : memref<10240x128xf32, #tpu.memory_space<vmem_shared>>) offsets(%dma_start3A_269 : memref<128xi32, #tpu.memory_space<vmem>>) semaphore(%run_scoped3A_266 : memref<!tpu.dma_semaphore, #tpu.memory_space<semaphore_mem>>) {add = true}
      %dma_wait3A_273 = arith.constant 0 : i32
      %dma_wait3A_274 = tpu.memref_slice %arg7[%run_scoped3A_110, %dma_wait3A_273] : memref<16x128xi32, #tpu.memory_space<vmem>> -> memref<1x128xi32, #tpu.memory_space<vmem>>
      %dma_wait3A_275 = tpu.memref_squeeze %dma_wait3A_274 : memref<1x128xi32, #tpu.memory_space<vmem>> -> memref<128xi32, #tpu.memory_space<vmem>>
      %dma_wait3A_276 = arith.constant 0 : i32
      %dma_wait3A_277 = arith.constant 0 : i32
      %dma_wait3A_278 = tpu.memref_slice %arg10[%dma_wait3A_276, %dma_wait3A_277] : memref<10240x128xf32, #tpu.memory_space<vmem_shared>> -> memref<10240x128xf32, #tpu.memory_space<vmem_shared>>
      tpu.wait_indirect_dma semaphore(%run_scoped3A_266 : memref<!tpu.dma_semaphore, #tpu.memory_space<semaphore_mem>>) src(%arg8 : memref<128x128xf32, #tpu.memory_space<vmem>>) dst(%dma_wait3A_278 : memref<10240x128xf32, #tpu.memory_space<vmem_shared>>)
      tpu.yield
    }) : () -> ()
    %dma_start3A_111 = arith.constant 7 : i32
    %dma_start3A_112 = arith.constant 0 : i32
    %dma_start3A_113 = tpu.memref_slice %arg6[%dma_start3A_111, %dma_start3A_112] : memref<16x128xi32, #tpu.memory_space<vmem>> -> memref<1x128xi32, #tpu.memory_space<vmem>>
    %dma_start3A_114 = tpu.memref_squeeze %dma_start3A_113 : memref<1x128xi32, #tpu.memory_space<vmem>> -> memref<128xi32, #tpu.memory_space<vmem>>
    %dma_start3A_115 = arith.constant 0 : i32
    %dma_start3A_116 = arith.constant 0 : i32
    %dma_start3A_117 = tpu.memref_slice %arg2[%dma_start3A_115, %dma_start3A_116] : memref<10000x128xf32, #tpu.memory_space<hbm>> -> memref<10000x128xf32, #tpu.memory_space<hbm>>
    tpu.enqueue_indirect_dma source(%dma_start3A_117 : memref<10000x128xf32, #tpu.memory_space<hbm>>) target(%arg8 : memref<128x128xf32, #tpu.memory_space<vmem>>) offsets(%dma_start3A_114 : memref<128xi32, #tpu.memory_space<vmem>>) semaphore(%arg11 : memref<!tpu.dma_semaphore, #tpu.memory_space<semaphore_mem>>)
    %dma_wait3A_118 = arith.constant 6 : i32
    %dma_wait3A_119 = arith.constant 0 : i32
    %dma_wait3A_120 = tpu.memref_slice %arg6[%dma_wait3A_118, %dma_wait3A_119] : memref<16x128xi32, #tpu.memory_space<vmem>> -> memref<1x128xi32, #tpu.memory_space<vmem>>
    %dma_wait3A_121 = tpu.memref_squeeze %dma_wait3A_120 : memref<1x128xi32, #tpu.memory_space<vmem>> -> memref<128xi32, #tpu.memory_space<vmem>>
    %dma_wait3A_122 = arith.constant 0 : i32
    %dma_wait3A_123 = arith.constant 0 : i32
    %dma_wait3A_124 = tpu.memref_slice %arg2[%dma_wait3A_122, %dma_wait3A_123] : memref<10000x128xf32, #tpu.memory_space<hbm>> -> memref<10000x128xf32, #tpu.memory_space<hbm>>
    tpu.wait_indirect_dma semaphore(%arg12 : memref<!tpu.dma_semaphore, #tpu.memory_space<semaphore_mem>>) src(%dma_wait3A_124 : memref<10000x128xf32, #tpu.memory_space<hbm>>) dst(%arg9 : memref<128x128xf32, #tpu.memory_space<vmem>>)
    %run_scoped3A_125 = arith.constant 6 : i32
    "tpu.region"() ({
      %run_scoped3A_266 = tpu.sem_alloc : memref<!tpu.dma_semaphore, #tpu.memory_space<semaphore_mem>>
      %dma_start3A_267 = arith.constant 0 : i32
      %dma_start3A_268 = tpu.memref_slice %arg7[%run_scoped3A_125, %dma_start3A_267] : memref<16x128xi32, #tpu.memory_space<vmem>> -> memref<1x128xi32, #tpu.memory_space<vmem>>
      %dma_start3A_269 = tpu.memref_squeeze %dma_start3A_268 : memref<1x128xi32, #tpu.memory_space<vmem>> -> memref<128xi32, #tpu.memory_space<vmem>>
      %dma_start3A_270 = arith.constant 0 : i32
      %dma_start3A_271 = arith.constant 0 : i32
      %dma_start3A_272 = tpu.memref_slice %arg10[%dma_start3A_270, %dma_start3A_271] : memref<10240x128xf32, #tpu.memory_space<vmem_shared>> -> memref<10240x128xf32, #tpu.memory_space<vmem_shared>>
      tpu.enqueue_indirect_dma source(%arg9 : memref<128x128xf32, #tpu.memory_space<vmem>>) target(%dma_start3A_272 : memref<10240x128xf32, #tpu.memory_space<vmem_shared>>) offsets(%dma_start3A_269 : memref<128xi32, #tpu.memory_space<vmem>>) semaphore(%run_scoped3A_266 : memref<!tpu.dma_semaphore, #tpu.memory_space<semaphore_mem>>) {add = true}
      %dma_wait3A_273 = arith.constant 0 : i32
      %dma_wait3A_274 = tpu.memref_slice %arg7[%run_scoped3A_125, %dma_wait3A_273] : memref<16x128xi32, #tpu.memory_space<vmem>> -> memref<1x128xi32, #tpu.memory_space<vmem>>
      %dma_wait3A_275 = tpu.memref_squeeze %dma_wait3A_274 : memref<1x128xi32, #tpu.memory_space<vmem>> -> memref<128xi32, #tpu.memory_space<vmem>>
      %dma_wait3A_276 = arith.constant 0 : i32
      %dma_wait3A_277 = arith.constant 0 : i32
      %dma_wait3A_278 = tpu.memref_slice %arg10[%dma_wait3A_276, %dma_wait3A_277] : memref<10240x128xf32, #tpu.memory_space<vmem_shared>> -> memref<10240x128xf32, #tpu.memory_space<vmem_shared>>
      tpu.wait_indirect_dma semaphore(%run_scoped3A_266 : memref<!tpu.dma_semaphore, #tpu.memory_space<semaphore_mem>>) src(%arg9 : memref<128x128xf32, #tpu.memory_space<vmem>>) dst(%dma_wait3A_278 : memref<10240x128xf32, #tpu.memory_space<vmem_shared>>)
      tpu.yield
    }) : () -> ()
    %dma_start3A_126 = arith.constant 8 : i32
    %dma_start3A_127 = arith.constant 0 : i32
    %dma_start3A_128 = tpu.memref_slice %arg6[%dma_start3A_126, %dma_start3A_127] : memref<16x128xi32, #tpu.memory_space<vmem>> -> memref<1x128xi32, #tpu.memory_space<vmem>>
    %dma_start3A_129 = tpu.memref_squeeze %dma_start3A_128 : memref<1x128xi32, #tpu.memory_space<vmem>> -> memref<128xi32, #tpu.memory_space<vmem>>
    %dma_start3A_130 = arith.constant 0 : i32
    %dma_start3A_131 = arith.constant 0 : i32
    %dma_start3A_132 = tpu.memref_slice %arg2[%dma_start3A_130, %dma_start3A_131] : memref<10000x128xf32, #tpu.memory_space<hbm>> -> memref<10000x128xf32, #tpu.memory_space<hbm>>
    tpu.enqueue_indirect_dma source(%dma_start3A_132 : memref<10000x128xf32, #tpu.memory_space<hbm>>) target(%arg9 : memref<128x128xf32, #tpu.memory_space<vmem>>) offsets(%dma_start3A_129 : memref<128xi32, #tpu.memory_space<vmem>>) semaphore(%arg12 : memref<!tpu.dma_semaphore, #tpu.memory_space<semaphore_mem>>)
    %dma_wait3A_133 = arith.constant 7 : i32
    %dma_wait3A_134 = arith.constant 0 : i32
    %dma_wait3A_135 = tpu.memref_slice %arg6[%dma_wait3A_133, %dma_wait3A_134] : memref<16x128xi32, #tpu.memory_space<vmem>> -> memref<1x128xi32, #tpu.memory_space<vmem>>
    %dma_wait3A_136 = tpu.memref_squeeze %dma_wait3A_135 : memref<1x128xi32, #tpu.memory_space<vmem>> -> memref<128xi32, #tpu.memory_space<vmem>>
    %dma_wait3A_137 = arith.constant 0 : i32
    %dma_wait3A_138 = arith.constant 0 : i32
    %dma_wait3A_139 = tpu.memref_slice %arg2[%dma_wait3A_137, %dma_wait3A_138] : memref<10000x128xf32, #tpu.memory_space<hbm>> -> memref<10000x128xf32, #tpu.memory_space<hbm>>
    tpu.wait_indirect_dma semaphore(%arg11 : memref<!tpu.dma_semaphore, #tpu.memory_space<semaphore_mem>>) src(%dma_wait3A_139 : memref<10000x128xf32, #tpu.memory_space<hbm>>) dst(%arg8 : memref<128x128xf32, #tpu.memory_space<vmem>>)
    %run_scoped3A_140 = arith.constant 7 : i32
    "tpu.region"() ({
      %run_scoped3A_266 = tpu.sem_alloc : memref<!tpu.dma_semaphore, #tpu.memory_space<semaphore_mem>>
      %dma_start3A_267 = arith.constant 0 : i32
      %dma_start3A_268 = tpu.memref_slice %arg7[%run_scoped3A_140, %dma_start3A_267] : memref<16x128xi32, #tpu.memory_space<vmem>> -> memref<1x128xi32, #tpu.memory_space<vmem>>
      %dma_start3A_269 = tpu.memref_squeeze %dma_start3A_268 : memref<1x128xi32, #tpu.memory_space<vmem>> -> memref<128xi32, #tpu.memory_space<vmem>>
      %dma_start3A_270 = arith.constant 0 : i32
      %dma_start3A_271 = arith.constant 0 : i32
      %dma_start3A_272 = tpu.memref_slice %arg10[%dma_start3A_270, %dma_start3A_271] : memref<10240x128xf32, #tpu.memory_space<vmem_shared>> -> memref<10240x128xf32, #tpu.memory_space<vmem_shared>>
      tpu.enqueue_indirect_dma source(%arg8 : memref<128x128xf32, #tpu.memory_space<vmem>>) target(%dma_start3A_272 : memref<10240x128xf32, #tpu.memory_space<vmem_shared>>) offsets(%dma_start3A_269 : memref<128xi32, #tpu.memory_space<vmem>>) semaphore(%run_scoped3A_266 : memref<!tpu.dma_semaphore, #tpu.memory_space<semaphore_mem>>) {add = true}
      %dma_wait3A_273 = arith.constant 0 : i32
      %dma_wait3A_274 = tpu.memref_slice %arg7[%run_scoped3A_140, %dma_wait3A_273] : memref<16x128xi32, #tpu.memory_space<vmem>> -> memref<1x128xi32, #tpu.memory_space<vmem>>
      %dma_wait3A_275 = tpu.memref_squeeze %dma_wait3A_274 : memref<1x128xi32, #tpu.memory_space<vmem>> -> memref<128xi32, #tpu.memory_space<vmem>>
      %dma_wait3A_276 = arith.constant 0 : i32
      %dma_wait3A_277 = arith.constant 0 : i32
      %dma_wait3A_278 = tpu.memref_slice %arg10[%dma_wait3A_276, %dma_wait3A_277] : memref<10240x128xf32, #tpu.memory_space<vmem_shared>> -> memref<10240x128xf32, #tpu.memory_space<vmem_shared>>
      tpu.wait_indirect_dma semaphore(%run_scoped3A_266 : memref<!tpu.dma_semaphore, #tpu.memory_space<semaphore_mem>>) src(%arg8 : memref<128x128xf32, #tpu.memory_space<vmem>>) dst(%dma_wait3A_278 : memref<10240x128xf32, #tpu.memory_space<vmem_shared>>)
      tpu.yield
    }) : () -> ()
    %dma_start3A_141 = arith.constant 9 : i32
    %dma_start3A_142 = arith.constant 0 : i32
    %dma_start3A_143 = tpu.memref_slice %arg6[%dma_start3A_141, %dma_start3A_142] : memref<16x128xi32, #tpu.memory_space<vmem>> -> memref<1x128xi32, #tpu.memory_space<vmem>>
    %dma_start3A_144 = tpu.memref_squeeze %dma_start3A_143 : memref<1x128xi32, #tpu.memory_space<vmem>> -> memref<128xi32, #tpu.memory_space<vmem>>
    %dma_start3A_145 = arith.constant 0 : i32
    %dma_start3A_146 = arith.constant 0 : i32
    %dma_start3A_147 = tpu.memref_slice %arg2[%dma_start3A_145, %dma_start3A_146] : memref<10000x128xf32, #tpu.memory_space<hbm>> -> memref<10000x128xf32, #tpu.memory_space<hbm>>
    tpu.enqueue_indirect_dma source(%dma_start3A_147 : memref<10000x128xf32, #tpu.memory_space<hbm>>) target(%arg8 : memref<128x128xf32, #tpu.memory_space<vmem>>) offsets(%dma_start3A_144 : memref<128xi32, #tpu.memory_space<vmem>>) semaphore(%arg11 : memref<!tpu.dma_semaphore, #tpu.memory_space<semaphore_mem>>)
    %dma_wait3A_148 = arith.constant 8 : i32
    %dma_wait3A_149 = arith.constant 0 : i32
    %dma_wait3A_150 = tpu.memref_slice %arg6[%dma_wait3A_148, %dma_wait3A_149] : memref<16x128xi32, #tpu.memory_space<vmem>> -> memref<1x128xi32, #tpu.memory_space<vmem>>
    %dma_wait3A_151 = tpu.memref_squeeze %dma_wait3A_150 : memref<1x128xi32, #tpu.memory_space<vmem>> -> memref<128xi32, #tpu.memory_space<vmem>>
    %dma_wait3A_152 = arith.constant 0 : i32
    %dma_wait3A_153 = arith.constant 0 : i32
    %dma_wait3A_154 = tpu.memref_slice %arg2[%dma_wait3A_152, %dma_wait3A_153] : memref<10000x128xf32, #tpu.memory_space<hbm>> -> memref<10000x128xf32, #tpu.memory_space<hbm>>
    tpu.wait_indirect_dma semaphore(%arg12 : memref<!tpu.dma_semaphore, #tpu.memory_space<semaphore_mem>>) src(%dma_wait3A_154 : memref<10000x128xf32, #tpu.memory_space<hbm>>) dst(%arg9 : memref<128x128xf32, #tpu.memory_space<vmem>>)
    %run_scoped3A_155 = arith.constant 8 : i32
    "tpu.region"() ({
      %run_scoped3A_266 = tpu.sem_alloc : memref<!tpu.dma_semaphore, #tpu.memory_space<semaphore_mem>>
      %dma_start3A_267 = arith.constant 0 : i32
      %dma_start3A_268 = tpu.memref_slice %arg7[%run_scoped3A_155, %dma_start3A_267] : memref<16x128xi32, #tpu.memory_space<vmem>> -> memref<1x128xi32, #tpu.memory_space<vmem>>
      %dma_start3A_269 = tpu.memref_squeeze %dma_start3A_268 : memref<1x128xi32, #tpu.memory_space<vmem>> -> memref<128xi32, #tpu.memory_space<vmem>>
      %dma_start3A_270 = arith.constant 0 : i32
      %dma_start3A_271 = arith.constant 0 : i32
      %dma_start3A_272 = tpu.memref_slice %arg10[%dma_start3A_270, %dma_start3A_271] : memref<10240x128xf32, #tpu.memory_space<vmem_shared>> -> memref<10240x128xf32, #tpu.memory_space<vmem_shared>>
      tpu.enqueue_indirect_dma source(%arg9 : memref<128x128xf32, #tpu.memory_space<vmem>>) target(%dma_start3A_272 : memref<10240x128xf32, #tpu.memory_space<vmem_shared>>) offsets(%dma_start3A_269 : memref<128xi32, #tpu.memory_space<vmem>>) semaphore(%run_scoped3A_266 : memref<!tpu.dma_semaphore, #tpu.memory_space<semaphore_mem>>) {add = true}
      %dma_wait3A_273 = arith.constant 0 : i32
      %dma_wait3A_274 = tpu.memref_slice %arg7[%run_scoped3A_155, %dma_wait3A_273] : memref<16x128xi32, #tpu.memory_space<vmem>> -> memref<1x128xi32, #tpu.memory_space<vmem>>
      %dma_wait3A_275 = tpu.memref_squeeze %dma_wait3A_274 : memref<1x128xi32, #tpu.memory_space<vmem>> -> memref<128xi32, #tpu.memory_space<vmem>>
      %dma_wait3A_276 = arith.constant 0 : i32
      %dma_wait3A_277 = arith.constant 0 : i32
      %dma_wait3A_278 = tpu.memref_slice %arg10[%dma_wait3A_276, %dma_wait3A_277] : memref<10240x128xf32, #tpu.memory_space<vmem_shared>> -> memref<10240x128xf32, #tpu.memory_space<vmem_shared>>
      tpu.wait_indirect_dma semaphore(%run_scoped3A_266 : memref<!tpu.dma_semaphore, #tpu.memory_space<semaphore_mem>>) src(%arg9 : memref<128x128xf32, #tpu.memory_space<vmem>>) dst(%dma_wait3A_278 : memref<10240x128xf32, #tpu.memory_space<vmem_shared>>)
      tpu.yield
    }) : () -> ()
    %dma_start3A_156 = arith.constant 10 : i32
    %dma_start3A_157 = arith.constant 0 : i32
    %dma_start3A_158 = tpu.memref_slice %arg6[%dma_start3A_156, %dma_start3A_157] : memref<16x128xi32, #tpu.memory_space<vmem>> -> memref<1x128xi32, #tpu.memory_space<vmem>>
    %dma_start3A_159 = tpu.memref_squeeze %dma_start3A_158 : memref<1x128xi32, #tpu.memory_space<vmem>> -> memref<128xi32, #tpu.memory_space<vmem>>
    %dma_start3A_160 = arith.constant 0 : i32
    %dma_start3A_161 = arith.constant 0 : i32
    %dma_start3A_162 = tpu.memref_slice %arg2[%dma_start3A_160, %dma_start3A_161] : memref<10000x128xf32, #tpu.memory_space<hbm>> -> memref<10000x128xf32, #tpu.memory_space<hbm>>
    tpu.enqueue_indirect_dma source(%dma_start3A_162 : memref<10000x128xf32, #tpu.memory_space<hbm>>) target(%arg9 : memref<128x128xf32, #tpu.memory_space<vmem>>) offsets(%dma_start3A_159 : memref<128xi32, #tpu.memory_space<vmem>>) semaphore(%arg12 : memref<!tpu.dma_semaphore, #tpu.memory_space<semaphore_mem>>)
    %dma_wait3A_163 = arith.constant 9 : i32
    %dma_wait3A_164 = arith.constant 0 : i32
    %dma_wait3A_165 = tpu.memref_slice %arg6[%dma_wait3A_163, %dma_wait3A_164] : memref<16x128xi32, #tpu.memory_space<vmem>> -> memref<1x128xi32, #tpu.memory_space<vmem>>
    %dma_wait3A_166 = tpu.memref_squeeze %dma_wait3A_165 : memref<1x128xi32, #tpu.memory_space<vmem>> -> memref<128xi32, #tpu.memory_space<vmem>>
    %dma_wait3A_167 = arith.constant 0 : i32
    %dma_wait3A_168 = arith.constant 0 : i32
    %dma_wait3A_169 = tpu.memref_slice %arg2[%dma_wait3A_167, %dma_wait3A_168] : memref<10000x128xf32, #tpu.memory_space<hbm>> -> memref<10000x128xf32, #tpu.memory_space<hbm>>
    tpu.wait_indirect_dma semaphore(%arg11 : memref<!tpu.dma_semaphore, #tpu.memory_space<semaphore_mem>>) src(%dma_wait3A_169 : memref<10000x128xf32, #tpu.memory_space<hbm>>) dst(%arg8 : memref<128x128xf32, #tpu.memory_space<vmem>>)
    %run_scoped3A_170 = arith.constant 9 : i32
    "tpu.region"() ({
      %run_scoped3A_266 = tpu.sem_alloc : memref<!tpu.dma_semaphore, #tpu.memory_space<semaphore_mem>>
      %dma_start3A_267 = arith.constant 0 : i32
      %dma_start3A_268 = tpu.memref_slice %arg7[%run_scoped3A_170, %dma_start3A_267] : memref<16x128xi32, #tpu.memory_space<vmem>> -> memref<1x128xi32, #tpu.memory_space<vmem>>
      %dma_start3A_269 = tpu.memref_squeeze %dma_start3A_268 : memref<1x128xi32, #tpu.memory_space<vmem>> -> memref<128xi32, #tpu.memory_space<vmem>>
      %dma_start3A_270 = arith.constant 0 : i32
      %dma_start3A_271 = arith.constant 0 : i32
      %dma_start3A_272 = tpu.memref_slice %arg10[%dma_start3A_270, %dma_start3A_271] : memref<10240x128xf32, #tpu.memory_space<vmem_shared>> -> memref<10240x128xf32, #tpu.memory_space<vmem_shared>>
      tpu.enqueue_indirect_dma source(%arg8 : memref<128x128xf32, #tpu.memory_space<vmem>>) target(%dma_start3A_272 : memref<10240x128xf32, #tpu.memory_space<vmem_shared>>) offsets(%dma_start3A_269 : memref<128xi32, #tpu.memory_space<vmem>>) semaphore(%run_scoped3A_266 : memref<!tpu.dma_semaphore, #tpu.memory_space<semaphore_mem>>) {add = true}
      %dma_wait3A_273 = arith.constant 0 : i32
      %dma_wait3A_274 = tpu.memref_slice %arg7[%run_scoped3A_170, %dma_wait3A_273] : memref<16x128xi32, #tpu.memory_space<vmem>> -> memref<1x128xi32, #tpu.memory_space<vmem>>
      %dma_wait3A_275 = tpu.memref_squeeze %dma_wait3A_274 : memref<1x128xi32, #tpu.memory_space<vmem>> -> memref<128xi32, #tpu.memory_space<vmem>>
      %dma_wait3A_276 = arith.constant 0 : i32
      %dma_wait3A_277 = arith.constant 0 : i32
      %dma_wait3A_278 = tpu.memref_slice %arg10[%dma_wait3A_276, %dma_wait3A_277] : memref<10240x128xf32, #tpu.memory_space<vmem_shared>> -> memref<10240x128xf32, #tpu.memory_space<vmem_shared>>
      tpu.wait_indirect_dma semaphore(%run_scoped3A_266 : memref<!tpu.dma_semaphore, #tpu.memory_space<semaphore_mem>>) src(%arg8 : memref<128x128xf32, #tpu.memory_space<vmem>>) dst(%dma_wait3A_278 : memref<10240x128xf32, #tpu.memory_space<vmem_shared>>)
      tpu.yield
    }) : () -> ()
    %dma_start3A_171 = arith.constant 11 : i32
    %dma_start3A_172 = arith.constant 0 : i32
    %dma_start3A_173 = tpu.memref_slice %arg6[%dma_start3A_171, %dma_start3A_172] : memref<16x128xi32, #tpu.memory_space<vmem>> -> memref<1x128xi32, #tpu.memory_space<vmem>>
    %dma_start3A_174 = tpu.memref_squeeze %dma_start3A_173 : memref<1x128xi32, #tpu.memory_space<vmem>> -> memref<128xi32, #tpu.memory_space<vmem>>
    %dma_start3A_175 = arith.constant 0 : i32
    %dma_start3A_176 = arith.constant 0 : i32
    %dma_start3A_177 = tpu.memref_slice %arg2[%dma_start3A_175, %dma_start3A_176] : memref<10000x128xf32, #tpu.memory_space<hbm>> -> memref<10000x128xf32, #tpu.memory_space<hbm>>
    tpu.enqueue_indirect_dma source(%dma_start3A_177 : memref<10000x128xf32, #tpu.memory_space<hbm>>) target(%arg8 : memref<128x128xf32, #tpu.memory_space<vmem>>) offsets(%dma_start3A_174 : memref<128xi32, #tpu.memory_space<vmem>>) semaphore(%arg11 : memref<!tpu.dma_semaphore, #tpu.memory_space<semaphore_mem>>)
    %dma_wait3A_178 = arith.constant 10 : i32
    %dma_wait3A_179 = arith.constant 0 : i32
    %dma_wait3A_180 = tpu.memref_slice %arg6[%dma_wait3A_178, %dma_wait3A_179] : memref<16x128xi32, #tpu.memory_space<vmem>> -> memref<1x128xi32, #tpu.memory_space<vmem>>
    %dma_wait3A_181 = tpu.memref_squeeze %dma_wait3A_180 : memref<1x128xi32, #tpu.memory_space<vmem>> -> memref<128xi32, #tpu.memory_space<vmem>>
    %dma_wait3A_182 = arith.constant 0 : i32
    %dma_wait3A_183 = arith.constant 0 : i32
    %dma_wait3A_184 = tpu.memref_slice %arg2[%dma_wait3A_182, %dma_wait3A_183] : memref<10000x128xf32, #tpu.memory_space<hbm>> -> memref<10000x128xf32, #tpu.memory_space<hbm>>
    tpu.wait_indirect_dma semaphore(%arg12 : memref<!tpu.dma_semaphore, #tpu.memory_space<semaphore_mem>>) src(%dma_wait3A_184 : memref<10000x128xf32, #tpu.memory_space<hbm>>) dst(%arg9 : memref<128x128xf32, #tpu.memory_space<vmem>>)
    %run_scoped3A_185 = arith.constant 10 : i32
    "tpu.region"() ({
      %run_scoped3A_266 = tpu.sem_alloc : memref<!tpu.dma_semaphore, #tpu.memory_space<semaphore_mem>>
      %dma_start3A_267 = arith.constant 0 : i32
      %dma_start3A_268 = tpu.memref_slice %arg7[%run_scoped3A_185, %dma_start3A_267] : memref<16x128xi32, #tpu.memory_space<vmem>> -> memref<1x128xi32, #tpu.memory_space<vmem>>
      %dma_start3A_269 = tpu.memref_squeeze %dma_start3A_268 : memref<1x128xi32, #tpu.memory_space<vmem>> -> memref<128xi32, #tpu.memory_space<vmem>>
      %dma_start3A_270 = arith.constant 0 : i32
      %dma_start3A_271 = arith.constant 0 : i32
      %dma_start3A_272 = tpu.memref_slice %arg10[%dma_start3A_270, %dma_start3A_271] : memref<10240x128xf32, #tpu.memory_space<vmem_shared>> -> memref<10240x128xf32, #tpu.memory_space<vmem_shared>>
      tpu.enqueue_indirect_dma source(%arg9 : memref<128x128xf32, #tpu.memory_space<vmem>>) target(%dma_start3A_272 : memref<10240x128xf32, #tpu.memory_space<vmem_shared>>) offsets(%dma_start3A_269 : memref<128xi32, #tpu.memory_space<vmem>>) semaphore(%run_scoped3A_266 : memref<!tpu.dma_semaphore, #tpu.memory_space<semaphore_mem>>) {add = true}
      %dma_wait3A_273 = arith.constant 0 : i32
      %dma_wait3A_274 = tpu.memref_slice %arg7[%run_scoped3A_185, %dma_wait3A_273] : memref<16x128xi32, #tpu.memory_space<vmem>> -> memref<1x128xi32, #tpu.memory_space<vmem>>
      %dma_wait3A_275 = tpu.memref_squeeze %dma_wait3A_274 : memref<1x128xi32, #tpu.memory_space<vmem>> -> memref<128xi32, #tpu.memory_space<vmem>>
      %dma_wait3A_276 = arith.constant 0 : i32
      %dma_wait3A_277 = arith.constant 0 : i32
      %dma_wait3A_278 = tpu.memref_slice %arg10[%dma_wait3A_276, %dma_wait3A_277] : memref<10240x128xf32, #tpu.memory_space<vmem_shared>> -> memref<10240x128xf32, #tpu.memory_space<vmem_shared>>
      tpu.wait_indirect_dma semaphore(%run_scoped3A_266 : memref<!tpu.dma_semaphore, #tpu.memory_space<semaphore_mem>>) src(%arg9 : memref<128x128xf32, #tpu.memory_space<vmem>>) dst(%dma_wait3A_278 : memref<10240x128xf32, #tpu.memory_space<vmem_shared>>)
      tpu.yield
    }) : () -> ()
    %dma_start3A_186 = arith.constant 12 : i32
    %dma_start3A_187 = arith.constant 0 : i32
    %dma_start3A_188 = tpu.memref_slice %arg6[%dma_start3A_186, %dma_start3A_187] : memref<16x128xi32, #tpu.memory_space<vmem>> -> memref<1x128xi32, #tpu.memory_space<vmem>>
    %dma_start3A_189 = tpu.memref_squeeze %dma_start3A_188 : memref<1x128xi32, #tpu.memory_space<vmem>> -> memref<128xi32, #tpu.memory_space<vmem>>
    %dma_start3A_190 = arith.constant 0 : i32
    %dma_start3A_191 = arith.constant 0 : i32
    %dma_start3A_192 = tpu.memref_slice %arg2[%dma_start3A_190, %dma_start3A_191] : memref<10000x128xf32, #tpu.memory_space<hbm>> -> memref<10000x128xf32, #tpu.memory_space<hbm>>
    tpu.enqueue_indirect_dma source(%dma_start3A_192 : memref<10000x128xf32, #tpu.memory_space<hbm>>) target(%arg9 : memref<128x128xf32, #tpu.memory_space<vmem>>) offsets(%dma_start3A_189 : memref<128xi32, #tpu.memory_space<vmem>>) semaphore(%arg12 : memref<!tpu.dma_semaphore, #tpu.memory_space<semaphore_mem>>)
    %dma_wait3A_193 = arith.constant 11 : i32
    %dma_wait3A_194 = arith.constant 0 : i32
    %dma_wait3A_195 = tpu.memref_slice %arg6[%dma_wait3A_193, %dma_wait3A_194] : memref<16x128xi32, #tpu.memory_space<vmem>> -> memref<1x128xi32, #tpu.memory_space<vmem>>
    %dma_wait3A_196 = tpu.memref_squeeze %dma_wait3A_195 : memref<1x128xi32, #tpu.memory_space<vmem>> -> memref<128xi32, #tpu.memory_space<vmem>>
    %dma_wait3A_197 = arith.constant 0 : i32
    %dma_wait3A_198 = arith.constant 0 : i32
    %dma_wait3A_199 = tpu.memref_slice %arg2[%dma_wait3A_197, %dma_wait3A_198] : memref<10000x128xf32, #tpu.memory_space<hbm>> -> memref<10000x128xf32, #tpu.memory_space<hbm>>
    tpu.wait_indirect_dma semaphore(%arg11 : memref<!tpu.dma_semaphore, #tpu.memory_space<semaphore_mem>>) src(%dma_wait3A_199 : memref<10000x128xf32, #tpu.memory_space<hbm>>) dst(%arg8 : memref<128x128xf32, #tpu.memory_space<vmem>>)
    %run_scoped3A_200 = arith.constant 11 : i32
    "tpu.region"() ({
      %run_scoped3A_266 = tpu.sem_alloc : memref<!tpu.dma_semaphore, #tpu.memory_space<semaphore_mem>>
      %dma_start3A_267 = arith.constant 0 : i32
      %dma_start3A_268 = tpu.memref_slice %arg7[%run_scoped3A_200, %dma_start3A_267] : memref<16x128xi32, #tpu.memory_space<vmem>> -> memref<1x128xi32, #tpu.memory_space<vmem>>
      %dma_start3A_269 = tpu.memref_squeeze %dma_start3A_268 : memref<1x128xi32, #tpu.memory_space<vmem>> -> memref<128xi32, #tpu.memory_space<vmem>>
      %dma_start3A_270 = arith.constant 0 : i32
      %dma_start3A_271 = arith.constant 0 : i32
      %dma_start3A_272 = tpu.memref_slice %arg10[%dma_start3A_270, %dma_start3A_271] : memref<10240x128xf32, #tpu.memory_space<vmem_shared>> -> memref<10240x128xf32, #tpu.memory_space<vmem_shared>>
      tpu.enqueue_indirect_dma source(%arg8 : memref<128x128xf32, #tpu.memory_space<vmem>>) target(%dma_start3A_272 : memref<10240x128xf32, #tpu.memory_space<vmem_shared>>) offsets(%dma_start3A_269 : memref<128xi32, #tpu.memory_space<vmem>>) semaphore(%run_scoped3A_266 : memref<!tpu.dma_semaphore, #tpu.memory_space<semaphore_mem>>) {add = true}
      %dma_wait3A_273 = arith.constant 0 : i32
      %dma_wait3A_274 = tpu.memref_slice %arg7[%run_scoped3A_200, %dma_wait3A_273] : memref<16x128xi32, #tpu.memory_space<vmem>> -> memref<1x128xi32, #tpu.memory_space<vmem>>
      %dma_wait3A_275 = tpu.memref_squeeze %dma_wait3A_274 : memref<1x128xi32, #tpu.memory_space<vmem>> -> memref<128xi32, #tpu.memory_space<vmem>>
      %dma_wait3A_276 = arith.constant 0 : i32
      %dma_wait3A_277 = arith.constant 0 : i32
      %dma_wait3A_278 = tpu.memref_slice %arg10[%dma_wait3A_276, %dma_wait3A_277] : memref<10240x128xf32, #tpu.memory_space<vmem_shared>> -> memref<10240x128xf32, #tpu.memory_space<vmem_shared>>
      tpu.wait_indirect_dma semaphore(%run_scoped3A_266 : memref<!tpu.dma_semaphore, #tpu.memory_space<semaphore_mem>>) src(%arg8 : memref<128x128xf32, #tpu.memory_space<vmem>>) dst(%dma_wait3A_278 : memref<10240x128xf32, #tpu.memory_space<vmem_shared>>)
      tpu.yield
    }) : () -> ()
    %dma_start3A_201 = arith.constant 13 : i32
    %dma_start3A_202 = arith.constant 0 : i32
    %dma_start3A_203 = tpu.memref_slice %arg6[%dma_start3A_201, %dma_start3A_202] : memref<16x128xi32, #tpu.memory_space<vmem>> -> memref<1x128xi32, #tpu.memory_space<vmem>>
    %dma_start3A_204 = tpu.memref_squeeze %dma_start3A_203 : memref<1x128xi32, #tpu.memory_space<vmem>> -> memref<128xi32, #tpu.memory_space<vmem>>
    %dma_start3A_205 = arith.constant 0 : i32
    %dma_start3A_206 = arith.constant 0 : i32
    %dma_start3A_207 = tpu.memref_slice %arg2[%dma_start3A_205, %dma_start3A_206] : memref<10000x128xf32, #tpu.memory_space<hbm>> -> memref<10000x128xf32, #tpu.memory_space<hbm>>
    tpu.enqueue_indirect_dma source(%dma_start3A_207 : memref<10000x128xf32, #tpu.memory_space<hbm>>) target(%arg8 : memref<128x128xf32, #tpu.memory_space<vmem>>) offsets(%dma_start3A_204 : memref<128xi32, #tpu.memory_space<vmem>>) semaphore(%arg11 : memref<!tpu.dma_semaphore, #tpu.memory_space<semaphore_mem>>)
    %dma_wait3A_208 = arith.constant 12 : i32
    %dma_wait3A_209 = arith.constant 0 : i32
    %dma_wait3A_210 = tpu.memref_slice %arg6[%dma_wait3A_208, %dma_wait3A_209] : memref<16x128xi32, #tpu.memory_space<vmem>> -> memref<1x128xi32, #tpu.memory_space<vmem>>
    %dma_wait3A_211 = tpu.memref_squeeze %dma_wait3A_210 : memref<1x128xi32, #tpu.memory_space<vmem>> -> memref<128xi32, #tpu.memory_space<vmem>>
    %dma_wait3A_212 = arith.constant 0 : i32
    %dma_wait3A_213 = arith.constant 0 : i32
    %dma_wait3A_214 = tpu.memref_slice %arg2[%dma_wait3A_212, %dma_wait3A_213] : memref<10000x128xf32, #tpu.memory_space<hbm>> -> memref<10000x128xf32, #tpu.memory_space<hbm>>
    tpu.wait_indirect_dma semaphore(%arg12 : memref<!tpu.dma_semaphore, #tpu.memory_space<semaphore_mem>>) src(%dma_wait3A_214 : memref<10000x128xf32, #tpu.memory_space<hbm>>) dst(%arg9 : memref<128x128xf32, #tpu.memory_space<vmem>>)
    %run_scoped3A_215 = arith.constant 12 : i32
    "tpu.region"() ({
      %run_scoped3A_266 = tpu.sem_alloc : memref<!tpu.dma_semaphore, #tpu.memory_space<semaphore_mem>>
      %dma_start3A_267 = arith.constant 0 : i32
      %dma_start3A_268 = tpu.memref_slice %arg7[%run_scoped3A_215, %dma_start3A_267] : memref<16x128xi32, #tpu.memory_space<vmem>> -> memref<1x128xi32, #tpu.memory_space<vmem>>
      %dma_start3A_269 = tpu.memref_squeeze %dma_start3A_268 : memref<1x128xi32, #tpu.memory_space<vmem>> -> memref<128xi32, #tpu.memory_space<vmem>>
      %dma_start3A_270 = arith.constant 0 : i32
      %dma_start3A_271 = arith.constant 0 : i32
      %dma_start3A_272 = tpu.memref_slice %arg10[%dma_start3A_270, %dma_start3A_271] : memref<10240x128xf32, #tpu.memory_space<vmem_shared>> -> memref<10240x128xf32, #tpu.memory_space<vmem_shared>>
      tpu.enqueue_indirect_dma source(%arg9 : memref<128x128xf32, #tpu.memory_space<vmem>>) target(%dma_start3A_272 : memref<10240x128xf32, #tpu.memory_space<vmem_shared>>) offsets(%dma_start3A_269 : memref<128xi32, #tpu.memory_space<vmem>>) semaphore(%run_scoped3A_266 : memref<!tpu.dma_semaphore, #tpu.memory_space<semaphore_mem>>) {add = true}
      %dma_wait3A_273 = arith.constant 0 : i32
      %dma_wait3A_274 = tpu.memref_slice %arg7[%run_scoped3A_215, %dma_wait3A_273] : memref<16x128xi32, #tpu.memory_space<vmem>> -> memref<1x128xi32, #tpu.memory_space<vmem>>
      %dma_wait3A_275 = tpu.memref_squeeze %dma_wait3A_274 : memref<1x128xi32, #tpu.memory_space<vmem>> -> memref<128xi32, #tpu.memory_space<vmem>>
      %dma_wait3A_276 = arith.constant 0 : i32
      %dma_wait3A_277 = arith.constant 0 : i32
      %dma_wait3A_278 = tpu.memref_slice %arg10[%dma_wait3A_276, %dma_wait3A_277] : memref<10240x128xf32, #tpu.memory_space<vmem_shared>> -> memref<10240x128xf32, #tpu.memory_space<vmem_shared>>
      tpu.wait_indirect_dma semaphore(%run_scoped3A_266 : memref<!tpu.dma_semaphore, #tpu.memory_space<semaphore_mem>>) src(%arg9 : memref<128x128xf32, #tpu.memory_space<vmem>>) dst(%dma_wait3A_278 : memref<10240x128xf32, #tpu.memory_space<vmem_shared>>)
      tpu.yield
    }) : () -> ()
    %dma_start3A_216 = arith.constant 14 : i32
    %dma_start3A_217 = arith.constant 0 : i32
    %dma_start3A_218 = tpu.memref_slice %arg6[%dma_start3A_216, %dma_start3A_217] : memref<16x128xi32, #tpu.memory_space<vmem>> -> memref<1x128xi32, #tpu.memory_space<vmem>>
    %dma_start3A_219 = tpu.memref_squeeze %dma_start3A_218 : memref<1x128xi32, #tpu.memory_space<vmem>> -> memref<128xi32, #tpu.memory_space<vmem>>
    %dma_start3A_220 = arith.constant 0 : i32
    %dma_start3A_221 = arith.constant 0 : i32
    %dma_start3A_222 = tpu.memref_slice %arg2[%dma_start3A_220, %dma_start3A_221] : memref<10000x128xf32, #tpu.memory_space<hbm>> -> memref<10000x128xf32, #tpu.memory_space<hbm>>
    tpu.enqueue_indirect_dma source(%dma_start3A_222 : memref<10000x128xf32, #tpu.memory_space<hbm>>) target(%arg9 : memref<128x128xf32, #tpu.memory_space<vmem>>) offsets(%dma_start3A_219 : memref<128xi32, #tpu.memory_space<vmem>>) semaphore(%arg12 : memref<!tpu.dma_semaphore, #tpu.memory_space<semaphore_mem>>)
    %dma_wait3A_223 = arith.constant 13 : i32
    %dma_wait3A_224 = arith.constant 0 : i32
    %dma_wait3A_225 = tpu.memref_slice %arg6[%dma_wait3A_223, %dma_wait3A_224] : memref<16x128xi32, #tpu.memory_space<vmem>> -> memref<1x128xi32, #tpu.memory_space<vmem>>
    %dma_wait3A_226 = tpu.memref_squeeze %dma_wait3A_225 : memref<1x128xi32, #tpu.memory_space<vmem>> -> memref<128xi32, #tpu.memory_space<vmem>>
    %dma_wait3A_227 = arith.constant 0 : i32
    %dma_wait3A_228 = arith.constant 0 : i32
    %dma_wait3A_229 = tpu.memref_slice %arg2[%dma_wait3A_227, %dma_wait3A_228] : memref<10000x128xf32, #tpu.memory_space<hbm>> -> memref<10000x128xf32, #tpu.memory_space<hbm>>
    tpu.wait_indirect_dma semaphore(%arg11 : memref<!tpu.dma_semaphore, #tpu.memory_space<semaphore_mem>>) src(%dma_wait3A_229 : memref<10000x128xf32, #tpu.memory_space<hbm>>) dst(%arg8 : memref<128x128xf32, #tpu.memory_space<vmem>>)
    %run_scoped3A_230 = arith.constant 13 : i32
    "tpu.region"() ({
      %run_scoped3A_266 = tpu.sem_alloc : memref<!tpu.dma_semaphore, #tpu.memory_space<semaphore_mem>>
      %dma_start3A_267 = arith.constant 0 : i32
      %dma_start3A_268 = tpu.memref_slice %arg7[%run_scoped3A_230, %dma_start3A_267] : memref<16x128xi32, #tpu.memory_space<vmem>> -> memref<1x128xi32, #tpu.memory_space<vmem>>
      %dma_start3A_269 = tpu.memref_squeeze %dma_start3A_268 : memref<1x128xi32, #tpu.memory_space<vmem>> -> memref<128xi32, #tpu.memory_space<vmem>>
      %dma_start3A_270 = arith.constant 0 : i32
      %dma_start3A_271 = arith.constant 0 : i32
      %dma_start3A_272 = tpu.memref_slice %arg10[%dma_start3A_270, %dma_start3A_271] : memref<10240x128xf32, #tpu.memory_space<vmem_shared>> -> memref<10240x128xf32, #tpu.memory_space<vmem_shared>>
      tpu.enqueue_indirect_dma source(%arg8 : memref<128x128xf32, #tpu.memory_space<vmem>>) target(%dma_start3A_272 : memref<10240x128xf32, #tpu.memory_space<vmem_shared>>) offsets(%dma_start3A_269 : memref<128xi32, #tpu.memory_space<vmem>>) semaphore(%run_scoped3A_266 : memref<!tpu.dma_semaphore, #tpu.memory_space<semaphore_mem>>) {add = true}
      %dma_wait3A_273 = arith.constant 0 : i32
      %dma_wait3A_274 = tpu.memref_slice %arg7[%run_scoped3A_230, %dma_wait3A_273] : memref<16x128xi32, #tpu.memory_space<vmem>> -> memref<1x128xi32, #tpu.memory_space<vmem>>
      %dma_wait3A_275 = tpu.memref_squeeze %dma_wait3A_274 : memref<1x128xi32, #tpu.memory_space<vmem>> -> memref<128xi32, #tpu.memory_space<vmem>>
      %dma_wait3A_276 = arith.constant 0 : i32
      %dma_wait3A_277 = arith.constant 0 : i32
      %dma_wait3A_278 = tpu.memref_slice %arg10[%dma_wait3A_276, %dma_wait3A_277] : memref<10240x128xf32, #tpu.memory_space<vmem_shared>> -> memref<10240x128xf32, #tpu.memory_space<vmem_shared>>
      tpu.wait_indirect_dma semaphore(%run_scoped3A_266 : memref<!tpu.dma_semaphore, #tpu.memory_space<semaphore_mem>>) src(%arg8 : memref<128x128xf32, #tpu.memory_space<vmem>>) dst(%dma_wait3A_278 : memref<10240x128xf32, #tpu.memory_space<vmem_shared>>)
      tpu.yield
    }) : () -> ()
    %dma_start3A_231 = arith.constant 15 : i32
    %dma_start3A_232 = arith.constant 0 : i32
    %dma_start3A_233 = tpu.memref_slice %arg6[%dma_start3A_231, %dma_start3A_232] : memref<16x128xi32, #tpu.memory_space<vmem>> -> memref<1x128xi32, #tpu.memory_space<vmem>>
    %dma_start3A_234 = tpu.memref_squeeze %dma_start3A_233 : memref<1x128xi32, #tpu.memory_space<vmem>> -> memref<128xi32, #tpu.memory_space<vmem>>
    %dma_start3A_235 = arith.constant 0 : i32
    %dma_start3A_236 = arith.constant 0 : i32
    %dma_start3A_237 = tpu.memref_slice %arg2[%dma_start3A_235, %dma_start3A_236] : memref<10000x128xf32, #tpu.memory_space<hbm>> -> memref<10000x128xf32, #tpu.memory_space<hbm>>
    tpu.enqueue_indirect_dma source(%dma_start3A_237 : memref<10000x128xf32, #tpu.memory_space<hbm>>) target(%arg8 : memref<128x128xf32, #tpu.memory_space<vmem>>) offsets(%dma_start3A_234 : memref<128xi32, #tpu.memory_space<vmem>>) semaphore(%arg11 : memref<!tpu.dma_semaphore, #tpu.memory_space<semaphore_mem>>)
    %dma_wait3A_238 = arith.constant 14 : i32
    %dma_wait3A_239 = arith.constant 0 : i32
    %dma_wait3A_240 = tpu.memref_slice %arg6[%dma_wait3A_238, %dma_wait3A_239] : memref<16x128xi32, #tpu.memory_space<vmem>> -> memref<1x128xi32, #tpu.memory_space<vmem>>
    %dma_wait3A_241 = tpu.memref_squeeze %dma_wait3A_240 : memref<1x128xi32, #tpu.memory_space<vmem>> -> memref<128xi32, #tpu.memory_space<vmem>>
    %dma_wait3A_242 = arith.constant 0 : i32
    %dma_wait3A_243 = arith.constant 0 : i32
    %dma_wait3A_244 = tpu.memref_slice %arg2[%dma_wait3A_242, %dma_wait3A_243] : memref<10000x128xf32, #tpu.memory_space<hbm>> -> memref<10000x128xf32, #tpu.memory_space<hbm>>
    tpu.wait_indirect_dma semaphore(%arg12 : memref<!tpu.dma_semaphore, #tpu.memory_space<semaphore_mem>>) src(%dma_wait3A_244 : memref<10000x128xf32, #tpu.memory_space<hbm>>) dst(%arg9 : memref<128x128xf32, #tpu.memory_space<vmem>>)
    %run_scoped3A_245 = arith.constant 14 : i32
    "tpu.region"() ({
      %run_scoped3A_266 = tpu.sem_alloc : memref<!tpu.dma_semaphore, #tpu.memory_space<semaphore_mem>>
      %dma_start3A_267 = arith.constant 0 : i32
      %dma_start3A_268 = tpu.memref_slice %arg7[%run_scoped3A_245, %dma_start3A_267] : memref<16x128xi32, #tpu.memory_space<vmem>> -> memref<1x128xi32, #tpu.memory_space<vmem>>
      %dma_start3A_269 = tpu.memref_squeeze %dma_start3A_268 : memref<1x128xi32, #tpu.memory_space<vmem>> -> memref<128xi32, #tpu.memory_space<vmem>>
      %dma_start3A_270 = arith.constant 0 : i32
      %dma_start3A_271 = arith.constant 0 : i32
      %dma_start3A_272 = tpu.memref_slice %arg10[%dma_start3A_270, %dma_start3A_271] : memref<10240x128xf32, #tpu.memory_space<vmem_shared>> -> memref<10240x128xf32, #tpu.memory_space<vmem_shared>>
      tpu.enqueue_indirect_dma source(%arg9 : memref<128x128xf32, #tpu.memory_space<vmem>>) target(%dma_start3A_272 : memref<10240x128xf32, #tpu.memory_space<vmem_shared>>) offsets(%dma_start3A_269 : memref<128xi32, #tpu.memory_space<vmem>>) semaphore(%run_scoped3A_266 : memref<!tpu.dma_semaphore, #tpu.memory_space<semaphore_mem>>) {add = true}
      %dma_wait3A_273 = arith.constant 0 : i32
      %dma_wait3A_274 = tpu.memref_slice %arg7[%run_scoped3A_245, %dma_wait3A_273] : memref<16x128xi32, #tpu.memory_space<vmem>> -> memref<1x128xi32, #tpu.memory_space<vmem>>
      %dma_wait3A_275 = tpu.memref_squeeze %dma_wait3A_274 : memref<1x128xi32, #tpu.memory_space<vmem>> -> memref<128xi32, #tpu.memory_space<vmem>>
      %dma_wait3A_276 = arith.constant 0 : i32
      %dma_wait3A_277 = arith.constant 0 : i32
      %dma_wait3A_278 = tpu.memref_slice %arg10[%dma_wait3A_276, %dma_wait3A_277] : memref<10240x128xf32, #tpu.memory_space<vmem_shared>> -> memref<10240x128xf32, #tpu.memory_space<vmem_shared>>
      tpu.wait_indirect_dma semaphore(%run_scoped3A_266 : memref<!tpu.dma_semaphore, #tpu.memory_space<semaphore_mem>>) src(%arg9 : memref<128x128xf32, #tpu.memory_space<vmem>>) dst(%dma_wait3A_278 : memref<10240x128xf32, #tpu.memory_space<vmem_shared>>)
      tpu.yield
    }) : () -> ()
    %dma_wait3A_246 = arith.constant 15 : i32
    %dma_wait3A_247 = arith.constant 0 : i32
    %dma_wait3A_248 = tpu.memref_slice %arg6[%dma_wait3A_246, %dma_wait3A_247] : memref<16x128xi32, #tpu.memory_space<vmem>> -> memref<1x128xi32, #tpu.memory_space<vmem>>
    %dma_wait3A_249 = tpu.memref_squeeze %dma_wait3A_248 : memref<1x128xi32, #tpu.memory_space<vmem>> -> memref<128xi32, #tpu.memory_space<vmem>>
    %dma_wait3A_250 = arith.constant 0 : i32
    %dma_wait3A_251 = arith.constant 0 : i32
    %dma_wait3A_252 = tpu.memref_slice %arg2[%dma_wait3A_250, %dma_wait3A_251] : memref<10000x128xf32, #tpu.memory_space<hbm>> -> memref<10000x128xf32, #tpu.memory_space<hbm>>
    tpu.wait_indirect_dma semaphore(%arg11 : memref<!tpu.dma_semaphore, #tpu.memory_space<semaphore_mem>>) src(%dma_wait3A_252 : memref<10000x128xf32, #tpu.memory_space<hbm>>) dst(%arg8 : memref<128x128xf32, #tpu.memory_space<vmem>>)
    %run_scoped3A_253 = arith.constant 15 : i32
    "tpu.region"() ({
      %run_scoped3A_266 = tpu.sem_alloc : memref<!tpu.dma_semaphore, #tpu.memory_space<semaphore_mem>>
      %dma_start3A_267 = arith.constant 0 : i32
      %dma_start3A_268 = tpu.memref_slice %arg7[%run_scoped3A_253, %dma_start3A_267] : memref<16x128xi32, #tpu.memory_space<vmem>> -> memref<1x128xi32, #tpu.memory_space<vmem>>
      %dma_start3A_269 = tpu.memref_squeeze %dma_start3A_268 : memref<1x128xi32, #tpu.memory_space<vmem>> -> memref<128xi32, #tpu.memory_space<vmem>>
      %dma_start3A_270 = arith.constant 0 : i32
      %dma_start3A_271 = arith.constant 0 : i32
      %dma_start3A_272 = tpu.memref_slice %arg10[%dma_start3A_270, %dma_start3A_271] : memref<10240x128xf32, #tpu.memory_space<vmem_shared>> -> memref<10240x128xf32, #tpu.memory_space<vmem_shared>>
      tpu.enqueue_indirect_dma source(%arg8 : memref<128x128xf32, #tpu.memory_space<vmem>>) target(%dma_start3A_272 : memref<10240x128xf32, #tpu.memory_space<vmem_shared>>) offsets(%dma_start3A_269 : memref<128xi32, #tpu.memory_space<vmem>>) semaphore(%run_scoped3A_266 : memref<!tpu.dma_semaphore, #tpu.memory_space<semaphore_mem>>) {add = true}
      %dma_wait3A_273 = arith.constant 0 : i32
      %dma_wait3A_274 = tpu.memref_slice %arg7[%run_scoped3A_253, %dma_wait3A_273] : memref<16x128xi32, #tpu.memory_space<vmem>> -> memref<1x128xi32, #tpu.memory_space<vmem>>
      %dma_wait3A_275 = tpu.memref_squeeze %dma_wait3A_274 : memref<1x128xi32, #tpu.memory_space<vmem>> -> memref<128xi32, #tpu.memory_space<vmem>>
      %dma_wait3A_276 = arith.constant 0 : i32
      %dma_wait3A_277 = arith.constant 0 : i32
      %dma_wait3A_278 = tpu.memref_slice %arg10[%dma_wait3A_276, %dma_wait3A_277] : memref<10240x128xf32, #tpu.memory_space<vmem_shared>> -> memref<10240x128xf32, #tpu.memory_space<vmem_shared>>
      tpu.wait_indirect_dma semaphore(%run_scoped3A_266 : memref<!tpu.dma_semaphore, #tpu.memory_space<semaphore_mem>>) src(%arg8 : memref<128x128xf32, #tpu.memory_space<vmem>>) dst(%dma_wait3A_278 : memref<10240x128xf32, #tpu.memory_space<vmem_shared>>)
      tpu.yield
    }) : () -> ()
    %scan3A_254 = arith.constant 0 : i32
    %scan3A_255 = arith.constant 1 : i32
    %scan3A_256 = arith.constant 4 : i32
    %scan3A_257 = arith.addi %scan3A_255, %scan3A_256 : i32
    %scan3A_258 = arith.constant 1 : i32
    %scan3A_259 = scf.for %scan3A_266 = %scan3A_255 to %scan3A_257 step %scan3A_258 iter_args(%scan3A_267 = %scan3A_254) -> (i32)  : i32 {
      %mul3A_268 = arith.constant 16 : i32
      %mul3A_269 = arith.muli %scan3A_266, %mul3A_268 : i32
      %add3A_270 = arith.addi %mul3A_2, %mul3A_269 : i32
      %multiple_of3A_271 = tpu.assume_multiple %add3A_270, 16 : i32
      "tpu.region"() ({
        %run_scoped3A_513 = tpu.sem_alloc : memref<!tpu.dma_semaphore, #tpu.memory_space<semaphore_mem>>
        %dma_start3A_514 = arith.constant 0 : i32
        %dma_start3A_515 = tpu.memref_slice %arg3[%multiple_of3A_271, %dma_start3A_514] : memref<2560x128xi32, #tpu.memory_space<hbm>> -> memref<16x128xi32, #tpu.memory_space<hbm>>
        %dma_start3A_516 = arith.constant 0 : i32
        %dma_start3A_517 = tpu.memref_slice %arg3[%multiple_of3A_271, %dma_start3A_516] : memref<2560x128xi32, #tpu.memory_space<hbm>> -> memref<16x128xi32, #tpu.memory_space<hbm>>
        tpu.enqueue_dma source(%dma_start3A_517 : memref<16x128xi32, #tpu.memory_space<hbm>>) target(%arg6 : memref<16x128xi32, #tpu.memory_space<vmem>>) target_semaphore(%run_scoped3A_513 : memref<!tpu.dma_semaphore, #tpu.memory_space<semaphore_mem>>)
        %dma_wait3A_518 = arith.constant 0 : i32
        %dma_wait3A_519 = tpu.memref_slice %arg3[%multiple_of3A_271, %dma_wait3A_518] : memref<2560x128xi32, #tpu.memory_space<hbm>> -> memref<16x128xi32, #tpu.memory_space<hbm>>
        %dma_wait3A_520 = arith.constant 0 : i32
        %dma_wait3A_521 = tpu.memref_slice %arg3[%multiple_of3A_271, %dma_wait3A_520] : memref<2560x128xi32, #tpu.memory_space<hbm>> -> memref<16x128xi32, #tpu.memory_space<hbm>>
        tpu.wait_dma2 semaphore(%run_scoped3A_513 : memref<!tpu.dma_semaphore, #tpu.memory_space<semaphore_mem>>) src(%dma_wait3A_521 : memref<16x128xi32, #tpu.memory_space<hbm>>) dst(%arg6 : memref<16x128xi32, #tpu.memory_space<vmem>>)
        tpu.yield
      }) : () -> ()
      "tpu.region"() ({
        %run_scoped3A_513 = tpu.sem_alloc : memref<!tpu.dma_semaphore, #tpu.memory_space<semaphore_mem>>
        %dma_start3A_514 = arith.constant 0 : i32
        %dma_start3A_515 = tpu.memref_slice %arg4[%multiple_of3A_271, %dma_start3A_514] : memref<2560x128xi32, #tpu.memory_space<hbm>> -> memref<16x128xi32, #tpu.memory_space<hbm>>
        %dma_start3A_516 = arith.constant 0 : i32
        %dma_start3A_517 = tpu.memref_slice %arg4[%multiple_of3A_271, %dma_start3A_516] : memref<2560x128xi32, #tpu.memory_space<hbm>> -> memref<16x128xi32, #tpu.memory_space<hbm>>
        tpu.enqueue_dma source(%dma_start3A_517 : memref<16x128xi32, #tpu.memory_space<hbm>>) target(%arg7 : memref<16x128xi32, #tpu.memory_space<vmem>>) target_semaphore(%run_scoped3A_513 : memref<!tpu.dma_semaphore, #tpu.memory_space<semaphore_mem>>)
        %dma_wait3A_518 = arith.constant 0 : i32
        %dma_wait3A_519 = tpu.memref_slice %arg4[%multiple_of3A_271, %dma_wait3A_518] : memref<2560x128xi32, #tpu.memory_space<hbm>> -> memref<16x128xi32, #tpu.memory_space<hbm>>
        %dma_wait3A_520 = arith.constant 0 : i32
        %dma_wait3A_521 = tpu.memref_slice %arg4[%multiple_of3A_271, %dma_wait3A_520] : memref<2560x128xi32, #tpu.memory_space<hbm>> -> memref<16x128xi32, #tpu.memory_space<hbm>>
        tpu.wait_dma2 semaphore(%run_scoped3A_513 : memref<!tpu.dma_semaphore, #tpu.memory_space<semaphore_mem>>) src(%dma_wait3A_521 : memref<16x128xi32, #tpu.memory_space<hbm>>) dst(%arg7 : memref<16x128xi32, #tpu.memory_space<vmem>>)
        tpu.yield
      }) : () -> ()
      %dma_start3A_272 = arith.constant 0 : i32
      %dma_start3A_273 = arith.constant 0 : i32
      %dma_start3A_274 = tpu.memref_slice %arg6[%dma_start3A_272, %dma_start3A_273] : memref<16x128xi32, #tpu.memory_space<vmem>> -> memref<1x128xi32, #tpu.memory_space<vmem>>
      %dma_start3A_275 = tpu.memref_squeeze %dma_start3A_274 : memref<1x128xi32, #tpu.memory_space<vmem>> -> memref<128xi32, #tpu.memory_space<vmem>>
      %dma_start3A_276 = arith.constant 0 : i32
      %dma_start3A_277 = arith.constant 0 : i32
      %dma_start3A_278 = tpu.memref_slice %arg2[%dma_start3A_276, %dma_start3A_277] : memref<10000x128xf32, #tpu.memory_space<hbm>> -> memref<10000x128xf32, #tpu.memory_space<hbm>>
      tpu.enqueue_indirect_dma source(%dma_start3A_278 : memref<10000x128xf32, #tpu.memory_space<hbm>>) target(%arg9 : memref<128x128xf32, #tpu.memory_space<vmem>>) offsets(%dma_start3A_275 : memref<128xi32, #tpu.memory_space<vmem>>) semaphore(%arg12 : memref<!tpu.dma_semaphore, #tpu.memory_space<semaphore_mem>>)
      %dma_start3A_279 = arith.constant 1 : i32
      %dma_start3A_280 = arith.constant 0 : i32
      %dma_start3A_281 = tpu.memref_slice %arg6[%dma_start3A_279, %dma_start3A_280] : memref<16x128xi32, #tpu.memory_space<vmem>> -> memref<1x128xi32, #tpu.memory_space<vmem>>
      %dma_start3A_282 = tpu.memref_squeeze %dma_start3A_281 : memref<1x128xi32, #tpu.memory_space<vmem>> -> memref<128xi32, #tpu.memory_space<vmem>>
      %dma_start3A_283 = arith.constant 0 : i32
      %dma_start3A_284 = arith.constant 0 : i32
      %dma_start3A_285 = tpu.memref_slice %arg2[%dma_start3A_283, %dma_start3A_284] : memref<10000x128xf32, #tpu.memory_space<hbm>> -> memref<10000x128xf32, #tpu.memory_space<hbm>>
      tpu.enqueue_indirect_dma source(%dma_start3A_285 : memref<10000x128xf32, #tpu.memory_space<hbm>>) target(%arg8 : memref<128x128xf32, #tpu.memory_space<vmem>>) offsets(%dma_start3A_282 : memref<128xi32, #tpu.memory_space<vmem>>) semaphore(%arg11 : memref<!tpu.dma_semaphore, #tpu.memory_space<semaphore_mem>>)
      %dma_wait3A_286 = arith.constant 0 : i32
      %dma_wait3A_287 = arith.constant 0 : i32
      %dma_wait3A_288 = tpu.memref_slice %arg6[%dma_wait3A_286, %dma_wait3A_287] : memref<16x128xi32, #tpu.memory_space<vmem>> -> memref<1x128xi32, #tpu.memory_space<vmem>>
      %dma_wait3A_289 = tpu.memref_squeeze %dma_wait3A_288 : memref<1x128xi32, #tpu.memory_space<vmem>> -> memref<128xi32, #tpu.memory_space<vmem>>
      %dma_wait3A_290 = arith.constant 0 : i32
      %dma_wait3A_291 = arith.constant 0 : i32
      %dma_wait3A_292 = tpu.memref_slice %arg2[%dma_wait3A_290, %dma_wait3A_291] : memref<10000x128xf32, #tpu.memory_space<hbm>> -> memref<10000x128xf32, #tpu.memory_space<hbm>>
      tpu.wait_indirect_dma semaphore(%arg12 : memref<!tpu.dma_semaphore, #tpu.memory_space<semaphore_mem>>) src(%dma_wait3A_292 : memref<10000x128xf32, #tpu.memory_space<hbm>>) dst(%arg9 : memref<128x128xf32, #tpu.memory_space<vmem>>)
      %run_scoped3A_293 = arith.constant 0 : i32
      "tpu.region"() ({
        %run_scoped3A_513 = tpu.sem_alloc : memref<!tpu.dma_semaphore, #tpu.memory_space<semaphore_mem>>
        %dma_start3A_514 = arith.constant 0 : i32
        %dma_start3A_515 = tpu.memref_slice %arg7[%run_scoped3A_293, %dma_start3A_514] : memref<16x128xi32, #tpu.memory_space<vmem>> -> memref<1x128xi32, #tpu.memory_space<vmem>>
        %dma_start3A_516 = tpu.memref_squeeze %dma_start3A_515 : memref<1x128xi32, #tpu.memory_space<vmem>> -> memref<128xi32, #tpu.memory_space<vmem>>
        %dma_start3A_517 = arith.constant 0 : i32
        %dma_start3A_518 = arith.constant 0 : i32
        %dma_start3A_519 = tpu.memref_slice %arg10[%dma_start3A_517, %dma_start3A_518] : memref<10240x128xf32, #tpu.memory_space<vmem_shared>> -> memref<10240x128xf32, #tpu.memory_space<vmem_shared>>
        tpu.enqueue_indirect_dma source(%arg9 : memref<128x128xf32, #tpu.memory_space<vmem>>) target(%dma_start3A_519 : memref<10240x128xf32, #tpu.memory_space<vmem_shared>>) offsets(%dma_start3A_516 : memref<128xi32, #tpu.memory_space<vmem>>) semaphore(%run_scoped3A_513 : memref<!tpu.dma_semaphore, #tpu.memory_space<semaphore_mem>>) {add = true}
        %dma_wait3A_520 = arith.constant 0 : i32
        %dma_wait3A_521 = tpu.memref_slice %arg7[%run_scoped3A_293, %dma_wait3A_520] : memref<16x128xi32, #tpu.memory_space<vmem>> -> memref<1x128xi32, #tpu.memory_space<vmem>>
        %dma_wait3A_522 = tpu.memref_squeeze %dma_wait3A_521 : memref<1x128xi32, #tpu.memory_space<vmem>> -> memref<128xi32, #tpu.memory_space<vmem>>
        %dma_wait3A_523 = arith.constant 0 : i32
        %dma_wait3A_524 = arith.constant 0 : i32
        %dma_wait3A_525 = tpu.memref_slice %arg10[%dma_wait3A_523, %dma_wait3A_524] : memref<10240x128xf32, #tpu.memory_space<vmem_shared>> -> memref<10240x128xf32, #tpu.memory_space<vmem_shared>>
        tpu.wait_indirect_dma semaphore(%run_scoped3A_513 : memref<!tpu.dma_semaphore, #tpu.memory_space<semaphore_mem>>) src(%arg9 : memref<128x128xf32, #tpu.memory_space<vmem>>) dst(%dma_wait3A_525 : memref<10240x128xf32, #tpu.memory_space<vmem_shared>>)
        tpu.yield
      }) : () -> ()
      %dma_start3A_294 = arith.constant 2 : i32
      %dma_start3A_295 = arith.constant 0 : i32
      %dma_start3A_296 = tpu.memref_slice %arg6[%dma_start3A_294, %dma_start3A_295] : memref<16x128xi32, #tpu.memory_space<vmem>> -> memref<1x128xi32, #tpu.memory_space<vmem>>
      %dma_start3A_297 = tpu.memref_squeeze %dma_start3A_296 : memref<1x128xi32, #tpu.memory_space<vmem>> -> memref<128xi32, #tpu.memory_space<vmem>>
      %dma_start3A_298 = arith.constant 0 : i32
      %dma_start3A_299 = arith.constant 0 : i32
      %dma_start3A_300 = tpu.memref_slice %arg2[%dma_start3A_298, %dma_start3A_299] : memref<10000x128xf32, #tpu.memory_space<hbm>> -> memref<10000x128xf32, #tpu.memory_space<hbm>>
      tpu.enqueue_indirect_dma source(%dma_start3A_300 : memref<10000x128xf32, #tpu.memory_space<hbm>>) target(%arg9 : memref<128x128xf32, #tpu.memory_space<vmem>>) offsets(%dma_start3A_297 : memref<128xi32, #tpu.memory_space<vmem>>) semaphore(%arg12 : memref<!tpu.dma_semaphore, #tpu.memory_space<semaphore_mem>>)
      %dma_wait3A_301 = arith.constant 1 : i32
      %dma_wait3A_302 = arith.constant 0 : i32
      %dma_wait3A_303 = tpu.memref_slice %arg6[%dma_wait3A_301, %dma_wait3A_302] : memref<16x128xi32, #tpu.memory_space<vmem>> -> memref<1x128xi32, #tpu.memory_space<vmem>>
      %dma_wait3A_304 = tpu.memref_squeeze %dma_wait3A_303 : memref<1x128xi32, #tpu.memory_space<vmem>> -> memref<128xi32, #tpu.memory_space<vmem>>
      %dma_wait3A_305 = arith.constant 0 : i32
      %dma_wait3A_306 = arith.constant 0 : i32
      %dma_wait3A_307 = tpu.memref_slice %arg2[%dma_wait3A_305, %dma_wait3A_306] : memref<10000x128xf32, #tpu.memory_space<hbm>> -> memref<10000x128xf32, #tpu.memory_space<hbm>>
      tpu.wait_indirect_dma semaphore(%arg11 : memref<!tpu.dma_semaphore, #tpu.memory_space<semaphore_mem>>) src(%dma_wait3A_307 : memref<10000x128xf32, #tpu.memory_space<hbm>>) dst(%arg8 : memref<128x128xf32, #tpu.memory_space<vmem>>)
      %run_scoped3A_308 = arith.constant 1 : i32
      "tpu.region"() ({
        %run_scoped3A_513 = tpu.sem_alloc : memref<!tpu.dma_semaphore, #tpu.memory_space<semaphore_mem>>
        %dma_start3A_514 = arith.constant 0 : i32
        %dma_start3A_515 = tpu.memref_slice %arg7[%run_scoped3A_308, %dma_start3A_514] : memref<16x128xi32, #tpu.memory_space<vmem>> -> memref<1x128xi32, #tpu.memory_space<vmem>>
        %dma_start3A_516 = tpu.memref_squeeze %dma_start3A_515 : memref<1x128xi32, #tpu.memory_space<vmem>> -> memref<128xi32, #tpu.memory_space<vmem>>
        %dma_start3A_517 = arith.constant 0 : i32
        %dma_start3A_518 = arith.constant 0 : i32
        %dma_start3A_519 = tpu.memref_slice %arg10[%dma_start3A_517, %dma_start3A_518] : memref<10240x128xf32, #tpu.memory_space<vmem_shared>> -> memref<10240x128xf32, #tpu.memory_space<vmem_shared>>
        tpu.enqueue_indirect_dma source(%arg8 : memref<128x128xf32, #tpu.memory_space<vmem>>) target(%dma_start3A_519 : memref<10240x128xf32, #tpu.memory_space<vmem_shared>>) offsets(%dma_start3A_516 : memref<128xi32, #tpu.memory_space<vmem>>) semaphore(%run_scoped3A_513 : memref<!tpu.dma_semaphore, #tpu.memory_space<semaphore_mem>>) {add = true}
        %dma_wait3A_520 = arith.constant 0 : i32
        %dma_wait3A_521 = tpu.memref_slice %arg7[%run_scoped3A_308, %dma_wait3A_520] : memref<16x128xi32, #tpu.memory_space<vmem>> -> memref<1x128xi32, #tpu.memory_space<vmem>>
        %dma_wait3A_522 = tpu.memref_squeeze %dma_wait3A_521 : memref<1x128xi32, #tpu.memory_space<vmem>> -> memref<128xi32, #tpu.memory_space<vmem>>
        %dma_wait3A_523 = arith.constant 0 : i32
        %dma_wait3A_524 = arith.constant 0 : i32
        %dma_wait3A_525 = tpu.memref_slice %arg10[%dma_wait3A_523, %dma_wait3A_524] : memref<10240x128xf32, #tpu.memory_space<vmem_shared>> -> memref<10240x128xf32, #tpu.memory_space<vmem_shared>>
        tpu.wait_indirect_dma semaphore(%run_scoped3A_513 : memref<!tpu.dma_semaphore, #tpu.memory_space<semaphore_mem>>) src(%arg8 : memref<128x128xf32, #tpu.memory_space<vmem>>) dst(%dma_wait3A_525 : memref<10240x128xf32, #tpu.memory_space<vmem_shared>>)
        tpu.yield
      }) : () -> ()
      %dma_start3A_309 = arith.constant 3 : i32
      %dma_start3A_310 = arith.constant 0 : i32
      %dma_start3A_311 = tpu.memref_slice %arg6[%dma_start3A_309, %dma_start3A_310] : memref<16x128xi32, #tpu.memory_space<vmem>> -> memref<1x128xi32, #tpu.memory_space<vmem>>
      %dma_start3A_312 = tpu.memref_squeeze %dma_start3A_311 : memref<1x128xi32, #tpu.memory_space<vmem>> -> memref<128xi32, #tpu.memory_space<vmem>>
      %dma_start3A_313 = arith.constant 0 : i32
      %dma_start3A_314 = arith.constant 0 : i32
      %dma_start3A_315 = tpu.memref_slice %arg2[%dma_start3A_313, %dma_start3A_314] : memref<10000x128xf32, #tpu.memory_space<hbm>> -> memref<10000x128xf32, #tpu.memory_space<hbm>>
      tpu.enqueue_indirect_dma source(%dma_start3A_315 : memref<10000x128xf32, #tpu.memory_space<hbm>>) target(%arg8 : memref<128x128xf32, #tpu.memory_space<vmem>>) offsets(%dma_start3A_312 : memref<128xi32, #tpu.memory_space<vmem>>) semaphore(%arg11 : memref<!tpu.dma_semaphore, #tpu.memory_space<semaphore_mem>>)
      %dma_wait3A_316 = arith.constant 2 : i32
      %dma_wait3A_317 = arith.constant 0 : i32
      %dma_wait3A_318 = tpu.memref_slice %arg6[%dma_wait3A_316, %dma_wait3A_317] : memref<16x128xi32, #tpu.memory_space<vmem>> -> memref<1x128xi32, #tpu.memory_space<vmem>>
      %dma_wait3A_319 = tpu.memref_squeeze %dma_wait3A_318 : memref<1x128xi32, #tpu.memory_space<vmem>> -> memref<128xi32, #tpu.memory_space<vmem>>
      %dma_wait3A_320 = arith.constant 0 : i32
      %dma_wait3A_321 = arith.constant 0 : i32
      %dma_wait3A_322 = tpu.memref_slice %arg2[%dma_wait3A_320, %dma_wait3A_321] : memref<10000x128xf32, #tpu.memory_space<hbm>> -> memref<10000x128xf32, #tpu.memory_space<hbm>>
      tpu.wait_indirect_dma semaphore(%arg12 : memref<!tpu.dma_semaphore, #tpu.memory_space<semaphore_mem>>) src(%dma_wait3A_322 : memref<10000x128xf32, #tpu.memory_space<hbm>>) dst(%arg9 : memref<128x128xf32, #tpu.memory_space<vmem>>)
      %run_scoped3A_323 = arith.constant 2 : i32
      "tpu.region"() ({
        %run_scoped3A_513 = tpu.sem_alloc : memref<!tpu.dma_semaphore, #tpu.memory_space<semaphore_mem>>
        %dma_start3A_514 = arith.constant 0 : i32
        %dma_start3A_515 = tpu.memref_slice %arg7[%run_scoped3A_323, %dma_start3A_514] : memref<16x128xi32, #tpu.memory_space<vmem>> -> memref<1x128xi32, #tpu.memory_space<vmem>>
        %dma_start3A_516 = tpu.memref_squeeze %dma_start3A_515 : memref<1x128xi32, #tpu.memory_space<vmem>> -> memref<128xi32, #tpu.memory_space<vmem>>
        %dma_start3A_517 = arith.constant 0 : i32
        %dma_start3A_518 = arith.constant 0 : i32
        %dma_start3A_519 = tpu.memref_slice %arg10[%dma_start3A_517, %dma_start3A_518] : memref<10240x128xf32, #tpu.memory_space<vmem_shared>> -> memref<10240x128xf32, #tpu.memory_space<vmem_shared>>
        tpu.enqueue_indirect_dma source(%arg9 : memref<128x128xf32, #tpu.memory_space<vmem>>) target(%dma_start3A_519 : memref<10240x128xf32, #tpu.memory_space<vmem_shared>>) offsets(%dma_start3A_516 : memref<128xi32, #tpu.memory_space<vmem>>) semaphore(%run_scoped3A_513 : memref<!tpu.dma_semaphore, #tpu.memory_space<semaphore_mem>>) {add = true}
        %dma_wait3A_520 = arith.constant 0 : i32
        %dma_wait3A_521 = tpu.memref_slice %arg7[%run_scoped3A_323, %dma_wait3A_520] : memref<16x128xi32, #tpu.memory_space<vmem>> -> memref<1x128xi32, #tpu.memory_space<vmem>>
        %dma_wait3A_522 = tpu.memref_squeeze %dma_wait3A_521 : memref<1x128xi32, #tpu.memory_space<vmem>> -> memref<128xi32, #tpu.memory_space<vmem>>
        %dma_wait3A_523 = arith.constant 0 : i32
        %dma_wait3A_524 = arith.constant 0 : i32
        %dma_wait3A_525 = tpu.memref_slice %arg10[%dma_wait3A_523, %dma_wait3A_524] : memref<10240x128xf32, #tpu.memory_space<vmem_shared>> -> memref<10240x128xf32, #tpu.memory_space<vmem_shared>>
        tpu.wait_indirect_dma semaphore(%run_scoped3A_513 : memref<!tpu.dma_semaphore, #tpu.memory_space<semaphore_mem>>) src(%arg9 : memref<128x128xf32, #tpu.memory_space<vmem>>) dst(%dma_wait3A_525 : memref<10240x128xf32, #tpu.memory_space<vmem_shared>>)
        tpu.yield
      }) : () -> ()
      %dma_start3A_324 = arith.constant 4 : i32
      %dma_start3A_325 = arith.constant 0 : i32
      %dma_start3A_326 = tpu.memref_slice %arg6[%dma_start3A_324, %dma_start3A_325] : memref<16x128xi32, #tpu.memory_space<vmem>> -> memref<1x128xi32, #tpu.memory_space<vmem>>
      %dma_start3A_327 = tpu.memref_squeeze %dma_start3A_326 : memref<1x128xi32, #tpu.memory_space<vmem>> -> memref<128xi32, #tpu.memory_space<vmem>>
      %dma_start3A_328 = arith.constant 0 : i32
      %dma_start3A_329 = arith.constant 0 : i32
      %dma_start3A_330 = tpu.memref_slice %arg2[%dma_start3A_328, %dma_start3A_329] : memref<10000x128xf32, #tpu.memory_space<hbm>> -> memref<10000x128xf32, #tpu.memory_space<hbm>>
      tpu.enqueue_indirect_dma source(%dma_start3A_330 : memref<10000x128xf32, #tpu.memory_space<hbm>>) target(%arg9 : memref<128x128xf32, #tpu.memory_space<vmem>>) offsets(%dma_start3A_327 : memref<128xi32, #tpu.memory_space<vmem>>) semaphore(%arg12 : memref<!tpu.dma_semaphore, #tpu.memory_space<semaphore_mem>>)
      %dma_wait3A_331 = arith.constant 3 : i32
      %dma_wait3A_332 = arith.constant 0 : i32
      %dma_wait3A_333 = tpu.memref_slice %arg6[%dma_wait3A_331, %dma_wait3A_332] : memref<16x128xi32, #tpu.memory_space<vmem>> -> memref<1x128xi32, #tpu.memory_space<vmem>>
      %dma_wait3A_334 = tpu.memref_squeeze %dma_wait3A_333 : memref<1x128xi32, #tpu.memory_space<vmem>> -> memref<128xi32, #tpu.memory_space<vmem>>
      %dma_wait3A_335 = arith.constant 0 : i32
      %dma_wait3A_336 = arith.constant 0 : i32
      %dma_wait3A_337 = tpu.memref_slice %arg2[%dma_wait3A_335, %dma_wait3A_336] : memref<10000x128xf32, #tpu.memory_space<hbm>> -> memref<10000x128xf32, #tpu.memory_space<hbm>>
      tpu.wait_indirect_dma semaphore(%arg11 : memref<!tpu.dma_semaphore, #tpu.memory_space<semaphore_mem>>) src(%dma_wait3A_337 : memref<10000x128xf32, #tpu.memory_space<hbm>>) dst(%arg8 : memref<128x128xf32, #tpu.memory_space<vmem>>)
      %run_scoped3A_338 = arith.constant 3 : i32
      "tpu.region"() ({
        %run_scoped3A_513 = tpu.sem_alloc : memref<!tpu.dma_semaphore, #tpu.memory_space<semaphore_mem>>
        %dma_start3A_514 = arith.constant 0 : i32
        %dma_start3A_515 = tpu.memref_slice %arg7[%run_scoped3A_338, %dma_start3A_514] : memref<16x128xi32, #tpu.memory_space<vmem>> -> memref<1x128xi32, #tpu.memory_space<vmem>>
        %dma_start3A_516 = tpu.memref_squeeze %dma_start3A_515 : memref<1x128xi32, #tpu.memory_space<vmem>> -> memref<128xi32, #tpu.memory_space<vmem>>
        %dma_start3A_517 = arith.constant 0 : i32
        %dma_start3A_518 = arith.constant 0 : i32
        %dma_start3A_519 = tpu.memref_slice %arg10[%dma_start3A_517, %dma_start3A_518] : memref<10240x128xf32, #tpu.memory_space<vmem_shared>> -> memref<10240x128xf32, #tpu.memory_space<vmem_shared>>
        tpu.enqueue_indirect_dma source(%arg8 : memref<128x128xf32, #tpu.memory_space<vmem>>) target(%dma_start3A_519 : memref<10240x128xf32, #tpu.memory_space<vmem_shared>>) offsets(%dma_start3A_516 : memref<128xi32, #tpu.memory_space<vmem>>) semaphore(%run_scoped3A_513 : memref<!tpu.dma_semaphore, #tpu.memory_space<semaphore_mem>>) {add = true}
        %dma_wait3A_520 = arith.constant 0 : i32
        %dma_wait3A_521 = tpu.memref_slice %arg7[%run_scoped3A_338, %dma_wait3A_520] : memref<16x128xi32, #tpu.memory_space<vmem>> -> memref<1x128xi32, #tpu.memory_space<vmem>>
        %dma_wait3A_522 = tpu.memref_squeeze %dma_wait3A_521 : memref<1x128xi32, #tpu.memory_space<vmem>> -> memref<128xi32, #tpu.memory_space<vmem>>
        %dma_wait3A_523 = arith.constant 0 : i32
        %dma_wait3A_524 = arith.constant 0 : i32
        %dma_wait3A_525 = tpu.memref_slice %arg10[%dma_wait3A_523, %dma_wait3A_524] : memref<10240x128xf32, #tpu.memory_space<vmem_shared>> -> memref<10240x128xf32, #tpu.memory_space<vmem_shared>>
        tpu.wait_indirect_dma semaphore(%run_scoped3A_513 : memref<!tpu.dma_semaphore, #tpu.memory_space<semaphore_mem>>) src(%arg8 : memref<128x128xf32, #tpu.memory_space<vmem>>) dst(%dma_wait3A_525 : memref<10240x128xf32, #tpu.memory_space<vmem_shared>>)
        tpu.yield
      }) : () -> ()
      %dma_start3A_339 = arith.constant 5 : i32
      %dma_start3A_340 = arith.constant 0 : i32
      %dma_start3A_341 = tpu.memref_slice %arg6[%dma_start3A_339, %dma_start3A_340] : memref<16x128xi32, #tpu.memory_space<vmem>> -> memref<1x128xi32, #tpu.memory_space<vmem>>
      %dma_start3A_342 = tpu.memref_squeeze %dma_start3A_341 : memref<1x128xi32, #tpu.memory_space<vmem>> -> memref<128xi32, #tpu.memory_space<vmem>>
      %dma_start3A_343 = arith.constant 0 : i32
      %dma_start3A_344 = arith.constant 0 : i32
      %dma_start3A_345 = tpu.memref_slice %arg2[%dma_start3A_343, %dma_start3A_344] : memref<10000x128xf32, #tpu.memory_space<hbm>> -> memref<10000x128xf32, #tpu.memory_space<hbm>>
      tpu.enqueue_indirect_dma source(%dma_start3A_345 : memref<10000x128xf32, #tpu.memory_space<hbm>>) target(%arg8 : memref<128x128xf32, #tpu.memory_space<vmem>>) offsets(%dma_start3A_342 : memref<128xi32, #tpu.memory_space<vmem>>) semaphore(%arg11 : memref<!tpu.dma_semaphore, #tpu.memory_space<semaphore_mem>>)
      %dma_wait3A_346 = arith.constant 4 : i32
      %dma_wait3A_347 = arith.constant 0 : i32
      %dma_wait3A_348 = tpu.memref_slice %arg6[%dma_wait3A_346, %dma_wait3A_347] : memref<16x128xi32, #tpu.memory_space<vmem>> -> memref<1x128xi32, #tpu.memory_space<vmem>>
      %dma_wait3A_349 = tpu.memref_squeeze %dma_wait3A_348 : memref<1x128xi32, #tpu.memory_space<vmem>> -> memref<128xi32, #tpu.memory_space<vmem>>
      %dma_wait3A_350 = arith.constant 0 : i32
      %dma_wait3A_351 = arith.constant 0 : i32
      %dma_wait3A_352 = tpu.memref_slice %arg2[%dma_wait3A_350, %dma_wait3A_351] : memref<10000x128xf32, #tpu.memory_space<hbm>> -> memref<10000x128xf32, #tpu.memory_space<hbm>>
      tpu.wait_indirect_dma semaphore(%arg12 : memref<!tpu.dma_semaphore, #tpu.memory_space<semaphore_mem>>) src(%dma_wait3A_352 : memref<10000x128xf32, #tpu.memory_space<hbm>>) dst(%arg9 : memref<128x128xf32, #tpu.memory_space<vmem>>)
      %run_scoped3A_353 = arith.constant 4 : i32
      "tpu.region"() ({
        %run_scoped3A_513 = tpu.sem_alloc : memref<!tpu.dma_semaphore, #tpu.memory_space<semaphore_mem>>
        %dma_start3A_514 = arith.constant 0 : i32
        %dma_start3A_515 = tpu.memref_slice %arg7[%run_scoped3A_353, %dma_start3A_514] : memref<16x128xi32, #tpu.memory_space<vmem>> -> memref<1x128xi32, #tpu.memory_space<vmem>>
        %dma_start3A_516 = tpu.memref_squeeze %dma_start3A_515 : memref<1x128xi32, #tpu.memory_space<vmem>> -> memref<128xi32, #tpu.memory_space<vmem>>
        %dma_start3A_517 = arith.constant 0 : i32
        %dma_start3A_518 = arith.constant 0 : i32
        %dma_start3A_519 = tpu.memref_slice %arg10[%dma_start3A_517, %dma_start3A_518] : memref<10240x128xf32, #tpu.memory_space<vmem_shared>> -> memref<10240x128xf32, #tpu.memory_space<vmem_shared>>
        tpu.enqueue_indirect_dma source(%arg9 : memref<128x128xf32, #tpu.memory_space<vmem>>) target(%dma_start3A_519 : memref<10240x128xf32, #tpu.memory_space<vmem_shared>>) offsets(%dma_start3A_516 : memref<128xi32, #tpu.memory_space<vmem>>) semaphore(%run_scoped3A_513 : memref<!tpu.dma_semaphore, #tpu.memory_space<semaphore_mem>>) {add = true}
        %dma_wait3A_520 = arith.constant 0 : i32
        %dma_wait3A_521 = tpu.memref_slice %arg7[%run_scoped3A_353, %dma_wait3A_520] : memref<16x128xi32, #tpu.memory_space<vmem>> -> memref<1x128xi32, #tpu.memory_space<vmem>>
        %dma_wait3A_522 = tpu.memref_squeeze %dma_wait3A_521 : memref<1x128xi32, #tpu.memory_space<vmem>> -> memref<128xi32, #tpu.memory_space<vmem>>
        %dma_wait3A_523 = arith.constant 0 : i32
        %dma_wait3A_524 = arith.constant 0 : i32
        %dma_wait3A_525 = tpu.memref_slice %arg10[%dma_wait3A_523, %dma_wait3A_524] : memref<10240x128xf32, #tpu.memory_space<vmem_shared>> -> memref<10240x128xf32, #tpu.memory_space<vmem_shared>>
        tpu.wait_indirect_dma semaphore(%run_scoped3A_513 : memref<!tpu.dma_semaphore, #tpu.memory_space<semaphore_mem>>) src(%arg9 : memref<128x128xf32, #tpu.memory_space<vmem>>) dst(%dma_wait3A_525 : memref<10240x128xf32, #tpu.memory_space<vmem_shared>>)
        tpu.yield
      }) : () -> ()
      %dma_start3A_354 = arith.constant 6 : i32
      %dma_start3A_355 = arith.constant 0 : i32
      %dma_start3A_356 = tpu.memref_slice %arg6[%dma_start3A_354, %dma_start3A_355] : memref<16x128xi32, #tpu.memory_space<vmem>> -> memref<1x128xi32, #tpu.memory_space<vmem>>
      %dma_start3A_357 = tpu.memref_squeeze %dma_start3A_356 : memref<1x128xi32, #tpu.memory_space<vmem>> -> memref<128xi32, #tpu.memory_space<vmem>>
      %dma_start3A_358 = arith.constant 0 : i32
      %dma_start3A_359 = arith.constant 0 : i32
      %dma_start3A_360 = tpu.memref_slice %arg2[%dma_start3A_358, %dma_start3A_359] : memref<10000x128xf32, #tpu.memory_space<hbm>> -> memref<10000x128xf32, #tpu.memory_space<hbm>>
      tpu.enqueue_indirect_dma source(%dma_start3A_360 : memref<10000x128xf32, #tpu.memory_space<hbm>>) target(%arg9 : memref<128x128xf32, #tpu.memory_space<vmem>>) offsets(%dma_start3A_357 : memref<128xi32, #tpu.memory_space<vmem>>) semaphore(%arg12 : memref<!tpu.dma_semaphore, #tpu.memory_space<semaphore_mem>>)
      %dma_wait3A_361 = arith.constant 5 : i32
      %dma_wait3A_362 = arith.constant 0 : i32
      %dma_wait3A_363 = tpu.memref_slice %arg6[%dma_wait3A_361, %dma_wait3A_362] : memref<16x128xi32, #tpu.memory_space<vmem>> -> memref<1x128xi32, #tpu.memory_space<vmem>>
      %dma_wait3A_364 = tpu.memref_squeeze %dma_wait3A_363 : memref<1x128xi32, #tpu.memory_space<vmem>> -> memref<128xi32, #tpu.memory_space<vmem>>
      %dma_wait3A_365 = arith.constant 0 : i32
      %dma_wait3A_366 = arith.constant 0 : i32
      %dma_wait3A_367 = tpu.memref_slice %arg2[%dma_wait3A_365, %dma_wait3A_366] : memref<10000x128xf32, #tpu.memory_space<hbm>> -> memref<10000x128xf32, #tpu.memory_space<hbm>>
      tpu.wait_indirect_dma semaphore(%arg11 : memref<!tpu.dma_semaphore, #tpu.memory_space<semaphore_mem>>) src(%dma_wait3A_367 : memref<10000x128xf32, #tpu.memory_space<hbm>>) dst(%arg8 : memref<128x128xf32, #tpu.memory_space<vmem>>)
      %run_scoped3A_368 = arith.constant 5 : i32
      "tpu.region"() ({
        %run_scoped3A_513 = tpu.sem_alloc : memref<!tpu.dma_semaphore, #tpu.memory_space<semaphore_mem>>
        %dma_start3A_514 = arith.constant 0 : i32
        %dma_start3A_515 = tpu.memref_slice %arg7[%run_scoped3A_368, %dma_start3A_514] : memref<16x128xi32, #tpu.memory_space<vmem>> -> memref<1x128xi32, #tpu.memory_space<vmem>>
        %dma_start3A_516 = tpu.memref_squeeze %dma_start3A_515 : memref<1x128xi32, #tpu.memory_space<vmem>> -> memref<128xi32, #tpu.memory_space<vmem>>
        %dma_start3A_517 = arith.constant 0 : i32
        %dma_start3A_518 = arith.constant 0 : i32
        %dma_start3A_519 = tpu.memref_slice %arg10[%dma_start3A_517, %dma_start3A_518] : memref<10240x128xf32, #tpu.memory_space<vmem_shared>> -> memref<10240x128xf32, #tpu.memory_space<vmem_shared>>
        tpu.enqueue_indirect_dma source(%arg8 : memref<128x128xf32, #tpu.memory_space<vmem>>) target(%dma_start3A_519 : memref<10240x128xf32, #tpu.memory_space<vmem_shared>>) offsets(%dma_start3A_516 : memref<128xi32, #tpu.memory_space<vmem>>) semaphore(%run_scoped3A_513 : memref<!tpu.dma_semaphore, #tpu.memory_space<semaphore_mem>>) {add = true}
        %dma_wait3A_520 = arith.constant 0 : i32
        %dma_wait3A_521 = tpu.memref_slice %arg7[%run_scoped3A_368, %dma_wait3A_520] : memref<16x128xi32, #tpu.memory_space<vmem>> -> memref<1x128xi32, #tpu.memory_space<vmem>>
        %dma_wait3A_522 = tpu.memref_squeeze %dma_wait3A_521 : memref<1x128xi32, #tpu.memory_space<vmem>> -> memref<128xi32, #tpu.memory_space<vmem>>
        %dma_wait3A_523 = arith.constant 0 : i32
        %dma_wait3A_524 = arith.constant 0 : i32
        %dma_wait3A_525 = tpu.memref_slice %arg10[%dma_wait3A_523, %dma_wait3A_524] : memref<10240x128xf32, #tpu.memory_space<vmem_shared>> -> memref<10240x128xf32, #tpu.memory_space<vmem_shared>>
        tpu.wait_indirect_dma semaphore(%run_scoped3A_513 : memref<!tpu.dma_semaphore, #tpu.memory_space<semaphore_mem>>) src(%arg8 : memref<128x128xf32, #tpu.memory_space<vmem>>) dst(%dma_wait3A_525 : memref<10240x128xf32, #tpu.memory_space<vmem_shared>>)
        tpu.yield
      }) : () -> ()
      %dma_start3A_369 = arith.constant 7 : i32
      %dma_start3A_370 = arith.constant 0 : i32
      %dma_start3A_371 = tpu.memref_slice %arg6[%dma_start3A_369, %dma_start3A_370] : memref<16x128xi32, #tpu.memory_space<vmem>> -> memref<1x128xi32, #tpu.memory_space<vmem>>
      %dma_start3A_372 = tpu.memref_squeeze %dma_start3A_371 : memref<1x128xi32, #tpu.memory_space<vmem>> -> memref<128xi32, #tpu.memory_space<vmem>>
      %dma_start3A_373 = arith.constant 0 : i32
      %dma_start3A_374 = arith.constant 0 : i32
      %dma_start3A_375 = tpu.memref_slice %arg2[%dma_start3A_373, %dma_start3A_374] : memref<10000x128xf32, #tpu.memory_space<hbm>> -> memref<10000x128xf32, #tpu.memory_space<hbm>>
      tpu.enqueue_indirect_dma source(%dma_start3A_375 : memref<10000x128xf32, #tpu.memory_space<hbm>>) target(%arg8 : memref<128x128xf32, #tpu.memory_space<vmem>>) offsets(%dma_start3A_372 : memref<128xi32, #tpu.memory_space<vmem>>) semaphore(%arg11 : memref<!tpu.dma_semaphore, #tpu.memory_space<semaphore_mem>>)
      %dma_wait3A_376 = arith.constant 6 : i32
      %dma_wait3A_377 = arith.constant 0 : i32
      %dma_wait3A_378 = tpu.memref_slice %arg6[%dma_wait3A_376, %dma_wait3A_377] : memref<16x128xi32, #tpu.memory_space<vmem>> -> memref<1x128xi32, #tpu.memory_space<vmem>>
      %dma_wait3A_379 = tpu.memref_squeeze %dma_wait3A_378 : memref<1x128xi32, #tpu.memory_space<vmem>> -> memref<128xi32, #tpu.memory_space<vmem>>
      %dma_wait3A_380 = arith.constant 0 : i32
      %dma_wait3A_381 = arith.constant 0 : i32
      %dma_wait3A_382 = tpu.memref_slice %arg2[%dma_wait3A_380, %dma_wait3A_381] : memref<10000x128xf32, #tpu.memory_space<hbm>> -> memref<10000x128xf32, #tpu.memory_space<hbm>>
      tpu.wait_indirect_dma semaphore(%arg12 : memref<!tpu.dma_semaphore, #tpu.memory_space<semaphore_mem>>) src(%dma_wait3A_382 : memref<10000x128xf32, #tpu.memory_space<hbm>>) dst(%arg9 : memref<128x128xf32, #tpu.memory_space<vmem>>)
      %run_scoped3A_383 = arith.constant 6 : i32
      "tpu.region"() ({
        %run_scoped3A_513 = tpu.sem_alloc : memref<!tpu.dma_semaphore, #tpu.memory_space<semaphore_mem>>
        %dma_start3A_514 = arith.constant 0 : i32
        %dma_start3A_515 = tpu.memref_slice %arg7[%run_scoped3A_383, %dma_start3A_514] : memref<16x128xi32, #tpu.memory_space<vmem>> -> memref<1x128xi32, #tpu.memory_space<vmem>>
        %dma_start3A_516 = tpu.memref_squeeze %dma_start3A_515 : memref<1x128xi32, #tpu.memory_space<vmem>> -> memref<128xi32, #tpu.memory_space<vmem>>
        %dma_start3A_517 = arith.constant 0 : i32
        %dma_start3A_518 = arith.constant 0 : i32
        %dma_start3A_519 = tpu.memref_slice %arg10[%dma_start3A_517, %dma_start3A_518] : memref<10240x128xf32, #tpu.memory_space<vmem_shared>> -> memref<10240x128xf32, #tpu.memory_space<vmem_shared>>
        tpu.enqueue_indirect_dma source(%arg9 : memref<128x128xf32, #tpu.memory_space<vmem>>) target(%dma_start3A_519 : memref<10240x128xf32, #tpu.memory_space<vmem_shared>>) offsets(%dma_start3A_516 : memref<128xi32, #tpu.memory_space<vmem>>) semaphore(%run_scoped3A_513 : memref<!tpu.dma_semaphore, #tpu.memory_space<semaphore_mem>>) {add = true}
        %dma_wait3A_520 = arith.constant 0 : i32
        %dma_wait3A_521 = tpu.memref_slice %arg7[%run_scoped3A_383, %dma_wait3A_520] : memref<16x128xi32, #tpu.memory_space<vmem>> -> memref<1x128xi32, #tpu.memory_space<vmem>>
        %dma_wait3A_522 = tpu.memref_squeeze %dma_wait3A_521 : memref<1x128xi32, #tpu.memory_space<vmem>> -> memref<128xi32, #tpu.memory_space<vmem>>
        %dma_wait3A_523 = arith.constant 0 : i32
        %dma_wait3A_524 = arith.constant 0 : i32
        %dma_wait3A_525 = tpu.memref_slice %arg10[%dma_wait3A_523, %dma_wait3A_524] : memref<10240x128xf32, #tpu.memory_space<vmem_shared>> -> memref<10240x128xf32, #tpu.memory_space<vmem_shared>>
        tpu.wait_indirect_dma semaphore(%run_scoped3A_513 : memref<!tpu.dma_semaphore, #tpu.memory_space<semaphore_mem>>) src(%arg9 : memref<128x128xf32, #tpu.memory_space<vmem>>) dst(%dma_wait3A_525 : memref<10240x128xf32, #tpu.memory_space<vmem_shared>>)
        tpu.yield
      }) : () -> ()
      %dma_start3A_384 = arith.constant 8 : i32
      %dma_start3A_385 = arith.constant 0 : i32
      %dma_start3A_386 = tpu.memref_slice %arg6[%dma_start3A_384, %dma_start3A_385] : memref<16x128xi32, #tpu.memory_space<vmem>> -> memref<1x128xi32, #tpu.memory_space<vmem>>
      %dma_start3A_387 = tpu.memref_squeeze %dma_start3A_386 : memref<1x128xi32, #tpu.memory_space<vmem>> -> memref<128xi32, #tpu.memory_space<vmem>>
      %dma_start3A_388 = arith.constant 0 : i32
      %dma_start3A_389 = arith.constant 0 : i32
      %dma_start3A_390 = tpu.memref_slice %arg2[%dma_start3A_388, %dma_start3A_389] : memref<10000x128xf32, #tpu.memory_space<hbm>> -> memref<10000x128xf32, #tpu.memory_space<hbm>>
      tpu.enqueue_indirect_dma source(%dma_start3A_390 : memref<10000x128xf32, #tpu.memory_space<hbm>>) target(%arg9 : memref<128x128xf32, #tpu.memory_space<vmem>>) offsets(%dma_start3A_387 : memref<128xi32, #tpu.memory_space<vmem>>) semaphore(%arg12 : memref<!tpu.dma_semaphore, #tpu.memory_space<semaphore_mem>>)
      %dma_wait3A_391 = arith.constant 7 : i32
      %dma_wait3A_392 = arith.constant 0 : i32
      %dma_wait3A_393 = tpu.memref_slice %arg6[%dma_wait3A_391, %dma_wait3A_392] : memref<16x128xi32, #tpu.memory_space<vmem>> -> memref<1x128xi32, #tpu.memory_space<vmem>>
      %dma_wait3A_394 = tpu.memref_squeeze %dma_wait3A_393 : memref<1x128xi32, #tpu.memory_space<vmem>> -> memref<128xi32, #tpu.memory_space<vmem>>
      %dma_wait3A_395 = arith.constant 0 : i32
      %dma_wait3A_396 = arith.constant 0 : i32
      %dma_wait3A_397 = tpu.memref_slice %arg2[%dma_wait3A_395, %dma_wait3A_396] : memref<10000x128xf32, #tpu.memory_space<hbm>> -> memref<10000x128xf32, #tpu.memory_space<hbm>>
      tpu.wait_indirect_dma semaphore(%arg11 : memref<!tpu.dma_semaphore, #tpu.memory_space<semaphore_mem>>) src(%dma_wait3A_397 : memref<10000x128xf32, #tpu.memory_space<hbm>>) dst(%arg8 : memref<128x128xf32, #tpu.memory_space<vmem>>)
      %run_scoped3A_398 = arith.constant 7 : i32
      "tpu.region"() ({
        %run_scoped3A_513 = tpu.sem_alloc : memref<!tpu.dma_semaphore, #tpu.memory_space<semaphore_mem>>
        %dma_start3A_514 = arith.constant 0 : i32
        %dma_start3A_515 = tpu.memref_slice %arg7[%run_scoped3A_398, %dma_start3A_514] : memref<16x128xi32, #tpu.memory_space<vmem>> -> memref<1x128xi32, #tpu.memory_space<vmem>>
        %dma_start3A_516 = tpu.memref_squeeze %dma_start3A_515 : memref<1x128xi32, #tpu.memory_space<vmem>> -> memref<128xi32, #tpu.memory_space<vmem>>
        %dma_start3A_517 = arith.constant 0 : i32
        %dma_start3A_518 = arith.constant 0 : i32
        %dma_start3A_519 = tpu.memref_slice %arg10[%dma_start3A_517, %dma_start3A_518] : memref<10240x128xf32, #tpu.memory_space<vmem_shared>> -> memref<10240x128xf32, #tpu.memory_space<vmem_shared>>
        tpu.enqueue_indirect_dma source(%arg8 : memref<128x128xf32, #tpu.memory_space<vmem>>) target(%dma_start3A_519 : memref<10240x128xf32, #tpu.memory_space<vmem_shared>>) offsets(%dma_start3A_516 : memref<128xi32, #tpu.memory_space<vmem>>) semaphore(%run_scoped3A_513 : memref<!tpu.dma_semaphore, #tpu.memory_space<semaphore_mem>>) {add = true}
        %dma_wait3A_520 = arith.constant 0 : i32
        %dma_wait3A_521 = tpu.memref_slice %arg7[%run_scoped3A_398, %dma_wait3A_520] : memref<16x128xi32, #tpu.memory_space<vmem>> -> memref<1x128xi32, #tpu.memory_space<vmem>>
        %dma_wait3A_522 = tpu.memref_squeeze %dma_wait3A_521 : memref<1x128xi32, #tpu.memory_space<vmem>> -> memref<128xi32, #tpu.memory_space<vmem>>
        %dma_wait3A_523 = arith.constant 0 : i32
        %dma_wait3A_524 = arith.constant 0 : i32
        %dma_wait3A_525 = tpu.memref_slice %arg10[%dma_wait3A_523, %dma_wait3A_524] : memref<10240x128xf32, #tpu.memory_space<vmem_shared>> -> memref<10240x128xf32, #tpu.memory_space<vmem_shared>>
        tpu.wait_indirect_dma semaphore(%run_scoped3A_513 : memref<!tpu.dma_semaphore, #tpu.memory_space<semaphore_mem>>) src(%arg8 : memref<128x128xf32, #tpu.memory_space<vmem>>) dst(%dma_wait3A_525 : memref<10240x128xf32, #tpu.memory_space<vmem_shared>>)
        tpu.yield
      }) : () -> ()
      %dma_start3A_399 = arith.constant 9 : i32
      %dma_start3A_400 = arith.constant 0 : i32
      %dma_start3A_401 = tpu.memref_slice %arg6[%dma_start3A_399, %dma_start3A_400] : memref<16x128xi32, #tpu.memory_space<vmem>> -> memref<1x128xi32, #tpu.memory_space<vmem>>
      %dma_start3A_402 = tpu.memref_squeeze %dma_start3A_401 : memref<1x128xi32, #tpu.memory_space<vmem>> -> memref<128xi32, #tpu.memory_space<vmem>>
      %dma_start3A_403 = arith.constant 0 : i32
      %dma_start3A_404 = arith.constant 0 : i32
      %dma_start3A_405 = tpu.memref_slice %arg2[%dma_start3A_403, %dma_start3A_404] : memref<10000x128xf32, #tpu.memory_space<hbm>> -> memref<10000x128xf32, #tpu.memory_space<hbm>>
      tpu.enqueue_indirect_dma source(%dma_start3A_405 : memref<10000x128xf32, #tpu.memory_space<hbm>>) target(%arg8 : memref<128x128xf32, #tpu.memory_space<vmem>>) offsets(%dma_start3A_402 : memref<128xi32, #tpu.memory_space<vmem>>) semaphore(%arg11 : memref<!tpu.dma_semaphore, #tpu.memory_space<semaphore_mem>>)
      %dma_wait3A_406 = arith.constant 8 : i32
      %dma_wait3A_407 = arith.constant 0 : i32
      %dma_wait3A_408 = tpu.memref_slice %arg6[%dma_wait3A_406, %dma_wait3A_407] : memref<16x128xi32, #tpu.memory_space<vmem>> -> memref<1x128xi32, #tpu.memory_space<vmem>>
      %dma_wait3A_409 = tpu.memref_squeeze %dma_wait3A_408 : memref<1x128xi32, #tpu.memory_space<vmem>> -> memref<128xi32, #tpu.memory_space<vmem>>
      %dma_wait3A_410 = arith.constant 0 : i32
      %dma_wait3A_411 = arith.constant 0 : i32
      %dma_wait3A_412 = tpu.memref_slice %arg2[%dma_wait3A_410, %dma_wait3A_411] : memref<10000x128xf32, #tpu.memory_space<hbm>> -> memref<10000x128xf32, #tpu.memory_space<hbm>>
      tpu.wait_indirect_dma semaphore(%arg12 : memref<!tpu.dma_semaphore, #tpu.memory_space<semaphore_mem>>) src(%dma_wait3A_412 : memref<10000x128xf32, #tpu.memory_space<hbm>>) dst(%arg9 : memref<128x128xf32, #tpu.memory_space<vmem>>)
      %run_scoped3A_413 = arith.constant 8 : i32
      "tpu.region"() ({
        %run_scoped3A_513 = tpu.sem_alloc : memref<!tpu.dma_semaphore, #tpu.memory_space<semaphore_mem>>
        %dma_start3A_514 = arith.constant 0 : i32
        %dma_start3A_515 = tpu.memref_slice %arg7[%run_scoped3A_413, %dma_start3A_514] : memref<16x128xi32, #tpu.memory_space<vmem>> -> memref<1x128xi32, #tpu.memory_space<vmem>>
        %dma_start3A_516 = tpu.memref_squeeze %dma_start3A_515 : memref<1x128xi32, #tpu.memory_space<vmem>> -> memref<128xi32, #tpu.memory_space<vmem>>
        %dma_start3A_517 = arith.constant 0 : i32
        %dma_start3A_518 = arith.constant 0 : i32
        %dma_start3A_519 = tpu.memref_slice %arg10[%dma_start3A_517, %dma_start3A_518] : memref<10240x128xf32, #tpu.memory_space<vmem_shared>> -> memref<10240x128xf32, #tpu.memory_space<vmem_shared>>
        tpu.enqueue_indirect_dma source(%arg9 : memref<128x128xf32, #tpu.memory_space<vmem>>) target(%dma_start3A_519 : memref<10240x128xf32, #tpu.memory_space<vmem_shared>>) offsets(%dma_start3A_516 : memref<128xi32, #tpu.memory_space<vmem>>) semaphore(%run_scoped3A_513 : memref<!tpu.dma_semaphore, #tpu.memory_space<semaphore_mem>>) {add = true}
        %dma_wait3A_520 = arith.constant 0 : i32
        %dma_wait3A_521 = tpu.memref_slice %arg7[%run_scoped3A_413, %dma_wait3A_520] : memref<16x128xi32, #tpu.memory_space<vmem>> -> memref<1x128xi32, #tpu.memory_space<vmem>>
        %dma_wait3A_522 = tpu.memref_squeeze %dma_wait3A_521 : memref<1x128xi32, #tpu.memory_space<vmem>> -> memref<128xi32, #tpu.memory_space<vmem>>
        %dma_wait3A_523 = arith.constant 0 : i32
        %dma_wait3A_524 = arith.constant 0 : i32
        %dma_wait3A_525 = tpu.memref_slice %arg10[%dma_wait3A_523, %dma_wait3A_524] : memref<10240x128xf32, #tpu.memory_space<vmem_shared>> -> memref<10240x128xf32, #tpu.memory_space<vmem_shared>>
        tpu.wait_indirect_dma semaphore(%run_scoped3A_513 : memref<!tpu.dma_semaphore, #tpu.memory_space<semaphore_mem>>) src(%arg9 : memref<128x128xf32, #tpu.memory_space<vmem>>) dst(%dma_wait3A_525 : memref<10240x128xf32, #tpu.memory_space<vmem_shared>>)
        tpu.yield
      }) : () -> ()
      %dma_start3A_414 = arith.constant 10 : i32
      %dma_start3A_415 = arith.constant 0 : i32
      %dma_start3A_416 = tpu.memref_slice %arg6[%dma_start3A_414, %dma_start3A_415] : memref<16x128xi32, #tpu.memory_space<vmem>> -> memref<1x128xi32, #tpu.memory_space<vmem>>
      %dma_start3A_417 = tpu.memref_squeeze %dma_start3A_416 : memref<1x128xi32, #tpu.memory_space<vmem>> -> memref<128xi32, #tpu.memory_space<vmem>>
      %dma_start3A_418 = arith.constant 0 : i32
      %dma_start3A_419 = arith.constant 0 : i32
      %dma_start3A_420 = tpu.memref_slice %arg2[%dma_start3A_418, %dma_start3A_419] : memref<10000x128xf32, #tpu.memory_space<hbm>> -> memref<10000x128xf32, #tpu.memory_space<hbm>>
      tpu.enqueue_indirect_dma source(%dma_start3A_420 : memref<10000x128xf32, #tpu.memory_space<hbm>>) target(%arg9 : memref<128x128xf32, #tpu.memory_space<vmem>>) offsets(%dma_start3A_417 : memref<128xi32, #tpu.memory_space<vmem>>) semaphore(%arg12 : memref<!tpu.dma_semaphore, #tpu.memory_space<semaphore_mem>>)
      %dma_wait3A_421 = arith.constant 9 : i32
      %dma_wait3A_422 = arith.constant 0 : i32
      %dma_wait3A_423 = tpu.memref_slice %arg6[%dma_wait3A_421, %dma_wait3A_422] : memref<16x128xi32, #tpu.memory_space<vmem>> -> memref<1x128xi32, #tpu.memory_space<vmem>>
      %dma_wait3A_424 = tpu.memref_squeeze %dma_wait3A_423 : memref<1x128xi32, #tpu.memory_space<vmem>> -> memref<128xi32, #tpu.memory_space<vmem>>
      %dma_wait3A_425 = arith.constant 0 : i32
      %dma_wait3A_426 = arith.constant 0 : i32
      %dma_wait3A_427 = tpu.memref_slice %arg2[%dma_wait3A_425, %dma_wait3A_426] : memref<10000x128xf32, #tpu.memory_space<hbm>> -> memref<10000x128xf32, #tpu.memory_space<hbm>>
      tpu.wait_indirect_dma semaphore(%arg11 : memref<!tpu.dma_semaphore, #tpu.memory_space<semaphore_mem>>) src(%dma_wait3A_427 : memref<10000x128xf32, #tpu.memory_space<hbm>>) dst(%arg8 : memref<128x128xf32, #tpu.memory_space<vmem>>)
      %run_scoped3A_428 = arith.constant 9 : i32
      "tpu.region"() ({
        %run_scoped3A_513 = tpu.sem_alloc : memref<!tpu.dma_semaphore, #tpu.memory_space<semaphore_mem>>
        %dma_start3A_514 = arith.constant 0 : i32
        %dma_start3A_515 = tpu.memref_slice %arg7[%run_scoped3A_428, %dma_start3A_514] : memref<16x128xi32, #tpu.memory_space<vmem>> -> memref<1x128xi32, #tpu.memory_space<vmem>>
        %dma_start3A_516 = tpu.memref_squeeze %dma_start3A_515 : memref<1x128xi32, #tpu.memory_space<vmem>> -> memref<128xi32, #tpu.memory_space<vmem>>
        %dma_start3A_517 = arith.constant 0 : i32
        %dma_start3A_518 = arith.constant 0 : i32
        %dma_start3A_519 = tpu.memref_slice %arg10[%dma_start3A_517, %dma_start3A_518] : memref<10240x128xf32, #tpu.memory_space<vmem_shared>> -> memref<10240x128xf32, #tpu.memory_space<vmem_shared>>
        tpu.enqueue_indirect_dma source(%arg8 : memref<128x128xf32, #tpu.memory_space<vmem>>) target(%dma_start3A_519 : memref<10240x128xf32, #tpu.memory_space<vmem_shared>>) offsets(%dma_start3A_516 : memref<128xi32, #tpu.memory_space<vmem>>) semaphore(%run_scoped3A_513 : memref<!tpu.dma_semaphore, #tpu.memory_space<semaphore_mem>>) {add = true}
        %dma_wait3A_520 = arith.constant 0 : i32
        %dma_wait3A_521 = tpu.memref_slice %arg7[%run_scoped3A_428, %dma_wait3A_520] : memref<16x128xi32, #tpu.memory_space<vmem>> -> memref<1x128xi32, #tpu.memory_space<vmem>>
        %dma_wait3A_522 = tpu.memref_squeeze %dma_wait3A_521 : memref<1x128xi32, #tpu.memory_space<vmem>> -> memref<128xi32, #tpu.memory_space<vmem>>
        %dma_wait3A_523 = arith.constant 0 : i32
        %dma_wait3A_524 = arith.constant 0 : i32
        %dma_wait3A_525 = tpu.memref_slice %arg10[%dma_wait3A_523, %dma_wait3A_524] : memref<10240x128xf32, #tpu.memory_space<vmem_shared>> -> memref<10240x128xf32, #tpu.memory_space<vmem_shared>>
        tpu.wait_indirect_dma semaphore(%run_scoped3A_513 : memref<!tpu.dma_semaphore, #tpu.memory_space<semaphore_mem>>) src(%arg8 : memref<128x128xf32, #tpu.memory_space<vmem>>) dst(%dma_wait3A_525 : memref<10240x128xf32, #tpu.memory_space<vmem_shared>>)
        tpu.yield
      }) : () -> ()
      %dma_start3A_429 = arith.constant 11 : i32
      %dma_start3A_430 = arith.constant 0 : i32
      %dma_start3A_431 = tpu.memref_slice %arg6[%dma_start3A_429, %dma_start3A_430] : memref<16x128xi32, #tpu.memory_space<vmem>> -> memref<1x128xi32, #tpu.memory_space<vmem>>
      %dma_start3A_432 = tpu.memref_squeeze %dma_start3A_431 : memref<1x128xi32, #tpu.memory_space<vmem>> -> memref<128xi32, #tpu.memory_space<vmem>>
      %dma_start3A_433 = arith.constant 0 : i32
      %dma_start3A_434 = arith.constant 0 : i32
      %dma_start3A_435 = tpu.memref_slice %arg2[%dma_start3A_433, %dma_start3A_434] : memref<10000x128xf32, #tpu.memory_space<hbm>> -> memref<10000x128xf32, #tpu.memory_space<hbm>>
      tpu.enqueue_indirect_dma source(%dma_start3A_435 : memref<10000x128xf32, #tpu.memory_space<hbm>>) target(%arg8 : memref<128x128xf32, #tpu.memory_space<vmem>>) offsets(%dma_start3A_432 : memref<128xi32, #tpu.memory_space<vmem>>) semaphore(%arg11 : memref<!tpu.dma_semaphore, #tpu.memory_space<semaphore_mem>>)
      %dma_wait3A_436 = arith.constant 10 : i32
      %dma_wait3A_437 = arith.constant 0 : i32
      %dma_wait3A_438 = tpu.memref_slice %arg6[%dma_wait3A_436, %dma_wait3A_437] : memref<16x128xi32, #tpu.memory_space<vmem>> -> memref<1x128xi32, #tpu.memory_space<vmem>>
      %dma_wait3A_439 = tpu.memref_squeeze %dma_wait3A_438 : memref<1x128xi32, #tpu.memory_space<vmem>> -> memref<128xi32, #tpu.memory_space<vmem>>
      %dma_wait3A_440 = arith.constant 0 : i32
      %dma_wait3A_441 = arith.constant 0 : i32
      %dma_wait3A_442 = tpu.memref_slice %arg2[%dma_wait3A_440, %dma_wait3A_441] : memref<10000x128xf32, #tpu.memory_space<hbm>> -> memref<10000x128xf32, #tpu.memory_space<hbm>>
      tpu.wait_indirect_dma semaphore(%arg12 : memref<!tpu.dma_semaphore, #tpu.memory_space<semaphore_mem>>) src(%dma_wait3A_442 : memref<10000x128xf32, #tpu.memory_space<hbm>>) dst(%arg9 : memref<128x128xf32, #tpu.memory_space<vmem>>)
      %run_scoped3A_443 = arith.constant 10 : i32
      "tpu.region"() ({
        %run_scoped3A_513 = tpu.sem_alloc : memref<!tpu.dma_semaphore, #tpu.memory_space<semaphore_mem>>
        %dma_start3A_514 = arith.constant 0 : i32
        %dma_start3A_515 = tpu.memref_slice %arg7[%run_scoped3A_443, %dma_start3A_514] : memref<16x128xi32, #tpu.memory_space<vmem>> -> memref<1x128xi32, #tpu.memory_space<vmem>>
        %dma_start3A_516 = tpu.memref_squeeze %dma_start3A_515 : memref<1x128xi32, #tpu.memory_space<vmem>> -> memref<128xi32, #tpu.memory_space<vmem>>
        %dma_start3A_517 = arith.constant 0 : i32
        %dma_start3A_518 = arith.constant 0 : i32
        %dma_start3A_519 = tpu.memref_slice %arg10[%dma_start3A_517, %dma_start3A_518] : memref<10240x128xf32, #tpu.memory_space<vmem_shared>> -> memref<10240x128xf32, #tpu.memory_space<vmem_shared>>
        tpu.enqueue_indirect_dma source(%arg9 : memref<128x128xf32, #tpu.memory_space<vmem>>) target(%dma_start3A_519 : memref<10240x128xf32, #tpu.memory_space<vmem_shared>>) offsets(%dma_start3A_516 : memref<128xi32, #tpu.memory_space<vmem>>) semaphore(%run_scoped3A_513 : memref<!tpu.dma_semaphore, #tpu.memory_space<semaphore_mem>>) {add = true}
        %dma_wait3A_520 = arith.constant 0 : i32
        %dma_wait3A_521 = tpu.memref_slice %arg7[%run_scoped3A_443, %dma_wait3A_520] : memref<16x128xi32, #tpu.memory_space<vmem>> -> memref<1x128xi32, #tpu.memory_space<vmem>>
        %dma_wait3A_522 = tpu.memref_squeeze %dma_wait3A_521 : memref<1x128xi32, #tpu.memory_space<vmem>> -> memref<128xi32, #tpu.memory_space<vmem>>
        %dma_wait3A_523 = arith.constant 0 : i32
        %dma_wait3A_524 = arith.constant 0 : i32
        %dma_wait3A_525 = tpu.memref_slice %arg10[%dma_wait3A_523, %dma_wait3A_524] : memref<10240x128xf32, #tpu.memory_space<vmem_shared>> -> memref<10240x128xf32, #tpu.memory_space<vmem_shared>>
        tpu.wait_indirect_dma semaphore(%run_scoped3A_513 : memref<!tpu.dma_semaphore, #tpu.memory_space<semaphore_mem>>) src(%arg9 : memref<128x128xf32, #tpu.memory_space<vmem>>) dst(%dma_wait3A_525 : memref<10240x128xf32, #tpu.memory_space<vmem_shared>>)
        tpu.yield
      }) : () -> ()
      %dma_start3A_444 = arith.constant 12 : i32
      %dma_start3A_445 = arith.constant 0 : i32
      %dma_start3A_446 = tpu.memref_slice %arg6[%dma_start3A_444, %dma_start3A_445] : memref<16x128xi32, #tpu.memory_space<vmem>> -> memref<1x128xi32, #tpu.memory_space<vmem>>
      %dma_start3A_447 = tpu.memref_squeeze %dma_start3A_446 : memref<1x128xi32, #tpu.memory_space<vmem>> -> memref<128xi32, #tpu.memory_space<vmem>>
      %dma_start3A_448 = arith.constant 0 : i32
      %dma_start3A_449 = arith.constant 0 : i32
      %dma_start3A_450 = tpu.memref_slice %arg2[%dma_start3A_448, %dma_start3A_449] : memref<10000x128xf32, #tpu.memory_space<hbm>> -> memref<10000x128xf32, #tpu.memory_space<hbm>>
      tpu.enqueue_indirect_dma source(%dma_start3A_450 : memref<10000x128xf32, #tpu.memory_space<hbm>>) target(%arg9 : memref<128x128xf32, #tpu.memory_space<vmem>>) offsets(%dma_start3A_447 : memref<128xi32, #tpu.memory_space<vmem>>) semaphore(%arg12 : memref<!tpu.dma_semaphore, #tpu.memory_space<semaphore_mem>>)
      %dma_wait3A_451 = arith.constant 11 : i32
      %dma_wait3A_452 = arith.constant 0 : i32
      %dma_wait3A_453 = tpu.memref_slice %arg6[%dma_wait3A_451, %dma_wait3A_452] : memref<16x128xi32, #tpu.memory_space<vmem>> -> memref<1x128xi32, #tpu.memory_space<vmem>>
      %dma_wait3A_454 = tpu.memref_squeeze %dma_wait3A_453 : memref<1x128xi32, #tpu.memory_space<vmem>> -> memref<128xi32, #tpu.memory_space<vmem>>
      %dma_wait3A_455 = arith.constant 0 : i32
      %dma_wait3A_456 = arith.constant 0 : i32
      %dma_wait3A_457 = tpu.memref_slice %arg2[%dma_wait3A_455, %dma_wait3A_456] : memref<10000x128xf32, #tpu.memory_space<hbm>> -> memref<10000x128xf32, #tpu.memory_space<hbm>>
      tpu.wait_indirect_dma semaphore(%arg11 : memref<!tpu.dma_semaphore, #tpu.memory_space<semaphore_mem>>) src(%dma_wait3A_457 : memref<10000x128xf32, #tpu.memory_space<hbm>>) dst(%arg8 : memref<128x128xf32, #tpu.memory_space<vmem>>)
      %run_scoped3A_458 = arith.constant 11 : i32
      "tpu.region"() ({
        %run_scoped3A_513 = tpu.sem_alloc : memref<!tpu.dma_semaphore, #tpu.memory_space<semaphore_mem>>
        %dma_start3A_514 = arith.constant 0 : i32
        %dma_start3A_515 = tpu.memref_slice %arg7[%run_scoped3A_458, %dma_start3A_514] : memref<16x128xi32, #tpu.memory_space<vmem>> -> memref<1x128xi32, #tpu.memory_space<vmem>>
        %dma_start3A_516 = tpu.memref_squeeze %dma_start3A_515 : memref<1x128xi32, #tpu.memory_space<vmem>> -> memref<128xi32, #tpu.memory_space<vmem>>
        %dma_start3A_517 = arith.constant 0 : i32
        %dma_start3A_518 = arith.constant 0 : i32
        %dma_start3A_519 = tpu.memref_slice %arg10[%dma_start3A_517, %dma_start3A_518] : memref<10240x128xf32, #tpu.memory_space<vmem_shared>> -> memref<10240x128xf32, #tpu.memory_space<vmem_shared>>
        tpu.enqueue_indirect_dma source(%arg8 : memref<128x128xf32, #tpu.memory_space<vmem>>) target(%dma_start3A_519 : memref<10240x128xf32, #tpu.memory_space<vmem_shared>>) offsets(%dma_start3A_516 : memref<128xi32, #tpu.memory_space<vmem>>) semaphore(%run_scoped3A_513 : memref<!tpu.dma_semaphore, #tpu.memory_space<semaphore_mem>>) {add = true}
        %dma_wait3A_520 = arith.constant 0 : i32
        %dma_wait3A_521 = tpu.memref_slice %arg7[%run_scoped3A_458, %dma_wait3A_520] : memref<16x128xi32, #tpu.memory_space<vmem>> -> memref<1x128xi32, #tpu.memory_space<vmem>>
        %dma_wait3A_522 = tpu.memref_squeeze %dma_wait3A_521 : memref<1x128xi32, #tpu.memory_space<vmem>> -> memref<128xi32, #tpu.memory_space<vmem>>
        %dma_wait3A_523 = arith.constant 0 : i32
        %dma_wait3A_524 = arith.constant 0 : i32
        %dma_wait3A_525 = tpu.memref_slice %arg10[%dma_wait3A_523, %dma_wait3A_524] : memref<10240x128xf32, #tpu.memory_space<vmem_shared>> -> memref<10240x128xf32, #tpu.memory_space<vmem_shared>>
        tpu.wait_indirect_dma semaphore(%run_scoped3A_513 : memref<!tpu.dma_semaphore, #tpu.memory_space<semaphore_mem>>) src(%arg8 : memref<128x128xf32, #tpu.memory_space<vmem>>) dst(%dma_wait3A_525 : memref<10240x128xf32, #tpu.memory_space<vmem_shared>>)
        tpu.yield
      }) : () -> ()
      %dma_start3A_459 = arith.constant 13 : i32
      %dma_start3A_460 = arith.constant 0 : i32
      %dma_start3A_461 = tpu.memref_slice %arg6[%dma_start3A_459, %dma_start3A_460] : memref<16x128xi32, #tpu.memory_space<vmem>> -> memref<1x128xi32, #tpu.memory_space<vmem>>
      %dma_start3A_462 = tpu.memref_squeeze %dma_start3A_461 : memref<1x128xi32, #tpu.memory_space<vmem>> -> memref<128xi32, #tpu.memory_space<vmem>>
      %dma_start3A_463 = arith.constant 0 : i32
      %dma_start3A_464 = arith.constant 0 : i32
      %dma_start3A_465 = tpu.memref_slice %arg2[%dma_start3A_463, %dma_start3A_464] : memref<10000x128xf32, #tpu.memory_space<hbm>> -> memref<10000x128xf32, #tpu.memory_space<hbm>>
      tpu.enqueue_indirect_dma source(%dma_start3A_465 : memref<10000x128xf32, #tpu.memory_space<hbm>>) target(%arg8 : memref<128x128xf32, #tpu.memory_space<vmem>>) offsets(%dma_start3A_462 : memref<128xi32, #tpu.memory_space<vmem>>) semaphore(%arg11 : memref<!tpu.dma_semaphore, #tpu.memory_space<semaphore_mem>>)
      %dma_wait3A_466 = arith.constant 12 : i32
      %dma_wait3A_467 = arith.constant 0 : i32
      %dma_wait3A_468 = tpu.memref_slice %arg6[%dma_wait3A_466, %dma_wait3A_467] : memref<16x128xi32, #tpu.memory_space<vmem>> -> memref<1x128xi32, #tpu.memory_space<vmem>>
      %dma_wait3A_469 = tpu.memref_squeeze %dma_wait3A_468 : memref<1x128xi32, #tpu.memory_space<vmem>> -> memref<128xi32, #tpu.memory_space<vmem>>
      %dma_wait3A_470 = arith.constant 0 : i32
      %dma_wait3A_471 = arith.constant 0 : i32
      %dma_wait3A_472 = tpu.memref_slice %arg2[%dma_wait3A_470, %dma_wait3A_471] : memref<10000x128xf32, #tpu.memory_space<hbm>> -> memref<10000x128xf32, #tpu.memory_space<hbm>>
      tpu.wait_indirect_dma semaphore(%arg12 : memref<!tpu.dma_semaphore, #tpu.memory_space<semaphore_mem>>) src(%dma_wait3A_472 : memref<10000x128xf32, #tpu.memory_space<hbm>>) dst(%arg9 : memref<128x128xf32, #tpu.memory_space<vmem>>)
      %run_scoped3A_473 = arith.constant 12 : i32
      "tpu.region"() ({
        %run_scoped3A_513 = tpu.sem_alloc : memref<!tpu.dma_semaphore, #tpu.memory_space<semaphore_mem>>
        %dma_start3A_514 = arith.constant 0 : i32
        %dma_start3A_515 = tpu.memref_slice %arg7[%run_scoped3A_473, %dma_start3A_514] : memref<16x128xi32, #tpu.memory_space<vmem>> -> memref<1x128xi32, #tpu.memory_space<vmem>>
        %dma_start3A_516 = tpu.memref_squeeze %dma_start3A_515 : memref<1x128xi32, #tpu.memory_space<vmem>> -> memref<128xi32, #tpu.memory_space<vmem>>
        %dma_start3A_517 = arith.constant 0 : i32
        %dma_start3A_518 = arith.constant 0 : i32
        %dma_start3A_519 = tpu.memref_slice %arg10[%dma_start3A_517, %dma_start3A_518] : memref<10240x128xf32, #tpu.memory_space<vmem_shared>> -> memref<10240x128xf32, #tpu.memory_space<vmem_shared>>
        tpu.enqueue_indirect_dma source(%arg9 : memref<128x128xf32, #tpu.memory_space<vmem>>) target(%dma_start3A_519 : memref<10240x128xf32, #tpu.memory_space<vmem_shared>>) offsets(%dma_start3A_516 : memref<128xi32, #tpu.memory_space<vmem>>) semaphore(%run_scoped3A_513 : memref<!tpu.dma_semaphore, #tpu.memory_space<semaphore_mem>>) {add = true}
        %dma_wait3A_520 = arith.constant 0 : i32
        %dma_wait3A_521 = tpu.memref_slice %arg7[%run_scoped3A_473, %dma_wait3A_520] : memref<16x128xi32, #tpu.memory_space<vmem>> -> memref<1x128xi32, #tpu.memory_space<vmem>>
        %dma_wait3A_522 = tpu.memref_squeeze %dma_wait3A_521 : memref<1x128xi32, #tpu.memory_space<vmem>> -> memref<128xi32, #tpu.memory_space<vmem>>
        %dma_wait3A_523 = arith.constant 0 : i32
        %dma_wait3A_524 = arith.constant 0 : i32
        %dma_wait3A_525 = tpu.memref_slice %arg10[%dma_wait3A_523, %dma_wait3A_524] : memref<10240x128xf32, #tpu.memory_space<vmem_shared>> -> memref<10240x128xf32, #tpu.memory_space<vmem_shared>>
        tpu.wait_indirect_dma semaphore(%run_scoped3A_513 : memref<!tpu.dma_semaphore, #tpu.memory_space<semaphore_mem>>) src(%arg9 : memref<128x128xf32, #tpu.memory_space<vmem>>) dst(%dma_wait3A_525 : memref<10240x128xf32, #tpu.memory_space<vmem_shared>>)
        tpu.yield
      }) : () -> ()
      %dma_start3A_474 = arith.constant 14 : i32
      %dma_start3A_475 = arith.constant 0 : i32
      %dma_start3A_476 = tpu.memref_slice %arg6[%dma_start3A_474, %dma_start3A_475] : memref<16x128xi32, #tpu.memory_space<vmem>> -> memref<1x128xi32, #tpu.memory_space<vmem>>
      %dma_start3A_477 = tpu.memref_squeeze %dma_start3A_476 : memref<1x128xi32, #tpu.memory_space<vmem>> -> memref<128xi32, #tpu.memory_space<vmem>>
      %dma_start3A_478 = arith.constant 0 : i32
      %dma_start3A_479 = arith.constant 0 : i32
      %dma_start3A_480 = tpu.memref_slice %arg2[%dma_start3A_478, %dma_start3A_479] : memref<10000x128xf32, #tpu.memory_space<hbm>> -> memref<10000x128xf32, #tpu.memory_space<hbm>>
      tpu.enqueue_indirect_dma source(%dma_start3A_480 : memref<10000x128xf32, #tpu.memory_space<hbm>>) target(%arg9 : memref<128x128xf32, #tpu.memory_space<vmem>>) offsets(%dma_start3A_477 : memref<128xi32, #tpu.memory_space<vmem>>) semaphore(%arg12 : memref<!tpu.dma_semaphore, #tpu.memory_space<semaphore_mem>>)
      %dma_wait3A_481 = arith.constant 13 : i32
      %dma_wait3A_482 = arith.constant 0 : i32
      %dma_wait3A_483 = tpu.memref_slice %arg6[%dma_wait3A_481, %dma_wait3A_482] : memref<16x128xi32, #tpu.memory_space<vmem>> -> memref<1x128xi32, #tpu.memory_space<vmem>>
      %dma_wait3A_484 = tpu.memref_squeeze %dma_wait3A_483 : memref<1x128xi32, #tpu.memory_space<vmem>> -> memref<128xi32, #tpu.memory_space<vmem>>
      %dma_wait3A_485 = arith.constant 0 : i32
      %dma_wait3A_486 = arith.constant 0 : i32
      %dma_wait3A_487 = tpu.memref_slice %arg2[%dma_wait3A_485, %dma_wait3A_486] : memref<10000x128xf32, #tpu.memory_space<hbm>> -> memref<10000x128xf32, #tpu.memory_space<hbm>>
      tpu.wait_indirect_dma semaphore(%arg11 : memref<!tpu.dma_semaphore, #tpu.memory_space<semaphore_mem>>) src(%dma_wait3A_487 : memref<10000x128xf32, #tpu.memory_space<hbm>>) dst(%arg8 : memref<128x128xf32, #tpu.memory_space<vmem>>)
      %run_scoped3A_488 = arith.constant 13 : i32
      "tpu.region"() ({
        %run_scoped3A_513 = tpu.sem_alloc : memref<!tpu.dma_semaphore, #tpu.memory_space<semaphore_mem>>
        %dma_start3A_514 = arith.constant 0 : i32
        %dma_start3A_515 = tpu.memref_slice %arg7[%run_scoped3A_488, %dma_start3A_514] : memref<16x128xi32, #tpu.memory_space<vmem>> -> memref<1x128xi32, #tpu.memory_space<vmem>>
        %dma_start3A_516 = tpu.memref_squeeze %dma_start3A_515 : memref<1x128xi32, #tpu.memory_space<vmem>> -> memref<128xi32, #tpu.memory_space<vmem>>
        %dma_start3A_517 = arith.constant 0 : i32
        %dma_start3A_518 = arith.constant 0 : i32
        %dma_start3A_519 = tpu.memref_slice %arg10[%dma_start3A_517, %dma_start3A_518] : memref<10240x128xf32, #tpu.memory_space<vmem_shared>> -> memref<10240x128xf32, #tpu.memory_space<vmem_shared>>
        tpu.enqueue_indirect_dma source(%arg8 : memref<128x128xf32, #tpu.memory_space<vmem>>) target(%dma_start3A_519 : memref<10240x128xf32, #tpu.memory_space<vmem_shared>>) offsets(%dma_start3A_516 : memref<128xi32, #tpu.memory_space<vmem>>) semaphore(%run_scoped3A_513 : memref<!tpu.dma_semaphore, #tpu.memory_space<semaphore_mem>>) {add = true}
        %dma_wait3A_520 = arith.constant 0 : i32
        %dma_wait3A_521 = tpu.memref_slice %arg7[%run_scoped3A_488, %dma_wait3A_520] : memref<16x128xi32, #tpu.memory_space<vmem>> -> memref<1x128xi32, #tpu.memory_space<vmem>>
        %dma_wait3A_522 = tpu.memref_squeeze %dma_wait3A_521 : memref<1x128xi32, #tpu.memory_space<vmem>> -> memref<128xi32, #tpu.memory_space<vmem>>
        %dma_wait3A_523 = arith.constant 0 : i32
        %dma_wait3A_524 = arith.constant 0 : i32
        %dma_wait3A_525 = tpu.memref_slice %arg10[%dma_wait3A_523, %dma_wait3A_524] : memref<10240x128xf32, #tpu.memory_space<vmem_shared>> -> memref<10240x128xf32, #tpu.memory_space<vmem_shared>>
        tpu.wait_indirect_dma semaphore(%run_scoped3A_513 : memref<!tpu.dma_semaphore, #tpu.memory_space<semaphore_mem>>) src(%arg8 : memref<128x128xf32, #tpu.memory_space<vmem>>) dst(%dma_wait3A_525 : memref<10240x128xf32, #tpu.memory_space<vmem_shared>>)
        tpu.yield
      }) : () -> ()
      %dma_start3A_489 = arith.constant 15 : i32
      %dma_start3A_490 = arith.constant 0 : i32
      %dma_start3A_491 = tpu.memref_slice %arg6[%dma_start3A_489, %dma_start3A_490] : memref<16x128xi32, #tpu.memory_space<vmem>> -> memref<1x128xi32, #tpu.memory_space<vmem>>
      %dma_start3A_492 = tpu.memref_squeeze %dma_start3A_491 : memref<1x128xi32, #tpu.memory_space<vmem>> -> memref<128xi32, #tpu.memory_space<vmem>>
      %dma_start3A_493 = arith.constant 0 : i32
      %dma_start3A_494 = arith.constant 0 : i32
      %dma_start3A_495 = tpu.memref_slice %arg2[%dma_start3A_493, %dma_start3A_494] : memref<10000x128xf32, #tpu.memory_space<hbm>> -> memref<10000x128xf32, #tpu.memory_space<hbm>>
      tpu.enqueue_indirect_dma source(%dma_start3A_495 : memref<10000x128xf32, #tpu.memory_space<hbm>>) target(%arg8 : memref<128x128xf32, #tpu.memory_space<vmem>>) offsets(%dma_start3A_492 : memref<128xi32, #tpu.memory_space<vmem>>) semaphore(%arg11 : memref<!tpu.dma_semaphore, #tpu.memory_space<semaphore_mem>>)
      %dma_wait3A_496 = arith.constant 14 : i32
      %dma_wait3A_497 = arith.constant 0 : i32
      %dma_wait3A_498 = tpu.memref_slice %arg6[%dma_wait3A_496, %dma_wait3A_497] : memref<16x128xi32, #tpu.memory_space<vmem>> -> memref<1x128xi32, #tpu.memory_space<vmem>>
      %dma_wait3A_499 = tpu.memref_squeeze %dma_wait3A_498 : memref<1x128xi32, #tpu.memory_space<vmem>> -> memref<128xi32, #tpu.memory_space<vmem>>
      %dma_wait3A_500 = arith.constant 0 : i32
      %dma_wait3A_501 = arith.constant 0 : i32
      %dma_wait3A_502 = tpu.memref_slice %arg2[%dma_wait3A_500, %dma_wait3A_501] : memref<10000x128xf32, #tpu.memory_space<hbm>> -> memref<10000x128xf32, #tpu.memory_space<hbm>>
      tpu.wait_indirect_dma semaphore(%arg12 : memref<!tpu.dma_semaphore, #tpu.memory_space<semaphore_mem>>) src(%dma_wait3A_502 : memref<10000x128xf32, #tpu.memory_space<hbm>>) dst(%arg9 : memref<128x128xf32, #tpu.memory_space<vmem>>)
      %run_scoped3A_503 = arith.constant 14 : i32
      "tpu.region"() ({
        %run_scoped3A_513 = tpu.sem_alloc : memref<!tpu.dma_semaphore, #tpu.memory_space<semaphore_mem>>
        %dma_start3A_514 = arith.constant 0 : i32
        %dma_start3A_515 = tpu.memref_slice %arg7[%run_scoped3A_503, %dma_start3A_514] : memref<16x128xi32, #tpu.memory_space<vmem>> -> memref<1x128xi32, #tpu.memory_space<vmem>>
        %dma_start3A_516 = tpu.memref_squeeze %dma_start3A_515 : memref<1x128xi32, #tpu.memory_space<vmem>> -> memref<128xi32, #tpu.memory_space<vmem>>
        %dma_start3A_517 = arith.constant 0 : i32
        %dma_start3A_518 = arith.constant 0 : i32
        %dma_start3A_519 = tpu.memref_slice %arg10[%dma_start3A_517, %dma_start3A_518] : memref<10240x128xf32, #tpu.memory_space<vmem_shared>> -> memref<10240x128xf32, #tpu.memory_space<vmem_shared>>
        tpu.enqueue_indirect_dma source(%arg9 : memref<128x128xf32, #tpu.memory_space<vmem>>) target(%dma_start3A_519 : memref<10240x128xf32, #tpu.memory_space<vmem_shared>>) offsets(%dma_start3A_516 : memref<128xi32, #tpu.memory_space<vmem>>) semaphore(%run_scoped3A_513 : memref<!tpu.dma_semaphore, #tpu.memory_space<semaphore_mem>>) {add = true}
        %dma_wait3A_520 = arith.constant 0 : i32
        %dma_wait3A_521 = tpu.memref_slice %arg7[%run_scoped3A_503, %dma_wait3A_520] : memref<16x128xi32, #tpu.memory_space<vmem>> -> memref<1x128xi32, #tpu.memory_space<vmem>>
        %dma_wait3A_522 = tpu.memref_squeeze %dma_wait3A_521 : memref<1x128xi32, #tpu.memory_space<vmem>> -> memref<128xi32, #tpu.memory_space<vmem>>
        %dma_wait3A_523 = arith.constant 0 : i32
        %dma_wait3A_524 = arith.constant 0 : i32
        %dma_wait3A_525 = tpu.memref_slice %arg10[%dma_wait3A_523, %dma_wait3A_524] : memref<10240x128xf32, #tpu.memory_space<vmem_shared>> -> memref<10240x128xf32, #tpu.memory_space<vmem_shared>>
        tpu.wait_indirect_dma semaphore(%run_scoped3A_513 : memref<!tpu.dma_semaphore, #tpu.memory_space<semaphore_mem>>) src(%arg9 : memref<128x128xf32, #tpu.memory_space<vmem>>) dst(%dma_wait3A_525 : memref<10240x128xf32, #tpu.memory_space<vmem_shared>>)
        tpu.yield
      }) : () -> ()
      %dma_wait3A_504 = arith.constant 15 : i32
      %dma_wait3A_505 = arith.constant 0 : i32
      %dma_wait3A_506 = tpu.memref_slice %arg6[%dma_wait3A_504, %dma_wait3A_505] : memref<16x128xi32, #tpu.memory_space<vmem>> -> memref<1x128xi32, #tpu.memory_space<vmem>>
      %dma_wait3A_507 = tpu.memref_squeeze %dma_wait3A_506 : memref<1x128xi32, #tpu.memory_space<vmem>> -> memref<128xi32, #tpu.memory_space<vmem>>
      %dma_wait3A_508 = arith.constant 0 : i32
      %dma_wait3A_509 = arith.constant 0 : i32
      %dma_wait3A_510 = tpu.memref_slice %arg2[%dma_wait3A_508, %dma_wait3A_509] : memref<10000x128xf32, #tpu.memory_space<hbm>> -> memref<10000x128xf32, #tpu.memory_space<hbm>>
      tpu.wait_indirect_dma semaphore(%arg11 : memref<!tpu.dma_semaphore, #tpu.memory_space<semaphore_mem>>) src(%dma_wait3A_510 : memref<10000x128xf32, #tpu.memory_space<hbm>>) dst(%arg8 : memref<128x128xf32, #tpu.memory_space<vmem>>)
      %run_scoped3A_511 = arith.constant 15 : i32
      "tpu.region"() ({
        %run_scoped3A_513 = tpu.sem_alloc : memref<!tpu.dma_semaphore, #tpu.memory_space<semaphore_mem>>
        %dma_start3A_514 = arith.constant 0 : i32
        %dma_start3A_515 = tpu.memref_slice %arg7[%run_scoped3A_511, %dma_start3A_514] : memref<16x128xi32, #tpu.memory_space<vmem>> -> memref<1x128xi32, #tpu.memory_space<vmem>>
        %dma_start3A_516 = tpu.memref_squeeze %dma_start3A_515 : memref<1x128xi32, #tpu.memory_space<vmem>> -> memref<128xi32, #tpu.memory_space<vmem>>
        %dma_start3A_517 = arith.constant 0 : i32
        %dma_start3A_518 = arith.constant 0 : i32
        %dma_start3A_519 = tpu.memref_slice %arg10[%dma_start3A_517, %dma_start3A_518] : memref<10240x128xf32, #tpu.memory_space<vmem_shared>> -> memref<10240x128xf32, #tpu.memory_space<vmem_shared>>
        tpu.enqueue_indirect_dma source(%arg8 : memref<128x128xf32, #tpu.memory_space<vmem>>) target(%dma_start3A_519 : memref<10240x128xf32, #tpu.memory_space<vmem_shared>>) offsets(%dma_start3A_516 : memref<128xi32, #tpu.memory_space<vmem>>) semaphore(%run_scoped3A_513 : memref<!tpu.dma_semaphore, #tpu.memory_space<semaphore_mem>>) {add = true}
        %dma_wait3A_520 = arith.constant 0 : i32
        %dma_wait3A_521 = tpu.memref_slice %arg7[%run_scoped3A_511, %dma_wait3A_520] : memref<16x128xi32, #tpu.memory_space<vmem>> -> memref<1x128xi32, #tpu.memory_space<vmem>>
        %dma_wait3A_522 = tpu.memref_squeeze %dma_wait3A_521 : memref<1x128xi32, #tpu.memory_space<vmem>> -> memref<128xi32, #tpu.memory_space<vmem>>
        %dma_wait3A_523 = arith.constant 0 : i32
        %dma_wait3A_524 = arith.constant 0 : i32
        %dma_wait3A_525 = tpu.memref_slice %arg10[%dma_wait3A_523, %dma_wait3A_524] : memref<10240x128xf32, #tpu.memory_space<vmem_shared>> -> memref<10240x128xf32, #tpu.memory_space<vmem_shared>>
        tpu.wait_indirect_dma semaphore(%run_scoped3A_513 : memref<!tpu.dma_semaphore, #tpu.memory_space<semaphore_mem>>) src(%arg8 : memref<128x128xf32, #tpu.memory_space<vmem>>) dst(%dma_wait3A_525 : memref<10240x128xf32, #tpu.memory_space<vmem_shared>>)
        tpu.yield
      }) : () -> ()
      %scan3A_512 = arith.constant 0 : i32
      scf.yield %scan3A_512 : i32
    }
    %scan3A_260 = arith.constant 4 : i32
    %barrier3A_261 = arith.constant 0 : index
    tpu.barrier barrier_id(%barrier3A_261)
    %mul3A_262 = arith.constant 640 : i32
    %mul3A_263 = arith.muli %arg1, %mul3A_262 : i32
    %mul3A_264 = arith.constant 640 : i32
    %mul3A_265 = arith.muli %arg1, %mul3A_264 : i32
    "tpu.region"() ({
      %run_scoped3A_266 = tpu.sem_alloc : memref<!tpu.dma_semaphore, #tpu.memory_space<semaphore_mem>>
      %dma_start3A_267 = arith.constant 0 : i32
      %dma_start3A_268 = tpu.memref_slice %arg5[%arg0, %mul3A_265, %dma_start3A_267] : memref<2x10240x128xf32, #tpu.memory_space<hbm>> -> memref<1x640x128xf32, #tpu.memory_space<hbm>>
      %dma_start3A_269 = tpu.memref_squeeze %dma_start3A_268 : memref<1x640x128xf32, #tpu.memory_space<hbm>> -> memref<640x128xf32, #tpu.memory_space<hbm>>
      %dma_start3A_270 = arith.constant 0 : i32
      %dma_start3A_271 = tpu.memref_slice %arg10[%mul3A_263, %dma_start3A_270] : memref<10240x128xf32, #tpu.memory_space<vmem_shared>> -> memref<640x128xf32, #tpu.memory_space<vmem_shared>>
      tpu.enqueue_dma source(%dma_start3A_271 : memref<640x128xf32, #tpu.memory_space<vmem_shared>>) target(%dma_start3A_269 : memref<640x128xf32, #tpu.memory_space<hbm>>) target_semaphore(%run_scoped3A_266 : memref<!tpu.dma_semaphore, #tpu.memory_space<semaphore_mem>>)
      %dma_wait3A_272 = arith.constant 0 : i32
      %dma_wait3A_273 = tpu.memref_slice %arg5[%arg0, %mul3A_265, %dma_wait3A_272] : memref<2x10240x128xf32, #tpu.memory_space<hbm>> -> memref<1x640x128xf32, #tpu.memory_space<hbm>>
      %dma_wait3A_274 = tpu.memref_squeeze %dma_wait3A_273 : memref<1x640x128xf32, #tpu.memory_space<hbm>> -> memref<640x128xf32, #tpu.memory_space<hbm>>
      %dma_wait3A_275 = arith.constant 0 : i32
      %dma_wait3A_276 = tpu.memref_slice %arg10[%mul3A_263, %dma_wait3A_275] : memref<10240x128xf32, #tpu.memory_space<vmem_shared>> -> memref<640x128xf32, #tpu.memory_space<vmem_shared>>
      tpu.wait_dma2 semaphore(%run_scoped3A_266 : memref<!tpu.dma_semaphore, #tpu.memory_space<semaphore_mem>>) src(%dma_wait3A_276 : memref<640x128xf32, #tpu.memory_space<vmem_shared>>) dst(%dma_wait3A_274 : memref<640x128xf32, #tpu.memory_space<hbm>>)
      tpu.yield
    }) : () -> ()
    return
  }
}

module attributes {stable_mosaic.version = 14 : i64} {
  func.func @_prescale_body(%arg0: i32, %arg1: memref<1000x128xf32, #tpu.memory_space<vmem>>, %arg2: memref<128x128xf32, #tpu.memory_space<vmem>>, %arg3: memref<1000x1xf32, #tpu.memory_space<vmem>>, %arg4: memref<1000x1xf32, #tpu.memory_space<vmem>>, %arg5: memref<1000x128xf32, #tpu.memory_space<vmem>>, %arg6: memref<1000x1xf32, #tpu.memory_space<vmem>>) attributes {dimension_semantics = [#tpu.dimension_semantics<arbitrary>], iteration_bounds = array<i64: 10>, scalar_prefetch = 0 : i64, scratch_operands = 0 : i64, tpu.core_type = #tpu.core_type<tc>, window_params = [{transform_indices = @transform_0, window_bounds = array<i64: 1000, 128>}, {pipeline_mode = #tpu.pipeline_mode<synchronous>, transform_indices = @transform_1, window_bounds = array<i64: 128, 128>}, {transform_indices = @transform_2, window_bounds = array<i64: 1000, 1>}, {transform_indices = @transform_3, window_bounds = array<i64: 1000, 1>}, {transform_indices = @transform_4, window_bounds = array<i64: 1000, 128>}, {transform_indices = @transform_5, window_bounds = array<i64: 1000, 1>}]} {
    %get3A = arith.constant 0 : index
    %get3A_0 = arith.constant 0 : index
    %get3A_1 = vector.load %arg3[%get3A, %get3A_0] : memref<1000x1xf32, #tpu.memory_space<vmem>>, vector<1000x1xf32>
    %get3A_2 = arith.constant 0 : index
    %get3A_3 = arith.constant 0 : index
    %get3A_4 = vector.load %arg4[%get3A_2, %get3A_3] : memref<1000x1xf32, #tpu.memory_space<vmem>>, vector<1000x1xf32>
    %add3A = arith.addf %get3A_1, %get3A_4 : vector<1000x1xf32>
    %add3A_5 = arith.constant 1.000000e+00 : f32
    %add3A_6 = vector.broadcast %add3A_5 : f32 to vector<1000x1xf32>
    %add3A_7 = arith.addf %add3A, %add3A_6 : vector<1000x1xf32>
    %rsqrt3A = math.rsqrt %add3A_7 : vector<1000x1xf32>
    %get3A_8 = arith.constant 0 : index
    %get3A_9 = arith.constant 0 : index
    %get3A_10 = vector.load %arg1[%get3A_8, %get3A_9] : memref<1000x128xf32, #tpu.memory_space<vmem>>, vector<1000x128xf32>
    %get3A_11 = arith.constant 0 : index
    %get3A_12 = arith.constant 0 : index
    %get3A_13 = vector.load %arg2[%get3A_11, %get3A_12] : memref<128x128xf32, #tpu.memory_space<vmem>>, vector<128x128xf32>
    %dot_general3A = arith.constant dense<0.000000e+00> : vector<1000x128xf32>
    %dot_general3A_14 = tpu.matmul %get3A_10, %get3A_13, %dot_general3A {dimension_numbers = #tpu.dot_dimension_numbers<[1], [0], [0], [1], [0, 0, 1, 1], [], []>, transpose_lhs_hint = false} : vector<1000x128xf32>, vector<128x128xf32>, vector<1000x128xf32> -> vector<1000x128xf32>
    %mul3A = vector.broadcast %rsqrt3A : vector<1000x1xf32> to vector<1000x128xf32>
    %mul3A_15 = arith.mulf %mul3A, %dot_general3A_14 : vector<1000x128xf32>
    %swap3A = arith.constant 0 : index
    %swap3A_16 = arith.constant 0 : index
    %swap3A_17 = vector.load %arg5[%swap3A, %swap3A_16] : memref<1000x128xf32, #tpu.memory_space<vmem>>, vector<1000x128xf32>
    tpu.vector_store %arg5[%swap3A, %swap3A_16], %mul3A_15 {strides = array<i32>} : memref<1000x128xf32, #tpu.memory_space<vmem>>, vector<1000x128xf32>,
    %swap3A_18 = arith.constant 0 : index
    %swap3A_19 = arith.constant 0 : index
    %swap3A_20 = vector.load %arg6[%swap3A_18, %swap3A_19] : memref<1000x1xf32, #tpu.memory_space<vmem>>, vector<1000x1xf32>
    tpu.vector_store %arg6[%swap3A_18, %swap3A_19], %rsqrt3A {strides = array<i32>} : memref<1000x1xf32, #tpu.memory_space<vmem>>, vector<1000x1xf32>,
    return
  }
  func.func @transform_0(%arg0: i32) -> (i32, i32) {
    %c0_i32 = arith.constant 0 : i32
    %c0_i32_0 = arith.constant 0 : i32
    return %arg0, %c0_i32 : i32, i32
  }
  func.func @transform_1(%arg0: i32) -> (i32, i32) {
    %c0_i32 = arith.constant 0 : i32
    %c0_i32_0 = arith.constant 0 : i32
    %c0_i32_1 = arith.constant 0 : i32
    return %c0_i32, %c0_i32_0 : i32, i32
  }
  func.func @transform_2(%arg0: i32) -> (i32, i32) {
    %c0_i32 = arith.constant 0 : i32
    %c0_i32_0 = arith.constant 0 : i32
    return %arg0, %c0_i32 : i32, i32
  }
  func.func @transform_3(%arg0: i32) -> (i32, i32) {
    %c0_i32 = arith.constant 0 : i32
    %c0_i32_0 = arith.constant 0 : i32
    return %arg0, %c0_i32 : i32, i32
  }
  func.func @transform_4(%arg0: i32) -> (i32, i32) {
    %c0_i32 = arith.constant 0 : i32
    %c0_i32_0 = arith.constant 0 : i32
    return %arg0, %c0_i32 : i32, i32
  }
  func.func @transform_5(%arg0: i32) -> (i32, i32) {
    %c0_i32 = arith.constant 0 : i32
    %c0_i32_0 = arith.constant 0 : i32
    return %arg0, %c0_i32 : i32, i32
  }
}

module attributes {stable_mosaic.version = 14 : i64} {
  func.func @_layer_body(%arg0: i32, %arg1: memref<2x1000x128xf32, #tpu.memory_space<vmem>>, %arg2: memref<1000x128xf32, #tpu.memory_space<vmem>>, %arg3: memref<1000x1xf32, #tpu.memory_space<vmem>>, %arg4: memref<1x128xf32, #tpu.memory_space<vmem>>, %arg5: memref<128x128xf32, #tpu.memory_space<vmem>>, %arg6: memref<1000x128xf32, #tpu.memory_space<vmem>>) attributes {dimension_semantics = [#tpu.dimension_semantics<arbitrary>], iteration_bounds = array<i64: 10>, scalar_prefetch = 0 : i64, scratch_operands = 0 : i64, tpu.core_type = #tpu.core_type<tc>, window_params = [{transform_indices = @transform_0, window_bounds = array<i64: 2, 1000, 128>}, {transform_indices = @transform_1, window_bounds = array<i64: 1000, 128>}, {transform_indices = @transform_2, window_bounds = array<i64: 1000, 1>}, {pipeline_mode = #tpu.pipeline_mode<synchronous>, transform_indices = @transform_3, window_bounds = array<i64: 1, 128>}, {pipeline_mode = #tpu.pipeline_mode<synchronous>, transform_indices = @transform_4, window_bounds = array<i64: 128, 128>}, {transform_indices = @transform_5, window_bounds = array<i64: 1000, 128>}]} {
    %get3A = arith.constant 0 : index
    %get3A_0 = arith.constant 0 : index
    %get3A_1 = arith.constant 0 : index
    %get3A_2 = vector.load %arg1[%get3A, %get3A_0, %get3A_1] : memref<2x1000x128xf32, #tpu.memory_space<vmem>>, vector<1x1000x128xf32>
    %get3A_3 = vector.shape_cast %get3A_2 : vector<1x1000x128xf32> to vector<1000x128xf32>
    %get3A_4 = arith.constant 1 : index
    %get3A_5 = arith.constant 0 : index
    %get3A_6 = arith.constant 0 : index
    %get3A_7 = vector.load %arg1[%get3A_4, %get3A_5, %get3A_6] : memref<2x1000x128xf32, #tpu.memory_space<vmem>>, vector<1x1000x128xf32>
    %get3A_8 = vector.shape_cast %get3A_7 : vector<1x1000x128xf32> to vector<1000x128xf32>
    %add3A = arith.addf %get3A_3, %get3A_8 : vector<1000x128xf32>
    %get3A_9 = arith.constant 0 : index
    %get3A_10 = arith.constant 0 : index
    %get3A_11 = vector.load %arg2[%get3A_9, %get3A_10] : memref<1000x128xf32, #tpu.memory_space<vmem>>, vector<1000x128xf32>
    %add3A_12 = arith.addf %add3A, %get3A_11 : vector<1000x128xf32>
    %get3A_13 = arith.constant 0 : index
    %get3A_14 = arith.constant 0 : index
    %get3A_15 = vector.load %arg3[%get3A_13, %get3A_14] : memref<1000x1xf32, #tpu.memory_space<vmem>>, vector<1000x1xf32>
    %mul3A = vector.broadcast %get3A_15 : vector<1000x1xf32> to vector<1000x128xf32>
    %mul3A_16 = arith.mulf %mul3A, %add3A_12 : vector<1000x128xf32>
    %get3A_17 = arith.constant 0 : index
    %get3A_18 = arith.constant 0 : index
    %get3A_19 = vector.load %arg4[%get3A_17, %get3A_18] : memref<1x128xf32, #tpu.memory_space<vmem>>, vector<1x128xf32>
    %add3A_20 = vector.broadcast %get3A_19 : vector<1x128xf32> to vector<1000x128xf32>
    %add3A_21 = arith.addf %mul3A_16, %add3A_20 : vector<1000x128xf32>
    %max3A = arith.constant 0.000000e+00 : f32
    %max3A_22 = vector.broadcast %max3A : f32 to vector<1000x128xf32>
    %max3A_23 = arith.maximumf %add3A_21, %max3A_22 : vector<1000x128xf32>
    %get3A_24 = arith.constant 0 : index
    %get3A_25 = arith.constant 0 : index
    %get3A_26 = vector.load %arg3[%get3A_24, %get3A_25] : memref<1000x1xf32, #tpu.memory_space<vmem>>, vector<1000x1xf32>
    %get3A_27 = arith.constant 0 : index
    %get3A_28 = arith.constant 0 : index
    %get3A_29 = vector.load %arg5[%get3A_27, %get3A_28] : memref<128x128xf32, #tpu.memory_space<vmem>>, vector<128x128xf32>
    %dot_general3A = arith.constant dense<0.000000e+00> : vector<1000x128xf32>
    %dot_general3A_30 = tpu.matmul %max3A_23, %get3A_29, %dot_general3A {dimension_numbers = #tpu.dot_dimension_numbers<[1], [0], [0], [1], [0, 0, 1, 1], [], []>, transpose_lhs_hint = false} : vector<1000x128xf32>, vector<128x128xf32>, vector<1000x128xf32> -> vector<1000x128xf32>
    %mul3A_31 = vector.broadcast %get3A_26 : vector<1000x1xf32> to vector<1000x128xf32>
    %mul3A_32 = arith.mulf %mul3A_31, %dot_general3A_30 : vector<1000x128xf32>
    %swap3A = arith.constant 0 : index
    %swap3A_33 = arith.constant 0 : index
    %swap3A_34 = vector.load %arg6[%swap3A, %swap3A_33] : memref<1000x128xf32, #tpu.memory_space<vmem>>, vector<1000x128xf32>
    tpu.vector_store %arg6[%swap3A, %swap3A_33], %mul3A_32 {strides = array<i32>} : memref<1000x128xf32, #tpu.memory_space<vmem>>, vector<1000x128xf32>,
    return
  }
  func.func @transform_0(%arg0: i32) -> (i32, i32, i32) {
    %c0_i32 = arith.constant 0 : i32
    %c0_i32_0 = arith.constant 0 : i32
    %c0_i32_1 = arith.constant 0 : i32
    return %c0_i32, %arg0, %c0_i32_0 : i32, i32, i32
  }
  func.func @transform_1(%arg0: i32) -> (i32, i32) {
    %c0_i32 = arith.constant 0 : i32
    %c0_i32_0 = arith.constant 0 : i32
    return %arg0, %c0_i32 : i32, i32
  }
  func.func @transform_2(%arg0: i32) -> (i32, i32) {
    %c0_i32 = arith.constant 0 : i32
    %c0_i32_0 = arith.constant 0 : i32
    return %arg0, %c0_i32 : i32, i32
  }
  func.func @transform_3(%arg0: i32) -> (i32, i32) {
    %c0_i32 = arith.constant 0 : i32
    %c0_i32_0 = arith.constant 0 : i32
    %c0_i32_1 = arith.constant 0 : i32
    return %c0_i32, %c0_i32_0 : i32, i32
  }
  func.func @transform_4(%arg0: i32) -> (i32, i32) {
    %c0_i32 = arith.constant 0 : i32
    %c0_i32_0 = arith.constant 0 : i32
    %c0_i32_1 = arith.constant 0 : i32
    return %c0_i32, %c0_i32_0 : i32, i32
  }
  func.func @transform_5(%arg0: i32) -> (i32, i32) {
    %c0_i32 = arith.constant 0 : i32
    %c0_i32_0 = arith.constant 0 : i32
    return %arg0, %c0_i32 : i32, i32
  }
}

module attributes {stable_mosaic.version = 14 : i64} {
  func.func @_final_body(%arg0: i32, %arg1: memref<2x1000x128xf32, #tpu.memory_space<vmem>>, %arg2: memref<1000x128xf32, #tpu.memory_space<vmem>>, %arg3: memref<1000x1xf32, #tpu.memory_space<vmem>>, %arg4: memref<1x128xf32, #tpu.memory_space<vmem>>, %arg5: memref<1000x128xf32, #tpu.memory_space<vmem>>) attributes {dimension_semantics = [#tpu.dimension_semantics<arbitrary>], iteration_bounds = array<i64: 10>, scalar_prefetch = 0 : i64, scratch_operands = 0 : i64, tpu.core_type = #tpu.core_type<tc>, window_params = [{transform_indices = @transform_0, window_bounds = array<i64: 2, 1000, 128>}, {transform_indices = @transform_1, window_bounds = array<i64: 1000, 128>}, {transform_indices = @transform_2, window_bounds = array<i64: 1000, 1>}, {pipeline_mode = #tpu.pipeline_mode<synchronous>, transform_indices = @transform_3, window_bounds = array<i64: 1, 128>}, {transform_indices = @transform_4, window_bounds = array<i64: 1000, 128>}]} {
    %get3A = arith.constant 0 : index
    %get3A_0 = arith.constant 0 : index
    %get3A_1 = vector.load %arg3[%get3A, %get3A_0] : memref<1000x1xf32, #tpu.memory_space<vmem>>, vector<1000x1xf32>
    %get3A_2 = arith.constant 0 : index
    %get3A_3 = arith.constant 0 : index
    %get3A_4 = arith.constant 0 : index
    %get3A_5 = vector.load %arg1[%get3A_2, %get3A_3, %get3A_4] : memref<2x1000x128xf32, #tpu.memory_space<vmem>>, vector<1x1000x128xf32>
    %get3A_6 = vector.shape_cast %get3A_5 : vector<1x1000x128xf32> to vector<1000x128xf32>
    %get3A_7 = arith.constant 1 : index
    %get3A_8 = arith.constant 0 : index
    %get3A_9 = arith.constant 0 : index
    %get3A_10 = vector.load %arg1[%get3A_7, %get3A_8, %get3A_9] : memref<2x1000x128xf32, #tpu.memory_space<vmem>>, vector<1x1000x128xf32>
    %get3A_11 = vector.shape_cast %get3A_10 : vector<1x1000x128xf32> to vector<1000x128xf32>
    %add3A = arith.addf %get3A_6, %get3A_11 : vector<1000x128xf32>
    %get3A_12 = arith.constant 0 : index
    %get3A_13 = arith.constant 0 : index
    %get3A_14 = vector.load %arg2[%get3A_12, %get3A_13] : memref<1000x128xf32, #tpu.memory_space<vmem>>, vector<1000x128xf32>
    %add3A_15 = arith.addf %add3A, %get3A_14 : vector<1000x128xf32>
    %mul3A = vector.broadcast %get3A_1 : vector<1000x1xf32> to vector<1000x128xf32>
    %mul3A_16 = arith.mulf %mul3A, %add3A_15 : vector<1000x128xf32>
    %get3A_17 = arith.constant 0 : index
    %get3A_18 = arith.constant 0 : index
    %get3A_19 = vector.load %arg4[%get3A_17, %get3A_18] : memref<1x128xf32, #tpu.memory_space<vmem>>, vector<1x128xf32>
    %add3A_20 = vector.broadcast %get3A_19 : vector<1x128xf32> to vector<1000x128xf32>
    %add3A_21 = arith.addf %mul3A_16, %add3A_20 : vector<1000x128xf32>
    %reduce_max3A = arith.constant dense<0xFF800000> : vector<1000xf32>
    %reduce_max3A_22 = vector.multi_reduction <maximumf>, %add3A_21, %reduce_max3A [1] : vector<1000x128xf32> to vector<1000xf32>
    %broadcast_in_dim3A = vector.shape_cast %reduce_max3A_22 : vector<1000xf32> to vector<1000x1xf32>
    %sub3A = vector.broadcast %broadcast_in_dim3A : vector<1000x1xf32> to vector<1000x128xf32>
    %sub3A_23 = arith.subf %add3A_21, %sub3A : vector<1000x128xf32>
    %exp3A = math.exp %sub3A_23 : vector<1000x128xf32>
    %reduce_sum3A = arith.constant dense<0.000000e+00> : vector<1000xf32>
    %reduce_sum3A_24 = vector.multi_reduction <add>, %exp3A, %reduce_sum3A [1] : vector<1000x128xf32> to vector<1000xf32>
    %broadcast_in_dim3A_25 = vector.shape_cast %reduce_sum3A_24 : vector<1000xf32> to vector<1000x1xf32>
    %log3A = math.log %broadcast_in_dim3A_25 : vector<1000x1xf32>
    %sub3A_26 = vector.broadcast %log3A : vector<1000x1xf32> to vector<1000x128xf32>
    %sub3A_27 = arith.subf %sub3A_23, %sub3A_26 : vector<1000x128xf32>
    %swap3A = arith.constant 0 : index
    %swap3A_28 = arith.constant 0 : index
    %swap3A_29 = vector.load %arg5[%swap3A, %swap3A_28] : memref<1000x128xf32, #tpu.memory_space<vmem>>, vector<1000x128xf32>
    tpu.vector_store %arg5[%swap3A, %swap3A_28], %sub3A_27 {strides = array<i32>} : memref<1000x128xf32, #tpu.memory_space<vmem>>, vector<1000x128xf32>,
    return
  }
  func.func @transform_0(%arg0: i32) -> (i32, i32, i32) {
    %c0_i32 = arith.constant 0 : i32
    %c0_i32_0 = arith.constant 0 : i32
    %c0_i32_1 = arith.constant 0 : i32
    return %c0_i32, %arg0, %c0_i32_0 : i32, i32, i32
  }
  func.func @transform_1(%arg0: i32) -> (i32, i32) {
    %c0_i32 = arith.constant 0 : i32
    %c0_i32_0 = arith.constant 0 : i32
    return %arg0, %c0_i32 : i32, i32
  }
  func.func @transform_2(%arg0: i32) -> (i32, i32) {
    %c0_i32 = arith.constant 0 : i32
    %c0_i32_0 = arith.constant 0 : i32
    return %arg0, %c0_i32 : i32, i32
  }
  func.func @transform_3(%arg0: i32) -> (i32, i32) {
    %c0_i32 = arith.constant 0 : i32
    %c0_i32_0 = arith.constant 0 : i32
    %c0_i32_1 = arith.constant 0 : i32
    return %c0_i32, %c0_i32_0 : i32, i32
  }
  func.func @transform_4(%arg0: i32) -> (i32, i32) {
    %c0_i32 = arith.constant 0 : i32
    %c0_i32_0 = arith.constant 0 : i32
    return %arg0, %c0_i32 : i32, i32
  }
}

</mosaic_0001>

<sc_bundles>
// kernel: kernel.11.cloned.1.call-start
scs
__scs_entry_jumppad:
0x0: {  	(pc) =	sbr.rel $0x88, $3  }
0x1: {  	(tag) =	ssettag $0x0;
	lr =	simm.s32 $0x1  }
0x2: {  	[smem:$0x3F9B] =	sst lr;
	_ =	strace $0xD0000000  }
0x3: {  	_ = 	snop  }
0x4: {  	_ = 	snop  }
0x5: {  	_ = 	snop  }
0x6: {  	_ = 	snop  }
0x7: {  	_ = 	snop  }
__scs_overlays_trampoline_lowered:
0x8: {  	[smem:$0x3FAA] =	sst s0  }
0x9: {  	[smem:$0x3FAB] =	sst s1  }
0xa: {  	[smem:$0x3FAC] =	sst s2  }
0xb: {  	[smem:$0x3FAD] =	sst s3  }
0xc: {  	[smem:$0x3FAE] =	sst s4  }
0xd: {  	[smem:$0x3FAF] =	sst s5  }
0xe: {  	[smem:$0x3FB0] =	sst s6  }
0xf: {  	[smem:$0x3FB1] =	sst s7  }
0x10: {  	[smem:$0x3FB2] =	sst s8  }
0x11: {  	[smem:$0x3FB3] =	sst s9;
	s0 =	simm.s32 @!p0 $0x0  }
0x12: {  	s1 =	sld [smem:$0x3F99];
	s0 =	simm.s32 @p0 $0x1  }
0x13: {  	[smem:$0x3FB4] =	sst s0;
	s0 =	simm.s32 @!p1 $0x0  }
0x14: {  	s2 =	sld [smem:$0x3F98];
	s0 =	simm.s32 @p1 $0x1  }
0x15: {  	[smem:$0x3FB5] =	sst s0;
	s0 =	simm.s32 @!p2 $0x0  }
0x16: {  	s3 =	sld [smem:$0x3FDB];
	s0 =	simm.s32 @p2 $0x1  }
0x17: {  	s4 =	simm.s32 $0x1BF5;
	[smem:$0x3FB7] =	sst s0  }
0x18: {  	s0 =	sld [smem:$0x3F9A];
	_ =	swait.ge [sflag:s4], $0x0  }
0x19: {  	s7 =	sld [smem:$0x3F9B]  }
0x1a: {  	s8 =	sadd.s32 $0xFFFFE003, lr  }
0x1b: {  	s9 =	sadd.s32 $0xFFFFFEF7, lr;
	s5 =	simm.s32 $0xFFFFFFFF;
	p2 =	slt.u32 s8, $0xFFFFF086  }
0x1c: {  	p1 =	slt.u32 s9, $0xF7A;
	s5 =	simm.s32 @!p2 $0x0  }
0x1d: {  	s5 =	simm.s32 @p1 $0x1;
	p0 =	seq.s32 s7, s2  }
0x1e: {  	s7 =	smul.u32 @!p0 $0xF7A, s2;
	p2 =	seq.s32 @!p0 s5, $0x0  }
0x1f: {  	s9 =	smul.u32 $0xF7A, s1;
	s8 =	simm.s32 @!p0 $0x1BF5;
	p2 =	por !p2, p0  }
0x20: {  	[sflag:s8] =	ssyncset.s32 @!p0 $0xFFFFF086;
	s6 =	sadd.s32 @!p0 s3, s7;
	s7 =	simm.s32 @!p0 $0x108  }
0x21: {  	s3 =	sadd.s32 s3, s9;
	s6 =	sadd.s32 @!p0 $0x88, s6;
	s7 =	simm.s32 @p2 $0x1082  }
0x22: {  	[simem:s7], [sflag:s8] =	dma.local @!p0 [hbm:s6], $0xF7A  }
0x23: {  	s9 =	sor.u32 $0xD0000000, s2;
	s6 =	simm.s32 $0x108;
	_ =	swait.ge @!p0 [sflag:s8], $0x0  }
0x24: {  	s3 =	sadd.s32 $0x88, s3;
	s6 =	simm.s32 @!p1 $0x1082;
	[sflag:s4] =	ssyncset.s32 $0xFFFFF086  }
0x25: {  	[simem:s6], [sflag:s4] =	dma.local [hbm:s3], $0xF7A  }
0x26: {  	[smem:$0x3F9B] =	sst s1;
	(tag) =	ssettag s2;
	_ =	strace s9  }
0x27: {  	s1 =	sld [smem:$0x3FAB]  }
0x28: {  	s2 =	sld [smem:$0x3FAC]  }
0x29: {  	s4 =	sld [smem:$0x3FAE]  }
0x2a: {  	p0 =	seq.s32 s5, $0x0;
	s5 =	sld [smem:$0x3FAF]  }
0x2b: {  	s6 =	sld [smem:$0x3FB0]  }
0x2c: {  	s7 =	sld [smem:$0x3FB1]  }
0x2d: {  	s3 =	simm.s32 $0x108;
	s8 =	sld [smem:$0x3FB2]  }
0x2e: {  	s3 =	simm.s32 @!p0 $0x1082;
	s9 =	sld [smem:$0x3FB3]  }
0x2f: {  	lr =	sadd.s32 s0, s3;
	s0 =	sld [smem:$0x3FAA]  }
0x30: {  	s3 =	sld [smem:$0x3FAD]  }
0x31: {  	[smem:$0x3FB6] =	sst s10  }
0x32: {  	s10 =	sld [smem:$0x3FB4];
	_ =	sdelay $0x3  }
0x33: {  	p0 =	seq.s32 s10, $0x1;
	s10 =	sld [smem:$0x3FB6];
	_ =	sdelay $0x3  }
0x34: {  	[smem:$0x3FB6] =	sst s10  }
0x35: {  	s10 =	sld [smem:$0x3FB5];
	_ =	sdelay $0x3  }
0x36: {  	p1 =	seq.s32 s10, $0x1;
	s10 =	sld [smem:$0x3FB6];
	_ =	sdelay $0x3  }
0x37: {  	[smem:$0x3FB6] =	sst s10  }
0x38: {  	s10 =	sld [smem:$0x3FB7]  }
0x39: {  	_ = 	snop;
	(pc) =	sbr.ind lr, $3  }
0x3a: {  	_ = 	snop  }
0x3b: {  	_ = 	snop  }
0x3c: {  	p2 =	seq.s32 s10, $0x1;
	s10 =	sld [smem:$0x3FB6]  }
0x3d: {  	_ =	shalt  }
0x3e: {  	_ =	shalt  }
0x3f: {  	_ =	shalt  }
0x40: {  	_ =	shalt  }
0x41: {  	_ =	shalt  }
0x42: {  	_ =	shalt  }
0x43: {  	_ =	shalt  }
0x44: {  	_ =	shalt  }
0x45: {  	_ =	shalt  }
0x46: {  	_ =	shalt  }
0x47: {  	_ =	shalt  }
0x48: {  	_ =	shalt  }
0x49: {  	_ =	shalt  }
0x4a: {  	_ =	shalt  }
0x4b: {  	_ =	shalt  }
0x4c: {  	_ =	shalt  }
0x4d: {  	_ =	shalt  }
0x4e: {  	_ =	shalt  }
0x4f: {  	_ =	shalt  }
0x50: {  	_ =	shalt  }
0x51: {  	_ =	shalt  }
0x52: {  	_ =	shalt  }
0x53: {  	_ =	shalt  }
0x54: {  	_ =	shalt  }
0x55: {  	_ =	shalt  }
0x56: {  	_ =	shalt  }
0x57: {  	_ =	shalt  }
0x58: {  	_ =	shalt  }
0x59: {  	_ =	shalt  }
0x5a: {  	_ =	shalt  }
0x5b: {  	_ =	shalt  }
0x5c: {  	_ =	shalt  }
0x5d: {  	_ =	shalt  }
0x5e: {  	_ =	shalt  }
0x5f: {  	_ =	shalt  }
0x60: {  	_ =	shalt  }
0x61: {  	_ =	shalt  }
0x62: {  	_ =	shalt  }
0x63: {  	_ =	shalt  }
0x64: {  	_ =	shalt  }
0x65: {  	_ =	shalt  }
0x66: {  	_ =	shalt  }
0x67: {  	_ =	shalt  }
0x68: {  	_ =	shalt  }
0x69: {  	_ =	shalt  }
0x6a: {  	_ =	shalt  }
0x6b: {  	_ =	shalt  }
0x6c: {  	_ =	shalt  }
0x6d: {  	_ =	shalt  }
0x6e: {  	_ =	shalt  }
0x6f: {  	_ =	shalt  }
0x70: {  	_ =	shalt  }
0x71: {  	_ =	shalt  }
0x72: {  	_ =	shalt  }
0x73: {  	_ =	shalt  }
0x74: {  	_ =	shalt  }
0x75: {  	_ =	shalt  }
0x76: {  	_ =	shalt  }
0x77: {  	_ =	shalt  }
0x78: {  	_ =	shalt  }
0x79: {  	_ =	shalt  }
0x7a: {  	_ =	shalt  }
0x7b: {  	_ =	shalt  }
0x7c: {  	_ =	shalt  }
0x7d: {  	_ =	shalt  }
0x7e: {  	_ =	shalt  }
0x7f: {  	_ =	shalt  }
0x80: {  	_ =	shalt  }
0x81: {  	_ =	shalt  }
0x82: {  	_ =	shalt  }
0x83: {  	_ =	shalt  }
0x84: {  	_ =	shalt  }
0x85: {  	_ =	shalt  }
0x86: {  	_ =	shalt  }
0x87: {  	_ =	shalt  }
.Lfunc_end0:
.L_simem_size_0:
called_computation.1_lowered:
.L_overlay_start_0:
0x88: {  	s2 =	sld [smem:$0x3FD9]  }
0x89: {  	s3 =	sld [smem:$0x3FFE];
	_ =	sdelay $0x1  }
0x8a: {  	s1 =	srdreg.scid  }
0x8b: {  	s0 =	sand.u32 $0x1, s1  }
0x8c: {  	s17 =	sshll.u32 s0, $0xA;
	s2 =	sadd.s32 s3, s2  }
0x8d: {  	s2 =	sadd.s32 s2, s17  }
0x8e: {  	[smem:$0x3FC2] =	sst s2  }
0x8f: {  	_ = 	snop  }
0x90: {  	s2 =	sld [smem:$0x3FD0];
	(tm) =	ssettm $0x1  }
0x91: {  	s18 =	sld [smem:$0x3FFB];
	_ =	sdelay $0x3  }
0x92: {  	_ =	strace s18  }
0x93: {  	s3 =	sld [smem:$0x3FFC];
	_ =	sdelay $0x3  }
0x94: {  	_ =	strace s3  }
0x95: {  	s3 =	sld [smem:$0x3FFD];
	_ =	sdelay $0x3  }
0x96: {  	_ =	strace s3  }
0x97: {  	_ =	strace $0x8FFFFFFF  }
0x98: {  	s19 =	sld [smem:$0x3FDB];
	_ =	sdelay $0x1  }
0x99: {  	s4 =	simm.s32 $_scs_section_size  }
0x9a: {  	s5 =	simm.s32 $_size__tile_overlayer_lowered;
	s6 =	simm.s32 $_tile_overlayer_lowered  }
0x9b: {  	s22 =	simm.s32 $0x1BFF;
	s21 =	sshll.u32 s6, $0x1;
	s3 =	sadd.s32 s4, s19  }
0x9c: {  	s7 =	simm.s32 $0x0;
	s20 =	sshll.u32 s5, $0x1;
	s5 =	sadd.s32 s21, s3  }
0x9d: {  	[timem:s7], [sflag:s22] =	dma.local [hbm:s5], s20  }
0x9e: {  	_ =	swait.ge [sflag:s22], s20  }
0x9f: {  	s4 =	ssub.s32 $0x0, s20;
	[sflag:s22] =	ssyncset.done $0x0  }
0xa0: {  	[sflag:s22] =	ssyncadd.s32 s4;
	_ =	sdelay $0x1  }
0xa1: {  	s23 =	simm.s32 $0x1B8B  }
0xa2: {  	_ =	swait.ge [sflag:s23], $0x1  }
0xa3: {  	[sflag:s23] =	ssyncset.done $0x0  }
0xa4: {  	s25 =	simm.s32 $0x1B8E;
	s24 =	sld [smem:$0x3FFE];
	[sflag:s23] =	ssyncadd.s32 $0xFFFFFFFF  }
0xa5: {  	s26 =	simm.s32 $execute0_lowered;
	[smem:$0x3FD2] =	sst s25  }
0xa6: {  	s5 =	sshll.u32 s26, $0x1;
	_ =	strace $0x80000049;
	[dreg:$0x1] =	wrdreg $0xFFFFFFFF  }
0xa7: {  	s28 =	simm.s32 $_size_execute0_lowered;
	s3 =	sadd.s32 s3, s5;
	[dreg:$0x0] =	wrdreg $0x0  }
0xa8: {  	s5 =	sshll.u32 s28, $0x1;
	[dreg:$0x2] =	wrdreg s3  }
0xa9: {  	[dreg:$0x3] =	wrdreg s5  }
0xaa: {  	[dreg:$0x4] =	wrdreg $0xC0  }
0xab: {  	_ =	task [dreg:s7], $0x5FFFF  }
0xac: {  	[dreg:$0x1] =	wrdreg $0xFFFFFFFF  }
0xad: {  	[dreg:$0x0] =	wrdreg $0x60  }
0xae: {  	[dreg:$0x2] =	wrdreg s2  }
0xaf: {  	[dreg:$0x3] =	wrdreg s24  }
0xb0: {  	[dreg:$0x4] =	wrdreg $0x90000  }
0xb1: {  	[dreg:$0x5] =	wrdreg $0x9  }
0xb2: {  	_ =	task.clear_ibuf [dreg:s7], $0x6FFFF;
	_ =	strace $0x90000049  }
0xb3: {  	s29 =	simm.s32 $0x9;
	_ =	strace $0x8000004B  }
0xb4: {  	_ =	swait.ge [sflag:s29], $0x1  }
0xb5: {  	[sflag:s29] =	ssyncadd.s32 $0xFFFFFFFF  }
0xb6: {  	_ =	strace $0x9000004B  }
0xb7: {  	_ =	sfence  }
0xb8: {  	s30 =	sld [smem:$0x0];
	_ =	sdelay $0x2  }
0xb9: {  	s31 =	sshll.u32 s1, $0xD;
	s1 =	sshrl.u32 s1, $0x2  }
0xba: {  	s3 =	sand.u32 $0x4000, s31;
	s1 =	sadd.s32 s1, s30  }
0xbb: {  	s0 =	sor.u32 s3, s0;
	s1 =	sshll.u32 s1, $0x11  }
0xbc: {  	s0 =	sor.u32 s1, s0  }
0xbd: {  	s0 =	sadd.s32 $0x8F2B, s0  }
0xbe: {  	[sflag:s0] =	ssyncadd.remote.s32 $0x1  }
0xbf: {  	_ =	sfence.sel $0xFFFF  }
0xc0: {  	[dreg:$0x0] =	wrdreg $0xFFFFFFFF;
	(pc) =	sbr.abs _section_cstart, $3  }
0xc1: {  	[dreg:$0x1] =	wrdreg $0xFFFFFFFF  }
0xc2: {  	_ =	task.clear_ibuf [dreg:s7], $0x2FFFF;
	_ =	strace $0x9FFFFFFF  }
0xc3: {  	(tm) =	ssettm $0x7FFFFFFF  }
tec
execute0_lowered:
.L_overlay_start_1:
0x0: {  	(tag) =	ssettag $0x1  }
0x1: {  	s1 =	rddreg [dreg:$0x0]  }
0x2: {  	s0 =	rddreg [dreg:$0x1]  }
0x3: {  	s2 =	rddreg [dreg:$0x2];
	s4 =	simm.s32 $0x0;
	s12 =	stileid.u32  }
0x4: {  	s3 =	srdreg.scid;
	s16 =	simm.s32 $0x3;
	s8 =	smul.u32 $0x14000, s12  }
0x5: {  	s23 =	simm.s32 $0x1;
	s28 =	simm.s32 $0xB80;
	s11 =	smul.u32 $0x50000, s12  }
0x6: {  	[smem:$0x7FF] =	sst s4;
	s3 =	sand.u32 $0x1, s3;
	s21 =	smul.u32 $0x2800, s12  }
0x7: {  	s5 =	sadd.s32 $0xCC00, s0;
	s6 =	sadd.s32 $0x2C00, s0;
	s7 =	smul.u32 $0x140000, s3  }
0x8: {  	_ =	strace $0x8000004A;
	s9 =	sshll.u32 s3, $0x4;
	s17 =	ssub.s32 $0x2, s3  }
0x9: {  	s3 =	smul.u32 $0x28000, s3;
	s10 =	sshrl.u32 s17, $0x1;
	s20 =	sshrl.u32 s11, $0x2  }
0xa: {  	s9 =	sor.u32 s12, s9;
	s18 =	ssub.s32 s17, s10;
	s22 =	sadd.s32 s20, s2  }
0xb: {  	s7 =	sadd.s32 s8, s7;
	s24 =	smax.u32 s18, $0x1;
	[dreg:$0x7] =	wrdreg s22  }
0xc: {  	s9 =	smul.u32 $0x500, s9;
	s25 =	sadd.s32 $0x4000, s22;
	[dreg:$0x9] =	wrdreg s24  }
0xd: {  	s26 =	sadd.s32 s21, s3;
	s29 =	sadd.s32 $0x8000, s22;
	[dreg:$0xa] =	wrdreg s25  }
0xe: {  	s17 =	simm.s32 $0x800;
	s30 =	sadd.s32 $0xC000, s22;
	[dreg:$0xb] =	wrdreg s29  }
0xf: {  	s20 =	simm.s32 $0x1000;
	s31 =	sadd.s32 $0x10000, s22;
	[dreg:$0xc] =	wrdreg s30  }
0x10: {  	s7 =	sshrl.u32 s7, $0x3;
	s19 =	sadd.s32 s5, s9;
	[dreg:$0xd] =	wrdreg s31  }
0x11: {  	s0 =	sadd.s32 s7, s0;
	s9 =	sadd.s32 s6, s9;
	[dreg:$0x5] =	wrdreg s19  }
0x12: {  	s21 =	simm.s32 $0x2;
	[dreg:$0x6] =	wrdreg s9;
	s0 =	sadd.s32 $0x16C00, s0  }
0x13: {  	s18 =	simm.s32 $0x80;
	[dreg:$0x8] =	wrdreg s0;
	s0 =	sadd.s32 $0x800, s26  }
0x14: {  	v0 =	vimm.f32 $0.0e+00;
	s19 =	simm.s32 $0x5000;
	[dreg:$0x4] =	wrdreg s0;
	s0 =	simm.s32 $0x0  }
.LBB2_1:
0x15: {  	[dreg:$0xe] =	wrdreg s0  }
0x16: {  	s7 =	rddreg [dreg:$0x5]  }
0x17: {  	[tilespmem:s4], [sflag:$0x3] =	stream.linear.gather [hbm4b:s7+s4], $0x800, $0x38;
	[tilespmem:$0x1D000] =	vst v63  }
0x18: {  	_ =	swait.ge [sflag:s16], $0x800  }
0x19: {  	[sflag:s16] =	ssyncset.done $0x0  }
0x1a: {  	s30 =	rddreg [dreg:$0x6];
	[sflag:s16] =	ssyncadd.s32 $0xFFFFF800  }
0x1b: {  	[tilespmem:s17], [sflag:$0x3] =	stream.linear.gather [hbm4b:s30+s4], $0x800, $0x38;
	[tilespmem:$0x1D000] =	vst v63  }
0x1c: {  	s31 =	sand.u32 $0xFE00, s4;
	s8 =	sand.u32 $0x70, s4;
	_ =	swait.ge [sflag:s16], $0x800  }
0x1d: {  	s10 =	sshrl.u32 s31, $0x2;
	s7 =	simm.s32 $0x40;
	[sflag:s16] =	ssyncset.done $0x0  }
0x1e: {  	s10 =	sor.u32 s8, s10;
	s8 =	simm.s32 $0x0;
	[sflag:s16] =	ssyncadd.s32 $0xFFFFF800  }
0x1f: {  	[tilespmem:s19], [sflag:$0x2] =	stream.indirect.gather [hbm4b:s1+s18], $0x80, s4, s18, $0xb8;
	[tilespmem:$0x1D000] =	vst v63  }
.LBB2_2:
0x20: {  	p0 =	sne.s32 s7, $0xFFC0  }
0x21: {  	[tilespmem:s10+$0x1000] =	vst v0;
	s8 =	sadd.s32 $0x10, s8;
	s10 =	smov.u32 s7;
	s7 =	sadd.s32 $0x40, s7  }
.Ltmp0:
0x22: {  	(pc) =	sbr.rel @p0 .LBB2_2-.Ltmp0, $4  }
0x23: {  	_ = 	snop  }
0x24: {  	s10 =	sand.u32 $0xFE00, s10  }
0x25: {  	s11 =	sand.u32 $0x70, s8;
	s10 =	sshrl.u32 s10, $0x2  }
0x26: {  	s10 =	sor.u32 s11, s10  }
0x27: {  	[tilespmem:s10+$0x1000] =	vst v0;
	s0 =	rddreg [dreg:$0x7]  }
0x28: {  	[spmem:s0] =	stream.linear.scatter [tilespmem:s20], [sflag:$0x3], $0x4000, $0x38;
	[tilespmem:$0x1D000] =	vst v63  }
0x29: {  	_ =	swait.ge [sflag:s16], $0x4000  }
0x2a: {  	[sflag:s16] =	ssyncset.done $0x0  }
0x2b: {  	s7 =	rddreg [dreg:$0xa];
	[sflag:s16] =	ssyncadd.s32 $0xFFFFC000  }
0x2c: {  	[spmem:s7] =	stream.linear.scatter [tilespmem:s20], [sflag:$0x3], $0x4000, $0x38;
	[tilespmem:$0x1D000] =	vst v63  }
0x2d: {  	_ =	swait.ge [sflag:s16], $0x4000  }
0x2e: {  	[sflag:s16] =	ssyncset.done $0x0  }
0x2f: {  	s26 =	rddreg [dreg:$0xb];
	[sflag:s16] =	ssyncadd.s32 $0xFFFFC000  }
0x30: {  	[spmem:s26] =	stream.linear.scatter [tilespmem:s20], [sflag:$0x3], $0x4000, $0x38;
	[tilespmem:$0x1D000] =	vst v63  }
0x31: {  	_ =	swait.ge [sflag:s16], $0x4000  }
0x32: {  	[sflag:s16] =	ssyncset.done $0x0  }
0x33: {  	s0 =	rddreg [dreg:$0xc];
	[sflag:s16] =	ssyncadd.s32 $0xFFFFC000  }
0x34: {  	[spmem:s0] =	stream.linear.scatter [tilespmem:s20], [sflag:$0x3], $0x4000, $0x38;
	[tilespmem:$0x1D000] =	vst v63  }
0x35: {  	_ =	swait.ge [sflag:s16], $0x4000  }
0x36: {  	[sflag:s16] =	ssyncset.done $0x0  }
0x37: {  	s3 =	rddreg [dreg:$0xd];
	[sflag:s16] =	ssyncadd.s32 $0xFFFFC000  }
0x38: {  	[spmem:s3] =	stream.linear.scatter [tilespmem:s20], [sflag:$0x3], $0x4000, $0x38;
	[tilespmem:$0x1D000] =	vst v63  }
0x39: {  	_ =	swait.ge [sflag:s16], $0x4000  }
0x3a: {  	[sflag:s16] =	ssyncset.done $0x0  }
0x3b: {  	[sflag:s16] =	ssyncadd.s32 $0xFFFFC000  }
0x3c: {  	[bflag:$0x0] =	sbarrier.arrive $0xFFFF  }
0x3d: {  	[tilespmem:s20], [sflag:$0x1] =	stream.indirect.gather [hbm4b:s1+s18], $0x80, s18, s18, $0xb8;
	[tilespmem:$0x1D000] =	vst v63  }
0x3e: {  	_ =	swait.ge [sflag:s21], $0x4000  }
0x3f: {  	[sflag:s21] =	ssyncset.done $0x0  }
0x40: {  	[sflag:s21] =	ssyncadd.s32 $0xFFFFC000  }
0x41: {  	[spmem:s2] =	stream.indirect.scatter.add.f32 [tilespmem:s19], [sflag:$0x3], $0x80, s17, s18, $0xb8;
	[tilespmem:$0x1D000] =	vst v63  }
0x42: {  	_ =	swait.ge [sflag:s16], $0x4000  }
0x43: {  	[sflag:s16] =	ssyncset.done $0x0  }
0x44: {  	s10 =	simm.s32 $0x100;
	[sflag:s16] =	ssyncadd.s32 $0xFFFFC000  }
0x45: {  	[tilespmem:s19], [sflag:$0x2] =	stream.indirect.gather [hbm4b:s1+s18], $0x80, s10, s18, $0xb8;
	[tilespmem:$0x1D000] =	vst v63  }
0x46: {  	_ =	swait.ge [sflag:s23], $0x4000  }
0x47: {  	[sflag:s23] =	ssyncset.done $0x0  }
0x48: {  	s0 =	simm.s32 $0x880;
	[sflag:s23] =	ssyncadd.s32 $0xFFFFC000  }
0x49: {  	[spmem:s2] =	stream.indirect.scatter.add.f32 [tilespmem:s20], [sflag:$0x3], $0x80, s0, s18, $0xb8;
	[tilespmem:$0x1D000] =	vst v63  }
0x4a: {  	_ =	swait.ge [sflag:s16], $0x4000  }
0x4b: {  	[sflag:s16] =	ssyncset.done $0x0  }
0x4c: {  	s3 =	simm.s32 $0x180;
	[sflag:s16] =	ssyncadd.s32 $0xFFFFC000  }
0x4d: {  	[tilespmem:s20], [sflag:$0x1] =	stream.indirect.gather [hbm4b:s1+s18], $0x80, s3, s18, $0xb8;
	[tilespmem:$0x1D000] =	vst v63  }
0x4e: {  	_ =	swait.ge [sflag:s21], $0x4000  }
0x4f: {  	[sflag:s21] =	ssyncset.done $0x0  }
0x50: {  	s9 =	simm.s32 $0x900;
	[sflag:s21] =	ssyncadd.s32 $0xFFFFC000  }
0x51: {  	[spmem:s2] =	stream.indirect.scatter.add.f32 [tilespmem:s19], [sflag:$0x3], $0x80, s9, s18, $0xb8;
	[tilespmem:$0x1D000] =	vst v63  }
0x52: {  	_ =	swait.ge [sflag:s16], $0x4000  }
0x53: {  	[sflag:s16] =	ssyncset.done $0x0  }
0x54: {  	s11 =	simm.s32 $0x200;
	[sflag:s16] =	ssyncadd.s32 $0xFFFFC000  }
0x55: {  	[tilespmem:s19], [sflag:$0x2] =	stream.indirect.gather [hbm4b:s1+s18], $0x80, s11, s18, $0xb8;
	[tilespmem:$0x1D000] =	vst v63  }
0x56: {  	_ =	swait.ge [sflag:s23], $0x4000  }
0x57: {  	[sflag:s23] =	ssyncset.done $0x0  }
0x58: {  	s12 =	simm.s32 $0x980;
	[sflag:s23] =	ssyncadd.s32 $0xFFFFC000  }
0x59: {  	[spmem:s2] =	stream.indirect.scatter.add.f32 [tilespmem:s20], [sflag:$0x3], $0x80, s12, s18, $0xb8;
	[tilespmem:$0x1D000] =	vst v63  }
0x5a: {  	_ =	swait.ge [sflag:s16], $0x4000  }
0x5b: {  	[sflag:s16] =	ssyncset.done $0x0  }
0x5c: {  	s13 =	simm.s32 $0x280;
	[sflag:s16] =	ssyncadd.s32 $0xFFFFC000  }
0x5d: {  	[tilespmem:s20], [sflag:$0x1] =	stream.indirect.gather [hbm4b:s1+s18], $0x80, s13, s18, $0xb8;
	[tilespmem:$0x1D000] =	vst v63  }
0x5e: {  	_ =	swait.ge [sflag:s21], $0x4000  }
0x5f: {  	[sflag:s21] =	ssyncset.done $0x0  }
0x60: {  	s14 =	simm.s32 $0xA00;
	[sflag:s21] =	ssyncadd.s32 $0xFFFFC000  }
0x61: {  	[spmem:s2] =	stream.indirect.scatter.add.f32 [tilespmem:s19], [sflag:$0x3], $0x80, s14, s18, $0xb8;
	[tilespmem:$0x1D000] =	vst v63  }
0x62: {  	_ =	swait.ge [sflag:s16], $0x4000  }
0x63: {  	[sflag:s16] =	ssyncset.done $0x0  }
0x64: {  	s15 =	simm.s32 $0x300;
	[sflag:s16] =	ssyncadd.s32 $0xFFFFC000  }
0x65: {  	[tilespmem:s19], [sflag:$0x2] =	stream.indirect.gather [hbm4b:s1+s18], $0x80, s15, s18, $0xb8;
	[tilespmem:$0x1D000] =	vst v63  }
0x66: {  	_ =	swait.ge [sflag:s23], $0x4000  }
0x67: {  	[sflag:s23] =	ssyncset.done $0x0  }
0x68: {  	s22 =	simm.s32 $0xA80;
	[sflag:s23] =	ssyncadd.s32 $0xFFFFC000  }
0x69: {  	[spmem:s2] =	stream.indirect.scatter.add.f32 [tilespmem:s20], [sflag:$0x3], $0x80, s22, s18, $0xb8;
	[tilespmem:$0x1D000] =	vst v63  }
0x6a: {  	_ =	swait.ge [sflag:s16], $0x4000  }
0x6b: {  	[sflag:s16] =	ssyncset.done $0x0  }
0x6c: {  	s24 =	simm.s32 $0x380;
	[sflag:s16] =	ssyncadd.s32 $0xFFFFC000  }
0x6d: {  	[tilespmem:s20], [sflag:$0x1] =	stream.indirect.gather [hbm4b:s1+s18], $0x80, s24, s18, $0xb8;
	[tilespmem:$0x1D000] =	vst v63  }
0x6e: {  	_ =	swait.ge [sflag:s21], $0x4000  }
0x6f: {  	[sflag:s21] =	ssyncset.done $0x0  }
0x70: {  	s25 =	simm.s32 $0xB00;
	[sflag:s21] =	ssyncadd.s32 $0xFFFFC000  }
0x71: {  	[spmem:s2] =	stream.indirect.scatter.add.f32 [tilespmem:s19], [sflag:$0x3], $0x80, s25, s18, $0xb8;
	[tilespmem:$0x1D000] =	vst v63  }
0x72: {  	_ =	swait.ge [sflag:s16], $0x4000  }
0x73: {  	[sflag:s16] =	ssyncset.done $0x0  }
0x74: {  	s26 =	simm.s32 $0x400;
	[sflag:s16] =	ssyncadd.s32 $0xFFFFC000  }
0x75: {  	[tilespmem:s19], [sflag:$0x2] =	stream.indirect.gather [hbm4b:s1+s18], $0x80, s26, s18, $0xb8;
	[tilespmem:$0x1D000] =	vst v63  }
0x76: {  	_ =	swait.ge [sflag:s23], $0x4000  }
0x77: {  	[sflag:s23] =	ssyncset.done $0x0  }
0x78: {  	s29 =	simm.s32 $0xB80;
	[sflag:s23] =	ssyncadd.s32 $0xFFFFC000  }
0x79: {  	[spmem:s2] =	stream.indirect.scatter.add.f32 [tilespmem:s20], [sflag:$0x3], $0x80, s29, s18, $0xb8;
	[tilespmem:$0x1D000] =	vst v63  }
0x7a: {  	_ =	swait.ge [sflag:s16], $0x4000  }
0x7b: {  	[sflag:s16] =	ssyncset.done $0x0  }
0x7c: {  	s30 =	simm.s32 $0x480;
	[sflag:s16] =	ssyncadd.s32 $0xFFFFC000  }
0x7d: {  	[tilespmem:s20], [sflag:$0x1] =	stream.indirect.gather [hbm4b:s1+s18], $0x80, s30, s18, $0xb8;
	[tilespmem:$0x1D000] =	vst v63  }
0x7e: {  	_ =	swait.ge [sflag:s21], $0x4000  }
0x7f: {  	[sflag:s21] =	ssyncset.done $0x0  }
0x80: {  	s31 =	simm.s32 $0xC00;
	[sflag:s21] =	ssyncadd.s32 $0xFFFFC000  }
0x81: {  	[spmem:s2] =	stream.indirect.scatter.add.f32 [tilespmem:s19], [sflag:$0x3], $0x80, s31, s18, $0xb8;
	[tilespmem:$0x1D000] =	vst v63  }
0x82: {  	_ =	swait.ge [sflag:s16], $0x4000  }
0x83: {  	[sflag:s16] =	ssyncset.done $0x0  }
0x84: {  	s8 =	simm.s32 $0x500;
	[sflag:s16] =	ssyncadd.s32 $0xFFFFC000  }
0x85: {  	[tilespmem:s19], [sflag:$0x2] =	stream.indirect.gather [hbm4b:s1+s18], $0x80, s8, s18, $0xb8;
	[tilespmem:$0x1D000] =	vst v63  }
0x86: {  	_ =	swait.ge [sflag:s23], $0x4000  }
0x87: {  	[sflag:s23] =	ssyncset.done $0x0  }
0x88: {  	s8 =	simm.s32 $0xC80;
	[sflag:s23] =	ssyncadd.s32 $0xFFFFC000  }
0x89: {  	[spmem:s2] =	stream.indirect.scatter.add.f32 [tilespmem:s20], [sflag:$0x3], $0x80, s8, s18, $0xb8;
	[tilespmem:$0x1D000] =	vst v63  }
0x8a: {  	_ =	swait.ge [sflag:s16], $0x4000  }
0x8b: {  	[sflag:s16] =	ssyncset.done $0x0  }
0x8c: {  	s8 =	simm.s32 $0x580;
	[sflag:s16] =	ssyncadd.s32 $0xFFFFC000  }
0x8d: {  	[tilespmem:s20], [sflag:$0x1] =	stream.indirect.gather [hbm4b:s1+s18], $0x80, s8, s18, $0xb8;
	[tilespmem:$0x1D000] =	vst v63  }
0x8e: {  	_ =	swait.ge [sflag:s21], $0x4000  }
0x8f: {  	[sflag:s21] =	ssyncset.done $0x0  }
0x90: {  	s8 =	simm.s32 $0xD00;
	[sflag:s21] =	ssyncadd.s32 $0xFFFFC000  }
0x91: {  	[spmem:s2] =	stream.indirect.scatter.add.f32 [tilespmem:s19], [sflag:$0x3], $0x80, s8, s18, $0xb8;
	[tilespmem:$0x1D000] =	vst v63  }
0x92: {  	_ =	swait.ge [sflag:s16], $0x4000  }
0x93: {  	[sflag:s16] =	ssyncset.done $0x0  }
0x94: {  	s8 =	simm.s32 $0x600;
	[sflag:s16] =	ssyncadd.s32 $0xFFFFC000  }
0x95: {  	[tilespmem:s19], [sflag:$0x2] =	stream.indirect.gather [hbm4b:s1+s18], $0x80, s8, s18, $0xb8;
	[tilespmem:$0x1D000] =	vst v63  }
0x96: {  	_ =	swait.ge [sflag:s23], $0x4000  }
0x97: {  	[sflag:s23] =	ssyncset.done $0x0  }
0x98: {  	s8 =	simm.s32 $0xD80;
	[sflag:s23] =	ssyncadd.s32 $0xFFFFC000  }
0x99: {  	[spmem:s2] =	stream.indirect.scatter.add.f32 [tilespmem:s20], [sflag:$0x3], $0x80, s8, s18, $0xb8;
	[tilespmem:$0x1D000] =	vst v63  }
0x9a: {  	_ =	swait.ge [sflag:s16], $0x4000  }
0x9b: {  	[sflag:s16] =	ssyncset.done $0x0  }
0x9c: {  	s8 =	simm.s32 $0x680;
	[sflag:s16] =	ssyncadd.s32 $0xFFFFC000  }
0x9d: {  	[tilespmem:s20], [sflag:$0x1] =	stream.indirect.gather [hbm4b:s1+s18], $0x80, s8, s18, $0xb8;
	[tilespmem:$0x1D000] =	vst v63  }
0x9e: {  	_ =	swait.ge [sflag:s21], $0x4000  }
0x9f: {  	[sflag:s21] =	ssyncset.done $0x0  }
0xa0: {  	s8 =	simm.s32 $0xE00;
	[sflag:s21] =	ssyncadd.s32 $0xFFFFC000  }
0xa1: {  	[spmem:s2] =	stream.indirect.scatter.add.f32 [tilespmem:s19], [sflag:$0x3], $0x80, s8, s18, $0xb8;
	[tilespmem:$0x1D000] =	vst v63  }
0xa2: {  	_ =	swait.ge [sflag:s16], $0x4000  }
0xa3: {  	[sflag:s16] =	ssyncset.done $0x0  }
0xa4: {  	s8 =	simm.s32 $0x700;
	[sflag:s16] =	ssyncadd.s32 $0xFFFFC000  }
0xa5: {  	[tilespmem:s19], [sflag:$0x2] =	stream.indirect.gather [hbm4b:s1+s18], $0x80, s8, s18, $0xb8;
	[tilespmem:$0x1D000] =	vst v63  }
0xa6: {  	_ =	swait.ge [sflag:s23], $0x4000  }
0xa7: {  	[sflag:s23] =	ssyncset.done $0x0  }
0xa8: {  	s8 =	simm.s32 $0xE80;
	[sflag:s23] =	ssyncadd.s32 $0xFFFFC000  }
0xa9: {  	[spmem:s2] =	stream.indirect.scatter.add.f32 [tilespmem:s20], [sflag:$0x3], $0x80, s8, s18, $0xb8;
	[tilespmem:$0x1D000] =	vst v63  }
0xaa: {  	_ =	swait.ge [sflag:s16], $0x4000  }
0xab: {  	[sflag:s16] =	ssyncset.done $0x0  }
0xac: {  	s8 =	simm.s32 $0x780;
	[sflag:s16] =	ssyncadd.s32 $0xFFFFC000  }
0xad: {  	[tilespmem:s20], [sflag:$0x1] =	stream.indirect.gather [hbm4b:s1+s18], $0x80, s8, s18, $0xb8;
	[tilespmem:$0x1D000] =	vst v63  }
0xae: {  	_ =	swait.ge [sflag:s21], $0x4000  }
0xaf: {  	[sflag:s21] =	ssyncset.done $0x0  }
0xb0: {  	s8 =	simm.s32 $0xF00;
	[sflag:s21] =	ssyncadd.s32 $0xFFFFC000  }
0xb1: {  	[spmem:s2] =	stream.indirect.scatter.add.f32 [tilespmem:s19], [sflag:$0x3], $0x80, s8, s18, $0xb8;
	[tilespmem:$0x1D000] =	vst v63  }
0xb2: {  	_ =	swait.ge [sflag:s16], $0x4000  }
0xb3: {  	[sflag:s16] =	ssyncset.done $0x0  }
0xb4: {  	[sflag:s16] =	ssyncadd.s32 $0xFFFFC000  }
0xb5: {  	_ =	swait.ge [sflag:s23], $0x4000  }
0xb6: {  	[sflag:s23] =	ssyncset.done $0x0  }
0xb7: {  	s8 =	simm.s32 $0xF80;
	[sflag:s23] =	ssyncadd.s32 $0xFFFFC000  }
0xb8: {  	[spmem:s2] =	stream.indirect.scatter.add.f32 [tilespmem:s20], [sflag:$0x3], $0x80, s8, s18, $0xb8;
	[tilespmem:$0x1D000] =	vst v63  }
0xb9: {  	_ =	swait.ge [sflag:s16], $0x4000  }
0xba: {  	s8 =	rddreg [dreg:$0x4]  }
0xbb: {  	s7 =	sadd.s32 $0x0, s8  }
0xbc: {  	[sflag:s16] =	ssyncset.done $0x0;
	s7 =	sshrl.u32 s7, $0x3  }
0xbd: {  	[sflag:s16] =	ssyncadd.s32 $0xFFFFC000;
	s8 =	sadd.s32 s5, s7  }
0xbe: {  	[tilespmem:s4], [sflag:$0x3] =	stream.linear.gather [hbm4b:s8+s4], $0x800, $0x38;
	[tilespmem:$0x1D000] =	vst v63  }
0xbf: {  	_ =	swait.ge [sflag:s16], $0x800  }
0xc0: {  	[sflag:s16] =	ssyncset.done $0x0  }
0xc1: {  	s7 =	sadd.s32 s6, s7;
	[sflag:s16] =	ssyncadd.s32 $0xFFFFF800  }
0xc2: {  	[tilespmem:s17], [sflag:$0x3] =	stream.linear.gather [hbm4b:s7+s4], $0x800, $0x38;
	[tilespmem:$0x1D000] =	vst v63  }
0xc3: {  	_ =	swait.ge [sflag:s16], $0x800  }
0xc4: {  	[sflag:s16] =	ssyncset.done $0x0  }
0xc5: {  	[sflag:s16] =	ssyncadd.s32 $0xFFFFF800  }
0xc6: {  	[tilespmem:s19], [sflag:$0x2] =	stream.indirect.gather [hbm4b:s1+s18], $0x80, s4, s18, $0xb8;
	[tilespmem:$0x1D000] =	vst v63  }
0xc7: {  	_ = 	snop  }
0xc8: {  	[tilespmem:s20], [sflag:$0x1] =	stream.indirect.gather [hbm4b:s1+s18], $0x80, s18, s18, $0xb8;
	[tilespmem:$0x1D000] =	vst v63  }
0xc9: {  	_ =	swait.ge [sflag:s21], $0x4000  }
0xca: {  	[sflag:s21] =	ssyncset.done $0x0  }
0xcb: {  	[sflag:s21] =	ssyncadd.s32 $0xFFFFC000  }
0xcc: {  	[spmem:s2] =	stream.indirect.scatter.add.f32 [tilespmem:s19], [sflag:$0x3], $0x80, s17, s18, $0xb8;
	[tilespmem:$0x1D000] =	vst v63  }
0xcd: {  	_ =	swait.ge [sflag:s16], $0x4000  }
0xce: {  	[sflag:s16] =	ssyncset.done $0x0  }
0xcf: {  	[sflag:s16] =	ssyncadd.s32 $0xFFFFC000  }
0xd0: {  	[tilespmem:s19], [sflag:$0x2] =	stream.indirect.gather [hbm4b:s1+s18], $0x80, s10, s18, $0xb8;
	[tilespmem:$0x1D000] =	vst v63  }
0xd1: {  	_ =	swait.ge [sflag:s23], $0x4000  }
0xd2: {  	[sflag:s23] =	ssyncset.done $0x0  }
0xd3: {  	[sflag:s23] =	ssyncadd.s32 $0xFFFFC000  }
0xd4: {  	[spmem:s2] =	stream.indirect.scatter.add.f32 [tilespmem:s20], [sflag:$0x3], $0x80, s0, s18, $0xb8;
	[tilespmem:$0x1D000] =	vst v63  }
0xd5: {  	_ =	swait.ge [sflag:s16], $0x4000  }
0xd6: {  	[sflag:s16] =	ssyncset.done $0x0  }
0xd7: {  	[sflag:s16] =	ssyncadd.s32 $0xFFFFC000  }
0xd8: {  	[tilespmem:s20], [sflag:$0x1] =	stream.indirect.gather [hbm4b:s1+s18], $0x80, s3, s18, $0xb8;
	[tilespmem:$0x1D000] =	vst v63  }
0xd9: {  	_ =	swait.ge [sflag:s21], $0x4000  }
0xda: {  	[sflag:s21] =	ssyncset.done $0x0  }
0xdb: {  	[sflag:s21] =	ssyncadd.s32 $0xFFFFC000  }
0xdc: {  	[spmem:s2] =	stream.indirect.scatter.add.f32 [tilespmem:s19], [sflag:$0x3], $0x80, s9, s18, $0xb8;
	[tilespmem:$0x1D000] =	vst v63  }
0xdd: {  	_ =	swait.ge [sflag:s16], $0x4000  }
0xde: {  	[sflag:s16] =	ssyncset.done $0x0  }
0xdf: {  	[sflag:s16] =	ssyncadd.s32 $0xFFFFC000  }
0xe0: {  	[tilespmem:s19], [sflag:$0x2] =	stream.indirect.gather [hbm4b:s1+s18], $0x80, s11, s18, $0xb8;
	[tilespmem:$0x1D000] =	vst v63  }
0xe1: {  	_ =	swait.ge [sflag:s23], $0x4000  }
0xe2: {  	[sflag:s23] =	ssyncset.done $0x0  }
0xe3: {  	[sflag:s23] =	ssyncadd.s32 $0xFFFFC000  }
0xe4: {  	[spmem:s2] =	stream.indirect.scatter.add.f32 [tilespmem:s20], [sflag:$0x3], $0x80, s12, s18, $0xb8;
	[tilespmem:$0x1D000] =	vst v63  }
0xe5: {  	_ =	swait.ge [sflag:s16], $0x4000  }
0xe6: {  	[sflag:s16] =	ssyncset.done $0x0  }
0xe7: {  	[sflag:s16] =	ssyncadd.s32 $0xFFFFC000  }
0xe8: {  	[tilespmem:s20], [sflag:$0x1] =	stream.indirect.gather [hbm4b:s1+s18], $0x80, s13, s18, $0xb8;
	[tilespmem:$0x1D000] =	vst v63  }
0xe9: {  	_ =	swait.ge [sflag:s21], $0x4000  }
0xea: {  	[sflag:s21] =	ssyncset.done $0x0  }
0xeb: {  	[sflag:s21] =	ssyncadd.s32 $0xFFFFC000  }
0xec: {  	[spmem:s2] =	stream.indirect.scatter.add.f32 [tilespmem:s19], [sflag:$0x3], $0x80, s14, s18, $0xb8;
	[tilespmem:$0x1D000] =	vst v63  }
0xed: {  	_ =	swait.ge [sflag:s16], $0x4000  }
0xee: {  	[sflag:s16] =	ssyncset.done $0x0  }
0xef: {  	[sflag:s16] =	ssyncadd.s32 $0xFFFFC000  }
0xf0: {  	[tilespmem:s19], [sflag:$0x2] =	stream.indirect.gather [hbm4b:s1+s18], $0x80, s15, s18, $0xb8;
	[tilespmem:$0x1D000] =	vst v63  }
0xf1: {  	_ =	swait.ge [sflag:s23], $0x4000  }
0xf2: {  	[sflag:s23] =	ssyncset.done $0x0  }
0xf3: {  	[sflag:s23] =	ssyncadd.s32 $0xFFFFC000  }
0xf4: {  	[spmem:s2] =	stream.indirect.scatter.add.f32 [tilespmem:s20], [sflag:$0x3], $0x80, s22, s18, $0xb8;
	[tilespmem:$0x1D000] =	vst v63  }
0xf5: {  	_ =	swait.ge [sflag:s16], $0x4000  }
0xf6: {  	[sflag:s16] =	ssyncset.done $0x0  }
0xf7: {  	[sflag:s16] =	ssyncadd.s32 $0xFFFFC000  }
0xf8: {  	[tilespmem:s20], [sflag:$0x1] =	stream.indirect.gather [hbm4b:s1+s18], $0x80, s24, s18, $0xb8;
	[tilespmem:$0x1D000] =	vst v63  }
0xf9: {  	_ =	swait.ge [sflag:s21], $0x4000  }
0xfa: {  	[sflag:s21] =	ssyncset.done $0x0  }
0xfb: {  	[sflag:s21] =	ssyncadd.s32 $0xFFFFC000  }
0xfc: {  	[spmem:s2] =	stream.indirect.scatter.add.f32 [tilespmem:s19], [sflag:$0x3], $0x80, s25, s18, $0xb8;
	[tilespmem:$0x1D000] =	vst v63  }
0xfd: {  	_ =	swait.ge [sflag:s16], $0x4000  }
0xfe: {  	[sflag:s16] =	ssyncset.done $0x0  }
0xff: {  	[sflag:s16] =	ssyncadd.s32 $0xFFFFC000  }
0x100: {  	[tilespmem:s19], [sflag:$0x2] =	stream.indirect.gather [hbm4b:s1+s18], $0x80, s26, s18, $0xb8;
	[tilespmem:$0x1D000] =	vst v63  }
0x101: {  	_ =	swait.ge [sflag:s23], $0x4000  }
0x102: {  	[sflag:s23] =	ssyncset.done $0x0  }
0x103: {  	[sflag:s23] =	ssyncadd.s32 $0xFFFFC000  }
0x104: {  	[spmem:s2] =	stream.indirect.scatter.add.f32 [tilespmem:s20], [sflag:$0x3], $0x80, s29, s18, $0xb8;
	[tilespmem:$0x1D000] =	vst v63  }
0x105: {  	_ =	swait.ge [sflag:s16], $0x4000  }
0x106: {  	[sflag:s16] =	ssyncset.done $0x0  }
0x107: {  	[sflag:s16] =	ssyncadd.s32 $0xFFFFC000  }
0x108: {  	[tilespmem:s20], [sflag:$0x1] =	stream.indirect.gather [hbm4b:s1+s18], $0x80, s30, s18, $0xb8;
	[tilespmem:$0x1D000] =	vst v63  }
0x109: {  	_ =	swait.ge [sflag:s21], $0x4000  }
0x10a: {  	[sflag:s21] =	ssyncset.done $0x0  }
0x10b: {  	[sflag:s21] =	ssyncadd.s32 $0xFFFFC000  }
0x10c: {  	[spmem:s2] =	stream.indirect.scatter.add.f32 [tilespmem:s19], [sflag:$0x3], $0x80, s31, s18, $0xb8;
	[tilespmem:$0x1D000] =	vst v63  }
0x10d: {  	_ =	swait.ge [sflag:s16], $0x4000  }
0x10e: {  	[sflag:s16] =	ssyncset.done $0x0  }
0x10f: {  	s9 =	simm.s32 $0x500;
	[sflag:s16] =	ssyncadd.s32 $0xFFFFC000  }
0x110: {  	[tilespmem:s19], [sflag:$0x2] =	stream.indirect.gather [hbm4b:s1+s18], $0x80, s9, s18, $0xb8;
	[tilespmem:$0x1D000] =	vst v63  }
0x111: {  	_ =	swait.ge [sflag:s23], $0x4000  }
0x112: {  	[sflag:s23] =	ssyncset.done $0x0  }
0x113: {  	s10 =	simm.s32 $0xC80;
	[sflag:s23] =	ssyncadd.s32 $0xFFFFC000  }
0x114: {  	[spmem:s2] =	stream.indirect.scatter.add.f32 [tilespmem:s20], [sflag:$0x3], $0x80, s10, s18, $0xb8;
	[tilespmem:$0x1D000] =	vst v63  }
0x115: {  	_ =	swait.ge [sflag:s16], $0x4000  }
0x116: {  	[sflag:s16] =	ssyncset.done $0x0  }
0x117: {  	s11 =	simm.s32 $0x580;
	[sflag:s16] =	ssyncadd.s32 $0xFFFFC000  }
0x118: {  	[tilespmem:s20], [sflag:$0x1] =	stream.indirect.gather [hbm4b:s1+s18], $0x80, s11, s18, $0xb8;
	[tilespmem:$0x1D000] =	vst v63  }
0x119: {  	_ =	swait.ge [sflag:s21], $0x4000  }
0x11a: {  	[sflag:s21] =	ssyncset.done $0x0  }
0x11b: {  	s12 =	simm.s32 $0xD00;
	[sflag:s21] =	ssyncadd.s32 $0xFFFFC000  }
0x11c: {  	[spmem:s2] =	stream.indirect.scatter.add.f32 [tilespmem:s19], [sflag:$0x3], $0x80, s12, s18, $0xb8;
	[tilespmem:$0x1D000] =	vst v63  }
0x11d: {  	_ =	swait.ge [sflag:s16], $0x4000  }
0x11e: {  	[sflag:s16] =	ssyncset.done $0x0  }
0x11f: {  	s13 =	simm.s32 $0x600;
	[sflag:s16] =	ssyncadd.s32 $0xFFFFC000  }
0x120: {  	[tilespmem:s19], [sflag:$0x2] =	stream.indirect.gather [hbm4b:s1+s18], $0x80, s13, s18, $0xb8;
	[tilespmem:$0x1D000] =	vst v63  }
0x121: {  	_ =	swait.ge [sflag:s23], $0x4000  }
0x122: {  	[sflag:s23] =	ssyncset.done $0x0  }
0x123: {  	s14 =	simm.s32 $0xD80;
	[sflag:s23] =	ssyncadd.s32 $0xFFFFC000  }
0x124: {  	[spmem:s2] =	stream.indirect.scatter.add.f32 [tilespmem:s20], [sflag:$0x3], $0x80, s14, s18, $0xb8;
	[tilespmem:$0x1D000] =	vst v63  }
0x125: {  	_ =	swait.ge [sflag:s16], $0x4000  }
0x126: {  	[sflag:s16] =	ssyncset.done $0x0  }
0x127: {  	s15 =	simm.s32 $0x680;
	[sflag:s16] =	ssyncadd.s32 $0xFFFFC000  }
0x128: {  	[tilespmem:s20], [sflag:$0x1] =	stream.indirect.gather [hbm4b:s1+s18], $0x80, s15, s18, $0xb8;
	[tilespmem:$0x1D000] =	vst v63  }
0x129: {  	_ =	swait.ge [sflag:s21], $0x4000  }
0x12a: {  	[sflag:s21] =	ssyncset.done $0x0  }
0x12b: {  	s22 =	simm.s32 $0xE00;
	[sflag:s21] =	ssyncadd.s32 $0xFFFFC000  }
0x12c: {  	[spmem:s2] =	stream.indirect.scatter.add.f32 [tilespmem:s19], [sflag:$0x3], $0x80, s22, s18, $0xb8;
	[tilespmem:$0x1D000] =	vst v63  }
0x12d: {  	_ =	swait.ge [sflag:s16], $0x4000  }
0x12e: {  	[sflag:s16] =	ssyncset.done $0x0  }
0x12f: {  	s24 =	simm.s32 $0x700;
	[sflag:s16] =	ssyncadd.s32 $0xFFFFC000  }
0x130: {  	[tilespmem:s19], [sflag:$0x2] =	stream.indirect.gather [hbm4b:s1+s18], $0x80, s24, s18, $0xb8;
	[tilespmem:$0x1D000] =	vst v63  }
0x131: {  	_ =	swait.ge [sflag:s23], $0x4000  }
0x132: {  	[sflag:s23] =	ssyncset.done $0x0  }
0x133: {  	s25 =	simm.s32 $0xE80;
	[sflag:s23] =	ssyncadd.s32 $0xFFFFC000  }
0x134: {  	[spmem:s2] =	stream.indirect.scatter.add.f32 [tilespmem:s20], [sflag:$0x3], $0x80, s25, s18, $0xb8;
	[tilespmem:$0x1D000] =	vst v63  }
0x135: {  	_ =	swait.ge [sflag:s16], $0x4000  }
0x136: {  	[sflag:s16] =	ssyncset.done $0x0  }
0x137: {  	s26 =	simm.s32 $0x780;
	[sflag:s16] =	ssyncadd.s32 $0xFFFFC000  }
0x138: {  	[tilespmem:s20], [sflag:$0x1] =	stream.indirect.gather [hbm4b:s1+s18], $0x80, s26, s18, $0xb8;
	[tilespmem:$0x1D000] =	vst v63  }
0x139: {  	_ =	swait.ge [sflag:s21], $0x4000  }
0x13a: {  	s8 =	simm.s32 $0xF00;
	s7 =	simm.s32 $0x800;
	[sflag:s21] =	ssyncset.done $0x0  }
0x13b: {  	s0 =	simm.s32 $0xC80;
	s3 =	simm.s32 $0x580;
	[sflag:s21] =	ssyncadd.s32 $0xFFFFC000  }
0x13c: {  	[spmem:s2] =	stream.indirect.scatter.add.f32 [tilespmem:s19], [sflag:$0x3], $0x80, s8, s18, $0xb8;
	[tilespmem:$0x1D000] =	vst v63  }
0x13d: {  	s29 =	simm.s32 $0x480;
	s30 =	simm.s32 $0xC00;
	_ =	swait.ge [sflag:s16], $0x4000  }
0x13e: {  	s31 =	simm.s32 $0x500;
	s9 =	simm.s32 $0x700;
	[sflag:s16] =	ssyncset.done $0x0  }
0x13f: {  	s10 =	simm.s32 $0xF80;
	s11 =	simm.s32 $0xD00;
	[sflag:s16] =	ssyncadd.s32 $0xFFFFC000  }
0x140: {  	s12 =	simm.s32 $0x600;
	s13 =	simm.s32 $0xD80;
	_ =	swait.ge [sflag:s23], $0x4000  }
0x141: {  	s14 =	simm.s32 $0x680;
	s15 =	simm.s32 $0xE00;
	[sflag:s23] =	ssyncset.done $0x0  }
0x142: {  	s22 =	simm.s32 $0xE80;
	s24 =	simm.s32 $0x780;
	[sflag:s23] =	ssyncadd.s32 $0xFFFFC000  }
0x143: {  	[spmem:s2] =	stream.indirect.scatter.add.f32 [tilespmem:s20], [sflag:$0x3], $0x80, s10, s18, $0xb8;
	[tilespmem:$0x1D000] =	vst v63  }
0x144: {  	s25 =	simm.s32 $0xF00;
	s26 =	simm.s32 $0xF80;
	_ =	swait.ge [sflag:s16], $0x4000  }
.LBB2_4:
0x145: {  	s8 =	rddreg [dreg:$0x4];
	s10 =	smov.u32 s7  }
0x146: {  	s8 =	sadd.s32 s10, s8  }
0x147: {  	[sflag:s16] =	ssyncset.done $0x0;
	s8 =	sshrl.u32 s8, $0x3  }
0x148: {  	[sflag:s16] =	ssyncadd.s32 $0xFFFFC000;
	s10 =	sadd.s32 s5, s8  }
0x149: {  	[tilespmem:s4], [sflag:$0x3] =	stream.linear.gather [hbm4b:s10+s4], $0x800, $0x38;
	[tilespmem:$0x1D000] =	vst v63  }
0x14a: {  	_ =	swait.ge [sflag:s16], $0x800  }
0x14b: {  	[sflag:s16] =	ssyncset.done $0x0  }
0x14c: {  	s8 =	sadd.s32 s6, s8;
	[sflag:s16] =	ssyncadd.s32 $0xFFFFF800  }
0x14d: {  	[tilespmem:s17], [sflag:$0x3] =	stream.linear.gather [hbm4b:s8+s4], $0x800, $0x38;
	[tilespmem:$0x1D000] =	vst v63  }
0x14e: {  	_ =	swait.ge [sflag:s16], $0x800  }
0x14f: {  	[sflag:s16] =	ssyncset.done $0x0  }
0x150: {  	[sflag:s16] =	ssyncadd.s32 $0xFFFFF800  }
0x151: {  	[tilespmem:s19], [sflag:$0x2] =	stream.indirect.gather [hbm4b:s1+s18], $0x80, s4, s18, $0xb8;
	[tilespmem:$0x1D000] =	vst v63  }
0x152: {  	_ = 	snop  }
0x153: {  	[tilespmem:s20], [sflag:$0x1] =	stream.indirect.gather [hbm4b:s1+s18], $0x80, s18, s18, $0xb8;
	[tilespmem:$0x1D000] =	vst v63  }
0x154: {  	_ =	swait.ge [sflag:s21], $0x4000  }
0x155: {  	[sflag:s21] =	ssyncset.done $0x0  }
0x156: {  	[sflag:s21] =	ssyncadd.s32 $0xFFFFC000  }
0x157: {  	[spmem:s2] =	stream.indirect.scatter.add.f32 [tilespmem:s19], [sflag:$0x3], $0x80, s17, s18, $0xb8;
	[tilespmem:$0x1D000] =	vst v63  }
0x158: {  	_ =	swait.ge [sflag:s16], $0x4000  }
0x159: {  	[sflag:s16] =	ssyncset.done $0x0  }
0x15a: {  	s10 =	simm.s32 $0x100;
	[sflag:s16] =	ssyncadd.s32 $0xFFFFC000  }
0x15b: {  	[tilespmem:s19], [sflag:$0x2] =	stream.indirect.gather [hbm4b:s1+s18], $0x80, s10, s18, $0xb8;
	[tilespmem:$0x1D000] =	vst v63  }
0x15c: {  	_ =	swait.ge [sflag:s23], $0x4000  }
0x15d: {  	[sflag:s23] =	ssyncset.done $0x0  }
0x15e: {  	s10 =	simm.s32 $0x880;
	[sflag:s23] =	ssyncadd.s32 $0xFFFFC000  }
0x15f: {  	[spmem:s2] =	stream.indirect.scatter.add.f32 [tilespmem:s20], [sflag:$0x3], $0x80, s10, s18, $0xb8;
	[tilespmem:$0x1D000] =	vst v63  }
0x160: {  	_ =	swait.ge [sflag:s16], $0x4000  }
0x161: {  	[sflag:s16] =	ssyncset.done $0x0  }
0x162: {  	s10 =	simm.s32 $0x180;
	[sflag:s16] =	ssyncadd.s32 $0xFFFFC000  }
0x163: {  	[tilespmem:s20], [sflag:$0x1] =	stream.indirect.gather [hbm4b:s1+s18], $0x80, s10, s18, $0xb8;
	[tilespmem:$0x1D000] =	vst v63  }
0x164: {  	_ =	swait.ge [sflag:s21], $0x4000  }
0x165: {  	[sflag:s21] =	ssyncset.done $0x0  }
0x166: {  	s10 =	simm.s32 $0x900;
	[sflag:s21] =	ssyncadd.s32 $0xFFFFC000  }
0x167: {  	[spmem:s2] =	stream.indirect.scatter.add.f32 [tilespmem:s19], [sflag:$0x3], $0x80, s10, s18, $0xb8;
	[tilespmem:$0x1D000] =	vst v63  }
0x168: {  	_ =	swait.ge [sflag:s16], $0x4000  }
0x169: {  	[sflag:s16] =	ssyncset.done $0x0  }
0x16a: {  	s10 =	simm.s32 $0x200;
	[sflag:s16] =	ssyncadd.s32 $0xFFFFC000  }
0x16b: {  	[tilespmem:s19], [sflag:$0x2] =	stream.indirect.gather [hbm4b:s1+s18], $0x80, s10, s18, $0xb8;
	[tilespmem:$0x1D000] =	vst v63  }
0x16c: {  	_ =	swait.ge [sflag:s23], $0x4000  }
0x16d: {  	[sflag:s23] =	ssyncset.done $0x0  }
0x16e: {  	s10 =	simm.s32 $0x980;
	[sflag:s23] =	ssyncadd.s32 $0xFFFFC000  }
0x16f: {  	[spmem:s2] =	stream.indirect.scatter.add.f32 [tilespmem:s20], [sflag:$0x3], $0x80, s10, s18, $0xb8;
	[tilespmem:$0x1D000] =	vst v63  }
0x170: {  	_ =	swait.ge [sflag:s16], $0x4000  }
0x171: {  	[sflag:s16] =	ssyncset.done $0x0  }
0x172: {  	s10 =	simm.s32 $0x280;
	[sflag:s16] =	ssyncadd.s32 $0xFFFFC000  }
0x173: {  	[tilespmem:s20], [sflag:$0x1] =	stream.indirect.gather [hbm4b:s1+s18], $0x80, s10, s18, $0xb8;
	[tilespmem:$0x1D000] =	vst v63  }
0x174: {  	_ =	swait.ge [sflag:s21], $0x4000  }
0x175: {  	[sflag:s21] =	ssyncset.done $0x0  }
0x176: {  	s10 =	simm.s32 $0xA00;
	[sflag:s21] =	ssyncadd.s32 $0xFFFFC000  }
0x177: {  	[spmem:s2] =	stream.indirect.scatter.add.f32 [tilespmem:s19], [sflag:$0x3], $0x80, s10, s18, $0xb8;
	[tilespmem:$0x1D000] =	vst v63  }
0x178: {  	_ =	swait.ge [sflag:s16], $0x4000  }
0x179: {  	[sflag:s16] =	ssyncset.done $0x0  }
0x17a: {  	s10 =	simm.s32 $0x300;
	[sflag:s16] =	ssyncadd.s32 $0xFFFFC000  }
0x17b: {  	[tilespmem:s19], [sflag:$0x2] =	stream.indirect.gather [hbm4b:s1+s18], $0x80, s10, s18, $0xb8;
	[tilespmem:$0x1D000] =	vst v63  }
0x17c: {  	_ =	swait.ge [sflag:s23], $0x4000  }
0x17d: {  	[sflag:s23] =	ssyncset.done $0x0  }
0x17e: {  	s10 =	simm.s32 $0xA80;
	[sflag:s23] =	ssyncadd.s32 $0xFFFFC000  }
0x17f: {  	[spmem:s2] =	stream.indirect.scatter.add.f32 [tilespmem:s20], [sflag:$0x3], $0x80, s10, s18, $0xb8;
	[tilespmem:$0x1D000] =	vst v63  }
0x180: {  	_ =	swait.ge [sflag:s16], $0x4000  }
0x181: {  	[sflag:s16] =	ssyncset.done $0x0  }
0x182: {  	s10 =	simm.s32 $0x380;
	[sflag:s16] =	ssyncadd.s32 $0xFFFFC000  }
0x183: {  	[tilespmem:s20], [sflag:$0x1] =	stream.indirect.gather [hbm4b:s1+s18], $0x80, s10, s18, $0xb8;
	[tilespmem:$0x1D000] =	vst v63  }
0x184: {  	_ =	swait.ge [sflag:s21], $0x4000  }
0x185: {  	[sflag:s21] =	ssyncset.done $0x0  }
0x186: {  	s10 =	simm.s32 $0xB00;
	[sflag:s21] =	ssyncadd.s32 $0xFFFFC000  }
0x187: {  	[spmem:s2] =	stream.indirect.scatter.add.f32 [tilespmem:s19], [sflag:$0x3], $0x80, s10, s18, $0xb8;
	[tilespmem:$0x1D000] =	vst v63  }
0x188: {  	_ =	swait.ge [sflag:s16], $0x4000  }
0x189: {  	[sflag:s16] =	ssyncset.done $0x0  }
0x18a: {  	s10 =	simm.s32 $0x400;
	[sflag:s16] =	ssyncadd.s32 $0xFFFFC000  }
0x18b: {  	[tilespmem:s19], [sflag:$0x2] =	stream.indirect.gather [hbm4b:s1+s18], $0x80, s10, s18, $0xb8;
	[tilespmem:$0x1D000] =	vst v63  }
0x18c: {  	_ =	swait.ge [sflag:s23], $0x4000  }
0x18d: {  	[sflag:s23] =	ssyncset.done $0x0  }
0x18e: {  	[sflag:s23] =	ssyncadd.s32 $0xFFFFC000  }
0x18f: {  	[spmem:s2] =	stream.indirect.scatter.add.f32 [tilespmem:s20], [sflag:$0x3], $0x80, s28, s18, $0xb8;
	[tilespmem:$0x1D000] =	vst v63  }
0x190: {  	_ =	swait.ge [sflag:s16], $0x4000  }
0x191: {  	[sflag:s16] =	ssyncset.done $0x0  }
0x192: {  	[sflag:s16] =	ssyncadd.s32 $0xFFFFC000  }
0x193: {  	[tilespmem:s20], [sflag:$0x1] =	stream.indirect.gather [hbm4b:s1+s18], $0x80, s29, s18, $0xb8;
	[tilespmem:$0x1D000] =	vst v63  }
0x194: {  	_ =	swait.ge [sflag:s21], $0x4000  }
0x195: {  	[sflag:s21] =	ssyncset.done $0x0  }
0x196: {  	[sflag:s21] =	ssyncadd.s32 $0xFFFFC000  }
0x197: {  	[spmem:s2] =	stream.indirect.scatter.add.f32 [tilespmem:s19], [sflag:$0x3], $0x80, s30, s18, $0xb8;
	[tilespmem:$0x1D000] =	vst v63  }
0x198: {  	_ =	swait.ge [sflag:s16], $0x4000  }
0x199: {  	[sflag:s16] =	ssyncset.done $0x0  }
0x19a: {  	[sflag:s16] =	ssyncadd.s32 $0xFFFFC000  }
0x19b: {  	[tilespmem:s19], [sflag:$0x2] =	stream.indirect.gather [hbm4b:s1+s18], $0x80, s31, s18, $0xb8;
	[tilespmem:$0x1D000] =	vst v63  }
0x19c: {  	_ =	swait.ge [sflag:s23], $0x4000  }
0x19d: {  	[sflag:s23] =	ssyncset.done $0x0  }
0x19e: {  	[sflag:s23] =	ssyncadd.s32 $0xFFFFC000  }
0x19f: {  	[spmem:s2] =	stream.indirect.scatter.add.f32 [tilespmem:s20], [sflag:$0x3], $0x80, s0, s18, $0xb8;
	[tilespmem:$0x1D000] =	vst v63  }
0x1a0: {  	_ =	swait.ge [sflag:s16], $0x4000  }
0x1a1: {  	[sflag:s16] =	ssyncset.done $0x0  }
0x1a2: {  	[sflag:s16] =	ssyncadd.s32 $0xFFFFC000  }
0x1a3: {  	[tilespmem:s20], [sflag:$0x1] =	stream.indirect.gather [hbm4b:s1+s18], $0x80, s3, s18, $0xb8;
	[tilespmem:$0x1D000] =	vst v63  }
0x1a4: {  	_ =	swait.ge [sflag:s21], $0x4000  }
0x1a5: {  	[sflag:s21] =	ssyncset.done $0x0  }
0x1a6: {  	[sflag:s21] =	ssyncadd.s32 $0xFFFFC000  }
0x1a7: {  	[spmem:s2] =	stream.indirect.scatter.add.f32 [tilespmem:s19], [sflag:$0x3], $0x80, s11, s18, $0xb8;
	[tilespmem:$0x1D000] =	vst v63  }
0x1a8: {  	_ =	swait.ge [sflag:s16], $0x4000  }
0x1a9: {  	[sflag:s16] =	ssyncset.done $0x0  }
0x1aa: {  	[sflag:s16] =	ssyncadd.s32 $0xFFFFC000  }
0x1ab: {  	[tilespmem:s19], [sflag:$0x2] =	stream.indirect.gather [hbm4b:s1+s18], $0x80, s12, s18, $0xb8;
	[tilespmem:$0x1D000] =	vst v63  }
0x1ac: {  	_ =	swait.ge [sflag:s23], $0x4000  }
0x1ad: {  	[sflag:s23] =	ssyncset.done $0x0  }
0x1ae: {  	[sflag:s23] =	ssyncadd.s32 $0xFFFFC000  }
0x1af: {  	[spmem:s2] =	stream.indirect.scatter.add.f32 [tilespmem:s20], [sflag:$0x3], $0x80, s13, s18, $0xb8;
	[tilespmem:$0x1D000] =	vst v63  }
0x1b0: {  	_ =	swait.ge [sflag:s16], $0x4000  }
0x1b1: {  	[sflag:s16] =	ssyncset.done $0x0  }
0x1b2: {  	[sflag:s16] =	ssyncadd.s32 $0xFFFFC000  }
0x1b3: {  	[tilespmem:s20], [sflag:$0x1] =	stream.indirect.gather [hbm4b:s1+s18], $0x80, s14, s18, $0xb8;
	[tilespmem:$0x1D000] =	vst v63  }
0x1b4: {  	_ =	swait.ge [sflag:s21], $0x4000  }
0x1b5: {  	[sflag:s21] =	ssyncset.done $0x0  }
0x1b6: {  	[sflag:s21] =	ssyncadd.s32 $0xFFFFC000  }
0x1b7: {  	[spmem:s2] =	stream.indirect.scatter.add.f32 [tilespmem:s19], [sflag:$0x3], $0x80, s15, s18, $0xb8;
	[tilespmem:$0x1D000] =	vst v63  }
0x1b8: {  	_ =	swait.ge [sflag:s16], $0x4000  }
0x1b9: {  	[sflag:s16] =	ssyncset.done $0x0  }
0x1ba: {  	[sflag:s16] =	ssyncadd.s32 $0xFFFFC000  }
0x1bb: {  	[tilespmem:s19], [sflag:$0x2] =	stream.indirect.gather [hbm4b:s1+s18], $0x80, s9, s18, $0xb8;
	[tilespmem:$0x1D000] =	vst v63  }
0x1bc: {  	_ =	swait.ge [sflag:s23], $0x4000  }
0x1bd: {  	[sflag:s23] =	ssyncset.done $0x0  }
0x1be: {  	[sflag:s23] =	ssyncadd.s32 $0xFFFFC000  }
0x1bf: {  	[spmem:s2] =	stream.indirect.scatter.add.f32 [tilespmem:s20], [sflag:$0x3], $0x80, s22, s18, $0xb8;
	[tilespmem:$0x1D000] =	vst v63  }
0x1c0: {  	_ =	swait.ge [sflag:s16], $0x4000  }
0x1c1: {  	[sflag:s16] =	ssyncset.done $0x0  }
0x1c2: {  	[sflag:s16] =	ssyncadd.s32 $0xFFFFC000  }
0x1c3: {  	[tilespmem:s20], [sflag:$0x1] =	stream.indirect.gather [hbm4b:s1+s18], $0x80, s24, s18, $0xb8;
	[tilespmem:$0x1D000] =	vst v63  }
0x1c4: {  	_ =	swait.ge [sflag:s21], $0x4000  }
0x1c5: {  	[sflag:s21] =	ssyncset.done $0x0  }
0x1c6: {  	[sflag:s21] =	ssyncadd.s32 $0xFFFFC000  }
0x1c7: {  	[spmem:s2] =	stream.indirect.scatter.add.f32 [tilespmem:s19], [sflag:$0x3], $0x80, s25, s18, $0xb8;
	[tilespmem:$0x1D000] =	vst v63  }
0x1c8: {  	_ =	swait.ge [sflag:s16], $0x4000  }
0x1c9: {  	[sflag:s16] =	ssyncset.done $0x0  }
0x1ca: {  	p0 =	sne.s32 s7, $0x1800;
	[sflag:s16] =	ssyncadd.s32 $0xFFFFC000  }
.Ltmp1:
0x1cb: {  	_ =	swait.ge [sflag:s23], $0x4000;
	(pc) =	sbr.rel @p0 .LBB2_4-.Ltmp1, $4  }
0x1cc: {  	[sflag:s23] =	ssyncset.done $0x0  }
0x1cd: {  	[sflag:s23] =	ssyncadd.s32 $0xFFFFC000  }
0x1ce: {  	[spmem:s2] =	stream.indirect.scatter.add.f32 [tilespmem:s20], [sflag:$0x3], $0x80, s26, s18, $0xb8;
	[tilespmem:$0x1D000] =	vst v63  }
0x1cf: {  	s7 =	sadd.s32 $0x800, s7;
	_ =	swait.ge [sflag:s16], $0x4000  }
0x1d0: {  	[sflag:s16] =	ssyncset.done $0x0  }
0x1d1: {  	[sflag:s16] =	ssyncadd.s32 $0xFFFFC000  }
0x1d2: {  	s7 =	stileid.u32;
	[bflag:$0x0] =	sbarrier.arrive $0xFFFF  }
0x1d3: {  	s7 =	sshll.u32 s7, $0x6;
	s9 =	rddreg [dreg:$0x7]  }
0x1d4: {  	s7 =	sor.u32 $0x1C03, s7;
	s10 =	rddreg [dreg:$0x8];
	s8 =	sshrl.u32 s9, $0x3  }
0x1d5: {  	[hbm:s10], [sflag:s7] =	dma.local [spmem:s8], $0x2800  }
0x1d6: {  	_ =	swait.ge [sflag:s16], $0x2800  }
0x1d7: {  	s0 =	rddreg [dreg:$0xe]  }
0x1d8: {  	s31 =	rddreg [dreg:$0x9];
	s0 =	sadd.s32 $0x1, s0  }
0x1d9: {  	p0 =	sne.s32 s0, s31  }
.Ltmp2:
0x1da: {  	_ = 	snop;
	(pc) =	sbr.rel @p0 .LBB2_1-.Ltmp2, $3  }
0x1db: {  	_ =	sdelay $0x1  }
0x1dc: {  	[sflag:s16] =	ssyncset.done $0x0  }
0x1dd: {  	[sflag:s16] =	ssyncadd.s32 $0xFFFFD800  }
0x1de: {  	_ =	sfence.sel $0x180000  }
0x1df: {  	[bflag:$0x0] =	sbarrier.arrive $0xFFFF  }
0x1e0: {  	_ =	strace $0x9000004A  }
0x1e1: {  	s0 =	stileid.u32;
	[bflag:$0x2] =	sbarrier.arrive $0xFFFF  }
0x1e2: {  	p0 =	sne.s32 s0, $0x0;
	s0 =	rddreg [dreg:$0x3]  }
0x1e3: {  	s0 =	sadd.s32 @!p0 $0x100000, s0  }
0x1e4: {  	[sflag:s0] =	ssyncadd.tile.s32 @!p0 $0x1;
	_ =	shalt  }
.Lfunc_end2:
_tile_overlayer_lowered:
.L_overlay_start_2:
0x1e5: {  	(tag) =	ssettag $0x2  }
0x1e6: {  	s0 =	rddreg [dreg:$0x0];
	s2 =	stileid.u32  }
0x1e7: {  	s1 =	rddreg [dreg:$0x1];
	p0 =	sne.s32 s2, $0x0  }
0x1e8: {  	s3 =	rddreg [dreg:$0x2];
	[bflag:$0x3] =	sbarrier.arrive $0xFFFF;
	s2 =	simm.s32 @!p0 $0x1C03  }
0x1e9: {  	[timem:s3], [sflag:s2] =	dma.local @!p0 [hbm:s0], s1  }
0x1ea: {  	s0 =	simm.s32 @!p0 $0x3  }
0x1eb: {  	_ =	swait.ge @!p0 [sflag:s0], s1  }
0x1ec: {  	s1 =	ssub.s32 @!p0 $0x0, s1;
	[sflag:s0] =	ssyncset.done @!p0 $0x0  }
0x1ed: {  	[sflag:s0] =	ssyncadd.s32 @!p0 s1  }
0x1ee: {  	[bflag:$0x3] =	sbarrier.arrive $0xFFFF  }
0x1ef: {  	_ =	shalt  }

// kernel: kernel.14.cloned.1.call-start
scs
__scs_entry_jumppad:
0x0: {  	(pc) =	sbr.rel $0x88, $3  }
0x1: {  	(tag) =	ssettag $0x0;
	lr =	simm.s32 $0x1  }
0x2: {  	[smem:$0x3F9B] =	sst lr;
	_ =	strace $0xD0000000  }
0x3: {  	_ = 	snop  }
0x4: {  	_ = 	snop  }
0x5: {  	_ = 	snop  }
0x6: {  	_ = 	snop  }
0x7: {  	_ = 	snop  }
__scs_overlays_trampoline_lowered:
0x8: {  	[smem:$0x3FAA] =	sst s0  }
0x9: {  	[smem:$0x3FAB] =	sst s1  }
0xa: {  	[smem:$0x3FAC] =	sst s2  }
0xb: {  	[smem:$0x3FAD] =	sst s3  }
0xc: {  	[smem:$0x3FAE] =	sst s4  }
0xd: {  	[smem:$0x3FAF] =	sst s5  }
0xe: {  	[smem:$0x3FB0] =	sst s6  }
0xf: {  	[smem:$0x3FB1] =	sst s7  }
0x10: {  	[smem:$0x3FB2] =	sst s8  }
0x11: {  	[smem:$0x3FB3] =	sst s9;
	s0 =	simm.s32 @!p0 $0x0  }
0x12: {  	s1 =	sld [smem:$0x3F99];
	s0 =	simm.s32 @p0 $0x1  }
0x13: {  	[smem:$0x3FB4] =	sst s0;
	s0 =	simm.s32 @!p1 $0x0  }
0x14: {  	s2 =	sld [smem:$0x3F98];
	s0 =	simm.s32 @p1 $0x1  }
0x15: {  	[smem:$0x3FB5] =	sst s0;
	s0 =	simm.s32 @!p2 $0x0  }
0x16: {  	s3 =	sld [smem:$0x3FDB];
	s0 =	simm.s32 @p2 $0x1  }
0x17: {  	s4 =	simm.s32 $0x1BF5;
	[smem:$0x3FB7] =	sst s0  }
0x18: {  	s0 =	sld [smem:$0x3F9A];
	_ =	swait.ge [sflag:s4], $0x0  }
0x19: {  	s7 =	sld [smem:$0x3F9B]  }
0x1a: {  	s8 =	sadd.s32 $0xFFFFE003, lr  }
0x1b: {  	s9 =	sadd.s32 $0xFFFFFEF7, lr;
	s5 =	simm.s32 $0xFFFFFFFF;
	p2 =	slt.u32 s8, $0xFFFFF086  }
0x1c: {  	p1 =	slt.u32 s9, $0xF7A;
	s5 =	simm.s32 @!p2 $0x0  }
0x1d: {  	s5 =	simm.s32 @p1 $0x1;
	p0 =	seq.s32 s7, s2  }
0x1e: {  	s7 =	smul.u32 @!p0 $0xF7A, s2;
	p2 =	seq.s32 @!p0 s5, $0x0  }
0x1f: {  	s9 =	smul.u32 $0xF7A, s1;
	s8 =	simm.s32 @!p0 $0x1BF5;
	p2 =	por !p2, p0  }
0x20: {  	[sflag:s8] =	ssyncset.s32 @!p0 $0xFFFFF086;
	s6 =	sadd.s32 @!p0 s3, s7;
	s7 =	simm.s32 @!p0 $0x108  }
0x21: {  	s3 =	sadd.s32 s3, s9;
	s6 =	sadd.s32 @!p0 $0x88, s6;
	s7 =	simm.s32 @p2 $0x1082  }
0x22: {  	[simem:s7], [sflag:s8] =	dma.local @!p0 [hbm:s6], $0xF7A  }
0x23: {  	s9 =	sor.u32 $0xD0000000, s2;
	s6 =	simm.s32 $0x108;
	_ =	swait.ge @!p0 [sflag:s8], $0x0  }
0x24: {  	s3 =	sadd.s32 $0x88, s3;
	s6 =	simm.s32 @!p1 $0x1082;
	[sflag:s4] =	ssyncset.s32 $0xFFFFF086  }
0x25: {  	[simem:s6], [sflag:s4] =	dma.local [hbm:s3], $0xF7A  }
0x26: {  	[smem:$0x3F9B] =	sst s1;
	(tag) =	ssettag s2;
	_ =	strace s9  }
0x27: {  	s1 =	sld [smem:$0x3FAB]  }
0x28: {  	s2 =	sld [smem:$0x3FAC]  }
0x29: {  	s4 =	sld [smem:$0x3FAE]  }
0x2a: {  	p0 =	seq.s32 s5, $0x0;
	s5 =	sld [smem:$0x3FAF]  }
0x2b: {  	s6 =	sld [smem:$0x3FB0]  }
0x2c: {  	s7 =	sld [smem:$0x3FB1]  }
0x2d: {  	s3 =	simm.s32 $0x108;
	s8 =	sld [smem:$0x3FB2]  }
0x2e: {  	s3 =	simm.s32 @!p0 $0x1082;
	s9 =	sld [smem:$0x3FB3]  }
0x2f: {  	lr =	sadd.s32 s0, s3;
	s0 =	sld [smem:$0x3FAA]  }
0x30: {  	s3 =	sld [smem:$0x3FAD]  }
0x31: {  	[smem:$0x3FB6] =	sst s10  }
0x32: {  	s10 =	sld [smem:$0x3FB4];
	_ =	sdelay $0x3  }
0x33: {  	p0 =	seq.s32 s10, $0x1;
	s10 =	sld [smem:$0x3FB6];
	_ =	sdelay $0x3  }
0x34: {  	[smem:$0x3FB6] =	sst s10  }
0x35: {  	s10 =	sld [smem:$0x3FB5];
	_ =	sdelay $0x3  }
0x36: {  	p1 =	seq.s32 s10, $0x1;
	s10 =	sld [smem:$0x3FB6];
	_ =	sdelay $0x3  }
0x37: {  	[smem:$0x3FB6] =	sst s10  }
0x38: {  	s10 =	sld [smem:$0x3FB7]  }
0x39: {  	_ = 	snop;
	(pc) =	sbr.ind lr, $3  }
0x3a: {  	_ = 	snop  }
0x3b: {  	_ = 	snop  }
0x3c: {  	p2 =	seq.s32 s10, $0x1;
	s10 =	sld [smem:$0x3FB6]  }
0x3d: {  	_ =	shalt  }
0x3e: {  	_ =	shalt  }
0x3f: {  	_ =	shalt  }
0x40: {  	_ =	shalt  }
0x41: {  	_ =	shalt  }
0x42: {  	_ =	shalt  }
0x43: {  	_ =	shalt  }
0x44: {  	_ =	shalt  }
0x45: {  	_ =	shalt  }
0x46: {  	_ =	shalt  }
0x47: {  	_ =	shalt  }
0x48: {  	_ =	shalt  }
0x49: {  	_ =	shalt  }
0x4a: {  	_ =	shalt  }
0x4b: {  	_ =	shalt  }
0x4c: {  	_ =	shalt  }
0x4d: {  	_ =	shalt  }
0x4e: {  	_ =	shalt  }
0x4f: {  	_ =	shalt  }
0x50: {  	_ =	shalt  }
0x51: {  	_ =	shalt  }
0x52: {  	_ =	shalt  }
0x53: {  	_ =	shalt  }
0x54: {  	_ =	shalt  }
0x55: {  	_ =	shalt  }
0x56: {  	_ =	shalt  }
0x57: {  	_ =	shalt  }
0x58: {  	_ =	shalt  }
0x59: {  	_ =	shalt  }
0x5a: {  	_ =	shalt  }
0x5b: {  	_ =	shalt  }
0x5c: {  	_ =	shalt  }
0x5d: {  	_ =	shalt  }
0x5e: {  	_ =	shalt  }
0x5f: {  	_ =	shalt  }
0x60: {  	_ =	shalt  }
0x61: {  	_ =	shalt  }
0x62: {  	_ =	shalt  }
0x63: {  	_ =	shalt  }
0x64: {  	_ =	shalt  }
0x65: {  	_ =	shalt  }
0x66: {  	_ =	shalt  }
0x67: {  	_ =	shalt  }
0x68: {  	_ =	shalt  }
0x69: {  	_ =	shalt  }
0x6a: {  	_ =	shalt  }
0x6b: {  	_ =	shalt  }
0x6c: {  	_ =	shalt  }
0x6d: {  	_ =	shalt  }
0x6e: {  	_ =	shalt  }
0x6f: {  	_ =	shalt  }
0x70: {  	_ =	shalt  }
0x71: {  	_ =	shalt  }
0x72: {  	_ =	shalt  }
0x73: {  	_ =	shalt  }
0x74: {  	_ =	shalt  }
0x75: {  	_ =	shalt  }
0x76: {  	_ =	shalt  }
0x77: {  	_ =	shalt  }
0x78: {  	_ =	shalt  }
0x79: {  	_ =	shalt  }
0x7a: {  	_ =	shalt  }
0x7b: {  	_ =	shalt  }
0x7c: {  	_ =	shalt  }
0x7d: {  	_ =	shalt  }
0x7e: {  	_ =	shalt  }
0x7f: {  	_ =	shalt  }
0x80: {  	_ =	shalt  }
0x81: {  	_ =	shalt  }
0x82: {  	_ =	shalt  }
0x83: {  	_ =	shalt  }
0x84: {  	_ =	shalt  }
0x85: {  	_ =	shalt  }
0x86: {  	_ =	shalt  }
0x87: {  	_ =	shalt  }
.Lfunc_end0:
.L_simem_size_0:
called_computation.2_lowered:
.L_overlay_start_0:
0x88: {  	s2 =	sld [smem:$0x3FD9]  }
0x89: {  	s3 =	sld [smem:$0x3FFE];
	_ =	sdelay $0x1  }
0x8a: {  	s1 =	srdreg.scid  }
0x8b: {  	s0 =	sand.u32 $0x1, s1  }
0x8c: {  	s17 =	sshll.u32 s0, $0xA;
	s2 =	sadd.s32 s3, s2  }
0x8d: {  	s2 =	sadd.s32 s2, s17  }
0x8e: {  	[smem:$0x3FC2] =	sst s2  }
0x8f: {  	_ = 	snop  }
0x90: {  	s2 =	sld [smem:$0x3FD0];
	(tm) =	ssettm $0x1  }
0x91: {  	s18 =	sld [smem:$0x3FFB];
	_ =	sdelay $0x3  }
0x92: {  	_ =	strace s18  }
0x93: {  	s3 =	sld [smem:$0x3FFC];
	_ =	sdelay $0x3  }
0x94: {  	_ =	strace s3  }
0x95: {  	s3 =	sld [smem:$0x3FFD];
	_ =	sdelay $0x3  }
0x96: {  	_ =	strace s3  }
0x97: {  	_ =	strace $0x8FFFFFFF  }
0x98: {  	s19 =	sld [smem:$0x3FDB];
	_ =	sdelay $0x1  }
0x99: {  	s4 =	simm.s32 $_scs_section_size  }
0x9a: {  	s5 =	simm.s32 $_size__tile_overlayer_lowered;
	s6 =	simm.s32 $_tile_overlayer_lowered  }
0x9b: {  	s22 =	simm.s32 $0x1BFF;
	s21 =	sshll.u32 s6, $0x1;
	s3 =	sadd.s32 s4, s19  }
0x9c: {  	s7 =	simm.s32 $0x0;
	s20 =	sshll.u32 s5, $0x1;
	s5 =	sadd.s32 s21, s3  }
0x9d: {  	[timem:s7], [sflag:s22] =	dma.local [hbm:s5], s20  }
0x9e: {  	_ =	swait.ge [sflag:s22], s20  }
0x9f: {  	s4 =	ssub.s32 $0x0, s20;
	[sflag:s22] =	ssyncset.done $0x0  }
0xa0: {  	[sflag:s22] =	ssyncadd.s32 s4;
	_ =	sdelay $0x1  }
0xa1: {  	s23 =	simm.s32 $0x1B8B  }
0xa2: {  	_ =	swait.ge [sflag:s23], $0x1  }
0xa3: {  	[sflag:s23] =	ssyncset.done $0x0  }
0xa4: {  	s25 =	simm.s32 $0x1B8E;
	s24 =	sld [smem:$0x3FFE];
	[sflag:s23] =	ssyncadd.s32 $0xFFFFFFFF  }
0xa5: {  	s26 =	simm.s32 $execute0_lowered;
	[smem:$0x3FD2] =	sst s25  }
0xa6: {  	s5 =	sshll.u32 s26, $0x1;
	_ =	strace $0x8000004C;
	[dreg:$0x1] =	wrdreg $0xFFFFFFFF  }
0xa7: {  	s28 =	simm.s32 $_size_execute0_lowered;
	s3 =	sadd.s32 s3, s5;
	[dreg:$0x0] =	wrdreg $0x0  }
0xa8: {  	s5 =	sshll.u32 s28, $0x1;
	[dreg:$0x2] =	wrdreg s3  }
0xa9: {  	[dreg:$0x3] =	wrdreg s5  }
0xaa: {  	[dreg:$0x4] =	wrdreg $0xC0  }
0xab: {  	_ =	task [dreg:s7], $0x5FFFF  }
0xac: {  	[dreg:$0x1] =	wrdreg $0xFFFFFFFF  }
0xad: {  	[dreg:$0x0] =	wrdreg $0x60  }
0xae: {  	[dreg:$0x2] =	wrdreg s2  }
0xaf: {  	[dreg:$0x3] =	wrdreg s24  }
0xb0: {  	[dreg:$0x4] =	wrdreg $0x90000  }
0xb1: {  	[dreg:$0x5] =	wrdreg $0x9  }
0xb2: {  	_ =	task.clear_ibuf [dreg:s7], $0x6FFFF;
	_ =	strace $0x9000004C  }
0xb3: {  	s29 =	simm.s32 $0x9;
	_ =	strace $0x8000004E  }
0xb4: {  	_ =	swait.ge [sflag:s29], $0x1  }
0xb5: {  	[sflag:s29] =	ssyncadd.s32 $0xFFFFFFFF  }
0xb6: {  	_ =	strace $0x9000004E  }
0xb7: {  	_ =	sfence  }
0xb8: {  	s30 =	sld [smem:$0x0];
	_ =	sdelay $0x2  }
0xb9: {  	s31 =	sshll.u32 s1, $0xD;
	s1 =	sshrl.u32 s1, $0x2  }
0xba: {  	s3 =	sand.u32 $0x4000, s31;
	s1 =	sadd.s32 s1, s30  }
0xbb: {  	s0 =	sor.u32 s3, s0;
	s1 =	sshll.u32 s1, $0x11  }
0xbc: {  	s0 =	sor.u32 s1, s0  }
0xbd: {  	s0 =	sadd.s32 $0x8F2B, s0  }
0xbe: {  	[sflag:s0] =	ssyncadd.remote.s32 $0x1  }
0xbf: {  	_ =	sfence.sel $0xFFFF  }
0xc0: {  	[dreg:$0x0] =	wrdreg $0xFFFFFFFF;
	(pc) =	sbr.abs _section_cstart, $3  }
0xc1: {  	[dreg:$0x1] =	wrdreg $0xFFFFFFFF  }
0xc2: {  	_ =	task.clear_ibuf [dreg:s7], $0x2FFFF;
	_ =	strace $0x9FFFFFFF  }
0xc3: {  	(tm) =	ssettm $0x7FFFFFFF  }
tec
execute0_lowered:
.L_overlay_start_1:
0x0: {  	(tag) =	ssettag $0x1  }
0x1: {  	s1 =	rddreg [dreg:$0x0]  }
0x2: {  	s0 =	rddreg [dreg:$0x1]  }
0x3: {  	s2 =	rddreg [dreg:$0x2];
	s4 =	simm.s32 $0x0;
	s12 =	stileid.u32  }
0x4: {  	s3 =	srdreg.scid;
	s16 =	simm.s32 $0x3;
	s8 =	smul.u32 $0x14000, s12  }
0x5: {  	s23 =	simm.s32 $0x1;
	s28 =	simm.s32 $0xB80;
	s11 =	smul.u32 $0x50000, s12  }
0x6: {  	[smem:$0x7FF] =	sst s4;
	s3 =	sand.u32 $0x1, s3;
	s21 =	smul.u32 $0x2800, s12  }
0x7: {  	s5 =	sadd.s32 $0xCC00, s0;
	s6 =	sadd.s32 $0x2C00, s0;
	s7 =	smul.u32 $0x140000, s3  }
0x8: {  	_ =	strace $0x8000004D;
	s9 =	sshll.u32 s3, $0x4;
	s17 =	ssub.s32 $0x2, s3  }
0x9: {  	s3 =	smul.u32 $0x28000, s3;
	s10 =	sshrl.u32 s17, $0x1;
	s20 =	sshrl.u32 s11, $0x2  }
0xa: {  	s9 =	sor.u32 s12, s9;
	s18 =	ssub.s32 s17, s10;
	s22 =	sadd.s32 s20, s2  }
0xb: {  	s7 =	sadd.s32 s8, s7;
	s24 =	smax.u32 s18, $0x1;
	[dreg:$0x7] =	wrdreg s22  }
0xc: {  	s9 =	smul.u32 $0x500, s9;
	s25 =	sadd.s32 $0x4000, s22;
	[dreg:$0x9] =	wrdreg s24  }
0xd: {  	s26 =	sadd.s32 s21, s3;
	s29 =	sadd.s32 $0x8000, s22;
	[dreg:$0xa] =	wrdreg s25  }
0xe: {  	s17 =	simm.s32 $0x800;
	s30 =	sadd.s32 $0xC000, s22;
	[dreg:$0xb] =	wrdreg s29  }
0xf: {  	s20 =	simm.s32 $0x1000;
	s31 =	sadd.s32 $0x10000, s22;
	[dreg:$0xc] =	wrdreg s30  }
0x10: {  	s7 =	sshrl.u32 s7, $0x3;
	s19 =	sadd.s32 s5, s9;
	[dreg:$0xd] =	wrdreg s31  }
0x11: {  	s0 =	sadd.s32 s7, s0;
	s9 =	sadd.s32 s6, s9;
	[dreg:$0x5] =	wrdreg s19  }
0x12: {  	s21 =	simm.s32 $0x2;
	[dreg:$0x6] =	wrdreg s9;
	s0 =	sadd.s32 $0x16C00, s0  }
0x13: {  	s18 =	simm.s32 $0x80;
	[dreg:$0x8] =	wrdreg s0;
	s0 =	sadd.s32 $0x800, s26  }
0x14: {  	v0 =	vimm.f32 $0.0e+00;
	s19 =	simm.s32 $0x5000;
	[dreg:$0x4] =	wrdreg s0;
	s0 =	simm.s32 $0x0  }
.LBB2_1:
0x15: {  	[dreg:$0xe] =	wrdreg s0  }
0x16: {  	s7 =	rddreg [dreg:$0x5]  }
0x17: {  	[tilespmem:s4], [sflag:$0x3] =	stream.linear.gather [hbm4b:s7+s4], $0x800, $0x38;
	[tilespmem:$0x1D000] =	vst v63  }
0x18: {  	_ =	swait.ge [sflag:s16], $0x800  }
0x19: {  	[sflag:s16] =	ssyncset.done $0x0  }
0x1a: {  	s30 =	rddreg [dreg:$0x6];
	[sflag:s16] =	ssyncadd.s32 $0xFFFFF800  }
0x1b: {  	[tilespmem:s17], [sflag:$0x3] =	stream.linear.gather [hbm4b:s30+s4], $0x800, $0x38;
	[tilespmem:$0x1D000] =	vst v63  }
0x1c: {  	s31 =	sand.u32 $0xFE00, s4;
	s8 =	sand.u32 $0x70, s4;
	_ =	swait.ge [sflag:s16], $0x800  }
0x1d: {  	s10 =	sshrl.u32 s31, $0x2;
	s7 =	simm.s32 $0x40;
	[sflag:s16] =	ssyncset.done $0x0  }
0x1e: {  	s10 =	sor.u32 s8, s10;
	s8 =	simm.s32 $0x0;
	[sflag:s16] =	ssyncadd.s32 $0xFFFFF800  }
0x1f: {  	[tilespmem:s19], [sflag:$0x2] =	stream.indirect.gather [hbm4b:s1+s18], $0x80, s4, s18, $0xb8;
	[tilespmem:$0x1D000] =	vst v63  }
.LBB2_2:
0x20: {  	p0 =	sne.s32 s7, $0xFFC0  }
0x21: {  	[tilespmem:s10+$0x1000] =	vst v0;
	s8 =	sadd.s32 $0x10, s8;
	s10 =	smov.u32 s7;
	s7 =	sadd.s32 $0x40, s7  }
.Ltmp0:
0x22: {  	(pc) =	sbr.rel @p0 .LBB2_2-.Ltmp0, $4  }
0x23: {  	_ = 	snop  }
0x24: {  	s10 =	sand.u32 $0xFE00, s10  }
0x25: {  	s11 =	sand.u32 $0x70, s8;
	s10 =	sshrl.u32 s10, $0x2  }
0x26: {  	s10 =	sor.u32 s11, s10  }
0x27: {  	[tilespmem:s10+$0x1000] =	vst v0;
	s0 =	rddreg [dreg:$0x7]  }
0x28: {  	[spmem:s0] =	stream.linear.scatter [tilespmem:s20], [sflag:$0x3], $0x4000, $0x38;
	[tilespmem:$0x1D000] =	vst v63  }
0x29: {  	_ =	swait.ge [sflag:s16], $0x4000  }
0x2a: {  	[sflag:s16] =	ssyncset.done $0x0  }
0x2b: {  	s7 =	rddreg [dreg:$0xa];
	[sflag:s16] =	ssyncadd.s32 $0xFFFFC000  }
0x2c: {  	[spmem:s7] =	stream.linear.scatter [tilespmem:s20], [sflag:$0x3], $0x4000, $0x38;
	[tilespmem:$0x1D000] =	vst v63  }
0x2d: {  	_ =	swait.ge [sflag:s16], $0x4000  }
0x2e: {  	[sflag:s16] =	ssyncset.done $0x0  }
0x2f: {  	s26 =	rddreg [dreg:$0xb];
	[sflag:s16] =	ssyncadd.s32 $0xFFFFC000  }
0x30: {  	[spmem:s26] =	stream.linear.scatter [tilespmem:s20], [sflag:$0x3], $0x4000, $0x38;
	[tilespmem:$0x1D000] =	vst v63  }
0x31: {  	_ =	swait.ge [sflag:s16], $0x4000  }
0x32: {  	[sflag:s16] =	ssyncset.done $0x0  }
0x33: {  	s0 =	rddreg [dreg:$0xc];
	[sflag:s16] =	ssyncadd.s32 $0xFFFFC000  }
0x34: {  	[spmem:s0] =	stream.linear.scatter [tilespmem:s20], [sflag:$0x3], $0x4000, $0x38;
	[tilespmem:$0x1D000] =	vst v63  }
0x35: {  	_ =	swait.ge [sflag:s16], $0x4000  }
0x36: {  	[sflag:s16] =	ssyncset.done $0x0  }
0x37: {  	s3 =	rddreg [dreg:$0xd];
	[sflag:s16] =	ssyncadd.s32 $0xFFFFC000  }
0x38: {  	[spmem:s3] =	stream.linear.scatter [tilespmem:s20], [sflag:$0x3], $0x4000, $0x38;
	[tilespmem:$0x1D000] =	vst v63  }
0x39: {  	_ =	swait.ge [sflag:s16], $0x4000  }
0x3a: {  	[sflag:s16] =	ssyncset.done $0x0  }
0x3b: {  	[sflag:s16] =	ssyncadd.s32 $0xFFFFC000  }
0x3c: {  	[bflag:$0x0] =	sbarrier.arrive $0xFFFF  }
0x3d: {  	[tilespmem:s20], [sflag:$0x1] =	stream.indirect.gather [hbm4b:s1+s18], $0x80, s18, s18, $0xb8;
	[tilespmem:$0x1D000] =	vst v63  }
0x3e: {  	_ =	swait.ge [sflag:s21], $0x4000  }
0x3f: {  	[sflag:s21] =	ssyncset.done $0x0  }
0x40: {  	[sflag:s21] =	ssyncadd.s32 $0xFFFFC000  }
0x41: {  	[spmem:s2] =	stream.indirect.scatter.add.f32 [tilespmem:s19], [sflag:$0x3], $0x80, s17, s18, $0xb8;
	[tilespmem:$0x1D000] =	vst v63  }
0x42: {  	_ =	swait.ge [sflag:s16], $0x4000  }
0x43: {  	[sflag:s16] =	ssyncset.done $0x0  }
0x44: {  	s10 =	simm.s32 $0x100;
	[sflag:s16] =	ssyncadd.s32 $0xFFFFC000  }
0x45: {  	[tilespmem:s19], [sflag:$0x2] =	stream.indirect.gather [hbm4b:s1+s18], $0x80, s10, s18, $0xb8;
	[tilespmem:$0x1D000] =	vst v63  }
0x46: {  	_ =	swait.ge [sflag:s23], $0x4000  }
0x47: {  	[sflag:s23] =	ssyncset.done $0x0  }
0x48: {  	s0 =	simm.s32 $0x880;
	[sflag:s23] =	ssyncadd.s32 $0xFFFFC000  }
0x49: {  	[spmem:s2] =	stream.indirect.scatter.add.f32 [tilespmem:s20], [sflag:$0x3], $0x80, s0, s18, $0xb8;
	[tilespmem:$0x1D000] =	vst v63  }
0x4a: {  	_ =	swait.ge [sflag:s16], $0x4000  }
0x4b: {  	[sflag:s16] =	ssyncset.done $0x0  }
0x4c: {  	s3 =	simm.s32 $0x180;
	[sflag:s16] =	ssyncadd.s32 $0xFFFFC000  }
0x4d: {  	[tilespmem:s20], [sflag:$0x1] =	stream.indirect.gather [hbm4b:s1+s18], $0x80, s3, s18, $0xb8;
	[tilespmem:$0x1D000] =	vst v63  }
0x4e: {  	_ =	swait.ge [sflag:s21], $0x4000  }
0x4f: {  	[sflag:s21] =	ssyncset.done $0x0  }
0x50: {  	s9 =	simm.s32 $0x900;
	[sflag:s21] =	ssyncadd.s32 $0xFFFFC000  }
0x51: {  	[spmem:s2] =	stream.indirect.scatter.add.f32 [tilespmem:s19], [sflag:$0x3], $0x80, s9, s18, $0xb8;
	[tilespmem:$0x1D000] =	vst v63  }
0x52: {  	_ =	swait.ge [sflag:s16], $0x4000  }
0x53: {  	[sflag:s16] =	ssyncset.done $0x0  }
0x54: {  	s11 =	simm.s32 $0x200;
	[sflag:s16] =	ssyncadd.s32 $0xFFFFC000  }
0x55: {  	[tilespmem:s19], [sflag:$0x2] =	stream.indirect.gather [hbm4b:s1+s18], $0x80, s11, s18, $0xb8;
	[tilespmem:$0x1D000] =	vst v63  }
0x56: {  	_ =	swait.ge [sflag:s23], $0x4000  }
0x57: {  	[sflag:s23] =	ssyncset.done $0x0  }
0x58: {  	s12 =	simm.s32 $0x980;
	[sflag:s23] =	ssyncadd.s32 $0xFFFFC000  }
0x59: {  	[spmem:s2] =	stream.indirect.scatter.add.f32 [tilespmem:s20], [sflag:$0x3], $0x80, s12, s18, $0xb8;
	[tilespmem:$0x1D000] =	vst v63  }
0x5a: {  	_ =	swait.ge [sflag:s16], $0x4000  }
0x5b: {  	[sflag:s16] =	ssyncset.done $0x0  }
0x5c: {  	s13 =	simm.s32 $0x280;
	[sflag:s16] =	ssyncadd.s32 $0xFFFFC000  }
0x5d: {  	[tilespmem:s20], [sflag:$0x1] =	stream.indirect.gather [hbm4b:s1+s18], $0x80, s13, s18, $0xb8;
	[tilespmem:$0x1D000] =	vst v63  }
0x5e: {  	_ =	swait.ge [sflag:s21], $0x4000  }
0x5f: {  	[sflag:s21] =	ssyncset.done $0x0  }
0x60: {  	s14 =	simm.s32 $0xA00;
	[sflag:s21] =	ssyncadd.s32 $0xFFFFC000  }
0x61: {  	[spmem:s2] =	stream.indirect.scatter.add.f32 [tilespmem:s19], [sflag:$0x3], $0x80, s14, s18, $0xb8;
	[tilespmem:$0x1D000] =	vst v63  }
0x62: {  	_ =	swait.ge [sflag:s16], $0x4000  }
0x63: {  	[sflag:s16] =	ssyncset.done $0x0  }
0x64: {  	s15 =	simm.s32 $0x300;
	[sflag:s16] =	ssyncadd.s32 $0xFFFFC000  }
0x65: {  	[tilespmem:s19], [sflag:$0x2] =	stream.indirect.gather [hbm4b:s1+s18], $0x80, s15, s18, $0xb8;
	[tilespmem:$0x1D000] =	vst v63  }
0x66: {  	_ =	swait.ge [sflag:s23], $0x4000  }
0x67: {  	[sflag:s23] =	ssyncset.done $0x0  }
0x68: {  	s22 =	simm.s32 $0xA80;
	[sflag:s23] =	ssyncadd.s32 $0xFFFFC000  }
0x69: {  	[spmem:s2] =	stream.indirect.scatter.add.f32 [tilespmem:s20], [sflag:$0x3], $0x80, s22, s18, $0xb8;
	[tilespmem:$0x1D000] =	vst v63  }
0x6a: {  	_ =	swait.ge [sflag:s16], $0x4000  }
0x6b: {  	[sflag:s16] =	ssyncset.done $0x0  }
0x6c: {  	s24 =	simm.s32 $0x380;
	[sflag:s16] =	ssyncadd.s32 $0xFFFFC000  }
0x6d: {  	[tilespmem:s20], [sflag:$0x1] =	stream.indirect.gather [hbm4b:s1+s18], $0x80, s24, s18, $0xb8;
	[tilespmem:$0x1D000] =	vst v63  }
0x6e: {  	_ =	swait.ge [sflag:s21], $0x4000  }
0x6f: {  	[sflag:s21] =	ssyncset.done $0x0  }
0x70: {  	s25 =	simm.s32 $0xB00;
	[sflag:s21] =	ssyncadd.s32 $0xFFFFC000  }
0x71: {  	[spmem:s2] =	stream.indirect.scatter.add.f32 [tilespmem:s19], [sflag:$0x3], $0x80, s25, s18, $0xb8;
	[tilespmem:$0x1D000] =	vst v63  }
0x72: {  	_ =	swait.ge [sflag:s16], $0x4000  }
0x73: {  	[sflag:s16] =	ssyncset.done $0x0  }
0x74: {  	s26 =	simm.s32 $0x400;
	[sflag:s16] =	ssyncadd.s32 $0xFFFFC000  }
0x75: {  	[tilespmem:s19], [sflag:$0x2] =	stream.indirect.gather [hbm4b:s1+s18], $0x80, s26, s18, $0xb8;
	[tilespmem:$0x1D000] =	vst v63  }
0x76: {  	_ =	swait.ge [sflag:s23], $0x4000  }
0x77: {  	[sflag:s23] =	ssyncset.done $0x0  }
0x78: {  	s29 =	simm.s32 $0xB80;
	[sflag:s23] =	ssyncadd.s32 $0xFFFFC000  }
0x79: {  	[spmem:s2] =	stream.indirect.scatter.add.f32 [tilespmem:s20], [sflag:$0x3], $0x80, s29, s18, $0xb8;
	[tilespmem:$0x1D000] =	vst v63  }
0x7a: {  	_ =	swait.ge [sflag:s16], $0x4000  }
0x7b: {  	[sflag:s16] =	ssyncset.done $0x0  }
0x7c: {  	s30 =	simm.s32 $0x480;
	[sflag:s16] =	ssyncadd.s32 $0xFFFFC000  }
0x7d: {  	[tilespmem:s20], [sflag:$0x1] =	stream.indirect.gather [hbm4b:s1+s18], $0x80, s30, s18, $0xb8;
	[tilespmem:$0x1D000] =	vst v63  }
0x7e: {  	_ =	swait.ge [sflag:s21], $0x4000  }
0x7f: {  	[sflag:s21] =	ssyncset.done $0x0  }
0x80: {  	s31 =	simm.s32 $0xC00;
	[sflag:s21] =	ssyncadd.s32 $0xFFFFC000  }
0x81: {  	[spmem:s2] =	stream.indirect.scatter.add.f32 [tilespmem:s19], [sflag:$0x3], $0x80, s31, s18, $0xb8;
	[tilespmem:$0x1D000] =	vst v63  }
0x82: {  	_ =	swait.ge [sflag:s16], $0x4000  }
0x83: {  	[sflag:s16] =	ssyncset.done $0x0  }
0x84: {  	s8 =	simm.s32 $0x500;
	[sflag:s16] =	ssyncadd.s32 $0xFFFFC000  }
0x85: {  	[tilespmem:s19], [sflag:$0x2] =	stream.indirect.gather [hbm4b:s1+s18], $0x80, s8, s18, $0xb8;
	[tilespmem:$0x1D000] =	vst v63  }
0x86: {  	_ =	swait.ge [sflag:s23], $0x4000  }
0x87: {  	[sflag:s23] =	ssyncset.done $0x0  }
0x88: {  	s8 =	simm.s32 $0xC80;
	[sflag:s23] =	ssyncadd.s32 $0xFFFFC000  }
0x89: {  	[spmem:s2] =	stream.indirect.scatter.add.f32 [tilespmem:s20], [sflag:$0x3], $0x80, s8, s18, $0xb8;
	[tilespmem:$0x1D000] =	vst v63  }
0x8a: {  	_ =	swait.ge [sflag:s16], $0x4000  }
0x8b: {  	[sflag:s16] =	ssyncset.done $0x0  }
0x8c: {  	s8 =	simm.s32 $0x580;
	[sflag:s16] =	ssyncadd.s32 $0xFFFFC000  }
0x8d: {  	[tilespmem:s20], [sflag:$0x1] =	stream.indirect.gather [hbm4b:s1+s18], $0x80, s8, s18, $0xb8;
	[tilespmem:$0x1D000] =	vst v63  }
0x8e: {  	_ =	swait.ge [sflag:s21], $0x4000  }
0x8f: {  	[sflag:s21] =	ssyncset.done $0x0  }
0x90: {  	s8 =	simm.s32 $0xD00;
	[sflag:s21] =	ssyncadd.s32 $0xFFFFC000  }
0x91: {  	[spmem:s2] =	stream.indirect.scatter.add.f32 [tilespmem:s19], [sflag:$0x3], $0x80, s8, s18, $0xb8;
	[tilespmem:$0x1D000] =	vst v63  }
0x92: {  	_ =	swait.ge [sflag:s16], $0x4000  }
0x93: {  	[sflag:s16] =	ssyncset.done $0x0  }
0x94: {  	s8 =	simm.s32 $0x600;
	[sflag:s16] =	ssyncadd.s32 $0xFFFFC000  }
0x95: {  	[tilespmem:s19], [sflag:$0x2] =	stream.indirect.gather [hbm4b:s1+s18], $0x80, s8, s18, $0xb8;
	[tilespmem:$0x1D000] =	vst v63  }
0x96: {  	_ =	swait.ge [sflag:s23], $0x4000  }
0x97: {  	[sflag:s23] =	ssyncset.done $0x0  }
0x98: {  	s8 =	simm.s32 $0xD80;
	[sflag:s23] =	ssyncadd.s32 $0xFFFFC000  }
0x99: {  	[spmem:s2] =	stream.indirect.scatter.add.f32 [tilespmem:s20], [sflag:$0x3], $0x80, s8, s18, $0xb8;
	[tilespmem:$0x1D000] =	vst v63  }
0x9a: {  	_ =	swait.ge [sflag:s16], $0x4000  }
0x9b: {  	[sflag:s16] =	ssyncset.done $0x0  }
0x9c: {  	s8 =	simm.s32 $0x680;
	[sflag:s16] =	ssyncadd.s32 $0xFFFFC000  }
0x9d: {  	[tilespmem:s20], [sflag:$0x1] =	stream.indirect.gather [hbm4b:s1+s18], $0x80, s8, s18, $0xb8;
	[tilespmem:$0x1D000] =	vst v63  }
0x9e: {  	_ =	swait.ge [sflag:s21], $0x4000  }
0x9f: {  	[sflag:s21] =	ssyncset.done $0x0  }
0xa0: {  	s8 =	simm.s32 $0xE00;
	[sflag:s21] =	ssyncadd.s32 $0xFFFFC000  }
0xa1: {  	[spmem:s2] =	stream.indirect.scatter.add.f32 [tilespmem:s19], [sflag:$0x3], $0x80, s8, s18, $0xb8;
	[tilespmem:$0x1D000] =	vst v63  }
0xa2: {  	_ =	swait.ge [sflag:s16], $0x4000  }
0xa3: {  	[sflag:s16] =	ssyncset.done $0x0  }
0xa4: {  	s8 =	simm.s32 $0x700;
	[sflag:s16] =	ssyncadd.s32 $0xFFFFC000  }
0xa5: {  	[tilespmem:s19], [sflag:$0x2] =	stream.indirect.gather [hbm4b:s1+s18], $0x80, s8, s18, $0xb8;
	[tilespmem:$0x1D000] =	vst v63  }
0xa6: {  	_ =	swait.ge [sflag:s23], $0x4000  }
0xa7: {  	[sflag:s23] =	ssyncset.done $0x0  }
0xa8: {  	s8 =	simm.s32 $0xE80;
	[sflag:s23] =	ssyncadd.s32 $0xFFFFC000  }
0xa9: {  	[spmem:s2] =	stream.indirect.scatter.add.f32 [tilespmem:s20], [sflag:$0x3], $0x80, s8, s18, $0xb8;
	[tilespmem:$0x1D000] =	vst v63  }
0xaa: {  	_ =	swait.ge [sflag:s16], $0x4000  }
0xab: {  	[sflag:s16] =	ssyncset.done $0x0  }
0xac: {  	s8 =	simm.s32 $0x780;
	[sflag:s16] =	ssyncadd.s32 $0xFFFFC000  }
0xad: {  	[tilespmem:s20], [sflag:$0x1] =	stream.indirect.gather [hbm4b:s1+s18], $0x80, s8, s18, $0xb8;
	[tilespmem:$0x1D000] =	vst v63  }
0xae: {  	_ =	swait.ge [sflag:s21], $0x4000  }
0xaf: {  	[sflag:s21] =	ssyncset.done $0x0  }
0xb0: {  	s8 =	simm.s32 $0xF00;
	[sflag:s21] =	ssyncadd.s32 $0xFFFFC000  }
0xb1: {  	[spmem:s2] =	stream.indirect.scatter.add.f32 [tilespmem:s19], [sflag:$0x3], $0x80, s8, s18, $0xb8;
	[tilespmem:$0x1D000] =	vst v63  }
0xb2: {  	_ =	swait.ge [sflag:s16], $0x4000  }
0xb3: {  	[sflag:s16] =	ssyncset.done $0x0  }
0xb4: {  	[sflag:s16] =	ssyncadd.s32 $0xFFFFC000  }
0xb5: {  	_ =	swait.ge [sflag:s23], $0x4000  }
0xb6: {  	[sflag:s23] =	ssyncset.done $0x0  }
0xb7: {  	s8 =	simm.s32 $0xF80;
	[sflag:s23] =	ssyncadd.s32 $0xFFFFC000  }
0xb8: {  	[spmem:s2] =	stream.indirect.scatter.add.f32 [tilespmem:s20], [sflag:$0x3], $0x80, s8, s18, $0xb8;
	[tilespmem:$0x1D000] =	vst v63  }
0xb9: {  	_ =	swait.ge [sflag:s16], $0x4000  }
0xba: {  	s8 =	rddreg [dreg:$0x4]  }
0xbb: {  	s7 =	sadd.s32 $0x0, s8  }
0xbc: {  	[sflag:s16] =	ssyncset.done $0x0;
	s7 =	sshrl.u32 s7, $0x3  }
0xbd: {  	[sflag:s16] =	ssyncadd.s32 $0xFFFFC000;
	s8 =	sadd.s32 s5, s7  }
0xbe: {  	[tilespmem:s4], [sflag:$0x3] =	stream.linear.gather [hbm4b:s8+s4], $0x800, $0x38;
	[tilespmem:$0x1D000] =	vst v63  }
0xbf: {  	_ =	swait.ge [sflag:s16], $0x800  }
0xc0: {  	[sflag:s16] =	ssyncset.done $0x0  }
0xc1: {  	s7 =	sadd.s32 s6, s7;
	[sflag:s16] =	ssyncadd.s32 $0xFFFFF800  }
0xc2: {  	[tilespmem:s17], [sflag:$0x3] =	stream.linear.gather [hbm4b:s7+s4], $0x800, $0x38;
	[tilespmem:$0x1D000] =	vst v63  }
0xc3: {  	_ =	swait.ge [sflag:s16], $0x800  }
0xc4: {  	[sflag:s16] =	ssyncset.done $0x0  }
0xc5: {  	[sflag:s16] =	ssyncadd.s32 $0xFFFFF800  }
0xc6: {  	[tilespmem:s19], [sflag:$0x2] =	stream.indirect.gather [hbm4b:s1+s18], $0x80, s4, s18, $0xb8;
	[tilespmem:$0x1D000] =	vst v63  }
0xc7: {  	_ = 	snop  }
0xc8: {  	[tilespmem:s20], [sflag:$0x1] =	stream.indirect.gather [hbm4b:s1+s18], $0x80, s18, s18, $0xb8;
	[tilespmem:$0x1D000] =	vst v63  }
0xc9: {  	_ =	swait.ge [sflag:s21], $0x4000  }
0xca: {  	[sflag:s21] =	ssyncset.done $0x0  }
0xcb: {  	[sflag:s21] =	ssyncadd.s32 $0xFFFFC000  }
0xcc: {  	[spmem:s2] =	stream.indirect.scatter.add.f32 [tilespmem:s19], [sflag:$0x3], $0x80, s17, s18, $0xb8;
	[tilespmem:$0x1D000] =	vst v63  }
0xcd: {  	_ =	swait.ge [sflag:s16], $0x4000  }
0xce: {  	[sflag:s16] =	ssyncset.done $0x0  }
0xcf: {  	[sflag:s16] =	ssyncadd.s32 $0xFFFFC000  }
0xd0: {  	[tilespmem:s19], [sflag:$0x2] =	stream.indirect.gather [hbm4b:s1+s18], $0x80, s10, s18, $0xb8;
	[tilespmem:$0x1D000] =	vst v63  }
0xd1: {  	_ =	swait.ge [sflag:s23], $0x4000  }
0xd2: {  	[sflag:s23] =	ssyncset.done $0x0  }
0xd3: {  	[sflag:s23] =	ssyncadd.s32 $0xFFFFC000  }
0xd4: {  	[spmem:s2] =	stream.indirect.scatter.add.f32 [tilespmem:s20], [sflag:$0x3], $0x80, s0, s18, $0xb8;
	[tilespmem:$0x1D000] =	vst v63  }
0xd5: {  	_ =	swait.ge [sflag:s16], $0x4000  }
0xd6: {  	[sflag:s16] =	ssyncset.done $0x0  }
0xd7: {  	[sflag:s16] =	ssyncadd.s32 $0xFFFFC000  }
0xd8: {  	[tilespmem:s20], [sflag:$0x1] =	stream.indirect.gather [hbm4b:s1+s18], $0x80, s3, s18, $0xb8;
	[tilespmem:$0x1D000] =	vst v63  }
0xd9: {  	_ =	swait.ge [sflag:s21], $0x4000  }
0xda: {  	[sflag:s21] =	ssyncset.done $0x0  }
0xdb: {  	[sflag:s21] =	ssyncadd.s32 $0xFFFFC000  }
0xdc: {  	[spmem:s2] =	stream.indirect.scatter.add.f32 [tilespmem:s19], [sflag:$0x3], $0x80, s9, s18, $0xb8;
	[tilespmem:$0x1D000] =	vst v63  }
0xdd: {  	_ =	swait.ge [sflag:s16], $0x4000  }
0xde: {  	[sflag:s16] =	ssyncset.done $0x0  }
0xdf: {  	[sflag:s16] =	ssyncadd.s32 $0xFFFFC000  }
0xe0: {  	[tilespmem:s19], [sflag:$0x2] =	stream.indirect.gather [hbm4b:s1+s18], $0x80, s11, s18, $0xb8;
	[tilespmem:$0x1D000] =	vst v63  }
0xe1: {  	_ =	swait.ge [sflag:s23], $0x4000  }
0xe2: {  	[sflag:s23] =	ssyncset.done $0x0  }
0xe3: {  	[sflag:s23] =	ssyncadd.s32 $0xFFFFC000  }
0xe4: {  	[spmem:s2] =	stream.indirect.scatter.add.f32 [tilespmem:s20], [sflag:$0x3], $0x80, s12, s18, $0xb8;
	[tilespmem:$0x1D000] =	vst v63  }
0xe5: {  	_ =	swait.ge [sflag:s16], $0x4000  }
0xe6: {  	[sflag:s16] =	ssyncset.done $0x0  }
0xe7: {  	[sflag:s16] =	ssyncadd.s32 $0xFFFFC000  }
0xe8: {  	[tilespmem:s20], [sflag:$0x1] =	stream.indirect.gather [hbm4b:s1+s18], $0x80, s13, s18, $0xb8;
	[tilespmem:$0x1D000] =	vst v63  }
0xe9: {  	_ =	swait.ge [sflag:s21], $0x4000  }
0xea: {  	[sflag:s21] =	ssyncset.done $0x0  }
0xeb: {  	[sflag:s21] =	ssyncadd.s32 $0xFFFFC000  }
0xec: {  	[spmem:s2] =	stream.indirect.scatter.add.f32 [tilespmem:s19], [sflag:$0x3], $0x80, s14, s18, $0xb8;
	[tilespmem:$0x1D000] =	vst v63  }
0xed: {  	_ =	swait.ge [sflag:s16], $0x4000  }
0xee: {  	[sflag:s16] =	ssyncset.done $0x0  }
0xef: {  	[sflag:s16] =	ssyncadd.s32 $0xFFFFC000  }
0xf0: {  	[tilespmem:s19], [sflag:$0x2] =	stream.indirect.gather [hbm4b:s1+s18], $0x80, s15, s18, $0xb8;
	[tilespmem:$0x1D000] =	vst v63  }
0xf1: {  	_ =	swait.ge [sflag:s23], $0x4000  }
0xf2: {  	[sflag:s23] =	ssyncset.done $0x0  }
0xf3: {  	[sflag:s23] =	ssyncadd.s32 $0xFFFFC000  }
0xf4: {  	[spmem:s2] =	stream.indirect.scatter.add.f32 [tilespmem:s20], [sflag:$0x3], $0x80, s22, s18, $0xb8;
	[tilespmem:$0x1D000] =	vst v63  }
0xf5: {  	_ =	swait.ge [sflag:s16], $0x4000  }
0xf6: {  	[sflag:s16] =	ssyncset.done $0x0  }
0xf7: {  	[sflag:s16] =	ssyncadd.s32 $0xFFFFC000  }
0xf8: {  	[tilespmem:s20], [sflag:$0x1] =	stream.indirect.gather [hbm4b:s1+s18], $0x80, s24, s18, $0xb8;
	[tilespmem:$0x1D000] =	vst v63  }
0xf9: {  	_ =	swait.ge [sflag:s21], $0x4000  }
0xfa: {  	[sflag:s21] =	ssyncset.done $0x0  }
0xfb: {  	[sflag:s21] =	ssyncadd.s32 $0xFFFFC000  }
0xfc: {  	[spmem:s2] =	stream.indirect.scatter.add.f32 [tilespmem:s19], [sflag:$0x3], $0x80, s25, s18, $0xb8;
	[tilespmem:$0x1D000] =	vst v63  }
0xfd: {  	_ =	swait.ge [sflag:s16], $0x4000  }
0xfe: {  	[sflag:s16] =	ssyncset.done $0x0  }
0xff: {  	[sflag:s16] =	ssyncadd.s32 $0xFFFFC000  }
0x100: {  	[tilespmem:s19], [sflag:$0x2] =	stream.indirect.gather [hbm4b:s1+s18], $0x80, s26, s18, $0xb8;
	[tilespmem:$0x1D000] =	vst v63  }
0x101: {  	_ =	swait.ge [sflag:s23], $0x4000  }
0x102: {  	[sflag:s23] =	ssyncset.done $0x0  }
0x103: {  	[sflag:s23] =	ssyncadd.s32 $0xFFFFC000  }
0x104: {  	[spmem:s2] =	stream.indirect.scatter.add.f32 [tilespmem:s20], [sflag:$0x3], $0x80, s29, s18, $0xb8;
	[tilespmem:$0x1D000] =	vst v63  }
0x105: {  	_ =	swait.ge [sflag:s16], $0x4000  }
0x106: {  	[sflag:s16] =	ssyncset.done $0x0  }
0x107: {  	[sflag:s16] =	ssyncadd.s32 $0xFFFFC000  }
0x108: {  	[tilespmem:s20], [sflag:$0x1] =	stream.indirect.gather [hbm4b:s1+s18], $0x80, s30, s18, $0xb8;
	[tilespmem:$0x1D000] =	vst v63  }
0x109: {  	_ =	swait.ge [sflag:s21], $0x4000  }
0x10a: {  	[sflag:s21] =	ssyncset.done $0x0  }
0x10b: {  	[sflag:s21] =	ssyncadd.s32 $0xFFFFC000  }
0x10c: {  	[spmem:s2] =	stream.indirect.scatter.add.f32 [tilespmem:s19], [sflag:$0x3], $0x80, s31, s18, $0xb8;
	[tilespmem:$0x1D000] =	vst v63  }
0x10d: {  	_ =	swait.ge [sflag:s16], $0x4000  }
0x10e: {  	[sflag:s16] =	ssyncset.done $0x0  }
0x10f: {  	s9 =	simm.s32 $0x500;
	[sflag:s16] =	ssyncadd.s32 $0xFFFFC000  }
0x110: {  	[tilespmem:s19], [sflag:$0x2] =	stream.indirect.gather [hbm4b:s1+s18], $0x80, s9, s18, $0xb8;
	[tilespmem:$0x1D000] =	vst v63  }
0x111: {  	_ =	swait.ge [sflag:s23], $0x4000  }
0x112: {  	[sflag:s23] =	ssyncset.done $0x0  }
0x113: {  	s10 =	simm.s32 $0xC80;
	[sflag:s23] =	ssyncadd.s32 $0xFFFFC000  }
0x114: {  	[spmem:s2] =	stream.indirect.scatter.add.f32 [tilespmem:s20], [sflag:$0x3], $0x80, s10, s18, $0xb8;
	[tilespmem:$0x1D000] =	vst v63  }
0x115: {  	_ =	swait.ge [sflag:s16], $0x4000  }
0x116: {  	[sflag:s16] =	ssyncset.done $0x0  }
0x117: {  	s11 =	simm.s32 $0x580;
	[sflag:s16] =	ssyncadd.s32 $0xFFFFC000  }
0x118: {  	[tilespmem:s20], [sflag:$0x1] =	stream.indirect.gather [hbm4b:s1+s18], $0x80, s11, s18, $0xb8;
	[tilespmem:$0x1D000] =	vst v63  }
0x119: {  	_ =	swait.ge [sflag:s21], $0x4000  }
0x11a: {  	[sflag:s21] =	ssyncset.done $0x0  }
0x11b: {  	s12 =	simm.s32 $0xD00;
	[sflag:s21] =	ssyncadd.s32 $0xFFFFC000  }
0x11c: {  	[spmem:s2] =	stream.indirect.scatter.add.f32 [tilespmem:s19], [sflag:$0x3], $0x80, s12, s18, $0xb8;
	[tilespmem:$0x1D000] =	vst v63  }
0x11d: {  	_ =	swait.ge [sflag:s16], $0x4000  }
0x11e: {  	[sflag:s16] =	ssyncset.done $0x0  }
0x11f: {  	s13 =	simm.s32 $0x600;
	[sflag:s16] =	ssyncadd.s32 $0xFFFFC000  }
0x120: {  	[tilespmem:s19], [sflag:$0x2] =	stream.indirect.gather [hbm4b:s1+s18], $0x80, s13, s18, $0xb8;
	[tilespmem:$0x1D000] =	vst v63  }
0x121: {  	_ =	swait.ge [sflag:s23], $0x4000  }
0x122: {  	[sflag:s23] =	ssyncset.done $0x0  }
0x123: {  	s14 =	simm.s32 $0xD80;
	[sflag:s23] =	ssyncadd.s32 $0xFFFFC000  }
0x124: {  	[spmem:s2] =	stream.indirect.scatter.add.f32 [tilespmem:s20], [sflag:$0x3], $0x80, s14, s18, $0xb8;
	[tilespmem:$0x1D000] =	vst v63  }
0x125: {  	_ =	swait.ge [sflag:s16], $0x4000  }
0x126: {  	[sflag:s16] =	ssyncset.done $0x0  }
0x127: {  	s15 =	simm.s32 $0x680;
	[sflag:s16] =	ssyncadd.s32 $0xFFFFC000  }
0x128: {  	[tilespmem:s20], [sflag:$0x1] =	stream.indirect.gather [hbm4b:s1+s18], $0x80, s15, s18, $0xb8;
	[tilespmem:$0x1D000] =	vst v63  }
0x129: {  	_ =	swait.ge [sflag:s21], $0x4000  }
0x12a: {  	[sflag:s21] =	ssyncset.done $0x0  }
0x12b: {  	s22 =	simm.s32 $0xE00;
	[sflag:s21] =	ssyncadd.s32 $0xFFFFC000  }
0x12c: {  	[spmem:s2] =	stream.indirect.scatter.add.f32 [tilespmem:s19], [sflag:$0x3], $0x80, s22, s18, $0xb8;
	[tilespmem:$0x1D000] =	vst v63  }
0x12d: {  	_ =	swait.ge [sflag:s16], $0x4000  }
0x12e: {  	[sflag:s16] =	ssyncset.done $0x0  }
0x12f: {  	s24 =	simm.s32 $0x700;
	[sflag:s16] =	ssyncadd.s32 $0xFFFFC000  }
0x130: {  	[tilespmem:s19], [sflag:$0x2] =	stream.indirect.gather [hbm4b:s1+s18], $0x80, s24, s18, $0xb8;
	[tilespmem:$0x1D000] =	vst v63  }
0x131: {  	_ =	swait.ge [sflag:s23], $0x4000  }
0x132: {  	[sflag:s23] =	ssyncset.done $0x0  }
0x133: {  	s25 =	simm.s32 $0xE80;
	[sflag:s23] =	ssyncadd.s32 $0xFFFFC000  }
0x134: {  	[spmem:s2] =	stream.indirect.scatter.add.f32 [tilespmem:s20], [sflag:$0x3], $0x80, s25, s18, $0xb8;
	[tilespmem:$0x1D000] =	vst v63  }
0x135: {  	_ =	swait.ge [sflag:s16], $0x4000  }
0x136: {  	[sflag:s16] =	ssyncset.done $0x0  }
0x137: {  	s26 =	simm.s32 $0x780;
	[sflag:s16] =	ssyncadd.s32 $0xFFFFC000  }
0x138: {  	[tilespmem:s20], [sflag:$0x1] =	stream.indirect.gather [hbm4b:s1+s18], $0x80, s26, s18, $0xb8;
	[tilespmem:$0x1D000] =	vst v63  }
0x139: {  	_ =	swait.ge [sflag:s21], $0x4000  }
0x13a: {  	s8 =	simm.s32 $0xF00;
	s7 =	simm.s32 $0x800;
	[sflag:s21] =	ssyncset.done $0x0  }
0x13b: {  	s0 =	simm.s32 $0xC80;
	s3 =	simm.s32 $0x580;
	[sflag:s21] =	ssyncadd.s32 $0xFFFFC000  }
0x13c: {  	[spmem:s2] =	stream.indirect.scatter.add.f32 [tilespmem:s19], [sflag:$0x3], $0x80, s8, s18, $0xb8;
	[tilespmem:$0x1D000] =	vst v63  }
0x13d: {  	s29 =	simm.s32 $0x480;
	s30 =	simm.s32 $0xC00;
	_ =	swait.ge [sflag:s16], $0x4000  }
0x13e: {  	s31 =	simm.s32 $0x500;
	s9 =	simm.s32 $0x700;
	[sflag:s16] =	ssyncset.done $0x0  }
0x13f: {  	s10 =	simm.s32 $0xF80;
	s11 =	simm.s32 $0xD00;
	[sflag:s16] =	ssyncadd.s32 $0xFFFFC000  }
0x140: {  	s12 =	simm.s32 $0x600;
	s13 =	simm.s32 $0xD80;
	_ =	swait.ge [sflag:s23], $0x4000  }
0x141: {  	s14 =	simm.s32 $0x680;
	s15 =	simm.s32 $0xE00;
	[sflag:s23] =	ssyncset.done $0x0  }
0x142: {  	s22 =	simm.s32 $0xE80;
	s24 =	simm.s32 $0x780;
	[sflag:s23] =	ssyncadd.s32 $0xFFFFC000  }
0x143: {  	[spmem:s2] =	stream.indirect.scatter.add.f32 [tilespmem:s20], [sflag:$0x3], $0x80, s10, s18, $0xb8;
	[tilespmem:$0x1D000] =	vst v63  }
0x144: {  	s25 =	simm.s32 $0xF00;
	s26 =	simm.s32 $0xF80;
	_ =	swait.ge [sflag:s16], $0x4000  }
.LBB2_4:
0x145: {  	s8 =	rddreg [dreg:$0x4];
	s10 =	smov.u32 s7  }
0x146: {  	s8 =	sadd.s32 s10, s8  }
0x147: {  	[sflag:s16] =	ssyncset.done $0x0;
	s8 =	sshrl.u32 s8, $0x3  }
0x148: {  	[sflag:s16] =	ssyncadd.s32 $0xFFFFC000;
	s10 =	sadd.s32 s5, s8  }
0x149: {  	[tilespmem:s4], [sflag:$0x3] =	stream.linear.gather [hbm4b:s10+s4], $0x800, $0x38;
	[tilespmem:$0x1D000] =	vst v63  }
0x14a: {  	_ =	swait.ge [sflag:s16], $0x800  }
0x14b: {  	[sflag:s16] =	ssyncset.done $0x0  }
0x14c: {  	s8 =	sadd.s32 s6, s8;
	[sflag:s16] =	ssyncadd.s32 $0xFFFFF800  }
0x14d: {  	[tilespmem:s17], [sflag:$0x3] =	stream.linear.gather [hbm4b:s8+s4], $0x800, $0x38;
	[tilespmem:$0x1D000] =	vst v63  }
0x14e: {  	_ =	swait.ge [sflag:s16], $0x800  }
0x14f: {  	[sflag:s16] =	ssyncset.done $0x0  }
0x150: {  	[sflag:s16] =	ssyncadd.s32 $0xFFFFF800  }
0x151: {  	[tilespmem:s19], [sflag:$0x2] =	stream.indirect.gather [hbm4b:s1+s18], $0x80, s4, s18, $0xb8;
	[tilespmem:$0x1D000] =	vst v63  }
0x152: {  	_ = 	snop  }
0x153: {  	[tilespmem:s20], [sflag:$0x1] =	stream.indirect.gather [hbm4b:s1+s18], $0x80, s18, s18, $0xb8;
	[tilespmem:$0x1D000] =	vst v63  }
0x154: {  	_ =	swait.ge [sflag:s21], $0x4000  }
0x155: {  	[sflag:s21] =	ssyncset.done $0x0  }
0x156: {  	[sflag:s21] =	ssyncadd.s32 $0xFFFFC000  }
0x157: {  	[spmem:s2] =	stream.indirect.scatter.add.f32 [tilespmem:s19], [sflag:$0x3], $0x80, s17, s18, $0xb8;
	[tilespmem:$0x1D000] =	vst v63  }
0x158: {  	_ =	swait.ge [sflag:s16], $0x4000  }
0x159: {  	[sflag:s16] =	ssyncset.done $0x0  }
0x15a: {  	s10 =	simm.s32 $0x100;
	[sflag:s16] =	ssyncadd.s32 $0xFFFFC000  }
0x15b: {  	[tilespmem:s19], [sflag:$0x2] =	stream.indirect.gather [hbm4b:s1+s18], $0x80, s10, s18, $0xb8;
	[tilespmem:$0x1D000] =	vst v63  }
0x15c: {  	_ =	swait.ge [sflag:s23], $0x4000  }
0x15d: {  	[sflag:s23] =	ssyncset.done $0x0  }
0x15e: {  	s10 =	simm.s32 $0x880;
	[sflag:s23] =	ssyncadd.s32 $0xFFFFC000  }
0x15f: {  	[spmem:s2] =	stream.indirect.scatter.add.f32 [tilespmem:s20], [sflag:$0x3], $0x80, s10, s18, $0xb8;
	[tilespmem:$0x1D000] =	vst v63  }
0x160: {  	_ =	swait.ge [sflag:s16], $0x4000  }
0x161: {  	[sflag:s16] =	ssyncset.done $0x0  }
0x162: {  	s10 =	simm.s32 $0x180;
	[sflag:s16] =	ssyncadd.s32 $0xFFFFC000  }
0x163: {  	[tilespmem:s20], [sflag:$0x1] =	stream.indirect.gather [hbm4b:s1+s18], $0x80, s10, s18, $0xb8;
	[tilespmem:$0x1D000] =	vst v63  }
0x164: {  	_ =	swait.ge [sflag:s21], $0x4000  }
0x165: {  	[sflag:s21] =	ssyncset.done $0x0  }
0x166: {  	s10 =	simm.s32 $0x900;
	[sflag:s21] =	ssyncadd.s32 $0xFFFFC000  }
0x167: {  	[spmem:s2] =	stream.indirect.scatter.add.f32 [tilespmem:s19], [sflag:$0x3], $0x80, s10, s18, $0xb8;
	[tilespmem:$0x1D000] =	vst v63  }
0x168: {  	_ =	swait.ge [sflag:s16], $0x4000  }
0x169: {  	[sflag:s16] =	ssyncset.done $0x0  }
0x16a: {  	s10 =	simm.s32 $0x200;
	[sflag:s16] =	ssyncadd.s32 $0xFFFFC000  }
0x16b: {  	[tilespmem:s19], [sflag:$0x2] =	stream.indirect.gather [hbm4b:s1+s18], $0x80, s10, s18, $0xb8;
	[tilespmem:$0x1D000] =	vst v63  }
0x16c: {  	_ =	swait.ge [sflag:s23], $0x4000  }
0x16d: {  	[sflag:s23] =	ssyncset.done $0x0  }
0x16e: {  	s10 =	simm.s32 $0x980;
	[sflag:s23] =	ssyncadd.s32 $0xFFFFC000  }
0x16f: {  	[spmem:s2] =	stream.indirect.scatter.add.f32 [tilespmem:s20], [sflag:$0x3], $0x80, s10, s18, $0xb8;
	[tilespmem:$0x1D000] =	vst v63  }
0x170: {  	_ =	swait.ge [sflag:s16], $0x4000  }
0x171: {  	[sflag:s16] =	ssyncset.done $0x0  }
0x172: {  	s10 =	simm.s32 $0x280;
	[sflag:s16] =	ssyncadd.s32 $0xFFFFC000  }
0x173: {  	[tilespmem:s20], [sflag:$0x1] =	stream.indirect.gather [hbm4b:s1+s18], $0x80, s10, s18, $0xb8;
	[tilespmem:$0x1D000] =	vst v63  }
0x174: {  	_ =	swait.ge [sflag:s21], $0x4000  }
0x175: {  	[sflag:s21] =	ssyncset.done $0x0  }
0x176: {  	s10 =	simm.s32 $0xA00;
	[sflag:s21] =	ssyncadd.s32 $0xFFFFC000  }
0x177: {  	[spmem:s2] =	stream.indirect.scatter.add.f32 [tilespmem:s19], [sflag:$0x3], $0x80, s10, s18, $0xb8;
	[tilespmem:$0x1D000] =	vst v63  }
0x178: {  	_ =	swait.ge [sflag:s16], $0x4000  }
0x179: {  	[sflag:s16] =	ssyncset.done $0x0  }
0x17a: {  	s10 =	simm.s32 $0x300;
	[sflag:s16] =	ssyncadd.s32 $0xFFFFC000  }
0x17b: {  	[tilespmem:s19], [sflag:$0x2] =	stream.indirect.gather [hbm4b:s1+s18], $0x80, s10, s18, $0xb8;
	[tilespmem:$0x1D000] =	vst v63  }
0x17c: {  	_ =	swait.ge [sflag:s23], $0x4000  }
0x17d: {  	[sflag:s23] =	ssyncset.done $0x0  }
0x17e: {  	s10 =	simm.s32 $0xA80;
	[sflag:s23] =	ssyncadd.s32 $0xFFFFC000  }
0x17f: {  	[spmem:s2] =	stream.indirect.scatter.add.f32 [tilespmem:s20], [sflag:$0x3], $0x80, s10, s18, $0xb8;
	[tilespmem:$0x1D000] =	vst v63  }
0x180: {  	_ =	swait.ge [sflag:s16], $0x4000  }
0x181: {  	[sflag:s16] =	ssyncset.done $0x0  }
0x182: {  	s10 =	simm.s32 $0x380;
	[sflag:s16] =	ssyncadd.s32 $0xFFFFC000  }
0x183: {  	[tilespmem:s20], [sflag:$0x1] =	stream.indirect.gather [hbm4b:s1+s18], $0x80, s10, s18, $0xb8;
	[tilespmem:$0x1D000] =	vst v63  }
0x184: {  	_ =	swait.ge [sflag:s21], $0x4000  }
0x185: {  	[sflag:s21] =	ssyncset.done $0x0  }
0x186: {  	s10 =	simm.s32 $0xB00;
	[sflag:s21] =	ssyncadd.s32 $0xFFFFC000  }
0x187: {  	[spmem:s2] =	stream.indirect.scatter.add.f32 [tilespmem:s19], [sflag:$0x3], $0x80, s10, s18, $0xb8;
	[tilespmem:$0x1D000] =	vst v63  }
0x188: {  	_ =	swait.ge [sflag:s16], $0x4000  }
0x189: {  	[sflag:s16] =	ssyncset.done $0x0  }
0x18a: {  	s10 =	simm.s32 $0x400;
	[sflag:s16] =	ssyncadd.s32 $0xFFFFC000  }
0x18b: {  	[tilespmem:s19], [sflag:$0x2] =	stream.indirect.gather [hbm4b:s1+s18], $0x80, s10, s18, $0xb8;
	[tilespmem:$0x1D000] =	vst v63  }
0x18c: {  	_ =	swait.ge [sflag:s23], $0x4000  }
0x18d: {  	[sflag:s23] =	ssyncset.done $0x0  }
0x18e: {  	[sflag:s23] =	ssyncadd.s32 $0xFFFFC000  }
0x18f: {  	[spmem:s2] =	stream.indirect.scatter.add.f32 [tilespmem:s20], [sflag:$0x3], $0x80, s28, s18, $0xb8;
	[tilespmem:$0x1D000] =	vst v63  }
0x190: {  	_ =	swait.ge [sflag:s16], $0x4000  }
0x191: {  	[sflag:s16] =	ssyncset.done $0x0  }
0x192: {  	[sflag:s16] =	ssyncadd.s32 $0xFFFFC000  }
0x193: {  	[tilespmem:s20], [sflag:$0x1] =	stream.indirect.gather [hbm4b:s1+s18], $0x80, s29, s18, $0xb8;
	[tilespmem:$0x1D000] =	vst v63  }
0x194: {  	_ =	swait.ge [sflag:s21], $0x4000  }
0x195: {  	[sflag:s21] =	ssyncset.done $0x0  }
0x196: {  	[sflag:s21] =	ssyncadd.s32 $0xFFFFC000  }
0x197: {  	[spmem:s2] =	stream.indirect.scatter.add.f32 [tilespmem:s19], [sflag:$0x3], $0x80, s30, s18, $0xb8;
	[tilespmem:$0x1D000] =	vst v63  }
0x198: {  	_ =	swait.ge [sflag:s16], $0x4000  }
0x199: {  	[sflag:s16] =	ssyncset.done $0x0  }
0x19a: {  	[sflag:s16] =	ssyncadd.s32 $0xFFFFC000  }
0x19b: {  	[tilespmem:s19], [sflag:$0x2] =	stream.indirect.gather [hbm4b:s1+s18], $0x80, s31, s18, $0xb8;
	[tilespmem:$0x1D000] =	vst v63  }
0x19c: {  	_ =	swait.ge [sflag:s23], $0x4000  }
0x19d: {  	[sflag:s23] =	ssyncset.done $0x0  }
0x19e: {  	[sflag:s23] =	ssyncadd.s32 $0xFFFFC000  }
0x19f: {  	[spmem:s2] =	stream.indirect.scatter.add.f32 [tilespmem:s20], [sflag:$0x3], $0x80, s0, s18, $0xb8;
	[tilespmem:$0x1D000] =	vst v63  }
0x1a0: {  	_ =	swait.ge [sflag:s16], $0x4000  }
0x1a1: {  	[sflag:s16] =	ssyncset.done $0x0  }
0x1a2: {  	[sflag:s16] =	ssyncadd.s32 $0xFFFFC000  }
0x1a3: {  	[tilespmem:s20], [sflag:$0x1] =	stream.indirect.gather [hbm4b:s1+s18], $0x80, s3, s18, $0xb8;
	[tilespmem:$0x1D000] =	vst v63  }
0x1a4: {  	_ =	swait.ge [sflag:s21], $0x4000  }
0x1a5: {  	[sflag:s21] =	ssyncset.done $0x0  }
0x1a6: {  	[sflag:s21] =	ssyncadd.s32 $0xFFFFC000  }
0x1a7: {  	[spmem:s2] =	stream.indirect.scatter.add.f32 [tilespmem:s19], [sflag:$0x3], $0x80, s11, s18, $0xb8;
	[tilespmem:$0x1D000] =	vst v63  }
0x1a8: {  	_ =	swait.ge [sflag:s16], $0x4000  }
0x1a9: {  	[sflag:s16] =	ssyncset.done $0x0  }
0x1aa: {  	[sflag:s16] =	ssyncadd.s32 $0xFFFFC000  }
0x1ab: {  	[tilespmem:s19], [sflag:$0x2] =	stream.indirect.gather [hbm4b:s1+s18], $0x80, s12, s18, $0xb8;
	[tilespmem:$0x1D000] =	vst v63  }
0x1ac: {  	_ =	swait.ge [sflag:s23], $0x4000  }
0x1ad: {  	[sflag:s23] =	ssyncset.done $0x0  }
0x1ae: {  	[sflag:s23] =	ssyncadd.s32 $0xFFFFC000  }
0x1af: {  	[spmem:s2] =	stream.indirect.scatter.add.f32 [tilespmem:s20], [sflag:$0x3], $0x80, s13, s18, $0xb8;
	[tilespmem:$0x1D000] =	vst v63  }
0x1b0: {  	_ =	swait.ge [sflag:s16], $0x4000  }
0x1b1: {  	[sflag:s16] =	ssyncset.done $0x0  }
0x1b2: {  	[sflag:s16] =	ssyncadd.s32 $0xFFFFC000  }
0x1b3: {  	[tilespmem:s20], [sflag:$0x1] =	stream.indirect.gather [hbm4b:s1+s18], $0x80, s14, s18, $0xb8;
	[tilespmem:$0x1D000] =	vst v63  }
0x1b4: {  	_ =	swait.ge [sflag:s21], $0x4000  }
0x1b5: {  	[sflag:s21] =	ssyncset.done $0x0  }
0x1b6: {  	[sflag:s21] =	ssyncadd.s32 $0xFFFFC000  }
0x1b7: {  	[spmem:s2] =	stream.indirect.scatter.add.f32 [tilespmem:s19], [sflag:$0x3], $0x80, s15, s18, $0xb8;
	[tilespmem:$0x1D000] =	vst v63  }
0x1b8: {  	_ =	swait.ge [sflag:s16], $0x4000  }
0x1b9: {  	[sflag:s16] =	ssyncset.done $0x0  }
0x1ba: {  	[sflag:s16] =	ssyncadd.s32 $0xFFFFC000  }
0x1bb: {  	[tilespmem:s19], [sflag:$0x2] =	stream.indirect.gather [hbm4b:s1+s18], $0x80, s9, s18, $0xb8;
	[tilespmem:$0x1D000] =	vst v63  }
0x1bc: {  	_ =	swait.ge [sflag:s23], $0x4000  }
0x1bd: {  	[sflag:s23] =	ssyncset.done $0x0  }
0x1be: {  	[sflag:s23] =	ssyncadd.s32 $0xFFFFC000  }
0x1bf: {  	[spmem:s2] =	stream.indirect.scatter.add.f32 [tilespmem:s20], [sflag:$0x3], $0x80, s22, s18, $0xb8;
	[tilespmem:$0x1D000] =	vst v63  }
0x1c0: {  	_ =	swait.ge [sflag:s16], $0x4000  }
0x1c1: {  	[sflag:s16] =	ssyncset.done $0x0  }
0x1c2: {  	[sflag:s16] =	ssyncadd.s32 $0xFFFFC000  }
0x1c3: {  	[tilespmem:s20], [sflag:$0x1] =	stream.indirect.gather [hbm4b:s1+s18], $0x80, s24, s18, $0xb8;
	[tilespmem:$0x1D000] =	vst v63  }
0x1c4: {  	_ =	swait.ge [sflag:s21], $0x4000  }
0x1c5: {  	[sflag:s21] =	ssyncset.done $0x0  }
0x1c6: {  	[sflag:s21] =	ssyncadd.s32 $0xFFFFC000  }
0x1c7: {  	[spmem:s2] =	stream.indirect.scatter.add.f32 [tilespmem:s19], [sflag:$0x3], $0x80, s25, s18, $0xb8;
	[tilespmem:$0x1D000] =	vst v63  }
0x1c8: {  	_ =	swait.ge [sflag:s16], $0x4000  }
0x1c9: {  	[sflag:s16] =	ssyncset.done $0x0  }
0x1ca: {  	p0 =	sne.s32 s7, $0x1800;
	[sflag:s16] =	ssyncadd.s32 $0xFFFFC000  }
.Ltmp1:
0x1cb: {  	_ =	swait.ge [sflag:s23], $0x4000;
	(pc) =	sbr.rel @p0 .LBB2_4-.Ltmp1, $4  }
0x1cc: {  	[sflag:s23] =	ssyncset.done $0x0  }
0x1cd: {  	[sflag:s23] =	ssyncadd.s32 $0xFFFFC000  }
0x1ce: {  	[spmem:s2] =	stream.indirect.scatter.add.f32 [tilespmem:s20], [sflag:$0x3], $0x80, s26, s18, $0xb8;
	[tilespmem:$0x1D000] =	vst v63  }
0x1cf: {  	s7 =	sadd.s32 $0x800, s7;
	_ =	swait.ge [sflag:s16], $0x4000  }
0x1d0: {  	[sflag:s16] =	ssyncset.done $0x0  }
0x1d1: {  	[sflag:s16] =	ssyncadd.s32 $0xFFFFC000  }
0x1d2: {  	s7 =	stileid.u32;
	[bflag:$0x0] =	sbarrier.arrive $0xFFFF  }
0x1d3: {  	s7 =	sshll.u32 s7, $0x6;
	s9 =	rddreg [dreg:$0x7]  }
0x1d4: {  	s7 =	sor.u32 $0x1C03, s7;
	s10 =	rddreg [dreg:$0x8];
	s8 =	sshrl.u32 s9, $0x3  }
0x1d5: {  	[hbm:s10], [sflag:s7] =	dma.local [spmem:s8], $0x2800  }
0x1d6: {  	_ =	swait.ge [sflag:s16], $0x2800  }
0x1d7: {  	s0 =	rddreg [dreg:$0xe]  }
0x1d8: {  	s31 =	rddreg [dreg:$0x9];
	s0 =	sadd.s32 $0x1, s0  }
0x1d9: {  	p0 =	sne.s32 s0, s31  }
.Ltmp2:
0x1da: {  	_ = 	snop;
	(pc) =	sbr.rel @p0 .LBB2_1-.Ltmp2, $3  }
0x1db: {  	_ =	sdelay $0x1  }
0x1dc: {  	[sflag:s16] =	ssyncset.done $0x0  }
0x1dd: {  	[sflag:s16] =	ssyncadd.s32 $0xFFFFD800  }
0x1de: {  	_ =	sfence.sel $0x180000  }
0x1df: {  	[bflag:$0x0] =	sbarrier.arrive $0xFFFF  }
0x1e0: {  	_ =	strace $0x9000004D  }
0x1e1: {  	s0 =	stileid.u32;
	[bflag:$0x2] =	sbarrier.arrive $0xFFFF  }
0x1e2: {  	p0 =	sne.s32 s0, $0x0;
	s0 =	rddreg [dreg:$0x3]  }
0x1e3: {  	s0 =	sadd.s32 @!p0 $0x100000, s0  }
0x1e4: {  	[sflag:s0] =	ssyncadd.tile.s32 @!p0 $0x1;
	_ =	shalt  }
.Lfunc_end2:
_tile_overlayer_lowered:
.L_overlay_start_2:
0x1e5: {  	(tag) =	ssettag $0x2  }
0x1e6: {  	s0 =	rddreg [dreg:$0x0];
	s2 =	stileid.u32  }
0x1e7: {  	s1 =	rddreg [dreg:$0x1];
	p0 =	sne.s32 s2, $0x0  }
0x1e8: {  	s3 =	rddreg [dreg:$0x2];
	[bflag:$0x3] =	sbarrier.arrive $0xFFFF;
	s2 =	simm.s32 @!p0 $0x1C03  }
0x1e9: {  	[timem:s3], [sflag:s2] =	dma.local @!p0 [hbm:s0], s1  }
0x1ea: {  	s0 =	simm.s32 @!p0 $0x3  }
0x1eb: {  	_ =	swait.ge @!p0 [sflag:s0], s1  }
0x1ec: {  	s1 =	ssub.s32 @!p0 $0x0, s1;
	[sflag:s0] =	ssyncset.done @!p0 $0x0  }
0x1ed: {  	[sflag:s0] =	ssyncadd.s32 @!p0 s1  }
0x1ee: {  	[bflag:$0x3] =	sbarrier.arrive $0xFFFF  }
0x1ef: {  	_ =	shalt  }

// kernel: kernel.8.cloned.1.call-start
scs
__scs_entry_jumppad:
0x0: {  	(pc) =	sbr.rel $0x88, $3  }
0x1: {  	(tag) =	ssettag $0x0;
	lr =	simm.s32 $0x1  }
0x2: {  	[smem:$0x3F9B] =	sst lr;
	_ =	strace $0xD0000000  }
0x3: {  	_ = 	snop  }
0x4: {  	_ = 	snop  }
0x5: {  	_ = 	snop  }
0x6: {  	_ = 	snop  }
0x7: {  	_ = 	snop  }
__scs_overlays_trampoline_lowered:
0x8: {  	[smem:$0x3FAA] =	sst s0  }
0x9: {  	[smem:$0x3FAB] =	sst s1  }
0xa: {  	[smem:$0x3FAC] =	sst s2  }
0xb: {  	[smem:$0x3FAD] =	sst s3  }
0xc: {  	[smem:$0x3FAE] =	sst s4  }
0xd: {  	[smem:$0x3FAF] =	sst s5  }
0xe: {  	[smem:$0x3FB0] =	sst s6  }
0xf: {  	[smem:$0x3FB1] =	sst s7  }
0x10: {  	[smem:$0x3FB2] =	sst s8  }
0x11: {  	[smem:$0x3FB3] =	sst s9;
	s0 =	simm.s32 @!p0 $0x0  }
0x12: {  	s1 =	sld [smem:$0x3F99];
	s0 =	simm.s32 @p0 $0x1  }
0x13: {  	[smem:$0x3FB4] =	sst s0;
	s0 =	simm.s32 @!p1 $0x0  }
0x14: {  	s2 =	sld [smem:$0x3F98];
	s0 =	simm.s32 @p1 $0x1  }
0x15: {  	[smem:$0x3FB5] =	sst s0;
	s0 =	simm.s32 @!p2 $0x0  }
0x16: {  	s3 =	sld [smem:$0x3FDB];
	s0 =	simm.s32 @p2 $0x1  }
0x17: {  	s4 =	simm.s32 $0x1BF5;
	[smem:$0x3FB7] =	sst s0  }
0x18: {  	s0 =	sld [smem:$0x3F9A];
	_ =	swait.ge [sflag:s4], $0x0  }
0x19: {  	s7 =	sld [smem:$0x3F9B]  }
0x1a: {  	s8 =	sadd.s32 $0xFFFFE003, lr  }
0x1b: {  	s9 =	sadd.s32 $0xFFFFFEF7, lr;
	s5 =	simm.s32 $0xFFFFFFFF;
	p2 =	slt.u32 s8, $0xFFFFF086  }
0x1c: {  	p1 =	slt.u32 s9, $0xF7A;
	s5 =	simm.s32 @!p2 $0x0  }
0x1d: {  	s5 =	simm.s32 @p1 $0x1;
	p0 =	seq.s32 s7, s2  }
0x1e: {  	s7 =	smul.u32 @!p0 $0xF7A, s2;
	p2 =	seq.s32 @!p0 s5, $0x0  }
0x1f: {  	s9 =	smul.u32 $0xF7A, s1;
	s8 =	simm.s32 @!p0 $0x1BF5;
	p2 =	por !p2, p0  }
0x20: {  	[sflag:s8] =	ssyncset.s32 @!p0 $0xFFFFF086;
	s6 =	sadd.s32 @!p0 s3, s7;
	s7 =	simm.s32 @!p0 $0x108  }
0x21: {  	s3 =	sadd.s32 s3, s9;
	s6 =	sadd.s32 @!p0 $0x88, s6;
	s7 =	simm.s32 @p2 $0x1082  }
0x22: {  	[simem:s7], [sflag:s8] =	dma.local @!p0 [hbm:s6], $0xF7A  }
0x23: {  	s9 =	sor.u32 $0xD0000000, s2;
	s6 =	simm.s32 $0x108;
	_ =	swait.ge @!p0 [sflag:s8], $0x0  }
0x24: {  	s3 =	sadd.s32 $0x88, s3;
	s6 =	simm.s32 @!p1 $0x1082;
	[sflag:s4] =	ssyncset.s32 $0xFFFFF086  }
0x25: {  	[simem:s6], [sflag:s4] =	dma.local [hbm:s3], $0xF7A  }
0x26: {  	[smem:$0x3F9B] =	sst s1;
	(tag) =	ssettag s2;
	_ =	strace s9  }
0x27: {  	s1 =	sld [smem:$0x3FAB]  }
0x28: {  	s2 =	sld [smem:$0x3FAC]  }
0x29: {  	s4 =	sld [smem:$0x3FAE]  }
0x2a: {  	p0 =	seq.s32 s5, $0x0;
	s5 =	sld [smem:$0x3FAF]  }
0x2b: {  	s6 =	sld [smem:$0x3FB0]  }
0x2c: {  	s7 =	sld [smem:$0x3FB1]  }
0x2d: {  	s3 =	simm.s32 $0x108;
	s8 =	sld [smem:$0x3FB2]  }
0x2e: {  	s3 =	simm.s32 @!p0 $0x1082;
	s9 =	sld [smem:$0x3FB3]  }
0x2f: {  	lr =	sadd.s32 s0, s3;
	s0 =	sld [smem:$0x3FAA]  }
0x30: {  	s3 =	sld [smem:$0x3FAD]  }
0x31: {  	[smem:$0x3FB6] =	sst s10  }
0x32: {  	s10 =	sld [smem:$0x3FB4];
	_ =	sdelay $0x3  }
0x33: {  	p0 =	seq.s32 s10, $0x1;
	s10 =	sld [smem:$0x3FB6];
	_ =	sdelay $0x3  }
0x34: {  	[smem:$0x3FB6] =	sst s10  }
0x35: {  	s10 =	sld [smem:$0x3FB5];
	_ =	sdelay $0x3  }
0x36: {  	p1 =	seq.s32 s10, $0x1;
	s10 =	sld [smem:$0x3FB6];
	_ =	sdelay $0x3  }
0x37: {  	[smem:$0x3FB6] =	sst s10  }
0x38: {  	s10 =	sld [smem:$0x3FB7]  }
0x39: {  	_ = 	snop;
	(pc) =	sbr.ind lr, $3  }
0x3a: {  	_ = 	snop  }
0x3b: {  	_ = 	snop  }
0x3c: {  	p2 =	seq.s32 s10, $0x1;
	s10 =	sld [smem:$0x3FB6]  }
0x3d: {  	_ =	shalt  }
0x3e: {  	_ =	shalt  }
0x3f: {  	_ =	shalt  }
0x40: {  	_ =	shalt  }
0x41: {  	_ =	shalt  }
0x42: {  	_ =	shalt  }
0x43: {  	_ =	shalt  }
0x44: {  	_ =	shalt  }
0x45: {  	_ =	shalt  }
0x46: {  	_ =	shalt  }
0x47: {  	_ =	shalt  }
0x48: {  	_ =	shalt  }
0x49: {  	_ =	shalt  }
0x4a: {  	_ =	shalt  }
0x4b: {  	_ =	shalt  }
0x4c: {  	_ =	shalt  }
0x4d: {  	_ =	shalt  }
0x4e: {  	_ =	shalt  }
0x4f: {  	_ =	shalt  }
0x50: {  	_ =	shalt  }
0x51: {  	_ =	shalt  }
0x52: {  	_ =	shalt  }
0x53: {  	_ =	shalt  }
0x54: {  	_ =	shalt  }
0x55: {  	_ =	shalt  }
0x56: {  	_ =	shalt  }
0x57: {  	_ =	shalt  }
0x58: {  	_ =	shalt  }
0x59: {  	_ =	shalt  }
0x5a: {  	_ =	shalt  }
0x5b: {  	_ =	shalt  }
0x5c: {  	_ =	shalt  }
0x5d: {  	_ =	shalt  }
0x5e: {  	_ =	shalt  }
0x5f: {  	_ =	shalt  }
0x60: {  	_ =	shalt  }
0x61: {  	_ =	shalt  }
0x62: {  	_ =	shalt  }
0x63: {  	_ =	shalt  }
0x64: {  	_ =	shalt  }
0x65: {  	_ =	shalt  }
0x66: {  	_ =	shalt  }
0x67: {  	_ =	shalt  }
0x68: {  	_ =	shalt  }
0x69: {  	_ =	shalt  }
0x6a: {  	_ =	shalt  }
0x6b: {  	_ =	shalt  }
0x6c: {  	_ =	shalt  }
0x6d: {  	_ =	shalt  }
0x6e: {  	_ =	shalt  }
0x6f: {  	_ =	shalt  }
0x70: {  	_ =	shalt  }
0x71: {  	_ =	shalt  }
0x72: {  	_ =	shalt  }
0x73: {  	_ =	shalt  }
0x74: {  	_ =	shalt  }
0x75: {  	_ =	shalt  }
0x76: {  	_ =	shalt  }
0x77: {  	_ =	shalt  }
0x78: {  	_ =	shalt  }
0x79: {  	_ =	shalt  }
0x7a: {  	_ =	shalt  }
0x7b: {  	_ =	shalt  }
0x7c: {  	_ =	shalt  }
0x7d: {  	_ =	shalt  }
0x7e: {  	_ =	shalt  }
0x7f: {  	_ =	shalt  }
0x80: {  	_ =	shalt  }
0x81: {  	_ =	shalt  }
0x82: {  	_ =	shalt  }
0x83: {  	_ =	shalt  }
0x84: {  	_ =	shalt  }
0x85: {  	_ =	shalt  }
0x86: {  	_ =	shalt  }
0x87: {  	_ =	shalt  }
.Lfunc_end0:
.L_simem_size_0:
called_computation_lowered:
.L_overlay_start_0:
0x88: {  	s2 =	sld [smem:$0x3FD9]  }
0x89: {  	s3 =	sld [smem:$0x3FFE];
	_ =	sdelay $0x1  }
0x8a: {  	s1 =	srdreg.scid  }
0x8b: {  	s0 =	sand.u32 $0x1, s1  }
0x8c: {  	s17 =	sshll.u32 s0, $0xA;
	s2 =	sadd.s32 s3, s2  }
0x8d: {  	s2 =	sadd.s32 s2, s17  }
0x8e: {  	[smem:$0x3FC2] =	sst s2  }
0x8f: {  	_ = 	snop  }
0x90: {  	s2 =	sld [smem:$0x3FD0];
	(tm) =	ssettm $0x1  }
0x91: {  	s18 =	sld [smem:$0x3FFB];
	_ =	sdelay $0x3  }
0x92: {  	_ =	strace s18  }
0x93: {  	s3 =	sld [smem:$0x3FFC];
	_ =	sdelay $0x3  }
0x94: {  	_ =	strace s3  }
0x95: {  	s3 =	sld [smem:$0x3FFD];
	_ =	sdelay $0x3  }
0x96: {  	_ =	strace s3  }
0x97: {  	_ =	strace $0x8FFFFFFF  }
0x98: {  	s19 =	sld [smem:$0x3FDB];
	_ =	sdelay $0x1  }
0x99: {  	s4 =	simm.s32 $_scs_section_size  }
0x9a: {  	s5 =	simm.s32 $_size__tile_overlayer_lowered;
	s6 =	simm.s32 $_tile_overlayer_lowered  }
0x9b: {  	s22 =	simm.s32 $0x1BFF;
	s21 =	sshll.u32 s6, $0x1;
	s3 =	sadd.s32 s4, s19  }
0x9c: {  	s7 =	simm.s32 $0x0;
	s20 =	sshll.u32 s5, $0x1;
	s5 =	sadd.s32 s21, s3  }
0x9d: {  	[timem:s7], [sflag:s22] =	dma.local [hbm:s5], s20  }
0x9e: {  	_ =	swait.ge [sflag:s22], s20  }
0x9f: {  	s4 =	ssub.s32 $0x0, s20;
	[sflag:s22] =	ssyncset.done $0x0  }
0xa0: {  	[sflag:s22] =	ssyncadd.s32 s4;
	_ =	sdelay $0x1  }
0xa1: {  	s23 =	simm.s32 $0x1B8B  }
0xa2: {  	_ =	swait.ge [sflag:s23], $0x1  }
0xa3: {  	[sflag:s23] =	ssyncset.done $0x0  }
0xa4: {  	s25 =	simm.s32 $0x1B8E;
	s24 =	sld [smem:$0x3FFE];
	[sflag:s23] =	ssyncadd.s32 $0xFFFFFFFF  }
0xa5: {  	s26 =	simm.s32 $execute0_lowered;
	[smem:$0x3FD2] =	sst s25  }
0xa6: {  	s5 =	sshll.u32 s26, $0x1;
	_ =	strace $0x80000046;
	[dreg:$0x1] =	wrdreg $0xFFFFFFFF  }
0xa7: {  	s28 =	simm.s32 $_size_execute0_lowered;
	s3 =	sadd.s32 s3, s5;
	[dreg:$0x0] =	wrdreg $0x0  }
0xa8: {  	s5 =	sshll.u32 s28, $0x1;
	[dreg:$0x2] =	wrdreg s3  }
0xa9: {  	[dreg:$0x3] =	wrdreg s5  }
0xaa: {  	[dreg:$0x4] =	wrdreg $0xC0  }
0xab: {  	_ =	task [dreg:s7], $0x5FFFF  }
0xac: {  	[dreg:$0x1] =	wrdreg $0xFFFFFFFF  }
0xad: {  	[dreg:$0x0] =	wrdreg $0x60  }
0xae: {  	[dreg:$0x2] =	wrdreg s24  }
0xaf: {  	[dreg:$0x3] =	wrdreg s2  }
0xb0: {  	[dreg:$0x4] =	wrdreg $0xB000  }
0xb1: {  	[dreg:$0x5] =	wrdreg $0x9  }
0xb2: {  	_ =	task.clear_ibuf [dreg:s7], $0x6FFFF;
	_ =	strace $0x90000046  }
0xb3: {  	s29 =	simm.s32 $0x9;
	_ =	strace $0x80000048  }
0xb4: {  	_ =	swait.ge [sflag:s29], $0x1  }
0xb5: {  	[sflag:s29] =	ssyncadd.s32 $0xFFFFFFFF  }
0xb6: {  	_ =	strace $0x90000048  }
0xb7: {  	_ =	sfence  }
0xb8: {  	s30 =	sld [smem:$0x0];
	_ =	sdelay $0x2  }
0xb9: {  	s31 =	sshll.u32 s1, $0xD;
	s1 =	sshrl.u32 s1, $0x2  }
0xba: {  	s3 =	sand.u32 $0x4000, s31;
	s1 =	sadd.s32 s1, s30  }
0xbb: {  	s0 =	sor.u32 s3, s0;
	s1 =	sshll.u32 s1, $0x11  }
0xbc: {  	s0 =	sor.u32 s1, s0  }
0xbd: {  	s0 =	sadd.s32 $0x8F2B, s0  }
0xbe: {  	[sflag:s0] =	ssyncadd.remote.s32 $0x1  }
0xbf: {  	_ =	sfence.sel $0xFFFF  }
0xc0: {  	[dreg:$0x0] =	wrdreg $0xFFFFFFFF;
	(pc) =	sbr.abs _section_cstart, $3  }
0xc1: {  	[dreg:$0x1] =	wrdreg $0xFFFFFFFF  }
0xc2: {  	_ =	task.clear_ibuf [dreg:s7], $0x2FFFF;
	_ =	strace $0x9FFFFFFF  }
0xc3: {  	(tm) =	ssettm $0x7FFFFFFF  }
tec
execute0_lowered:
.L_overlay_start_1:
0x0: {  	(tag) =	ssettag $0x1  }
0x1: {  	s0 =	rddreg [dreg:$0x0];
	s1 =	srdreg.scid  }
0x2: {  	s5 =	rddreg [dreg:$0x1];
	s25 =	stileid.u32  }
0x3: {  	s2 =	rddreg [dreg:$0x2];
	s3 =	simm.s32 $0x0;
	s9 =	simm.s32 $0x1  }
0x4: {  	s10 =	simm.s32 $0x80;
	s11 =	simm.s32 $0x800;
	s12 =	simm.s32 $0x100  }
0x5: {  	s13 =	simm.s32 $0x180;
	s14 =	simm.s32 $0x200;
	s15 =	simm.s32 $0x280  }
0x6: {  	s16 =	simm.s32 $0x300;
	s17 =	simm.s32 $0x380;
	s18 =	simm.s32 $0x400  }
0x7: {  	s19 =	simm.s32 $0x480;
	s20 =	simm.s32 $0x500;
	s21 =	simm.s32 $0x580  }
0x8: {  	s22 =	simm.s32 $0x600;
	s30 =	simm.s32 $0x10;
	s6 =	smul.u32 $0x2800, s25  }
0x9: {  	s31 =	simm.s32 $0x0;
	s1 =	sand.u32 $0x1, s1;
	s23 =	smul.u32 $0xA00, s25  }
0xa: {  	[smem:$0x7FF] =	sst s3;
	s7 =	smul.u32 $0x500, s25;
	s29 =	sshll.u32 s25, $0x6  }
0xb: {  	s4 =	smul.u32 $0x28000, s1;
	_ =	strace $0x80000047;
	s24 =	ssub.s32 $0x2, s1  }
0xc: {  	s1 =	sshll.u32 s1, $0x7;
	s25 =	sor.u32 $0x1C01, s29;
	s8 =	sshrl.u32 s24, $0x1  }
0xd: {  	s1 =	sor.u32 s1, s7;
	s4 =	sadd.s32 s6, s4;
	s6 =	sshrl.u32 s23, $0x2  }
0xe: {  	s26 =	ssub.s32 s24, s8;
	s1 =	sshrl.u32 s1, $0x3;
	s23 =	simm.s32 $0x680  }
0xf: {  	s24 =	simm.s32 $0x700;
	s4 =	sshrl.u32 s4, $0x3;
	s5 =	sadd.s32 s5, s1  }
0x10: {  	s0 =	sadd.s32 s4, s0;
	s4 =	sadd.s32 s6, s2;
	s6 =	smax.u32 s26, $0x1  }
0x11: {  	v0 =	vimm.f32 $0.0e+00;
	v1 =	vimm.f32 $1.000000000e+00;
	s26 =	simm.s32 $0x780;
	s7 =	sadd.s32 $0x2C00, s0;
	s28 =	sshrl.u32 s4, $0x3  }
.LBB2_1:
0x12: {  	[tilespmem:$0x880] =	vst v0  }
0x13: {  	[tilespmem:$0x890] =	vst v0  }
0x14: {  	[tilespmem:$0x8A0] =	vst v0  }
0x15: {  	[tilespmem:$0x8B0] =	vst v0  }
0x16: {  	[tilespmem:$0x8C0] =	vst v0  }
0x17: {  	[tilespmem:$0x8D0] =	vst v0  }
0x18: {  	[tilespmem:$0x8E0] =	vst v0  }
0x19: {  	[tilespmem:$0x8F0] =	vst v0  }
0x1a: {  	[tilespmem:$0x900] =	vst v0  }
0x1b: {  	[tilespmem:$0x910] =	vst v0  }
0x1c: {  	[tilespmem:$0x920] =	vst v0  }
0x1d: {  	[tilespmem:$0x930] =	vst v0  }
0x1e: {  	[tilespmem:$0x940] =	vst v0  }
0x1f: {  	[tilespmem:$0x950] =	vst v0  }
0x20: {  	[tilespmem:$0x960] =	vst v0  }
0x21: {  	[tilespmem:$0x970] =	vst v0  }
0x22: {  	[tilespmem:$0x980] =	vst v0  }
0x23: {  	[tilespmem:$0x990] =	vst v0  }
0x24: {  	[tilespmem:$0x9A0] =	vst v0  }
0x25: {  	[tilespmem:$0x9B0] =	vst v0  }
0x26: {  	[tilespmem:$0x9C0] =	vst v0  }
0x27: {  	[tilespmem:$0x9D0] =	vst v0  }
0x28: {  	[tilespmem:$0x9E0] =	vst v0  }
0x29: {  	[tilespmem:$0x9F0] =	vst v0  }
0x2a: {  	[tilespmem:$0xA00] =	vst v0  }
0x2b: {  	[tilespmem:$0xA10] =	vst v0  }
0x2c: {  	[tilespmem:$0xA20] =	vst v0  }
0x2d: {  	[tilespmem:$0xA30] =	vst v0  }
0x2e: {  	[tilespmem:$0xA40] =	vst v0  }
0x2f: {  	[tilespmem:$0xA50] =	vst v0  }
0x30: {  	[tilespmem:$0xA60] =	vst v0  }
0x31: {  	[tilespmem:$0xA70] =	vst v0  }
0x32: {  	[tilespmem:$0xA80] =	vst v0  }
0x33: {  	[tilespmem:$0xA90] =	vst v0  }
0x34: {  	[tilespmem:$0xAA0] =	vst v0  }
0x35: {  	[tilespmem:$0xAB0] =	vst v0  }
0x36: {  	[tilespmem:$0xAC0] =	vst v0  }
0x37: {  	[tilespmem:$0xAD0] =	vst v0  }
0x38: {  	[tilespmem:$0xAE0] =	vst v0  }
0x39: {  	[tilespmem:$0xAF0] =	vst v0  }
0x3a: {  	[tilespmem:$0x800] =	vst v1  }
0x3b: {  	[tilespmem:$0x810] =	vst v1  }
0x3c: {  	[tilespmem:$0x820] =	vst v1  }
0x3d: {  	[tilespmem:$0x830] =	vst v1  }
0x3e: {  	[tilespmem:$0x840] =	vst v1  }
0x3f: {  	[tilespmem:$0x850] =	vst v1  }
0x40: {  	[tilespmem:$0x860] =	vst v1  }
0x41: {  	[tilespmem:$0x870] =	vst v1;
	s0 =	simm.s32 $0x880  }
0x42: {  	[spmem:s4] =	stream.linear.scatter [tilespmem:s0], [sflag:$0x1], $0x280, $0x38;
	[tilespmem:$0xD80] =	vst v63  }
0x43: {  	_ =	swait.ge [sflag:s9], $0x280  }
0x44: {  	[sflag:s9] =	ssyncset.done $0x0  }
0x45: {  	[sflag:s9] =	ssyncadd.s32 $0xFFFFFD80  }
0x46: {  	s29 =	sadd.s32 $0x0, s7;
	[bflag:$0x0] =	sbarrier.arrive $0xFFFF  }
0x47: {  	[tilespmem:s3], [sflag:$0x1] =	stream.linear.gather [hbm4b:s29+s3], $0x800, $0x38;
	[tilespmem:$0xD80] =	vst v63  }
0x48: {  	_ =	swait.ge [sflag:s9], $0x800  }
0x49: {  	[sflag:s9] =	ssyncset.done $0x0  }
0x4a: {  	[sflag:s9] =	ssyncadd.s32 $0xFFFFF800  }
0x4b: {  	[spmem:s2] =	stream.indirect.scatter.add.f32 [tilespmem:s11], [sflag:$0x1], $0x1, s3, s10, $0xb8;
	[tilespmem:$0xD80] =	vst v63  }
0x4c: {  	_ =	swait.ge [sflag:s9], $0x80  }
0x4d: {  	[sflag:s9] =	ssyncset.done $0x0  }
0x4e: {  	[sflag:s9] =	ssyncadd.s32 $0xFFFFFF80  }
0x4f: {  	[spmem:s2] =	stream.indirect.scatter.add.f32 [tilespmem:s11], [sflag:$0x1], $0x1, s10, s10, $0xb8;
	[tilespmem:$0xD80] =	vst v63  }
0x50: {  	_ =	swait.ge [sflag:s9], $0x80  }
0x51: {  	[sflag:s9] =	ssyncset.done $0x0  }
0x52: {  	[sflag:s9] =	ssyncadd.s32 $0xFFFFFF80  }
0x53: {  	[spmem:s2] =	stream.indirect.scatter.add.f32 [tilespmem:s11], [sflag:$0x1], $0x1, s12, s10, $0xb8;
	[tilespmem:$0xD80] =	vst v63  }
0x54: {  	_ =	swait.ge [sflag:s9], $0x80  }
0x55: {  	[sflag:s9] =	ssyncset.done $0x0  }
0x56: {  	[sflag:s9] =	ssyncadd.s32 $0xFFFFFF80  }
0x57: {  	[spmem:s2] =	stream.indirect.scatter.add.f32 [tilespmem:s11], [sflag:$0x1], $0x1, s13, s10, $0xb8;
	[tilespmem:$0xD80] =	vst v63  }
0x58: {  	_ =	swait.ge [sflag:s9], $0x80  }
0x59: {  	[sflag:s9] =	ssyncset.done $0x0  }
0x5a: {  	[sflag:s9] =	ssyncadd.s32 $0xFFFFFF80  }
0x5b: {  	[spmem:s2] =	stream.indirect.scatter.add.f32 [tilespmem:s11], [sflag:$0x1], $0x1, s14, s10, $0xb8;
	[tilespmem:$0xD80] =	vst v63  }
0x5c: {  	_ =	swait.ge [sflag:s9], $0x80  }
0x5d: {  	[sflag:s9] =	ssyncset.done $0x0  }
0x5e: {  	[sflag:s9] =	ssyncadd.s32 $0xFFFFFF80  }
0x5f: {  	[spmem:s2] =	stream.indirect.scatter.add.f32 [tilespmem:s11], [sflag:$0x1], $0x1, s15, s10, $0xb8;
	[tilespmem:$0xD80] =	vst v63  }
0x60: {  	_ =	swait.ge [sflag:s9], $0x80  }
0x61: {  	[sflag:s9] =	ssyncset.done $0x0  }
0x62: {  	[sflag:s9] =	ssyncadd.s32 $0xFFFFFF80  }
0x63: {  	[spmem:s2] =	stream.indirect.scatter.add.f32 [tilespmem:s11], [sflag:$0x1], $0x1, s16, s10, $0xb8;
	[tilespmem:$0xD80] =	vst v63  }
0x64: {  	_ =	swait.ge [sflag:s9], $0x80  }
0x65: {  	[sflag:s9] =	ssyncset.done $0x0  }
0x66: {  	[sflag:s9] =	ssyncadd.s32 $0xFFFFFF80  }
0x67: {  	[spmem:s2] =	stream.indirect.scatter.add.f32 [tilespmem:s11], [sflag:$0x1], $0x1, s17, s10, $0xb8;
	[tilespmem:$0xD80] =	vst v63  }
0x68: {  	_ =	swait.ge [sflag:s9], $0x80  }
0x69: {  	[sflag:s9] =	ssyncset.done $0x0  }
0x6a: {  	[sflag:s9] =	ssyncadd.s32 $0xFFFFFF80  }
0x6b: {  	[spmem:s2] =	stream.indirect.scatter.add.f32 [tilespmem:s11], [sflag:$0x1], $0x1, s18, s10, $0xb8;
	[tilespmem:$0xD80] =	vst v63  }
0x6c: {  	_ =	swait.ge [sflag:s9], $0x80  }
0x6d: {  	[sflag:s9] =	ssyncset.done $0x0  }
0x6e: {  	[sflag:s9] =	ssyncadd.s32 $0xFFFFFF80  }
0x6f: {  	[spmem:s2] =	stream.indirect.scatter.add.f32 [tilespmem:s11], [sflag:$0x1], $0x1, s19, s10, $0xb8;
	[tilespmem:$0xD80] =	vst v63  }
0x70: {  	_ =	swait.ge [sflag:s9], $0x80  }
0x71: {  	[sflag:s9] =	ssyncset.done $0x0  }
0x72: {  	[sflag:s9] =	ssyncadd.s32 $0xFFFFFF80  }
0x73: {  	[spmem:s2] =	stream.indirect.scatter.add.f32 [tilespmem:s11], [sflag:$0x1], $0x1, s20, s10, $0xb8;
	[tilespmem:$0xD80] =	vst v63  }
0x74: {  	_ =	swait.ge [sflag:s9], $0x80  }
0x75: {  	[sflag:s9] =	ssyncset.done $0x0  }
0x76: {  	[sflag:s9] =	ssyncadd.s32 $0xFFFFFF80  }
0x77: {  	[spmem:s2] =	stream.indirect.scatter.add.f32 [tilespmem:s11], [sflag:$0x1], $0x1, s21, s10, $0xb8;
	[tilespmem:$0xD80] =	vst v63  }
0x78: {  	_ =	swait.ge [sflag:s9], $0x80  }
0x79: {  	[sflag:s9] =	ssyncset.done $0x0  }
0x7a: {  	[sflag:s9] =	ssyncadd.s32 $0xFFFFFF80  }
0x7b: {  	[spmem:s2] =	stream.indirect.scatter.add.f32 [tilespmem:s11], [sflag:$0x1], $0x1, s22, s10, $0xb8;
	[tilespmem:$0xD80] =	vst v63  }
0x7c: {  	_ =	swait.ge [sflag:s9], $0x80  }
0x7d: {  	[sflag:s9] =	ssyncset.done $0x0  }
0x7e: {  	[sflag:s9] =	ssyncadd.s32 $0xFFFFFF80  }
0x7f: {  	[spmem:s2] =	stream.indirect.scatter.add.f32 [tilespmem:s11], [sflag:$0x1], $0x1, s23, s10, $0xb8;
	[tilespmem:$0xD80] =	vst v63  }
0x80: {  	_ =	swait.ge [sflag:s9], $0x80  }
0x81: {  	[sflag:s9] =	ssyncset.done $0x0  }
0x82: {  	[sflag:s9] =	ssyncadd.s32 $0xFFFFFF80  }
0x83: {  	[spmem:s2] =	stream.indirect.scatter.add.f32 [tilespmem:s11], [sflag:$0x1], $0x1, s24, s10, $0xb8;
	[tilespmem:$0xD80] =	vst v63  }
0x84: {  	_ =	swait.ge [sflag:s9], $0x80  }
0x85: {  	[sflag:s9] =	ssyncset.done $0x0  }
0x86: {  	[sflag:s9] =	ssyncadd.s32 $0xFFFFFF80  }
0x87: {  	[spmem:s2] =	stream.indirect.scatter.add.f32 [tilespmem:s11], [sflag:$0x1], $0x1, s26, s10, $0xb8;
	[tilespmem:$0xD80] =	vst v63  }
0x88: {  	_ =	swait.ge [sflag:s9], $0x80  }
0x89: {  	s1 =	simm.s32 $0x100;
	s0 =	simm.s32 $0x200;
	[sflag:s9] =	ssyncset.done $0x0  }
.LBB2_2:
0x8a: {  	s29 =	sadd.s32 s1, s7  }
0x8b: {  	[sflag:s9] =	ssyncadd.s32 $0xFFFFFF80;
	s1 =	smov.u32 s0;
	s8 =	sadd.s32 $0x100, s0  }
0x8c: {  	[tilespmem:s3], [sflag:$0x1] =	stream.linear.gather [hbm4b:s29+s3], $0x800, $0x38;
	[tilespmem:$0xD80] =	vst v63  }
0x8d: {  	p0 =	sne.s32 s0, $0x400;
	_ =	swait.ge [sflag:s9], $0x800  }
0x8e: {  	[sflag:s9] =	ssyncset.done $0x0  }
0x8f: {  	[sflag:s9] =	ssyncadd.s32 $0xFFFFF800  }
0x90: {  	[spmem:s2] =	stream.indirect.scatter.add.f32 [tilespmem:s11], [sflag:$0x1], $0x1, s3, s10, $0xb8;
	[tilespmem:$0xD80] =	vst v63  }
0x91: {  	_ =	swait.ge [sflag:s9], $0x80  }
0x92: {  	[sflag:s9] =	ssyncset.done $0x0  }
0x93: {  	[sflag:s9] =	ssyncadd.s32 $0xFFFFFF80  }
0x94: {  	[spmem:s2] =	stream.indirect.scatter.add.f32 [tilespmem:s11], [sflag:$0x1], $0x1, s10, s10, $0xb8;
	[tilespmem:$0xD80] =	vst v63  }
0x95: {  	_ =	swait.ge [sflag:s9], $0x80  }
0x96: {  	[sflag:s9] =	ssyncset.done $0x0  }
0x97: {  	[sflag:s9] =	ssyncadd.s32 $0xFFFFFF80  }
0x98: {  	[spmem:s2] =	stream.indirect.scatter.add.f32 [tilespmem:s11], [sflag:$0x1], $0x1, s12, s10, $0xb8;
	[tilespmem:$0xD80] =	vst v63  }
0x99: {  	_ =	swait.ge [sflag:s9], $0x80  }
0x9a: {  	[sflag:s9] =	ssyncset.done $0x0  }
0x9b: {  	[sflag:s9] =	ssyncadd.s32 $0xFFFFFF80  }
0x9c: {  	[spmem:s2] =	stream.indirect.scatter.add.f32 [tilespmem:s11], [sflag:$0x1], $0x1, s13, s10, $0xb8;
	[tilespmem:$0xD80] =	vst v63  }
0x9d: {  	_ =	swait.ge [sflag:s9], $0x80  }
0x9e: {  	[sflag:s9] =	ssyncset.done $0x0  }
0x9f: {  	[sflag:s9] =	ssyncadd.s32 $0xFFFFFF80  }
0xa0: {  	[spmem:s2] =	stream.indirect.scatter.add.f32 [tilespmem:s11], [sflag:$0x1], $0x1, s14, s10, $0xb8;
	[tilespmem:$0xD80] =	vst v63  }
0xa1: {  	_ =	swait.ge [sflag:s9], $0x80  }
0xa2: {  	[sflag:s9] =	ssyncset.done $0x0  }
0xa3: {  	[sflag:s9] =	ssyncadd.s32 $0xFFFFFF80  }
0xa4: {  	[spmem:s2] =	stream.indirect.scatter.add.f32 [tilespmem:s11], [sflag:$0x1], $0x1, s15, s10, $0xb8;
	[tilespmem:$0xD80] =	vst v63  }
0xa5: {  	_ =	swait.ge [sflag:s9], $0x80  }
0xa6: {  	[sflag:s9] =	ssyncset.done $0x0  }
0xa7: {  	[sflag:s9] =	ssyncadd.s32 $0xFFFFFF80  }
0xa8: {  	[spmem:s2] =	stream.indirect.scatter.add.f32 [tilespmem:s11], [sflag:$0x1], $0x1, s16, s10, $0xb8;
	[tilespmem:$0xD80] =	vst v63  }
0xa9: {  	_ =	swait.ge [sflag:s9], $0x80  }
0xaa: {  	[sflag:s9] =	ssyncset.done $0x0  }
0xab: {  	[sflag:s9] =	ssyncadd.s32 $0xFFFFFF80  }
0xac: {  	[spmem:s2] =	stream.indirect.scatter.add.f32 [tilespmem:s11], [sflag:$0x1], $0x1, s17, s10, $0xb8;
	[tilespmem:$0xD80] =	vst v63  }
0xad: {  	_ =	swait.ge [sflag:s9], $0x80  }
0xae: {  	[sflag:s9] =	ssyncset.done $0x0  }
0xaf: {  	[sflag:s9] =	ssyncadd.s32 $0xFFFFFF80  }
0xb0: {  	[spmem:s2] =	stream.indirect.scatter.add.f32 [tilespmem:s11], [sflag:$0x1], $0x1, s18, s10, $0xb8;
	[tilespmem:$0xD80] =	vst v63  }
0xb1: {  	_ =	swait.ge [sflag:s9], $0x80  }
0xb2: {  	[sflag:s9] =	ssyncset.done $0x0  }
0xb3: {  	[sflag:s9] =	ssyncadd.s32 $0xFFFFFF80  }
0xb4: {  	[spmem:s2] =	stream.indirect.scatter.add.f32 [tilespmem:s11], [sflag:$0x1], $0x1, s19, s10, $0xb8;
	[tilespmem:$0xD80] =	vst v63  }
0xb5: {  	_ =	swait.ge [sflag:s9], $0x80  }
0xb6: {  	[sflag:s9] =	ssyncset.done $0x0  }
0xb7: {  	[sflag:s9] =	ssyncadd.s32 $0xFFFFFF80  }
0xb8: {  	[spmem:s2] =	stream.indirect.scatter.add.f32 [tilespmem:s11], [sflag:$0x1], $0x1, s20, s10, $0xb8;
	[tilespmem:$0xD80] =	vst v63  }
0xb9: {  	_ =	swait.ge [sflag:s9], $0x80  }
0xba: {  	[sflag:s9] =	ssyncset.done $0x0  }
0xbb: {  	[sflag:s9] =	ssyncadd.s32 $0xFFFFFF80  }
0xbc: {  	[spmem:s2] =	stream.indirect.scatter.add.f32 [tilespmem:s11], [sflag:$0x1], $0x1, s21, s10, $0xb8;
	[tilespmem:$0xD80] =	vst v63  }
0xbd: {  	_ =	swait.ge [sflag:s9], $0x80  }
0xbe: {  	[sflag:s9] =	ssyncset.done $0x0  }
0xbf: {  	[sflag:s9] =	ssyncadd.s32 $0xFFFFFF80  }
0xc0: {  	[spmem:s2] =	stream.indirect.scatter.add.f32 [tilespmem:s11], [sflag:$0x1], $0x1, s22, s10, $0xb8;
	[tilespmem:$0xD80] =	vst v63  }
0xc1: {  	_ =	swait.ge [sflag:s9], $0x80  }
0xc2: {  	[sflag:s9] =	ssyncset.done $0x0  }
0xc3: {  	[sflag:s9] =	ssyncadd.s32 $0xFFFFFF80  }
0xc4: {  	[spmem:s2] =	stream.indirect.scatter.add.f32 [tilespmem:s11], [sflag:$0x1], $0x1, s23, s10, $0xb8;
	[tilespmem:$0xD80] =	vst v63  }
0xc5: {  	_ =	swait.ge [sflag:s9], $0x80  }
0xc6: {  	[sflag:s9] =	ssyncset.done $0x0  }
0xc7: {  	[sflag:s9] =	ssyncadd.s32 $0xFFFFFF80  }
0xc8: {  	[spmem:s2] =	stream.indirect.scatter.add.f32 [tilespmem:s11], [sflag:$0x1], $0x1, s24, s10, $0xb8;
	[tilespmem:$0xD80] =	vst v63  }
0xc9: {  	_ =	swait.ge [sflag:s9], $0x80  }
.Ltmp0:
0xca: {  	[sflag:s9] =	ssyncset.done $0x0;
	(pc) =	sbr.rel @p0 .LBB2_2-.Ltmp0, $4  }
0xcb: {  	[sflag:s9] =	ssyncadd.s32 $0xFFFFFF80  }
0xcc: {  	[spmem:s2] =	stream.indirect.scatter.add.f32 [tilespmem:s11], [sflag:$0x1], $0x1, s26, s10, $0xb8;
	[tilespmem:$0xD80] =	vst v63  }
0xcd: {  	_ =	swait.ge [sflag:s9], $0x80  }
0xce: {  	s0 =	smov.u32 s8;
	[sflag:s9] =	ssyncset.done $0x0  }
0xcf: {  	s0 =	sadd.s32 s1, s7;
	[sflag:s9] =	ssyncadd.s32 $0xFFFFFF80  }
0xd0: {  	[tilespmem:s3], [sflag:$0x1] =	stream.linear.gather [hbm4b:s0+s3], $0x800, $0x38;
	[tilespmem:$0xD80] =	vst v63  }
0xd1: {  	_ =	swait.ge [sflag:s9], $0x800  }
0xd2: {  	[sflag:s9] =	ssyncset.done $0x0  }
0xd3: {  	[sflag:s9] =	ssyncadd.s32 $0xFFFFF800  }
0xd4: {  	[spmem:s2] =	stream.indirect.scatter.add.f32 [tilespmem:s11], [sflag:$0x1], $0x1, s3, s10, $0xb8;
	[tilespmem:$0xD80] =	vst v63  }
0xd5: {  	_ =	swait.ge [sflag:s9], $0x80  }
0xd6: {  	[sflag:s9] =	ssyncset.done $0x0  }
0xd7: {  	[sflag:s9] =	ssyncadd.s32 $0xFFFFFF80  }
0xd8: {  	[spmem:s2] =	stream.indirect.scatter.add.f32 [tilespmem:s11], [sflag:$0x1], $0x1, s10, s10, $0xb8;
	[tilespmem:$0xD80] =	vst v63  }
0xd9: {  	_ =	swait.ge [sflag:s9], $0x80  }
0xda: {  	[sflag:s9] =	ssyncset.done $0x0  }
0xdb: {  	[sflag:s9] =	ssyncadd.s32 $0xFFFFFF80  }
0xdc: {  	[spmem:s2] =	stream.indirect.scatter.add.f32 [tilespmem:s11], [sflag:$0x1], $0x1, s12, s10, $0xb8;
	[tilespmem:$0xD80] =	vst v63  }
0xdd: {  	_ =	swait.ge [sflag:s9], $0x80  }
0xde: {  	[sflag:s9] =	ssyncset.done $0x0  }
0xdf: {  	[sflag:s9] =	ssyncadd.s32 $0xFFFFFF80  }
0xe0: {  	[spmem:s2] =	stream.indirect.scatter.add.f32 [tilespmem:s11], [sflag:$0x1], $0x1, s13, s10, $0xb8;
	[tilespmem:$0xD80] =	vst v63  }
0xe1: {  	_ =	swait.ge [sflag:s9], $0x80  }
0xe2: {  	[sflag:s9] =	ssyncset.done $0x0  }
0xe3: {  	[sflag:s9] =	ssyncadd.s32 $0xFFFFFF80  }
0xe4: {  	[spmem:s2] =	stream.indirect.scatter.add.f32 [tilespmem:s11], [sflag:$0x1], $0x1, s14, s10, $0xb8;
	[tilespmem:$0xD80] =	vst v63  }
0xe5: {  	_ =	swait.ge [sflag:s9], $0x80  }
0xe6: {  	[sflag:s9] =	ssyncset.done $0x0  }
0xe7: {  	[sflag:s9] =	ssyncadd.s32 $0xFFFFFF80  }
0xe8: {  	[spmem:s2] =	stream.indirect.scatter.add.f32 [tilespmem:s11], [sflag:$0x1], $0x1, s15, s10, $0xb8;
	[tilespmem:$0xD80] =	vst v63  }
0xe9: {  	_ =	swait.ge [sflag:s9], $0x80  }
0xea: {  	[sflag:s9] =	ssyncset.done $0x0  }
0xeb: {  	[sflag:s9] =	ssyncadd.s32 $0xFFFFFF80  }
0xec: {  	[spmem:s2] =	stream.indirect.scatter.add.f32 [tilespmem:s11], [sflag:$0x1], $0x1, s16, s10, $0xb8;
	[tilespmem:$0xD80] =	vst v63  }
0xed: {  	_ =	swait.ge [sflag:s9], $0x80  }
0xee: {  	[sflag:s9] =	ssyncset.done $0x0  }
0xef: {  	[sflag:s9] =	ssyncadd.s32 $0xFFFFFF80  }
0xf0: {  	[spmem:s2] =	stream.indirect.scatter.add.f32 [tilespmem:s11], [sflag:$0x1], $0x1, s17, s10, $0xb8;
	[tilespmem:$0xD80] =	vst v63  }
0xf1: {  	_ =	swait.ge [sflag:s9], $0x80  }
0xf2: {  	[sflag:s9] =	ssyncset.done $0x0  }
0xf3: {  	[sflag:s9] =	ssyncadd.s32 $0xFFFFFF80  }
0xf4: {  	[spmem:s2] =	stream.indirect.scatter.add.f32 [tilespmem:s11], [sflag:$0x1], $0x1, s18, s10, $0xb8;
	[tilespmem:$0xD80] =	vst v63  }
0xf5: {  	_ =	swait.ge [sflag:s9], $0x80  }
0xf6: {  	[sflag:s9] =	ssyncset.done $0x0  }
0xf7: {  	[sflag:s9] =	ssyncadd.s32 $0xFFFFFF80  }
0xf8: {  	[spmem:s2] =	stream.indirect.scatter.add.f32 [tilespmem:s11], [sflag:$0x1], $0x1, s19, s10, $0xb8;
	[tilespmem:$0xD80] =	vst v63  }
0xf9: {  	_ =	swait.ge [sflag:s9], $0x80  }
0xfa: {  	[sflag:s9] =	ssyncset.done $0x0  }
0xfb: {  	[sflag:s9] =	ssyncadd.s32 $0xFFFFFF80  }
0xfc: {  	[spmem:s2] =	stream.indirect.scatter.add.f32 [tilespmem:s11], [sflag:$0x1], $0x1, s20, s10, $0xb8;
	[tilespmem:$0xD80] =	vst v63  }
0xfd: {  	_ =	swait.ge [sflag:s9], $0x80  }
0xfe: {  	[sflag:s9] =	ssyncset.done $0x0  }
0xff: {  	[sflag:s9] =	ssyncadd.s32 $0xFFFFFF80  }
0x100: {  	[spmem:s2] =	stream.indirect.scatter.add.f32 [tilespmem:s11], [sflag:$0x1], $0x1, s21, s10, $0xb8;
	[tilespmem:$0xD80] =	vst v63  }
0x101: {  	_ =	swait.ge [sflag:s9], $0x80  }
0x102: {  	[sflag:s9] =	ssyncset.done $0x0  }
0x103: {  	[sflag:s9] =	ssyncadd.s32 $0xFFFFFF80  }
0x104: {  	[spmem:s2] =	stream.indirect.scatter.add.f32 [tilespmem:s11], [sflag:$0x1], $0x1, s22, s10, $0xb8;
	[tilespmem:$0xD80] =	vst v63  }
0x105: {  	_ =	swait.ge [sflag:s9], $0x80  }
0x106: {  	[sflag:s9] =	ssyncset.done $0x0  }
0x107: {  	[sflag:s9] =	ssyncadd.s32 $0xFFFFFF80  }
0x108: {  	[spmem:s2] =	stream.indirect.scatter.add.f32 [tilespmem:s11], [sflag:$0x1], $0x1, s23, s10, $0xb8;
	[tilespmem:$0xD80] =	vst v63  }
0x109: {  	_ =	swait.ge [sflag:s9], $0x80  }
0x10a: {  	[sflag:s9] =	ssyncset.done $0x0  }
0x10b: {  	[sflag:s9] =	ssyncadd.s32 $0xFFFFFF80  }
0x10c: {  	[spmem:s2] =	stream.indirect.scatter.add.f32 [tilespmem:s11], [sflag:$0x1], $0x1, s24, s10, $0xb8;
	[tilespmem:$0xD80] =	vst v63  }
0x10d: {  	_ =	swait.ge [sflag:s9], $0x80  }
0x10e: {  	[sflag:s9] =	ssyncset.done $0x0  }
0x10f: {  	[sflag:s9] =	ssyncadd.s32 $0xFFFFFF80  }
0x110: {  	[spmem:s2] =	stream.indirect.scatter.add.f32 [tilespmem:s11], [sflag:$0x1], $0x1, s26, s10, $0xb8;
	[tilespmem:$0xD80] =	vst v63  }
0x111: {  	_ =	swait.ge [sflag:s9], $0x80  }
0x112: {  	s31 =	sadd.s32 $0x1, s31;
	[sflag:s9] =	ssyncset.done $0x0  }
0x113: {  	p0 =	sne.s32 s31, s6;
	[sflag:s9] =	ssyncadd.s32 $0xFFFFFF80  }
.Ltmp1:
0x114: {  	s29 =	simm.s32 $0x20;
	[bflag:$0x0] =	sbarrier.arrive $0xFFFF;
	(pc) =	sbr.rel @p0 .LBB2_1-.Ltmp1, $4  }
0x115: {  	[hbm:s5@s29], [sflag:s25] =	dma.strided [spmem:s28@s30], $0x50, s9, $0x10   }
0x116: {  	_ =	swait.ge [sflag:s9], $0x50  }
0x117: {  	[sflag:s9] =	ssyncset.done $0x0  }
0x118: {  	[sflag:s9] =	ssyncadd.s32 $0xFFFFFFB0  }
0x119: {  	_ =	sfence.sel $0x180000  }
0x11a: {  	[bflag:$0x0] =	sbarrier.arrive $0xFFFF  }
0x11b: {  	_ =	strace $0x90000047  }
0x11c: {  	s0 =	stileid.u32;
	[bflag:$0x2] =	sbarrier.arrive $0xFFFF  }
0x11d: {  	p0 =	sne.s32 s0, $0x0;
	s0 =	rddreg [dreg:$0x3]  }
0x11e: {  	s0 =	sadd.s32 @!p0 $0x100000, s0  }
0x11f: {  	[sflag:s0] =	ssyncadd.tile.s32 @!p0 $0x1;
	_ =	shalt  }
.Lfunc_end2:
_tile_overlayer_lowered:
.L_overlay_start_2:
0x120: {  	(tag) =	ssettag $0x2  }
0x121: {  	s0 =	rddreg [dreg:$0x0];
	s2 =	stileid.u32  }
0x122: {  	s1 =	rddreg [dreg:$0x1];
	p0 =	sne.s32 s2, $0x0  }
0x123: {  	s3 =	rddreg [dreg:$0x2];
	[bflag:$0x3] =	sbarrier.arrive $0xFFFF;
	s2 =	simm.s32 @!p0 $0x1C01  }
0x124: {  	[timem:s3], [sflag:s2] =	dma.local @!p0 [hbm:s0], s1  }
0x125: {  	s0 =	simm.s32 @!p0 $0x1  }
0x126: {  	_ =	swait.ge @!p0 [sflag:s0], s1  }
0x127: {  	s1 =	ssub.s32 @!p0 $0x0, s1;
	[sflag:s0] =	ssyncset.done @!p0 $0x0  }
0x128: {  	[sflag:s0] =	ssyncadd.s32 @!p0 s1  }
0x129: {  	[bflag:$0x3] =	sbarrier.arrive $0xFFFF  }
0x12a: {  	_ =	shalt  }

</sc_bundles>
